<compile_context>
chip_gen: v7x
topology: tpu7x:2x2x1
jax: 0.10.2.dev20260603
libtpu: 0.0.44.dev20260713+nightly
codegen_flags: <defaults>
</compile_context>

<pallas_src>
import functools

import jax
import jax.numpy as jnp
from jax import lax
from jax.experimental import pallas as pl
from jax.experimental.pallas import tpu as pltpu
from jax.experimental.pallas import tpu_sc as plsc

B = 16384
L = 50
D = 64
V = 1000000
LANES = 16
NC, NS = 2, 16
NW = NC * NS
RW = B // NW
CB = 8
NCHUNK = RW // CB
IDXW = 80
NSUB = CB * L // IDXW
NROWIDX = RW * L // IDXW
DCH = D // LANES

_mesh = plsc.VectorSubcoreMesh(core_axis_name="c", subcore_axis_name="s")


@functools.partial(
    pl.kernel,
    mesh=_mesh,
    out_type=jax.ShapeDtypeStruct((B * D,), jnp.float32),
    compiler_params=pltpu.CompilerParams(use_tc_tiling_on_sc=False),
    scratch_types=[
        pltpu.VMEM((NROWIDX, IDXW), jnp.int32),
        pltpu.VMEM((2, CB * L, D), jnp.float32),
        pltpu.VMEM((RW + CB,), jnp.int32),
        pltpu.VMEM((RW * D,), jnp.float32),
        pltpu.SemaphoreType.DMA,
        pltpu.SemaphoreType.DMA,
    ],
)
def _pooled_embed(x_hbm, len_hbm, table_hbm, out_hbm,
                  idx_v, rows_v, len_v, out_v, sem0, sem1):
    wid = lax.axis_index("s") * NC + lax.axis_index("c")
    base_row = wid * RW
    sems = (sem0, sem1)
    pltpu.sync_copy(len_hbm.at[pl.ds(base_row, RW)], len_v.at[pl.ds(0, RW)])
    pltpu.sync_copy(x_hbm.at[pl.ds(wid * NROWIDX, NROWIDX), :], idx_v)

    def fire(ci, b, sem):
        for k in range(NSUB):
            pltpu.async_copy(
                table_hbm.at[idx_v.at[ci * NSUB + k]],
                rows_v.at[b, pl.ds(k * IDXW, IDXW)],
                sem,
            )

    def drain(ci, b, sem):
        for k in range(NSUB):
            pltpu.make_async_copy(
                table_hbm.at[idx_v.at[ci * NSUB + k]],
                rows_v.at[b, pl.ds(k * IDXW, IDXW)],
                sem,
            ).wait()

    def compute(ci, b):
        ln_vec = len_v[pl.ds(ci * CB, LANES)]
        for r in range(CB):
            lnv = jnp.broadcast_to(ln_vec[r], (LANES,))
            lnf = lnv.astype(jnp.float32)
            inv = 1.0 / lnf

            def tok_body(j, accs):
                jv = jnp.broadcast_to(j, (LANES,))
                mf = jnp.where(jv < lnv, 1.0, 0.0).astype(jnp.float32)
                return tuple(
                    accs[c]
                    + rows_v[b, r * L + j, pl.ds(c * LANES, LANES)] * mf
                    for c in range(DCH)
                )

            zeros = tuple(jnp.zeros((LANES,), jnp.float32) for _ in range(DCH))
            accs = lax.fori_loop(0, L, tok_body, zeros, unroll=2)
            obase = (ci * CB + r) * D
            for c in range(DCH):
                out_v[pl.ds(obase + c * LANES, LANES)] = accs[c] * inv

    fire(0, 0, sems[0])

    @pl.loop(0, NCHUNK, step=2)
    def chunk_body(ci):
        for b in range(2):
            cur = ci + b

            @pl.when(cur + 1 < NCHUNK)
            def _():
                fire(cur + 1, 1 - b, sems[1 - b])

            drain(cur, b, sems[b])
            compute(cur, b)

    pltpu.sync_copy(out_v, out_hbm.at[pl.ds(base_row * D, RW * D)])


def kernel(x, tensor_lengths, table):
    x2 = x.astype(jnp.int32).reshape(B * L // IDXW, IDXW)
    ln = tensor_lengths.astype(jnp.int32)
    out = _pooled_embed(x2, ln, table)
    return out.reshape(B, D)

# --- scband reference (transcript-rebuilt; emitter-appended) ---
"""Pipeline reference for scband-multitoken-average-embed-52647709114943 (READ-ONLY COPY).

The authoritative reference and input builder live on the scoring server;
editing this copy changes nothing except your own understanding.
"""

import jax, jax.numpy as jnp
import numpy as np

VOCAB = 1000000
EMBED_DIM = 64
BATCH = 16384
HIST_LEN = 50


def setup_inputs(seed: int = 0) -> dict:
    key = jax.random.key(seed)
    k1, k2, k3 = jax.random.split(key, 3)
    x = jax.random.randint(k1, (BATCH, HIST_LEN), 0, VOCAB, dtype=jnp.int64 if jax.config.jax_enable_x64 else jnp.int32)
    # lengths in [1, HIST_LEN] to keep the masked average well-defined
    tensor_lengths = jax.random.randint(k2, (BATCH,), 1, HIST_LEN + 1, dtype=x.dtype)
    table = jax.random.normal(k3, (VOCAB, EMBED_DIM), dtype=jnp.float32)
    return {"x": x, "tensor_lengths": tensor_lengths, "table": table}


def reference(x, tensor_lengths, table):
    # embedding_net applied per unbound token position == plain table gather
    max_len = x.shape[1]
    emb = jnp.take(table, x, axis=0)  # [B, L, D]
    scores = jnp.full((max_len,), 1.0 / max_len, dtype=jnp.float32)
    # use_mask=True branch
    idxes = jnp.arange(max_len)[None, :]  # [1, L]
    mask = (idxes < tensor_lengths[:, None]).astype(jnp.float32)  # [B, L]
    masked_scores = scores[None, :] * mask  # [B, L]
    sums = jnp.sum(masked_scores, axis=1, keepdims=True)  # [B, 1]
    scores_bl = masked_scores / sums  # [B, L]
    weighted = emb * scores_bl[:, :, None]  # [B, L, D]
    representations = jnp.sum(weighted, axis=1)  # [B, D]
    return representations

if __name__ == "__main__":
    import jax
    _d = setup_inputs()
    print(jax.jit(kernel)(*tuple(_d.values())))

</pallas_src>

<mosaic_0001>
#map = affine_map<(d0, d1) -> (0, 0)>
#map1 = affine_map<(d0, d1) -> (0)>
module attributes {stable_mosaic.version = 14 : i64} {
  func.func @_pooled_embed(%arg0: i32, %arg1: i32, %arg2: memref<10240x80xi32, #tpu.memory_space<hbm>>, %arg3: memref<16384xi32, #tpu.memory_space<hbm>>, %arg4: memref<1000000x64xf32, #tpu.memory_space<hbm>>, %arg5: memref<1048576xf32, #tpu.memory_space<hbm>>, %arg6: memref<320x80xi32, #tpu.memory_space<vmem>>, %arg7: memref<2x400x64xf32, #tpu.memory_space<vmem>>, %arg8: memref<520xi32, #tpu.memory_space<vmem>>, %arg9: memref<32768xf32, #tpu.memory_space<vmem>>, %arg10: memref<!tpu.dma_semaphore, #tpu.memory_space<semaphore_mem>>, %arg11: memref<!tpu.dma_semaphore, #tpu.memory_space<semaphore_mem>>) attributes {dimension_semantics = [#tpu.dimension_semantics<core_parallel>, #tpu.dimension_semantics<subcore_parallel>], iteration_bounds = array<i64: 2, 16>, scalar_prefetch = 0 : i64, scratch_operands = 6 : i64, tpu.core_type = #tpu.core_type<sc_vector_subcore>, window_params = [{transform_indices = #map}, {transform_indices = #map1}, {transform_indices = #map}, {transform_indices = #map1}]} {
    %mul3A = arith.constant 2 : i32
    %mul3A_0 = arith.muli %arg1, %mul3A : i32
    %add3A = arith.addi %mul3A_0, %arg0 : i32
    %mul3A_1 = arith.constant 512 : i32
    %mul3A_2 = arith.muli %add3A, %mul3A_1 : i32
    "tpu.region"() ({
      %run_scoped3A = tpu.sem_alloc : memref<!tpu.dma_semaphore, #tpu.memory_space<semaphore_mem>>
      %dma_start3A_70 = arith.constant 0 : i32
      %dma_start3A_71 = tpu.memref_slice %arg8[%dma_start3A_70] : memref<520xi32, #tpu.memory_space<vmem>> -> memref<512xi32, #tpu.memory_space<vmem>>
      %dma_start3A_72 = tpu.memref_slice %arg3[%mul3A_2] : memref<16384xi32, #tpu.memory_space<hbm>> -> memref<512xi32, #tpu.memory_space<hbm>>
      %dma_start3A_73 = arith.constant 0 : i32
      %dma_start3A_74 = tpu.memref_slice %arg8[%dma_start3A_73] : memref<520xi32, #tpu.memory_space<vmem>> -> memref<512xi32, #tpu.memory_space<vmem>>
      %dma_start3A_75 = tpu.memref_slice %arg3[%mul3A_2] : memref<16384xi32, #tpu.memory_space<hbm>> -> memref<512xi32, #tpu.memory_space<hbm>>
      tpu.enqueue_dma source(%dma_start3A_75 : memref<512xi32, #tpu.memory_space<hbm>>) target(%dma_start3A_74 : memref<512xi32, #tpu.memory_space<vmem>>) target_semaphore(%run_scoped3A : memref<!tpu.dma_semaphore, #tpu.memory_space<semaphore_mem>>)
      %dma_wait3A = arith.constant 0 : i32
      %dma_wait3A_76 = tpu.memref_slice %arg8[%dma_wait3A] : memref<520xi32, #tpu.memory_space<vmem>> -> memref<512xi32, #tpu.memory_space<vmem>>
      %dma_wait3A_77 = tpu.memref_slice %arg3[%mul3A_2] : memref<16384xi32, #tpu.memory_space<hbm>> -> memref<512xi32, #tpu.memory_space<hbm>>
      %dma_wait3A_78 = arith.constant 0 : i32
      %dma_wait3A_79 = tpu.memref_slice %arg8[%dma_wait3A_78] : memref<520xi32, #tpu.memory_space<vmem>> -> memref<512xi32, #tpu.memory_space<vmem>>
      %dma_wait3A_80 = tpu.memref_slice %arg3[%mul3A_2] : memref<16384xi32, #tpu.memory_space<hbm>> -> memref<512xi32, #tpu.memory_space<hbm>>
      tpu.wait_dma2 semaphore(%run_scoped3A : memref<!tpu.dma_semaphore, #tpu.memory_space<semaphore_mem>>) src(%dma_wait3A_80 : memref<512xi32, #tpu.memory_space<hbm>>) dst(%dma_wait3A_79 : memref<512xi32, #tpu.memory_space<vmem>>)
      tpu.yield
    }) : () -> ()
    %mul3A_3 = arith.constant 320 : i32
    %mul3A_4 = arith.muli %add3A, %mul3A_3 : i32
    "tpu.region"() ({
      %run_scoped3A = tpu.sem_alloc : memref<!tpu.dma_semaphore, #tpu.memory_space<semaphore_mem>>
      %dma_start3A_70 = arith.constant 0 : i32
      %dma_start3A_71 = tpu.memref_slice %arg2[%mul3A_4, %dma_start3A_70] : memref<10240x80xi32, #tpu.memory_space<hbm>> -> memref<320x80xi32, #tpu.memory_space<hbm>>
      %dma_start3A_72 = arith.constant 0 : i32
      %dma_start3A_73 = tpu.memref_slice %arg2[%mul3A_4, %dma_start3A_72] : memref<10240x80xi32, #tpu.memory_space<hbm>> -> memref<320x80xi32, #tpu.memory_space<hbm>>
      tpu.enqueue_dma source(%dma_start3A_73 : memref<320x80xi32, #tpu.memory_space<hbm>>) target(%arg6 : memref<320x80xi32, #tpu.memory_space<vmem>>) target_semaphore(%run_scoped3A : memref<!tpu.dma_semaphore, #tpu.memory_space<semaphore_mem>>)
      %dma_wait3A = arith.constant 0 : i32
      %dma_wait3A_74 = tpu.memref_slice %arg2[%mul3A_4, %dma_wait3A] : memref<10240x80xi32, #tpu.memory_space<hbm>> -> memref<320x80xi32, #tpu.memory_space<hbm>>
      %dma_wait3A_75 = arith.constant 0 : i32
      %dma_wait3A_76 = tpu.memref_slice %arg2[%mul3A_4, %dma_wait3A_75] : memref<10240x80xi32, #tpu.memory_space<hbm>> -> memref<320x80xi32, #tpu.memory_space<hbm>>
      tpu.wait_dma2 semaphore(%run_scoped3A : memref<!tpu.dma_semaphore, #tpu.memory_space<semaphore_mem>>) src(%dma_wait3A_76 : memref<320x80xi32, #tpu.memory_space<hbm>>) dst(%arg6 : memref<320x80xi32, #tpu.memory_space<vmem>>)
      tpu.yield
    }) : () -> ()
    %dma_start3A = arith.constant 0 : i32
    %dma_start3A_5 = arith.constant 0 : i32
    %dma_start3A_6 = arith.constant 0 : i32
    %dma_start3A_7 = arith.constant 0 : i32
    %dma_start3A_8 = tpu.memref_slice %arg7[%dma_start3A_5, %dma_start3A_6, %dma_start3A_7] : memref<2x400x64xf32, #tpu.memory_space<vmem>> -> memref<1x80x64xf32, #tpu.memory_space<vmem>>
    %dma_start3A_9 = tpu.memref_squeeze %dma_start3A_8 : memref<1x80x64xf32, #tpu.memory_space<vmem>> -> memref<80x64xf32, #tpu.memory_space<vmem>>
    %dma_start3A_10 = arith.constant 0 : i32
    %dma_start3A_11 = tpu.memref_slice %arg6[%dma_start3A, %dma_start3A_10] : memref<320x80xi32, #tpu.memory_space<vmem>> -> memref<1x80xi32, #tpu.memory_space<vmem>>
    %dma_start3A_12 = tpu.memref_squeeze %dma_start3A_11 : memref<1x80xi32, #tpu.memory_space<vmem>> -> memref<80xi32, #tpu.memory_space<vmem>>
    %dma_start3A_13 = arith.constant 0 : i32
    %dma_start3A_14 = arith.constant 0 : i32
    %dma_start3A_15 = tpu.memref_slice %arg4[%dma_start3A_13, %dma_start3A_14] : memref<1000000x64xf32, #tpu.memory_space<hbm>> -> memref<1000000x64xf32, #tpu.memory_space<hbm>>
    tpu.enqueue_indirect_dma source(%dma_start3A_15 : memref<1000000x64xf32, #tpu.memory_space<hbm>>) target(%dma_start3A_9 : memref<80x64xf32, #tpu.memory_space<vmem>>) offsets(%dma_start3A_12 : memref<80xi32, #tpu.memory_space<vmem>>) semaphore(%arg10 : memref<!tpu.dma_semaphore, #tpu.memory_space<semaphore_mem>>)
    %dma_start3A_16 = arith.constant 1 : i32
    %dma_start3A_17 = arith.constant 0 : i32
    %dma_start3A_18 = arith.constant 80 : i32
    %dma_start3A_19 = arith.constant 0 : i32
    %dma_start3A_20 = tpu.memref_slice %arg7[%dma_start3A_17, %dma_start3A_18, %dma_start3A_19] : memref<2x400x64xf32, #tpu.memory_space<vmem>> -> memref<1x80x64xf32, #tpu.memory_space<vmem>>
    %dma_start3A_21 = tpu.memref_squeeze %dma_start3A_20 : memref<1x80x64xf32, #tpu.memory_space<vmem>> -> memref<80x64xf32, #tpu.memory_space<vmem>>
    %dma_start3A_22 = arith.constant 0 : i32
    %dma_start3A_23 = tpu.memref_slice %arg6[%dma_start3A_16, %dma_start3A_22] : memref<320x80xi32, #tpu.memory_space<vmem>> -> memref<1x80xi32, #tpu.memory_space<vmem>>
    %dma_start3A_24 = tpu.memref_squeeze %dma_start3A_23 : memref<1x80xi32, #tpu.memory_space<vmem>> -> memref<80xi32, #tpu.memory_space<vmem>>
    %dma_start3A_25 = arith.constant 0 : i32
    %dma_start3A_26 = arith.constant 0 : i32
    %dma_start3A_27 = tpu.memref_slice %arg4[%dma_start3A_25, %dma_start3A_26] : memref<1000000x64xf32, #tpu.memory_space<hbm>> -> memref<1000000x64xf32, #tpu.memory_space<hbm>>
    tpu.enqueue_indirect_dma source(%dma_start3A_27 : memref<1000000x64xf32, #tpu.memory_space<hbm>>) target(%dma_start3A_21 : memref<80x64xf32, #tpu.memory_space<vmem>>) offsets(%dma_start3A_24 : memref<80xi32, #tpu.memory_space<vmem>>) semaphore(%arg10 : memref<!tpu.dma_semaphore, #tpu.memory_space<semaphore_mem>>)
    %dma_start3A_28 = arith.constant 2 : i32
    %dma_start3A_29 = arith.constant 0 : i32
    %dma_start3A_30 = arith.constant 160 : i32
    %dma_start3A_31 = arith.constant 0 : i32
    %dma_start3A_32 = tpu.memref_slice %arg7[%dma_start3A_29, %dma_start3A_30, %dma_start3A_31] : memref<2x400x64xf32, #tpu.memory_space<vmem>> -> memref<1x80x64xf32, #tpu.memory_space<vmem>>
    %dma_start3A_33 = tpu.memref_squeeze %dma_start3A_32 : memref<1x80x64xf32, #tpu.memory_space<vmem>> -> memref<80x64xf32, #tpu.memory_space<vmem>>
    %dma_start3A_34 = arith.constant 0 : i32
    %dma_start3A_35 = tpu.memref_slice %arg6[%dma_start3A_28, %dma_start3A_34] : memref<320x80xi32, #tpu.memory_space<vmem>> -> memref<1x80xi32, #tpu.memory_space<vmem>>
    %dma_start3A_36 = tpu.memref_squeeze %dma_start3A_35 : memref<1x80xi32, #tpu.memory_space<vmem>> -> memref<80xi32, #tpu.memory_space<vmem>>
    %dma_start3A_37 = arith.constant 0 : i32
    %dma_start3A_38 = arith.constant 0 : i32
    %dma_start3A_39 = tpu.memref_slice %arg4[%dma_start3A_37, %dma_start3A_38] : memref<1000000x64xf32, #tpu.memory_space<hbm>> -> memref<1000000x64xf32, #tpu.memory_space<hbm>>
    tpu.enqueue_indirect_dma source(%dma_start3A_39 : memref<1000000x64xf32, #tpu.memory_space<hbm>>) target(%dma_start3A_33 : memref<80x64xf32, #tpu.memory_space<vmem>>) offsets(%dma_start3A_36 : memref<80xi32, #tpu.memory_space<vmem>>) semaphore(%arg10 : memref<!tpu.dma_semaphore, #tpu.memory_space<semaphore_mem>>)
    %dma_start3A_40 = arith.constant 3 : i32
    %dma_start3A_41 = arith.constant 0 : i32
    %dma_start3A_42 = arith.constant 240 : i32
    %dma_start3A_43 = arith.constant 0 : i32
    %dma_start3A_44 = tpu.memref_slice %arg7[%dma_start3A_41, %dma_start3A_42, %dma_start3A_43] : memref<2x400x64xf32, #tpu.memory_space<vmem>> -> memref<1x80x64xf32, #tpu.memory_space<vmem>>
    %dma_start3A_45 = tpu.memref_squeeze %dma_start3A_44 : memref<1x80x64xf32, #tpu.memory_space<vmem>> -> memref<80x64xf32, #tpu.memory_space<vmem>>
    %dma_start3A_46 = arith.constant 0 : i32
    %dma_start3A_47 = tpu.memref_slice %arg6[%dma_start3A_40, %dma_start3A_46] : memref<320x80xi32, #tpu.memory_space<vmem>> -> memref<1x80xi32, #tpu.memory_space<vmem>>
    %dma_start3A_48 = tpu.memref_squeeze %dma_start3A_47 : memref<1x80xi32, #tpu.memory_space<vmem>> -> memref<80xi32, #tpu.memory_space<vmem>>
    %dma_start3A_49 = arith.constant 0 : i32
    %dma_start3A_50 = arith.constant 0 : i32
    %dma_start3A_51 = tpu.memref_slice %arg4[%dma_start3A_49, %dma_start3A_50] : memref<1000000x64xf32, #tpu.memory_space<hbm>> -> memref<1000000x64xf32, #tpu.memory_space<hbm>>
    tpu.enqueue_indirect_dma source(%dma_start3A_51 : memref<1000000x64xf32, #tpu.memory_space<hbm>>) target(%dma_start3A_45 : memref<80x64xf32, #tpu.memory_space<vmem>>) offsets(%dma_start3A_48 : memref<80xi32, #tpu.memory_space<vmem>>) semaphore(%arg10 : memref<!tpu.dma_semaphore, #tpu.memory_space<semaphore_mem>>)
    %dma_start3A_52 = arith.constant 4 : i32
    %dma_start3A_53 = arith.constant 0 : i32
    %dma_start3A_54 = arith.constant 320 : i32
    %dma_start3A_55 = arith.constant 0 : i32
    %dma_start3A_56 = tpu.memref_slice %arg7[%dma_start3A_53, %dma_start3A_54, %dma_start3A_55] : memref<2x400x64xf32, #tpu.memory_space<vmem>> -> memref<1x80x64xf32, #tpu.memory_space<vmem>>
    %dma_start3A_57 = tpu.memref_squeeze %dma_start3A_56 : memref<1x80x64xf32, #tpu.memory_space<vmem>> -> memref<80x64xf32, #tpu.memory_space<vmem>>
    %dma_start3A_58 = arith.constant 0 : i32
    %dma_start3A_59 = tpu.memref_slice %arg6[%dma_start3A_52, %dma_start3A_58] : memref<320x80xi32, #tpu.memory_space<vmem>> -> memref<1x80xi32, #tpu.memory_space<vmem>>
    %dma_start3A_60 = tpu.memref_squeeze %dma_start3A_59 : memref<1x80xi32, #tpu.memory_space<vmem>> -> memref<80xi32, #tpu.memory_space<vmem>>
    %dma_start3A_61 = arith.constant 0 : i32
    %dma_start3A_62 = arith.constant 0 : i32
    %dma_start3A_63 = tpu.memref_slice %arg4[%dma_start3A_61, %dma_start3A_62] : memref<1000000x64xf32, #tpu.memory_space<hbm>> -> memref<1000000x64xf32, #tpu.memory_space<hbm>>
    tpu.enqueue_indirect_dma source(%dma_start3A_63 : memref<1000000x64xf32, #tpu.memory_space<hbm>>) target(%dma_start3A_57 : memref<80x64xf32, #tpu.memory_space<vmem>>) offsets(%dma_start3A_60 : memref<80xi32, #tpu.memory_space<vmem>>) semaphore(%arg10 : memref<!tpu.dma_semaphore, #tpu.memory_space<semaphore_mem>>)
    %scan3A = arith.constant 0 : i32
    %scan3A_64 = arith.constant 32 : i32
    %scan3A_65 = arith.addi %scan3A, %scan3A_64 : i32
    %scan3A_66 = arith.constant 1 : i32
    scf.for %scan3A_70 = %scan3A to %scan3A_65 step %scan3A_66  : i32 {
      %mul3A_71 = arith.constant 2 : i32
      %mul3A_72 = arith.muli %scan3A_70, %mul3A_71 : i32
      %add3A_73 = arith.constant 0 : i32
      %add3A_74 = arith.addi %add3A_73, %mul3A_72 : i32
      %add3A_75 = arith.constant 0 : i32
      %add3A_76 = arith.addi %add3A_74, %add3A_75 : i32
      %add3A_77 = arith.constant 1 : i32
      %add3A_78 = arith.addi %add3A_76, %add3A_77 : i32
      %lt3A = arith.constant 64 : i32
      %lt3A_79 = arith.cmpi slt, %add3A_78, %lt3A : i32
      %convert_element_type3A = arith.extui %lt3A_79 : i1 to i32
      %cond3A = arith.constant 0 : i32
      %cond3A_80 = arith.cmpi ne, %convert_element_type3A, %cond3A : i32
      scf.if %cond3A_80 {
        %add3A_1123 = arith.constant 1 : i32
        %add3A_1124 = arith.addi %add3A_76, %add3A_1123 : i32
        %mul3A_1125 = arith.constant 5 : i32
        %mul3A_1126 = arith.muli %add3A_1124, %mul3A_1125 : i32
        %add3A_1127 = arith.constant 0 : i32
        %add3A_1128 = arith.addi %mul3A_1126, %add3A_1127 : i32
        %dma_start3A_1129 = arith.constant 1 : i32
        %dma_start3A_1130 = arith.constant 0 : i32
        %dma_start3A_1131 = arith.constant 0 : i32
        %dma_start3A_1132 = tpu.memref_slice %arg7[%dma_start3A_1129, %dma_start3A_1130, %dma_start3A_1131] : memref<2x400x64xf32, #tpu.memory_space<vmem>> -> memref<1x80x64xf32, #tpu.memory_space<vmem>>
        %dma_start3A_1133 = tpu.memref_squeeze %dma_start3A_1132 : memref<1x80x64xf32, #tpu.memory_space<vmem>> -> memref<80x64xf32, #tpu.memory_space<vmem>>
        %dma_start3A_1134 = arith.constant 0 : i32
        %dma_start3A_1135 = tpu.memref_slice %arg6[%add3A_1128, %dma_start3A_1134] : memref<320x80xi32, #tpu.memory_space<vmem>> -> memref<1x80xi32, #tpu.memory_space<vmem>>
        %dma_start3A_1136 = tpu.memref_squeeze %dma_start3A_1135 : memref<1x80xi32, #tpu.memory_space<vmem>> -> memref<80xi32, #tpu.memory_space<vmem>>
        %dma_start3A_1137 = arith.constant 0 : i32
        %dma_start3A_1138 = arith.constant 0 : i32
        %dma_start3A_1139 = tpu.memref_slice %arg4[%dma_start3A_1137, %dma_start3A_1138] : memref<1000000x64xf32, #tpu.memory_space<hbm>> -> memref<1000000x64xf32, #tpu.memory_space<hbm>>
        tpu.enqueue_indirect_dma source(%dma_start3A_1139 : memref<1000000x64xf32, #tpu.memory_space<hbm>>) target(%dma_start3A_1133 : memref<80x64xf32, #tpu.memory_space<vmem>>) offsets(%dma_start3A_1136 : memref<80xi32, #tpu.memory_space<vmem>>) semaphore(%arg11 : memref<!tpu.dma_semaphore, #tpu.memory_space<semaphore_mem>>)
        %mul3A_1140 = arith.constant 5 : i32
        %mul3A_1141 = arith.muli %add3A_1124, %mul3A_1140 : i32
        %add3A_1142 = arith.constant 1 : i32
        %add3A_1143 = arith.addi %mul3A_1141, %add3A_1142 : i32
        %dma_start3A_1144 = arith.constant 1 : i32
        %dma_start3A_1145 = arith.constant 80 : i32
        %dma_start3A_1146 = arith.constant 0 : i32
        %dma_start3A_1147 = tpu.memref_slice %arg7[%dma_start3A_1144, %dma_start3A_1145, %dma_start3A_1146] : memref<2x400x64xf32, #tpu.memory_space<vmem>> -> memref<1x80x64xf32, #tpu.memory_space<vmem>>
        %dma_start3A_1148 = tpu.memref_squeeze %dma_start3A_1147 : memref<1x80x64xf32, #tpu.memory_space<vmem>> -> memref<80x64xf32, #tpu.memory_space<vmem>>
        %dma_start3A_1149 = arith.constant 0 : i32
        %dma_start3A_1150 = tpu.memref_slice %arg6[%add3A_1143, %dma_start3A_1149] : memref<320x80xi32, #tpu.memory_space<vmem>> -> memref<1x80xi32, #tpu.memory_space<vmem>>
        %dma_start3A_1151 = tpu.memref_squeeze %dma_start3A_1150 : memref<1x80xi32, #tpu.memory_space<vmem>> -> memref<80xi32, #tpu.memory_space<vmem>>
        %dma_start3A_1152 = arith.constant 0 : i32
        %dma_start3A_1153 = arith.constant 0 : i32
        %dma_start3A_1154 = tpu.memref_slice %arg4[%dma_start3A_1152, %dma_start3A_1153] : memref<1000000x64xf32, #tpu.memory_space<hbm>> -> memref<1000000x64xf32, #tpu.memory_space<hbm>>
        tpu.enqueue_indirect_dma source(%dma_start3A_1154 : memref<1000000x64xf32, #tpu.memory_space<hbm>>) target(%dma_start3A_1148 : memref<80x64xf32, #tpu.memory_space<vmem>>) offsets(%dma_start3A_1151 : memref<80xi32, #tpu.memory_space<vmem>>) semaphore(%arg11 : memref<!tpu.dma_semaphore, #tpu.memory_space<semaphore_mem>>)
        %mul3A_1155 = arith.constant 5 : i32
        %mul3A_1156 = arith.muli %add3A_1124, %mul3A_1155 : i32
        %add3A_1157 = arith.constant 2 : i32
        %add3A_1158 = arith.addi %mul3A_1156, %add3A_1157 : i32
        %dma_start3A_1159 = arith.constant 1 : i32
        %dma_start3A_1160 = arith.constant 160 : i32
        %dma_start3A_1161 = arith.constant 0 : i32
        %dma_start3A_1162 = tpu.memref_slice %arg7[%dma_start3A_1159, %dma_start3A_1160, %dma_start3A_1161] : memref<2x400x64xf32, #tpu.memory_space<vmem>> -> memref<1x80x64xf32, #tpu.memory_space<vmem>>
        %dma_start3A_1163 = tpu.memref_squeeze %dma_start3A_1162 : memref<1x80x64xf32, #tpu.memory_space<vmem>> -> memref<80x64xf32, #tpu.memory_space<vmem>>
        %dma_start3A_1164 = arith.constant 0 : i32
        %dma_start3A_1165 = tpu.memref_slice %arg6[%add3A_1158, %dma_start3A_1164] : memref<320x80xi32, #tpu.memory_space<vmem>> -> memref<1x80xi32, #tpu.memory_space<vmem>>
        %dma_start3A_1166 = tpu.memref_squeeze %dma_start3A_1165 : memref<1x80xi32, #tpu.memory_space<vmem>> -> memref<80xi32, #tpu.memory_space<vmem>>
        %dma_start3A_1167 = arith.constant 0 : i32
        %dma_start3A_1168 = arith.constant 0 : i32
        %dma_start3A_1169 = tpu.memref_slice %arg4[%dma_start3A_1167, %dma_start3A_1168] : memref<1000000x64xf32, #tpu.memory_space<hbm>> -> memref<1000000x64xf32, #tpu.memory_space<hbm>>
        tpu.enqueue_indirect_dma source(%dma_start3A_1169 : memref<1000000x64xf32, #tpu.memory_space<hbm>>) target(%dma_start3A_1163 : memref<80x64xf32, #tpu.memory_space<vmem>>) offsets(%dma_start3A_1166 : memref<80xi32, #tpu.memory_space<vmem>>) semaphore(%arg11 : memref<!tpu.dma_semaphore, #tpu.memory_space<semaphore_mem>>)
        %mul3A_1170 = arith.constant 5 : i32
        %mul3A_1171 = arith.muli %add3A_1124, %mul3A_1170 : i32
        %add3A_1172 = arith.constant 3 : i32
        %add3A_1173 = arith.addi %mul3A_1171, %add3A_1172 : i32
        %dma_start3A_1174 = arith.constant 1 : i32
        %dma_start3A_1175 = arith.constant 240 : i32
        %dma_start3A_1176 = arith.constant 0 : i32
        %dma_start3A_1177 = tpu.memref_slice %arg7[%dma_start3A_1174, %dma_start3A_1175, %dma_start3A_1176] : memref<2x400x64xf32, #tpu.memory_space<vmem>> -> memref<1x80x64xf32, #tpu.memory_space<vmem>>
        %dma_start3A_1178 = tpu.memref_squeeze %dma_start3A_1177 : memref<1x80x64xf32, #tpu.memory_space<vmem>> -> memref<80x64xf32, #tpu.memory_space<vmem>>
        %dma_start3A_1179 = arith.constant 0 : i32
        %dma_start3A_1180 = tpu.memref_slice %arg6[%add3A_1173, %dma_start3A_1179] : memref<320x80xi32, #tpu.memory_space<vmem>> -> memref<1x80xi32, #tpu.memory_space<vmem>>
        %dma_start3A_1181 = tpu.memref_squeeze %dma_start3A_1180 : memref<1x80xi32, #tpu.memory_space<vmem>> -> memref<80xi32, #tpu.memory_space<vmem>>
        %dma_start3A_1182 = arith.constant 0 : i32
        %dma_start3A_1183 = arith.constant 0 : i32
        %dma_start3A_1184 = tpu.memref_slice %arg4[%dma_start3A_1182, %dma_start3A_1183] : memref<1000000x64xf32, #tpu.memory_space<hbm>> -> memref<1000000x64xf32, #tpu.memory_space<hbm>>
        tpu.enqueue_indirect_dma source(%dma_start3A_1184 : memref<1000000x64xf32, #tpu.memory_space<hbm>>) target(%dma_start3A_1178 : memref<80x64xf32, #tpu.memory_space<vmem>>) offsets(%dma_start3A_1181 : memref<80xi32, #tpu.memory_space<vmem>>) semaphore(%arg11 : memref<!tpu.dma_semaphore, #tpu.memory_space<semaphore_mem>>)
        %mul3A_1185 = arith.constant 5 : i32
        %mul3A_1186 = arith.muli %add3A_1124, %mul3A_1185 : i32
        %add3A_1187 = arith.constant 4 : i32
        %add3A_1188 = arith.addi %mul3A_1186, %add3A_1187 : i32
        %dma_start3A_1189 = arith.constant 1 : i32
        %dma_start3A_1190 = arith.constant 320 : i32
        %dma_start3A_1191 = arith.constant 0 : i32
        %dma_start3A_1192 = tpu.memref_slice %arg7[%dma_start3A_1189, %dma_start3A_1190, %dma_start3A_1191] : memref<2x400x64xf32, #tpu.memory_space<vmem>> -> memref<1x80x64xf32, #tpu.memory_space<vmem>>
        %dma_start3A_1193 = tpu.memref_squeeze %dma_start3A_1192 : memref<1x80x64xf32, #tpu.memory_space<vmem>> -> memref<80x64xf32, #tpu.memory_space<vmem>>
        %dma_start3A_1194 = arith.constant 0 : i32
        %dma_start3A_1195 = tpu.memref_slice %arg6[%add3A_1188, %dma_start3A_1194] : memref<320x80xi32, #tpu.memory_space<vmem>> -> memref<1x80xi32, #tpu.memory_space<vmem>>
        %dma_start3A_1196 = tpu.memref_squeeze %dma_start3A_1195 : memref<1x80xi32, #tpu.memory_space<vmem>> -> memref<80xi32, #tpu.memory_space<vmem>>
        %dma_start3A_1197 = arith.constant 0 : i32
        %dma_start3A_1198 = arith.constant 0 : i32
        %dma_start3A_1199 = tpu.memref_slice %arg4[%dma_start3A_1197, %dma_start3A_1198] : memref<1000000x64xf32, #tpu.memory_space<hbm>> -> memref<1000000x64xf32, #tpu.memory_space<hbm>>
        tpu.enqueue_indirect_dma source(%dma_start3A_1199 : memref<1000000x64xf32, #tpu.memory_space<hbm>>) target(%dma_start3A_1193 : memref<80x64xf32, #tpu.memory_space<vmem>>) offsets(%dma_start3A_1196 : memref<80xi32, #tpu.memory_space<vmem>>) semaphore(%arg11 : memref<!tpu.dma_semaphore, #tpu.memory_space<semaphore_mem>>)
      } else {
      }
      %mul3A_81 = arith.constant 5 : i32
      %mul3A_82 = arith.muli %add3A_76, %mul3A_81 : i32
      %add3A_83 = arith.constant 0 : i32
      %add3A_84 = arith.addi %mul3A_82, %add3A_83 : i32
      %dma_wait3A = arith.constant 0 : i32
      %dma_wait3A_85 = arith.constant 0 : i32
      %dma_wait3A_86 = arith.constant 0 : i32
      %dma_wait3A_87 = tpu.memref_slice %arg7[%dma_wait3A, %dma_wait3A_85, %dma_wait3A_86] : memref<2x400x64xf32, #tpu.memory_space<vmem>> -> memref<1x80x64xf32, #tpu.memory_space<vmem>>
      %dma_wait3A_88 = tpu.memref_squeeze %dma_wait3A_87 : memref<1x80x64xf32, #tpu.memory_space<vmem>> -> memref<80x64xf32, #tpu.memory_space<vmem>>
      %dma_wait3A_89 = arith.constant 0 : i32
      %dma_wait3A_90 = tpu.memref_slice %arg6[%add3A_84, %dma_wait3A_89] : memref<320x80xi32, #tpu.memory_space<vmem>> -> memref<1x80xi32, #tpu.memory_space<vmem>>
      %dma_wait3A_91 = tpu.memref_squeeze %dma_wait3A_90 : memref<1x80xi32, #tpu.memory_space<vmem>> -> memref<80xi32, #tpu.memory_space<vmem>>
      %dma_wait3A_92 = arith.constant 0 : i32
      %dma_wait3A_93 = arith.constant 0 : i32
      %dma_wait3A_94 = tpu.memref_slice %arg4[%dma_wait3A_92, %dma_wait3A_93] : memref<1000000x64xf32, #tpu.memory_space<hbm>> -> memref<1000000x64xf32, #tpu.memory_space<hbm>>
      tpu.wait_indirect_dma semaphore(%arg10 : memref<!tpu.dma_semaphore, #tpu.memory_space<semaphore_mem>>) src(%dma_wait3A_94 : memref<1000000x64xf32, #tpu.memory_space<hbm>>) dst(%dma_wait3A_88 : memref<80x64xf32, #tpu.memory_space<vmem>>)
      %mul3A_95 = arith.constant 5 : i32
      %mul3A_96 = arith.muli %add3A_76, %mul3A_95 : i32
      %add3A_97 = arith.constant 1 : i32
      %add3A_98 = arith.addi %mul3A_96, %add3A_97 : i32
      %dma_wait3A_99 = arith.constant 0 : i32
      %dma_wait3A_100 = arith.constant 80 : i32
      %dma_wait3A_101 = arith.constant 0 : i32
      %dma_wait3A_102 = tpu.memref_slice %arg7[%dma_wait3A_99, %dma_wait3A_100, %dma_wait3A_101] : memref<2x400x64xf32, #tpu.memory_space<vmem>> -> memref<1x80x64xf32, #tpu.memory_space<vmem>>
      %dma_wait3A_103 = tpu.memref_squeeze %dma_wait3A_102 : memref<1x80x64xf32, #tpu.memory_space<vmem>> -> memref<80x64xf32, #tpu.memory_space<vmem>>
      %dma_wait3A_104 = arith.constant 0 : i32
      %dma_wait3A_105 = tpu.memref_slice %arg6[%add3A_98, %dma_wait3A_104] : memref<320x80xi32, #tpu.memory_space<vmem>> -> memref<1x80xi32, #tpu.memory_space<vmem>>
      %dma_wait3A_106 = tpu.memref_squeeze %dma_wait3A_105 : memref<1x80xi32, #tpu.memory_space<vmem>> -> memref<80xi32, #tpu.memory_space<vmem>>
      %dma_wait3A_107 = arith.constant 0 : i32
      %dma_wait3A_108 = arith.constant 0 : i32
      %dma_wait3A_109 = tpu.memref_slice %arg4[%dma_wait3A_107, %dma_wait3A_108] : memref<1000000x64xf32, #tpu.memory_space<hbm>> -> memref<1000000x64xf32, #tpu.memory_space<hbm>>
      tpu.wait_indirect_dma semaphore(%arg10 : memref<!tpu.dma_semaphore, #tpu.memory_space<semaphore_mem>>) src(%dma_wait3A_109 : memref<1000000x64xf32, #tpu.memory_space<hbm>>) dst(%dma_wait3A_103 : memref<80x64xf32, #tpu.memory_space<vmem>>)
      %mul3A_110 = arith.constant 5 : i32
      %mul3A_111 = arith.muli %add3A_76, %mul3A_110 : i32
      %add3A_112 = arith.constant 2 : i32
      %add3A_113 = arith.addi %mul3A_111, %add3A_112 : i32
      %dma_wait3A_114 = arith.constant 0 : i32
      %dma_wait3A_115 = arith.constant 160 : i32
      %dma_wait3A_116 = arith.constant 0 : i32
      %dma_wait3A_117 = tpu.memref_slice %arg7[%dma_wait3A_114, %dma_wait3A_115, %dma_wait3A_116] : memref<2x400x64xf32, #tpu.memory_space<vmem>> -> memref<1x80x64xf32, #tpu.memory_space<vmem>>
      %dma_wait3A_118 = tpu.memref_squeeze %dma_wait3A_117 : memref<1x80x64xf32, #tpu.memory_space<vmem>> -> memref<80x64xf32, #tpu.memory_space<vmem>>
      %dma_wait3A_119 = arith.constant 0 : i32
      %dma_wait3A_120 = tpu.memref_slice %arg6[%add3A_113, %dma_wait3A_119] : memref<320x80xi32, #tpu.memory_space<vmem>> -> memref<1x80xi32, #tpu.memory_space<vmem>>
      %dma_wait3A_121 = tpu.memref_squeeze %dma_wait3A_120 : memref<1x80xi32, #tpu.memory_space<vmem>> -> memref<80xi32, #tpu.memory_space<vmem>>
      %dma_wait3A_122 = arith.constant 0 : i32
      %dma_wait3A_123 = arith.constant 0 : i32
      %dma_wait3A_124 = tpu.memref_slice %arg4[%dma_wait3A_122, %dma_wait3A_123] : memref<1000000x64xf32, #tpu.memory_space<hbm>> -> memref<1000000x64xf32, #tpu.memory_space<hbm>>
      tpu.wait_indirect_dma semaphore(%arg10 : memref<!tpu.dma_semaphore, #tpu.memory_space<semaphore_mem>>) src(%dma_wait3A_124 : memref<1000000x64xf32, #tpu.memory_space<hbm>>) dst(%dma_wait3A_118 : memref<80x64xf32, #tpu.memory_space<vmem>>)
      %mul3A_125 = arith.constant 5 : i32
      %mul3A_126 = arith.muli %add3A_76, %mul3A_125 : i32
      %add3A_127 = arith.constant 3 : i32
      %add3A_128 = arith.addi %mul3A_126, %add3A_127 : i32
      %dma_wait3A_129 = arith.constant 0 : i32
      %dma_wait3A_130 = arith.constant 240 : i32
      %dma_wait3A_131 = arith.constant 0 : i32
      %dma_wait3A_132 = tpu.memref_slice %arg7[%dma_wait3A_129, %dma_wait3A_130, %dma_wait3A_131] : memref<2x400x64xf32, #tpu.memory_space<vmem>> -> memref<1x80x64xf32, #tpu.memory_space<vmem>>
      %dma_wait3A_133 = tpu.memref_squeeze %dma_wait3A_132 : memref<1x80x64xf32, #tpu.memory_space<vmem>> -> memref<80x64xf32, #tpu.memory_space<vmem>>
      %dma_wait3A_134 = arith.constant 0 : i32
      %dma_wait3A_135 = tpu.memref_slice %arg6[%add3A_128, %dma_wait3A_134] : memref<320x80xi32, #tpu.memory_space<vmem>> -> memref<1x80xi32, #tpu.memory_space<vmem>>
      %dma_wait3A_136 = tpu.memref_squeeze %dma_wait3A_135 : memref<1x80xi32, #tpu.memory_space<vmem>> -> memref<80xi32, #tpu.memory_space<vmem>>
      %dma_wait3A_137 = arith.constant 0 : i32
      %dma_wait3A_138 = arith.constant 0 : i32
      %dma_wait3A_139 = tpu.memref_slice %arg4[%dma_wait3A_137, %dma_wait3A_138] : memref<1000000x64xf32, #tpu.memory_space<hbm>> -> memref<1000000x64xf32, #tpu.memory_space<hbm>>
      tpu.wait_indirect_dma semaphore(%arg10 : memref<!tpu.dma_semaphore, #tpu.memory_space<semaphore_mem>>) src(%dma_wait3A_139 : memref<1000000x64xf32, #tpu.memory_space<hbm>>) dst(%dma_wait3A_133 : memref<80x64xf32, #tpu.memory_space<vmem>>)
      %mul3A_140 = arith.constant 5 : i32
      %mul3A_141 = arith.muli %add3A_76, %mul3A_140 : i32
      %add3A_142 = arith.constant 4 : i32
      %add3A_143 = arith.addi %mul3A_141, %add3A_142 : i32
      %dma_wait3A_144 = arith.constant 0 : i32
      %dma_wait3A_145 = arith.constant 320 : i32
      %dma_wait3A_146 = arith.constant 0 : i32
      %dma_wait3A_147 = tpu.memref_slice %arg7[%dma_wait3A_144, %dma_wait3A_145, %dma_wait3A_146] : memref<2x400x64xf32, #tpu.memory_space<vmem>> -> memref<1x80x64xf32, #tpu.memory_space<vmem>>
      %dma_wait3A_148 = tpu.memref_squeeze %dma_wait3A_147 : memref<1x80x64xf32, #tpu.memory_space<vmem>> -> memref<80x64xf32, #tpu.memory_space<vmem>>
      %dma_wait3A_149 = arith.constant 0 : i32
      %dma_wait3A_150 = tpu.memref_slice %arg6[%add3A_143, %dma_wait3A_149] : memref<320x80xi32, #tpu.memory_space<vmem>> -> memref<1x80xi32, #tpu.memory_space<vmem>>
      %dma_wait3A_151 = tpu.memref_squeeze %dma_wait3A_150 : memref<1x80xi32, #tpu.memory_space<vmem>> -> memref<80xi32, #tpu.memory_space<vmem>>
      %dma_wait3A_152 = arith.constant 0 : i32
      %dma_wait3A_153 = arith.constant 0 : i32
      %dma_wait3A_154 = tpu.memref_slice %arg4[%dma_wait3A_152, %dma_wait3A_153] : memref<1000000x64xf32, #tpu.memory_space<hbm>> -> memref<1000000x64xf32, #tpu.memory_space<hbm>>
      tpu.wait_indirect_dma semaphore(%arg10 : memref<!tpu.dma_semaphore, #tpu.memory_space<semaphore_mem>>) src(%dma_wait3A_154 : memref<1000000x64xf32, #tpu.memory_space<hbm>>) dst(%dma_wait3A_148 : memref<80x64xf32, #tpu.memory_space<vmem>>)
      %mul3A_155 = arith.constant 8 : i32
      %mul3A_156 = arith.muli %add3A_76, %mul3A_155 : i32
      %get3A = arith.index_cast %mul3A_156 : i32 to index
      %get3A_157 = tpu.vector_load %arg8[%get3A] {strides = array<i32>} : memref<520xi32, #tpu.memory_space<vmem>>, vector<16xi32>,
      %get3A_158 = vector.shape_cast %get3A_157 : vector<16xi32> to vector<16xi32>
      %slice3A = vector.extract_strided_slice %get3A_158 {offsets = [0], sizes = [1], strides = [1]} : vector<16xi32> to vector<1xi32>
      %squeeze3A = vector.extract %slice3A[0] : i32 from vector<1xi32>
      %broadcast_in_dim3A = vector.broadcast %squeeze3A : i32 to vector<16xi32>
      %convert_element_type3A_159 = arith.sitofp %broadcast_in_dim3A : vector<16xi32> to vector<16xf32>
      %div3A = arith.constant 1.000000e+00 : f32
      %div3A_160 = vector.broadcast %div3A : f32 to vector<16xf32>
      %div3A_161 = arith.divf %div3A_160, %convert_element_type3A_159 : vector<16xf32>
      %broadcast_in_dim3A_162 = arith.constant 0.000000e+00 : f32
      %broadcast_in_dim3A_163 = vector.broadcast %broadcast_in_dim3A_162 : f32 to vector<16xf32>
      %broadcast_in_dim3A_164 = arith.constant 0.000000e+00 : f32
      %broadcast_in_dim3A_165 = vector.broadcast %broadcast_in_dim3A_164 : f32 to vector<16xf32>
      %broadcast_in_dim3A_166 = arith.constant 0.000000e+00 : f32
      %broadcast_in_dim3A_167 = vector.broadcast %broadcast_in_dim3A_166 : f32 to vector<16xf32>
      %broadcast_in_dim3A_168 = arith.constant 0.000000e+00 : f32
      %broadcast_in_dim3A_169 = vector.broadcast %broadcast_in_dim3A_168 : f32 to vector<16xf32>
      %scan3A_170 = arith.constant 0 : i32
      %scan3A_171 = arith.constant 50 : i32
      %scan3A_172 = arith.addi %scan3A_170, %scan3A_171 : i32
      %scan3A_173 = arith.constant 2 : i32
      %scan3A_174:4 = scf.for %scan3A_1123 = %scan3A_170 to %scan3A_172 step %scan3A_173 iter_args(%scan3A_1124 = %broadcast_in_dim3A_163, %scan3A_1125 = %broadcast_in_dim3A_165, %scan3A_1126 = %broadcast_in_dim3A_167, %scan3A_1127 = %broadcast_in_dim3A_169) -> (vector<16xf32>, vector<16xf32>, vector<16xf32>, vector<16xf32>)  : i32 {
        %broadcast_in_dim3A_1128 = vector.broadcast %scan3A_1123 : i32 to vector<16xi32>
        %lt3A_1129 = arith.cmpi slt, %broadcast_in_dim3A_1128, %broadcast_in_dim3A : vector<16xi32>
        %jit3A = arith.constant 1.000000e+00 : f32
        %jit3A_1130 = arith.constant 0.000000e+00 : f32
        %broadcast_in_dim3A_1131 = vector.broadcast %jit3A : f32 to vector<16xf32>
        %broadcast_in_dim3A_1132 = vector.broadcast %jit3A_1130 : f32 to vector<16xf32>
        %select_n3A = arith.select %lt3A_1129, %broadcast_in_dim3A_1131, %broadcast_in_dim3A_1132 : vector<16xi1>, vector<16xf32>
        %add3A_1133 = arith.constant 0 : i32
        %add3A_1134 = arith.addi %add3A_1133, %scan3A_1123 : i32
        %get3A_1135 = arith.constant 0 : i32
        %get3A_1136 = arith.index_cast %get3A_1135 : i32 to index
        %get3A_1137 = arith.index_cast %add3A_1134 : i32 to index
        %get3A_1138 = arith.constant 0 : index
        %get3A_1139 = tpu.vector_load %arg7[%get3A_1136, %get3A_1137, %get3A_1138] {strides = array<i32>} : memref<2x400x64xf32, #tpu.memory_space<vmem>>, vector<1x1x16xf32>,
        %get3A_1140 = vector.shape_cast %get3A_1139 : vector<1x1x16xf32> to vector<16xf32>
        %mul3A_1141 = arith.mulf %get3A_1140, %select_n3A : vector<16xf32>
        %add3A_1142 = arith.addf %scan3A_1124, %mul3A_1141 : vector<16xf32>
        %add3A_1143 = arith.constant 0 : i32
        %add3A_1144 = arith.addi %add3A_1143, %scan3A_1123 : i32
        %get3A_1145 = arith.constant 0 : i32
        %get3A_1146 = arith.index_cast %get3A_1145 : i32 to index
        %get3A_1147 = arith.index_cast %add3A_1144 : i32 to index
        %get3A_1148 = arith.constant 16 : index
        %get3A_1149 = tpu.vector_load %arg7[%get3A_1146, %get3A_1147, %get3A_1148] {strides = array<i32>} : memref<2x400x64xf32, #tpu.memory_space<vmem>>, vector<1x1x16xf32>,
        %get3A_1150 = vector.shape_cast %get3A_1149 : vector<1x1x16xf32> to vector<16xf32>
        %mul3A_1151 = arith.mulf %get3A_1150, %select_n3A : vector<16xf32>
        %add3A_1152 = arith.addf %scan3A_1125, %mul3A_1151 : vector<16xf32>
        %add3A_1153 = arith.constant 0 : i32
        %add3A_1154 = arith.addi %add3A_1153, %scan3A_1123 : i32
        %get3A_1155 = arith.constant 0 : i32
        %get3A_1156 = arith.index_cast %get3A_1155 : i32 to index
        %get3A_1157 = arith.index_cast %add3A_1154 : i32 to index
        %get3A_1158 = arith.constant 32 : index
        %get3A_1159 = tpu.vector_load %arg7[%get3A_1156, %get3A_1157, %get3A_1158] {strides = array<i32>} : memref<2x400x64xf32, #tpu.memory_space<vmem>>, vector<1x1x16xf32>,
        %get3A_1160 = vector.shape_cast %get3A_1159 : vector<1x1x16xf32> to vector<16xf32>
        %mul3A_1161 = arith.mulf %get3A_1160, %select_n3A : vector<16xf32>
        %add3A_1162 = arith.addf %scan3A_1126, %mul3A_1161 : vector<16xf32>
        %add3A_1163 = arith.constant 0 : i32
        %add3A_1164 = arith.addi %add3A_1163, %scan3A_1123 : i32
        %get3A_1165 = arith.constant 0 : i32
        %get3A_1166 = arith.index_cast %get3A_1165 : i32 to index
        %get3A_1167 = arith.index_cast %add3A_1164 : i32 to index
        %get3A_1168 = arith.constant 48 : index
        %get3A_1169 = tpu.vector_load %arg7[%get3A_1166, %get3A_1167, %get3A_1168] {strides = array<i32>} : memref<2x400x64xf32, #tpu.memory_space<vmem>>, vector<1x1x16xf32>,
        %get3A_1170 = vector.shape_cast %get3A_1169 : vector<1x1x16xf32> to vector<16xf32>
        %mul3A_1171 = arith.mulf %get3A_1170, %select_n3A : vector<16xf32>
        %add3A_1172 = arith.addf %scan3A_1127, %mul3A_1171 : vector<16xf32>
        %scan3A_1173 = arith.constant 1 : i32
        %scan3A_1174 = arith.addi %scan3A_1123, %scan3A_1173 : i32
        %broadcast_in_dim3A_1175 = vector.broadcast %scan3A_1174 : i32 to vector<16xi32>
        %lt3A_1176 = arith.cmpi slt, %broadcast_in_dim3A_1175, %broadcast_in_dim3A : vector<16xi32>
        %jit3A_1177 = arith.constant 1.000000e+00 : f32
        %jit3A_1178 = arith.constant 0.000000e+00 : f32
        %broadcast_in_dim3A_1179 = vector.broadcast %jit3A_1177 : f32 to vector<16xf32>
        %broadcast_in_dim3A_1180 = vector.broadcast %jit3A_1178 : f32 to vector<16xf32>
        %select_n3A_1181 = arith.select %lt3A_1176, %broadcast_in_dim3A_1179, %broadcast_in_dim3A_1180 : vector<16xi1>, vector<16xf32>
        %add3A_1182 = arith.constant 0 : i32
        %add3A_1183 = arith.addi %add3A_1182, %scan3A_1174 : i32
        %get3A_1184 = arith.constant 0 : i32
        %get3A_1185 = arith.index_cast %get3A_1184 : i32 to index
        %get3A_1186 = arith.index_cast %add3A_1183 : i32 to index
        %get3A_1187 = arith.constant 0 : index
        %get3A_1188 = tpu.vector_load %arg7[%get3A_1185, %get3A_1186, %get3A_1187] {strides = array<i32>} : memref<2x400x64xf32, #tpu.memory_space<vmem>>, vector<1x1x16xf32>,
        %get3A_1189 = vector.shape_cast %get3A_1188 : vector<1x1x16xf32> to vector<16xf32>
        %mul3A_1190 = arith.mulf %get3A_1189, %select_n3A_1181 : vector<16xf32>
        %add3A_1191 = arith.addf %add3A_1142, %mul3A_1190 : vector<16xf32>
        %add3A_1192 = arith.constant 0 : i32
        %add3A_1193 = arith.addi %add3A_1192, %scan3A_1174 : i32
        %get3A_1194 = arith.constant 0 : i32
        %get3A_1195 = arith.index_cast %get3A_1194 : i32 to index
        %get3A_1196 = arith.index_cast %add3A_1193 : i32 to index
        %get3A_1197 = arith.constant 16 : index
        %get3A_1198 = tpu.vector_load %arg7[%get3A_1195, %get3A_1196, %get3A_1197] {strides = array<i32>} : memref<2x400x64xf32, #tpu.memory_space<vmem>>, vector<1x1x16xf32>,
        %get3A_1199 = vector.shape_cast %get3A_1198 : vector<1x1x16xf32> to vector<16xf32>
        %mul3A_1200 = arith.mulf %get3A_1199, %select_n3A_1181 : vector<16xf32>
        %add3A_1201 = arith.addf %add3A_1152, %mul3A_1200 : vector<16xf32>
        %add3A_1202 = arith.constant 0 : i32
        %add3A_1203 = arith.addi %add3A_1202, %scan3A_1174 : i32
        %get3A_1204 = arith.constant 0 : i32
        %get3A_1205 = arith.index_cast %get3A_1204 : i32 to index
        %get3A_1206 = arith.index_cast %add3A_1203 : i32 to index
        %get3A_1207 = arith.constant 32 : index
        %get3A_1208 = tpu.vector_load %arg7[%get3A_1205, %get3A_1206, %get3A_1207] {strides = array<i32>} : memref<2x400x64xf32, #tpu.memory_space<vmem>>, vector<1x1x16xf32>,
        %get3A_1209 = vector.shape_cast %get3A_1208 : vector<1x1x16xf32> to vector<16xf32>
        %mul3A_1210 = arith.mulf %get3A_1209, %select_n3A_1181 : vector<16xf32>
        %add3A_1211 = arith.addf %add3A_1162, %mul3A_1210 : vector<16xf32>
        %add3A_1212 = arith.constant 0 : i32
        %add3A_1213 = arith.addi %add3A_1212, %scan3A_1174 : i32
        %get3A_1214 = arith.constant 0 : i32
        %get3A_1215 = arith.index_cast %get3A_1214 : i32 to index
        %get3A_1216 = arith.index_cast %add3A_1213 : i32 to index
        %get3A_1217 = arith.constant 48 : index
        %get3A_1218 = tpu.vector_load %arg7[%get3A_1215, %get3A_1216, %get3A_1217] {strides = array<i32>} : memref<2x400x64xf32, #tpu.memory_space<vmem>>, vector<1x1x16xf32>,
        %get3A_1219 = vector.shape_cast %get3A_1218 : vector<1x1x16xf32> to vector<16xf32>
        %mul3A_1220 = arith.mulf %get3A_1219, %select_n3A_1181 : vector<16xf32>
        %add3A_1221 = arith.addf %add3A_1172, %mul3A_1220 : vector<16xf32>
        scf.yield %add3A_1191, %add3A_1201, %add3A_1211, %add3A_1221 : vector<16xf32>, vector<16xf32>, vector<16xf32>, vector<16xf32>
      }
      %scan3A_175 = arith.constant 50 : i32
      %mul3A_176 = arith.constant 8 : i32
      %mul3A_177 = arith.muli %add3A_76, %mul3A_176 : i32
      %add3A_178 = arith.constant 0 : i32
      %add3A_179 = arith.addi %mul3A_177, %add3A_178 : i32
      %mul3A_180 = arith.constant 64 : i32
      %mul3A_181 = arith.muli %add3A_179, %mul3A_180 : i32
      %mul3A_182 = arith.mulf %scan3A_174#0, %div3A_161 : vector<16xf32>
      %add3A_183 = arith.constant 0 : i32
      %add3A_184 = arith.addi %mul3A_181, %add3A_183 : i32
      %swap3A = arith.index_cast %add3A_184 : i32 to index
      %swap3A_185 = tpu.vector_load %arg9[%swap3A] {strides = array<i32>} : memref<32768xf32, #tpu.memory_space<vmem>>, vector<16xf32>,
      %swap3A_186 = vector.shape_cast %swap3A_185 : vector<16xf32> to vector<16xf32>
      %swap3A_187 = vector.shape_cast %mul3A_182 : vector<16xf32> to vector<16xf32>
      tpu.vector_store %arg9[%swap3A], %swap3A_187 {strides = array<i32>} : memref<32768xf32, #tpu.memory_space<vmem>>, vector<16xf32>,
      %mul3A_188 = arith.mulf %scan3A_174#1, %div3A_161 : vector<16xf32>
      %add3A_189 = arith.constant 16 : i32
      %add3A_190 = arith.addi %mul3A_181, %add3A_189 : i32
      %swap3A_191 = arith.index_cast %add3A_190 : i32 to index
      %swap3A_192 = tpu.vector_load %arg9[%swap3A_191] {strides = array<i32>} : memref<32768xf32, #tpu.memory_space<vmem>>, vector<16xf32>,
      %swap3A_193 = vector.shape_cast %swap3A_192 : vector<16xf32> to vector<16xf32>
      %swap3A_194 = vector.shape_cast %mul3A_188 : vector<16xf32> to vector<16xf32>
      tpu.vector_store %arg9[%swap3A_191], %swap3A_194 {strides = array<i32>} : memref<32768xf32, #tpu.memory_space<vmem>>, vector<16xf32>,
      %mul3A_195 = arith.mulf %scan3A_174#2, %div3A_161 : vector<16xf32>
      %add3A_196 = arith.constant 32 : i32
      %add3A_197 = arith.addi %mul3A_181, %add3A_196 : i32
      %swap3A_198 = arith.index_cast %add3A_197 : i32 to index
      %swap3A_199 = tpu.vector_load %arg9[%swap3A_198] {strides = array<i32>} : memref<32768xf32, #tpu.memory_space<vmem>>, vector<16xf32>,
      %swap3A_200 = vector.shape_cast %swap3A_199 : vector<16xf32> to vector<16xf32>
      %swap3A_201 = vector.shape_cast %mul3A_195 : vector<16xf32> to vector<16xf32>
      tpu.vector_store %arg9[%swap3A_198], %swap3A_201 {strides = array<i32>} : memref<32768xf32, #tpu.memory_space<vmem>>, vector<16xf32>,
      %mul3A_202 = arith.mulf %scan3A_174#3, %div3A_161 : vector<16xf32>
      %add3A_203 = arith.constant 48 : i32
      %add3A_204 = arith.addi %mul3A_181, %add3A_203 : i32
      %swap3A_205 = arith.index_cast %add3A_204 : i32 to index
      %swap3A_206 = tpu.vector_load %arg9[%swap3A_205] {strides = array<i32>} : memref<32768xf32, #tpu.memory_space<vmem>>, vector<16xf32>,
      %swap3A_207 = vector.shape_cast %swap3A_206 : vector<16xf32> to vector<16xf32>
      %swap3A_208 = vector.shape_cast %mul3A_202 : vector<16xf32> to vector<16xf32>
      tpu.vector_store %arg9[%swap3A_205], %swap3A_208 {strides = array<i32>} : memref<32768xf32, #tpu.memory_space<vmem>>, vector<16xf32>,
      %slice3A_209 = vector.extract_strided_slice %get3A_158 {offsets = [1], sizes = [1], strides = [1]} : vector<16xi32> to vector<1xi32>
      %squeeze3A_210 = vector.extract %slice3A_209[0] : i32 from vector<1xi32>
      %broadcast_in_dim3A_211 = vector.broadcast %squeeze3A_210 : i32 to vector<16xi32>
      %convert_element_type3A_212 = arith.sitofp %broadcast_in_dim3A_211 : vector<16xi32> to vector<16xf32>
      %div3A_213 = arith.constant 1.000000e+00 : f32
      %div3A_214 = vector.broadcast %div3A_213 : f32 to vector<16xf32>
      %div3A_215 = arith.divf %div3A_214, %convert_element_type3A_212 : vector<16xf32>
      %broadcast_in_dim3A_216 = arith.constant 0.000000e+00 : f32
      %broadcast_in_dim3A_217 = vector.broadcast %broadcast_in_dim3A_216 : f32 to vector<16xf32>
      %broadcast_in_dim3A_218 = arith.constant 0.000000e+00 : f32
      %broadcast_in_dim3A_219 = vector.broadcast %broadcast_in_dim3A_218 : f32 to vector<16xf32>
      %broadcast_in_dim3A_220 = arith.constant 0.000000e+00 : f32
      %broadcast_in_dim3A_221 = vector.broadcast %broadcast_in_dim3A_220 : f32 to vector<16xf32>
      %broadcast_in_dim3A_222 = arith.constant 0.000000e+00 : f32
      %broadcast_in_dim3A_223 = vector.broadcast %broadcast_in_dim3A_222 : f32 to vector<16xf32>
      %scan3A_224 = arith.constant 0 : i32
      %scan3A_225 = arith.constant 50 : i32
      %scan3A_226 = arith.addi %scan3A_224, %scan3A_225 : i32
      %scan3A_227 = arith.constant 2 : i32
      %scan3A_228:4 = scf.for %scan3A_1123 = %scan3A_224 to %scan3A_226 step %scan3A_227 iter_args(%scan3A_1124 = %broadcast_in_dim3A_217, %scan3A_1125 = %broadcast_in_dim3A_219, %scan3A_1126 = %broadcast_in_dim3A_221, %scan3A_1127 = %broadcast_in_dim3A_223) -> (vector<16xf32>, vector<16xf32>, vector<16xf32>, vector<16xf32>)  : i32 {
        %broadcast_in_dim3A_1128 = vector.broadcast %scan3A_1123 : i32 to vector<16xi32>
        %lt3A_1129 = arith.cmpi slt, %broadcast_in_dim3A_1128, %broadcast_in_dim3A_211 : vector<16xi32>
        %jit3A = arith.constant 1.000000e+00 : f32
        %jit3A_1130 = arith.constant 0.000000e+00 : f32
        %broadcast_in_dim3A_1131 = vector.broadcast %jit3A : f32 to vector<16xf32>
        %broadcast_in_dim3A_1132 = vector.broadcast %jit3A_1130 : f32 to vector<16xf32>
        %select_n3A = arith.select %lt3A_1129, %broadcast_in_dim3A_1131, %broadcast_in_dim3A_1132 : vector<16xi1>, vector<16xf32>
        %add3A_1133 = arith.constant 50 : i32
        %add3A_1134 = arith.addi %add3A_1133, %scan3A_1123 : i32
        %get3A_1135 = arith.constant 0 : i32
        %get3A_1136 = arith.index_cast %get3A_1135 : i32 to index
        %get3A_1137 = arith.index_cast %add3A_1134 : i32 to index
        %get3A_1138 = arith.constant 0 : index
        %get3A_1139 = tpu.vector_load %arg7[%get3A_1136, %get3A_1137, %get3A_1138] {strides = array<i32>} : memref<2x400x64xf32, #tpu.memory_space<vmem>>, vector<1x1x16xf32>,
        %get3A_1140 = vector.shape_cast %get3A_1139 : vector<1x1x16xf32> to vector<16xf32>
        %mul3A_1141 = arith.mulf %get3A_1140, %select_n3A : vector<16xf32>
        %add3A_1142 = arith.addf %scan3A_1124, %mul3A_1141 : vector<16xf32>
        %add3A_1143 = arith.constant 50 : i32
        %add3A_1144 = arith.addi %add3A_1143, %scan3A_1123 : i32
        %get3A_1145 = arith.constant 0 : i32
        %get3A_1146 = arith.index_cast %get3A_1145 : i32 to index
        %get3A_1147 = arith.index_cast %add3A_1144 : i32 to index
        %get3A_1148 = arith.constant 16 : index
        %get3A_1149 = tpu.vector_load %arg7[%get3A_1146, %get3A_1147, %get3A_1148] {strides = array<i32>} : memref<2x400x64xf32, #tpu.memory_space<vmem>>, vector<1x1x16xf32>,
        %get3A_1150 = vector.shape_cast %get3A_1149 : vector<1x1x16xf32> to vector<16xf32>
        %mul3A_1151 = arith.mulf %get3A_1150, %select_n3A : vector<16xf32>
        %add3A_1152 = arith.addf %scan3A_1125, %mul3A_1151 : vector<16xf32>
        %add3A_1153 = arith.constant 50 : i32
        %add3A_1154 = arith.addi %add3A_1153, %scan3A_1123 : i32
        %get3A_1155 = arith.constant 0 : i32
        %get3A_1156 = arith.index_cast %get3A_1155 : i32 to index
        %get3A_1157 = arith.index_cast %add3A_1154 : i32 to index
        %get3A_1158 = arith.constant 32 : index
        %get3A_1159 = tpu.vector_load %arg7[%get3A_1156, %get3A_1157, %get3A_1158] {strides = array<i32>} : memref<2x400x64xf32, #tpu.memory_space<vmem>>, vector<1x1x16xf32>,
        %get3A_1160 = vector.shape_cast %get3A_1159 : vector<1x1x16xf32> to vector<16xf32>
        %mul3A_1161 = arith.mulf %get3A_1160, %select_n3A : vector<16xf32>
        %add3A_1162 = arith.addf %scan3A_1126, %mul3A_1161 : vector<16xf32>
        %add3A_1163 = arith.constant 50 : i32
        %add3A_1164 = arith.addi %add3A_1163, %scan3A_1123 : i32
        %get3A_1165 = arith.constant 0 : i32
        %get3A_1166 = arith.index_cast %get3A_1165 : i32 to index
        %get3A_1167 = arith.index_cast %add3A_1164 : i32 to index
        %get3A_1168 = arith.constant 48 : index
        %get3A_1169 = tpu.vector_load %arg7[%get3A_1166, %get3A_1167, %get3A_1168] {strides = array<i32>} : memref<2x400x64xf32, #tpu.memory_space<vmem>>, vector<1x1x16xf32>,
        %get3A_1170 = vector.shape_cast %get3A_1169 : vector<1x1x16xf32> to vector<16xf32>
        %mul3A_1171 = arith.mulf %get3A_1170, %select_n3A : vector<16xf32>
        %add3A_1172 = arith.addf %scan3A_1127, %mul3A_1171 : vector<16xf32>
        %scan3A_1173 = arith.constant 1 : i32
        %scan3A_1174 = arith.addi %scan3A_1123, %scan3A_1173 : i32
        %broadcast_in_dim3A_1175 = vector.broadcast %scan3A_1174 : i32 to vector<16xi32>
        %lt3A_1176 = arith.cmpi slt, %broadcast_in_dim3A_1175, %broadcast_in_dim3A_211 : vector<16xi32>
        %jit3A_1177 = arith.constant 1.000000e+00 : f32
        %jit3A_1178 = arith.constant 0.000000e+00 : f32
        %broadcast_in_dim3A_1179 = vector.broadcast %jit3A_1177 : f32 to vector<16xf32>
        %broadcast_in_dim3A_1180 = vector.broadcast %jit3A_1178 : f32 to vector<16xf32>
        %select_n3A_1181 = arith.select %lt3A_1176, %broadcast_in_dim3A_1179, %broadcast_in_dim3A_1180 : vector<16xi1>, vector<16xf32>
        %add3A_1182 = arith.constant 50 : i32
        %add3A_1183 = arith.addi %add3A_1182, %scan3A_1174 : i32
        %get3A_1184 = arith.constant 0 : i32
        %get3A_1185 = arith.index_cast %get3A_1184 : i32 to index
        %get3A_1186 = arith.index_cast %add3A_1183 : i32 to index
        %get3A_1187 = arith.constant 0 : index
        %get3A_1188 = tpu.vector_load %arg7[%get3A_1185, %get3A_1186, %get3A_1187] {strides = array<i32>} : memref<2x400x64xf32, #tpu.memory_space<vmem>>, vector<1x1x16xf32>,
        %get3A_1189 = vector.shape_cast %get3A_1188 : vector<1x1x16xf32> to vector<16xf32>
        %mul3A_1190 = arith.mulf %get3A_1189, %select_n3A_1181 : vector<16xf32>
        %add3A_1191 = arith.addf %add3A_1142, %mul3A_1190 : vector<16xf32>
        %add3A_1192 = arith.constant 50 : i32
        %add3A_1193 = arith.addi %add3A_1192, %scan3A_1174 : i32
        %get3A_1194 = arith.constant 0 : i32
        %get3A_1195 = arith.index_cast %get3A_1194 : i32 to index
        %get3A_1196 = arith.index_cast %add3A_1193 : i32 to index
        %get3A_1197 = arith.constant 16 : index
        %get3A_1198 = tpu.vector_load %arg7[%get3A_1195, %get3A_1196, %get3A_1197] {strides = array<i32>} : memref<2x400x64xf32, #tpu.memory_space<vmem>>, vector<1x1x16xf32>,
        %get3A_1199 = vector.shape_cast %get3A_1198 : vector<1x1x16xf32> to vector<16xf32>
        %mul3A_1200 = arith.mulf %get3A_1199, %select_n3A_1181 : vector<16xf32>
        %add3A_1201 = arith.addf %add3A_1152, %mul3A_1200 : vector<16xf32>
        %add3A_1202 = arith.constant 50 : i32
        %add3A_1203 = arith.addi %add3A_1202, %scan3A_1174 : i32
        %get3A_1204 = arith.constant 0 : i32
        %get3A_1205 = arith.index_cast %get3A_1204 : i32 to index
        %get3A_1206 = arith.index_cast %add3A_1203 : i32 to index
        %get3A_1207 = arith.constant 32 : index
        %get3A_1208 = tpu.vector_load %arg7[%get3A_1205, %get3A_1206, %get3A_1207] {strides = array<i32>} : memref<2x400x64xf32, #tpu.memory_space<vmem>>, vector<1x1x16xf32>,
        %get3A_1209 = vector.shape_cast %get3A_1208 : vector<1x1x16xf32> to vector<16xf32>
        %mul3A_1210 = arith.mulf %get3A_1209, %select_n3A_1181 : vector<16xf32>
        %add3A_1211 = arith.addf %add3A_1162, %mul3A_1210 : vector<16xf32>
        %add3A_1212 = arith.constant 50 : i32
        %add3A_1213 = arith.addi %add3A_1212, %scan3A_1174 : i32
        %get3A_1214 = arith.constant 0 : i32
        %get3A_1215 = arith.index_cast %get3A_1214 : i32 to index
        %get3A_1216 = arith.index_cast %add3A_1213 : i32 to index
        %get3A_1217 = arith.constant 48 : index
        %get3A_1218 = tpu.vector_load %arg7[%get3A_1215, %get3A_1216, %get3A_1217] {strides = array<i32>} : memref<2x400x64xf32, #tpu.memory_space<vmem>>, vector<1x1x16xf32>,
        %get3A_1219 = vector.shape_cast %get3A_1218 : vector<1x1x16xf32> to vector<16xf32>
        %mul3A_1220 = arith.mulf %get3A_1219, %select_n3A_1181 : vector<16xf32>
        %add3A_1221 = arith.addf %add3A_1172, %mul3A_1220 : vector<16xf32>
        scf.yield %add3A_1191, %add3A_1201, %add3A_1211, %add3A_1221 : vector<16xf32>, vector<16xf32>, vector<16xf32>, vector<16xf32>
      }
      %scan3A_229 = arith.constant 50 : i32
      %mul3A_230 = arith.constant 8 : i32
      %mul3A_231 = arith.muli %add3A_76, %mul3A_230 : i32
      %add3A_232 = arith.constant 1 : i32
      %add3A_233 = arith.addi %mul3A_231, %add3A_232 : i32
      %mul3A_234 = arith.constant 64 : i32
      %mul3A_235 = arith.muli %add3A_233, %mul3A_234 : i32
      %mul3A_236 = arith.mulf %scan3A_228#0, %div3A_215 : vector<16xf32>
      %add3A_237 = arith.constant 0 : i32
      %add3A_238 = arith.addi %mul3A_235, %add3A_237 : i32
      %swap3A_239 = arith.index_cast %add3A_238 : i32 to index
      %swap3A_240 = tpu.vector_load %arg9[%swap3A_239] {strides = array<i32>} : memref<32768xf32, #tpu.memory_space<vmem>>, vector<16xf32>,
      %swap3A_241 = vector.shape_cast %swap3A_240 : vector<16xf32> to vector<16xf32>
      %swap3A_242 = vector.shape_cast %mul3A_236 : vector<16xf32> to vector<16xf32>
      tpu.vector_store %arg9[%swap3A_239], %swap3A_242 {strides = array<i32>} : memref<32768xf32, #tpu.memory_space<vmem>>, vector<16xf32>,
      %mul3A_243 = arith.mulf %scan3A_228#1, %div3A_215 : vector<16xf32>
      %add3A_244 = arith.constant 16 : i32
      %add3A_245 = arith.addi %mul3A_235, %add3A_244 : i32
      %swap3A_246 = arith.index_cast %add3A_245 : i32 to index
      %swap3A_247 = tpu.vector_load %arg9[%swap3A_246] {strides = array<i32>} : memref<32768xf32, #tpu.memory_space<vmem>>, vector<16xf32>,
      %swap3A_248 = vector.shape_cast %swap3A_247 : vector<16xf32> to vector<16xf32>
      %swap3A_249 = vector.shape_cast %mul3A_243 : vector<16xf32> to vector<16xf32>
      tpu.vector_store %arg9[%swap3A_246], %swap3A_249 {strides = array<i32>} : memref<32768xf32, #tpu.memory_space<vmem>>, vector<16xf32>,
      %mul3A_250 = arith.mulf %scan3A_228#2, %div3A_215 : vector<16xf32>
      %add3A_251 = arith.constant 32 : i32
      %add3A_252 = arith.addi %mul3A_235, %add3A_251 : i32
      %swap3A_253 = arith.index_cast %add3A_252 : i32 to index
      %swap3A_254 = tpu.vector_load %arg9[%swap3A_253] {strides = array<i32>} : memref<32768xf32, #tpu.memory_space<vmem>>, vector<16xf32>,
      %swap3A_255 = vector.shape_cast %swap3A_254 : vector<16xf32> to vector<16xf32>
      %swap3A_256 = vector.shape_cast %mul3A_250 : vector<16xf32> to vector<16xf32>
      tpu.vector_store %arg9[%swap3A_253], %swap3A_256 {strides = array<i32>} : memref<32768xf32, #tpu.memory_space<vmem>>, vector<16xf32>,
      %mul3A_257 = arith.mulf %scan3A_228#3, %div3A_215 : vector<16xf32>
      %add3A_258 = arith.constant 48 : i32
      %add3A_259 = arith.addi %mul3A_235, %add3A_258 : i32
      %swap3A_260 = arith.index_cast %add3A_259 : i32 to index
      %swap3A_261 = tpu.vector_load %arg9[%swap3A_260] {strides = array<i32>} : memref<32768xf32, #tpu.memory_space<vmem>>, vector<16xf32>,
      %swap3A_262 = vector.shape_cast %swap3A_261 : vector<16xf32> to vector<16xf32>
      %swap3A_263 = vector.shape_cast %mul3A_257 : vector<16xf32> to vector<16xf32>
      tpu.vector_store %arg9[%swap3A_260], %swap3A_263 {strides = array<i32>} : memref<32768xf32, #tpu.memory_space<vmem>>, vector<16xf32>,
      %slice3A_264 = vector.extract_strided_slice %get3A_158 {offsets = [2], sizes = [1], strides = [1]} : vector<16xi32> to vector<1xi32>
      %squeeze3A_265 = vector.extract %slice3A_264[0] : i32 from vector<1xi32>
      %broadcast_in_dim3A_266 = vector.broadcast %squeeze3A_265 : i32 to vector<16xi32>
      %convert_element_type3A_267 = arith.sitofp %broadcast_in_dim3A_266 : vector<16xi32> to vector<16xf32>
      %div3A_268 = arith.constant 1.000000e+00 : f32
      %div3A_269 = vector.broadcast %div3A_268 : f32 to vector<16xf32>
      %div3A_270 = arith.divf %div3A_269, %convert_element_type3A_267 : vector<16xf32>
      %broadcast_in_dim3A_271 = arith.constant 0.000000e+00 : f32
      %broadcast_in_dim3A_272 = vector.broadcast %broadcast_in_dim3A_271 : f32 to vector<16xf32>
      %broadcast_in_dim3A_273 = arith.constant 0.000000e+00 : f32
      %broadcast_in_dim3A_274 = vector.broadcast %broadcast_in_dim3A_273 : f32 to vector<16xf32>
      %broadcast_in_dim3A_275 = arith.constant 0.000000e+00 : f32
      %broadcast_in_dim3A_276 = vector.broadcast %broadcast_in_dim3A_275 : f32 to vector<16xf32>
      %broadcast_in_dim3A_277 = arith.constant 0.000000e+00 : f32
      %broadcast_in_dim3A_278 = vector.broadcast %broadcast_in_dim3A_277 : f32 to vector<16xf32>
      %scan3A_279 = arith.constant 0 : i32
      %scan3A_280 = arith.constant 50 : i32
      %scan3A_281 = arith.addi %scan3A_279, %scan3A_280 : i32
      %scan3A_282 = arith.constant 2 : i32
      %scan3A_283:4 = scf.for %scan3A_1123 = %scan3A_279 to %scan3A_281 step %scan3A_282 iter_args(%scan3A_1124 = %broadcast_in_dim3A_272, %scan3A_1125 = %broadcast_in_dim3A_274, %scan3A_1126 = %broadcast_in_dim3A_276, %scan3A_1127 = %broadcast_in_dim3A_278) -> (vector<16xf32>, vector<16xf32>, vector<16xf32>, vector<16xf32>)  : i32 {
        %broadcast_in_dim3A_1128 = vector.broadcast %scan3A_1123 : i32 to vector<16xi32>
        %lt3A_1129 = arith.cmpi slt, %broadcast_in_dim3A_1128, %broadcast_in_dim3A_266 : vector<16xi32>
        %jit3A = arith.constant 1.000000e+00 : f32
        %jit3A_1130 = arith.constant 0.000000e+00 : f32
        %broadcast_in_dim3A_1131 = vector.broadcast %jit3A : f32 to vector<16xf32>
        %broadcast_in_dim3A_1132 = vector.broadcast %jit3A_1130 : f32 to vector<16xf32>
        %select_n3A = arith.select %lt3A_1129, %broadcast_in_dim3A_1131, %broadcast_in_dim3A_1132 : vector<16xi1>, vector<16xf32>
        %add3A_1133 = arith.constant 100 : i32
        %add3A_1134 = arith.addi %add3A_1133, %scan3A_1123 : i32
        %get3A_1135 = arith.constant 0 : i32
        %get3A_1136 = arith.index_cast %get3A_1135 : i32 to index
        %get3A_1137 = arith.index_cast %add3A_1134 : i32 to index
        %get3A_1138 = arith.constant 0 : index
        %get3A_1139 = tpu.vector_load %arg7[%get3A_1136, %get3A_1137, %get3A_1138] {strides = array<i32>} : memref<2x400x64xf32, #tpu.memory_space<vmem>>, vector<1x1x16xf32>,
        %get3A_1140 = vector.shape_cast %get3A_1139 : vector<1x1x16xf32> to vector<16xf32>
        %mul3A_1141 = arith.mulf %get3A_1140, %select_n3A : vector<16xf32>
        %add3A_1142 = arith.addf %scan3A_1124, %mul3A_1141 : vector<16xf32>
        %add3A_1143 = arith.constant 100 : i32
        %add3A_1144 = arith.addi %add3A_1143, %scan3A_1123 : i32
        %get3A_1145 = arith.constant 0 : i32
        %get3A_1146 = arith.index_cast %get3A_1145 : i32 to index
        %get3A_1147 = arith.index_cast %add3A_1144 : i32 to index
        %get3A_1148 = arith.constant 16 : index
        %get3A_1149 = tpu.vector_load %arg7[%get3A_1146, %get3A_1147, %get3A_1148] {strides = array<i32>} : memref<2x400x64xf32, #tpu.memory_space<vmem>>, vector<1x1x16xf32>,
        %get3A_1150 = vector.shape_cast %get3A_1149 : vector<1x1x16xf32> to vector<16xf32>
        %mul3A_1151 = arith.mulf %get3A_1150, %select_n3A : vector<16xf32>
        %add3A_1152 = arith.addf %scan3A_1125, %mul3A_1151 : vector<16xf32>
        %add3A_1153 = arith.constant 100 : i32
        %add3A_1154 = arith.addi %add3A_1153, %scan3A_1123 : i32
        %get3A_1155 = arith.constant 0 : i32
        %get3A_1156 = arith.index_cast %get3A_1155 : i32 to index
        %get3A_1157 = arith.index_cast %add3A_1154 : i32 to index
        %get3A_1158 = arith.constant 32 : index
        %get3A_1159 = tpu.vector_load %arg7[%get3A_1156, %get3A_1157, %get3A_1158] {strides = array<i32>} : memref<2x400x64xf32, #tpu.memory_space<vmem>>, vector<1x1x16xf32>,
        %get3A_1160 = vector.shape_cast %get3A_1159 : vector<1x1x16xf32> to vector<16xf32>
        %mul3A_1161 = arith.mulf %get3A_1160, %select_n3A : vector<16xf32>
        %add3A_1162 = arith.addf %scan3A_1126, %mul3A_1161 : vector<16xf32>
        %add3A_1163 = arith.constant 100 : i32
        %add3A_1164 = arith.addi %add3A_1163, %scan3A_1123 : i32
        %get3A_1165 = arith.constant 0 : i32
        %get3A_1166 = arith.index_cast %get3A_1165 : i32 to index
        %get3A_1167 = arith.index_cast %add3A_1164 : i32 to index
        %get3A_1168 = arith.constant 48 : index
        %get3A_1169 = tpu.vector_load %arg7[%get3A_1166, %get3A_1167, %get3A_1168] {strides = array<i32>} : memref<2x400x64xf32, #tpu.memory_space<vmem>>, vector<1x1x16xf32>,
        %get3A_1170 = vector.shape_cast %get3A_1169 : vector<1x1x16xf32> to vector<16xf32>
        %mul3A_1171 = arith.mulf %get3A_1170, %select_n3A : vector<16xf32>
        %add3A_1172 = arith.addf %scan3A_1127, %mul3A_1171 : vector<16xf32>
        %scan3A_1173 = arith.constant 1 : i32
        %scan3A_1174 = arith.addi %scan3A_1123, %scan3A_1173 : i32
        %broadcast_in_dim3A_1175 = vector.broadcast %scan3A_1174 : i32 to vector<16xi32>
        %lt3A_1176 = arith.cmpi slt, %broadcast_in_dim3A_1175, %broadcast_in_dim3A_266 : vector<16xi32>
        %jit3A_1177 = arith.constant 1.000000e+00 : f32
        %jit3A_1178 = arith.constant 0.000000e+00 : f32
        %broadcast_in_dim3A_1179 = vector.broadcast %jit3A_1177 : f32 to vector<16xf32>
        %broadcast_in_dim3A_1180 = vector.broadcast %jit3A_1178 : f32 to vector<16xf32>
        %select_n3A_1181 = arith.select %lt3A_1176, %broadcast_in_dim3A_1179, %broadcast_in_dim3A_1180 : vector<16xi1>, vector<16xf32>
        %add3A_1182 = arith.constant 100 : i32
        %add3A_1183 = arith.addi %add3A_1182, %scan3A_1174 : i32
        %get3A_1184 = arith.constant 0 : i32
        %get3A_1185 = arith.index_cast %get3A_1184 : i32 to index
        %get3A_1186 = arith.index_cast %add3A_1183 : i32 to index
        %get3A_1187 = arith.constant 0 : index
        %get3A_1188 = tpu.vector_load %arg7[%get3A_1185, %get3A_1186, %get3A_1187] {strides = array<i32>} : memref<2x400x64xf32, #tpu.memory_space<vmem>>, vector<1x1x16xf32>,
        %get3A_1189 = vector.shape_cast %get3A_1188 : vector<1x1x16xf32> to vector<16xf32>
        %mul3A_1190 = arith.mulf %get3A_1189, %select_n3A_1181 : vector<16xf32>
        %add3A_1191 = arith.addf %add3A_1142, %mul3A_1190 : vector<16xf32>
        %add3A_1192 = arith.constant 100 : i32
        %add3A_1193 = arith.addi %add3A_1192, %scan3A_1174 : i32
        %get3A_1194 = arith.constant 0 : i32
        %get3A_1195 = arith.index_cast %get3A_1194 : i32 to index
        %get3A_1196 = arith.index_cast %add3A_1193 : i32 to index
        %get3A_1197 = arith.constant 16 : index
        %get3A_1198 = tpu.vector_load %arg7[%get3A_1195, %get3A_1196, %get3A_1197] {strides = array<i32>} : memref<2x400x64xf32, #tpu.memory_space<vmem>>, vector<1x1x16xf32>,
        %get3A_1199 = vector.shape_cast %get3A_1198 : vector<1x1x16xf32> to vector<16xf32>
        %mul3A_1200 = arith.mulf %get3A_1199, %select_n3A_1181 : vector<16xf32>
        %add3A_1201 = arith.addf %add3A_1152, %mul3A_1200 : vector<16xf32>
        %add3A_1202 = arith.constant 100 : i32
        %add3A_1203 = arith.addi %add3A_1202, %scan3A_1174 : i32
        %get3A_1204 = arith.constant 0 : i32
        %get3A_1205 = arith.index_cast %get3A_1204 : i32 to index
        %get3A_1206 = arith.index_cast %add3A_1203 : i32 to index
        %get3A_1207 = arith.constant 32 : index
        %get3A_1208 = tpu.vector_load %arg7[%get3A_1205, %get3A_1206, %get3A_1207] {strides = array<i32>} : memref<2x400x64xf32, #tpu.memory_space<vmem>>, vector<1x1x16xf32>,
        %get3A_1209 = vector.shape_cast %get3A_1208 : vector<1x1x16xf32> to vector<16xf32>
        %mul3A_1210 = arith.mulf %get3A_1209, %select_n3A_1181 : vector<16xf32>
        %add3A_1211 = arith.addf %add3A_1162, %mul3A_1210 : vector<16xf32>
        %add3A_1212 = arith.constant 100 : i32
        %add3A_1213 = arith.addi %add3A_1212, %scan3A_1174 : i32
        %get3A_1214 = arith.constant 0 : i32
        %get3A_1215 = arith.index_cast %get3A_1214 : i32 to index
        %get3A_1216 = arith.index_cast %add3A_1213 : i32 to index
        %get3A_1217 = arith.constant 48 : index
        %get3A_1218 = tpu.vector_load %arg7[%get3A_1215, %get3A_1216, %get3A_1217] {strides = array<i32>} : memref<2x400x64xf32, #tpu.memory_space<vmem>>, vector<1x1x16xf32>,
        %get3A_1219 = vector.shape_cast %get3A_1218 : vector<1x1x16xf32> to vector<16xf32>
        %mul3A_1220 = arith.mulf %get3A_1219, %select_n3A_1181 : vector<16xf32>
        %add3A_1221 = arith.addf %add3A_1172, %mul3A_1220 : vector<16xf32>
        scf.yield %add3A_1191, %add3A_1201, %add3A_1211, %add3A_1221 : vector<16xf32>, vector<16xf32>, vector<16xf32>, vector<16xf32>
      }
      %scan3A_284 = arith.constant 50 : i32
      %mul3A_285 = arith.constant 8 : i32
      %mul3A_286 = arith.muli %add3A_76, %mul3A_285 : i32
      %add3A_287 = arith.constant 2 : i32
      %add3A_288 = arith.addi %mul3A_286, %add3A_287 : i32
      %mul3A_289 = arith.constant 64 : i32
      %mul3A_290 = arith.muli %add3A_288, %mul3A_289 : i32
      %mul3A_291 = arith.mulf %scan3A_283#0, %div3A_270 : vector<16xf32>
      %add3A_292 = arith.constant 0 : i32
      %add3A_293 = arith.addi %mul3A_290, %add3A_292 : i32
      %swap3A_294 = arith.index_cast %add3A_293 : i32 to index
      %swap3A_295 = tpu.vector_load %arg9[%swap3A_294] {strides = array<i32>} : memref<32768xf32, #tpu.memory_space<vmem>>, vector<16xf32>,
      %swap3A_296 = vector.shape_cast %swap3A_295 : vector<16xf32> to vector<16xf32>
      %swap3A_297 = vector.shape_cast %mul3A_291 : vector<16xf32> to vector<16xf32>
      tpu.vector_store %arg9[%swap3A_294], %swap3A_297 {strides = array<i32>} : memref<32768xf32, #tpu.memory_space<vmem>>, vector<16xf32>,
      %mul3A_298 = arith.mulf %scan3A_283#1, %div3A_270 : vector<16xf32>
      %add3A_299 = arith.constant 16 : i32
      %add3A_300 = arith.addi %mul3A_290, %add3A_299 : i32
      %swap3A_301 = arith.index_cast %add3A_300 : i32 to index
      %swap3A_302 = tpu.vector_load %arg9[%swap3A_301] {strides = array<i32>} : memref<32768xf32, #tpu.memory_space<vmem>>, vector<16xf32>,
      %swap3A_303 = vector.shape_cast %swap3A_302 : vector<16xf32> to vector<16xf32>
      %swap3A_304 = vector.shape_cast %mul3A_298 : vector<16xf32> to vector<16xf32>
      tpu.vector_store %arg9[%swap3A_301], %swap3A_304 {strides = array<i32>} : memref<32768xf32, #tpu.memory_space<vmem>>, vector<16xf32>,
      %mul3A_305 = arith.mulf %scan3A_283#2, %div3A_270 : vector<16xf32>
      %add3A_306 = arith.constant 32 : i32
      %add3A_307 = arith.addi %mul3A_290, %add3A_306 : i32
      %swap3A_308 = arith.index_cast %add3A_307 : i32 to index
      %swap3A_309 = tpu.vector_load %arg9[%swap3A_308] {strides = array<i32>} : memref<32768xf32, #tpu.memory_space<vmem>>, vector<16xf32>,
      %swap3A_310 = vector.shape_cast %swap3A_309 : vector<16xf32> to vector<16xf32>
      %swap3A_311 = vector.shape_cast %mul3A_305 : vector<16xf32> to vector<16xf32>
      tpu.vector_store %arg9[%swap3A_308], %swap3A_311 {strides = array<i32>} : memref<32768xf32, #tpu.memory_space<vmem>>, vector<16xf32>,
      %mul3A_312 = arith.mulf %scan3A_283#3, %div3A_270 : vector<16xf32>
      %add3A_313 = arith.constant 48 : i32
      %add3A_314 = arith.addi %mul3A_290, %add3A_313 : i32
      %swap3A_315 = arith.index_cast %add3A_314 : i32 to index
      %swap3A_316 = tpu.vector_load %arg9[%swap3A_315] {strides = array<i32>} : memref<32768xf32, #tpu.memory_space<vmem>>, vector<16xf32>,
      %swap3A_317 = vector.shape_cast %swap3A_316 : vector<16xf32> to vector<16xf32>
      %swap3A_318 = vector.shape_cast %mul3A_312 : vector<16xf32> to vector<16xf32>
      tpu.vector_store %arg9[%swap3A_315], %swap3A_318 {strides = array<i32>} : memref<32768xf32, #tpu.memory_space<vmem>>, vector<16xf32>,
      %slice3A_319 = vector.extract_strided_slice %get3A_158 {offsets = [3], sizes = [1], strides = [1]} : vector<16xi32> to vector<1xi32>
      %squeeze3A_320 = vector.extract %slice3A_319[0] : i32 from vector<1xi32>
      %broadcast_in_dim3A_321 = vector.broadcast %squeeze3A_320 : i32 to vector<16xi32>
      %convert_element_type3A_322 = arith.sitofp %broadcast_in_dim3A_321 : vector<16xi32> to vector<16xf32>
      %div3A_323 = arith.constant 1.000000e+00 : f32
      %div3A_324 = vector.broadcast %div3A_323 : f32 to vector<16xf32>
      %div3A_325 = arith.divf %div3A_324, %convert_element_type3A_322 : vector<16xf32>
      %broadcast_in_dim3A_326 = arith.constant 0.000000e+00 : f32
      %broadcast_in_dim3A_327 = vector.broadcast %broadcast_in_dim3A_326 : f32 to vector<16xf32>
      %broadcast_in_dim3A_328 = arith.constant 0.000000e+00 : f32
      %broadcast_in_dim3A_329 = vector.broadcast %broadcast_in_dim3A_328 : f32 to vector<16xf32>
      %broadcast_in_dim3A_330 = arith.constant 0.000000e+00 : f32
      %broadcast_in_dim3A_331 = vector.broadcast %broadcast_in_dim3A_330 : f32 to vector<16xf32>
      %broadcast_in_dim3A_332 = arith.constant 0.000000e+00 : f32
      %broadcast_in_dim3A_333 = vector.broadcast %broadcast_in_dim3A_332 : f32 to vector<16xf32>
      %scan3A_334 = arith.constant 0 : i32
      %scan3A_335 = arith.constant 50 : i32
      %scan3A_336 = arith.addi %scan3A_334, %scan3A_335 : i32
      %scan3A_337 = arith.constant 2 : i32
      %scan3A_338:4 = scf.for %scan3A_1123 = %scan3A_334 to %scan3A_336 step %scan3A_337 iter_args(%scan3A_1124 = %broadcast_in_dim3A_327, %scan3A_1125 = %broadcast_in_dim3A_329, %scan3A_1126 = %broadcast_in_dim3A_331, %scan3A_1127 = %broadcast_in_dim3A_333) -> (vector<16xf32>, vector<16xf32>, vector<16xf32>, vector<16xf32>)  : i32 {
        %broadcast_in_dim3A_1128 = vector.broadcast %scan3A_1123 : i32 to vector<16xi32>
        %lt3A_1129 = arith.cmpi slt, %broadcast_in_dim3A_1128, %broadcast_in_dim3A_321 : vector<16xi32>
        %jit3A = arith.constant 1.000000e+00 : f32
        %jit3A_1130 = arith.constant 0.000000e+00 : f32
        %broadcast_in_dim3A_1131 = vector.broadcast %jit3A : f32 to vector<16xf32>
        %broadcast_in_dim3A_1132 = vector.broadcast %jit3A_1130 : f32 to vector<16xf32>
        %select_n3A = arith.select %lt3A_1129, %broadcast_in_dim3A_1131, %broadcast_in_dim3A_1132 : vector<16xi1>, vector<16xf32>
        %add3A_1133 = arith.constant 150 : i32
        %add3A_1134 = arith.addi %add3A_1133, %scan3A_1123 : i32
        %get3A_1135 = arith.constant 0 : i32
        %get3A_1136 = arith.index_cast %get3A_1135 : i32 to index
        %get3A_1137 = arith.index_cast %add3A_1134 : i32 to index
        %get3A_1138 = arith.constant 0 : index
        %get3A_1139 = tpu.vector_load %arg7[%get3A_1136, %get3A_1137, %get3A_1138] {strides = array<i32>} : memref<2x400x64xf32, #tpu.memory_space<vmem>>, vector<1x1x16xf32>,
        %get3A_1140 = vector.shape_cast %get3A_1139 : vector<1x1x16xf32> to vector<16xf32>
        %mul3A_1141 = arith.mulf %get3A_1140, %select_n3A : vector<16xf32>
        %add3A_1142 = arith.addf %scan3A_1124, %mul3A_1141 : vector<16xf32>
        %add3A_1143 = arith.constant 150 : i32
        %add3A_1144 = arith.addi %add3A_1143, %scan3A_1123 : i32
        %get3A_1145 = arith.constant 0 : i32
        %get3A_1146 = arith.index_cast %get3A_1145 : i32 to index
        %get3A_1147 = arith.index_cast %add3A_1144 : i32 to index
        %get3A_1148 = arith.constant 16 : index
        %get3A_1149 = tpu.vector_load %arg7[%get3A_1146, %get3A_1147, %get3A_1148] {strides = array<i32>} : memref<2x400x64xf32, #tpu.memory_space<vmem>>, vector<1x1x16xf32>,
        %get3A_1150 = vector.shape_cast %get3A_1149 : vector<1x1x16xf32> to vector<16xf32>
        %mul3A_1151 = arith.mulf %get3A_1150, %select_n3A : vector<16xf32>
        %add3A_1152 = arith.addf %scan3A_1125, %mul3A_1151 : vector<16xf32>
        %add3A_1153 = arith.constant 150 : i32
        %add3A_1154 = arith.addi %add3A_1153, %scan3A_1123 : i32
        %get3A_1155 = arith.constant 0 : i32
        %get3A_1156 = arith.index_cast %get3A_1155 : i32 to index
        %get3A_1157 = arith.index_cast %add3A_1154 : i32 to index
        %get3A_1158 = arith.constant 32 : index
        %get3A_1159 = tpu.vector_load %arg7[%get3A_1156, %get3A_1157, %get3A_1158] {strides = array<i32>} : memref<2x400x64xf32, #tpu.memory_space<vmem>>, vector<1x1x16xf32>,
        %get3A_1160 = vector.shape_cast %get3A_1159 : vector<1x1x16xf32> to vector<16xf32>
        %mul3A_1161 = arith.mulf %get3A_1160, %select_n3A : vector<16xf32>
        %add3A_1162 = arith.addf %scan3A_1126, %mul3A_1161 : vector<16xf32>
        %add3A_1163 = arith.constant 150 : i32
        %add3A_1164 = arith.addi %add3A_1163, %scan3A_1123 : i32
        %get3A_1165 = arith.constant 0 : i32
        %get3A_1166 = arith.index_cast %get3A_1165 : i32 to index
        %get3A_1167 = arith.index_cast %add3A_1164 : i32 to index
        %get3A_1168 = arith.constant 48 : index
        %get3A_1169 = tpu.vector_load %arg7[%get3A_1166, %get3A_1167, %get3A_1168] {strides = array<i32>} : memref<2x400x64xf32, #tpu.memory_space<vmem>>, vector<1x1x16xf32>,
        %get3A_1170 = vector.shape_cast %get3A_1169 : vector<1x1x16xf32> to vector<16xf32>
        %mul3A_1171 = arith.mulf %get3A_1170, %select_n3A : vector<16xf32>
        %add3A_1172 = arith.addf %scan3A_1127, %mul3A_1171 : vector<16xf32>
        %scan3A_1173 = arith.constant 1 : i32
        %scan3A_1174 = arith.addi %scan3A_1123, %scan3A_1173 : i32
        %broadcast_in_dim3A_1175 = vector.broadcast %scan3A_1174 : i32 to vector<16xi32>
        %lt3A_1176 = arith.cmpi slt, %broadcast_in_dim3A_1175, %broadcast_in_dim3A_321 : vector<16xi32>
        %jit3A_1177 = arith.constant 1.000000e+00 : f32
        %jit3A_1178 = arith.constant 0.000000e+00 : f32
        %broadcast_in_dim3A_1179 = vector.broadcast %jit3A_1177 : f32 to vector<16xf32>
        %broadcast_in_dim3A_1180 = vector.broadcast %jit3A_1178 : f32 to vector<16xf32>
        %select_n3A_1181 = arith.select %lt3A_1176, %broadcast_in_dim3A_1179, %broadcast_in_dim3A_1180 : vector<16xi1>, vector<16xf32>
        %add3A_1182 = arith.constant 150 : i32
        %add3A_1183 = arith.addi %add3A_1182, %scan3A_1174 : i32
        %get3A_1184 = arith.constant 0 : i32
        %get3A_1185 = arith.index_cast %get3A_1184 : i32 to index
        %get3A_1186 = arith.index_cast %add3A_1183 : i32 to index
        %get3A_1187 = arith.constant 0 : index
        %get3A_1188 = tpu.vector_load %arg7[%get3A_1185, %get3A_1186, %get3A_1187] {strides = array<i32>} : memref<2x400x64xf32, #tpu.memory_space<vmem>>, vector<1x1x16xf32>,
        %get3A_1189 = vector.shape_cast %get3A_1188 : vector<1x1x16xf32> to vector<16xf32>
        %mul3A_1190 = arith.mulf %get3A_1189, %select_n3A_1181 : vector<16xf32>
        %add3A_1191 = arith.addf %add3A_1142, %mul3A_1190 : vector<16xf32>
        %add3A_1192 = arith.constant 150 : i32
        %add3A_1193 = arith.addi %add3A_1192, %scan3A_1174 : i32
        %get3A_1194 = arith.constant 0 : i32
        %get3A_1195 = arith.index_cast %get3A_1194 : i32 to index
        %get3A_1196 = arith.index_cast %add3A_1193 : i32 to index
        %get3A_1197 = arith.constant 16 : index
        %get3A_1198 = tpu.vector_load %arg7[%get3A_1195, %get3A_1196, %get3A_1197] {strides = array<i32>} : memref<2x400x64xf32, #tpu.memory_space<vmem>>, vector<1x1x16xf32>,
        %get3A_1199 = vector.shape_cast %get3A_1198 : vector<1x1x16xf32> to vector<16xf32>
        %mul3A_1200 = arith.mulf %get3A_1199, %select_n3A_1181 : vector<16xf32>
        %add3A_1201 = arith.addf %add3A_1152, %mul3A_1200 : vector<16xf32>
        %add3A_1202 = arith.constant 150 : i32
        %add3A_1203 = arith.addi %add3A_1202, %scan3A_1174 : i32
        %get3A_1204 = arith.constant 0 : i32
        %get3A_1205 = arith.index_cast %get3A_1204 : i32 to index
        %get3A_1206 = arith.index_cast %add3A_1203 : i32 to index
        %get3A_1207 = arith.constant 32 : index
        %get3A_1208 = tpu.vector_load %arg7[%get3A_1205, %get3A_1206, %get3A_1207] {strides = array<i32>} : memref<2x400x64xf32, #tpu.memory_space<vmem>>, vector<1x1x16xf32>,
        %get3A_1209 = vector.shape_cast %get3A_1208 : vector<1x1x16xf32> to vector<16xf32>
        %mul3A_1210 = arith.mulf %get3A_1209, %select_n3A_1181 : vector<16xf32>
        %add3A_1211 = arith.addf %add3A_1162, %mul3A_1210 : vector<16xf32>
        %add3A_1212 = arith.constant 150 : i32
        %add3A_1213 = arith.addi %add3A_1212, %scan3A_1174 : i32
        %get3A_1214 = arith.constant 0 : i32
        %get3A_1215 = arith.index_cast %get3A_1214 : i32 to index
        %get3A_1216 = arith.index_cast %add3A_1213 : i32 to index
        %get3A_1217 = arith.constant 48 : index
        %get3A_1218 = tpu.vector_load %arg7[%get3A_1215, %get3A_1216, %get3A_1217] {strides = array<i32>} : memref<2x400x64xf32, #tpu.memory_space<vmem>>, vector<1x1x16xf32>,
        %get3A_1219 = vector.shape_cast %get3A_1218 : vector<1x1x16xf32> to vector<16xf32>
        %mul3A_1220 = arith.mulf %get3A_1219, %select_n3A_1181 : vector<16xf32>
        %add3A_1221 = arith.addf %add3A_1172, %mul3A_1220 : vector<16xf32>
        scf.yield %add3A_1191, %add3A_1201, %add3A_1211, %add3A_1221 : vector<16xf32>, vector<16xf32>, vector<16xf32>, vector<16xf32>
      }
      %scan3A_339 = arith.constant 50 : i32
      %mul3A_340 = arith.constant 8 : i32
      %mul3A_341 = arith.muli %add3A_76, %mul3A_340 : i32
      %add3A_342 = arith.constant 3 : i32
      %add3A_343 = arith.addi %mul3A_341, %add3A_342 : i32
      %mul3A_344 = arith.constant 64 : i32
      %mul3A_345 = arith.muli %add3A_343, %mul3A_344 : i32
      %mul3A_346 = arith.mulf %scan3A_338#0, %div3A_325 : vector<16xf32>
      %add3A_347 = arith.constant 0 : i32
      %add3A_348 = arith.addi %mul3A_345, %add3A_347 : i32
      %swap3A_349 = arith.index_cast %add3A_348 : i32 to index
      %swap3A_350 = tpu.vector_load %arg9[%swap3A_349] {strides = array<i32>} : memref<32768xf32, #tpu.memory_space<vmem>>, vector<16xf32>,
      %swap3A_351 = vector.shape_cast %swap3A_350 : vector<16xf32> to vector<16xf32>
      %swap3A_352 = vector.shape_cast %mul3A_346 : vector<16xf32> to vector<16xf32>
      tpu.vector_store %arg9[%swap3A_349], %swap3A_352 {strides = array<i32>} : memref<32768xf32, #tpu.memory_space<vmem>>, vector<16xf32>,
      %mul3A_353 = arith.mulf %scan3A_338#1, %div3A_325 : vector<16xf32>
      %add3A_354 = arith.constant 16 : i32
      %add3A_355 = arith.addi %mul3A_345, %add3A_354 : i32
      %swap3A_356 = arith.index_cast %add3A_355 : i32 to index
      %swap3A_357 = tpu.vector_load %arg9[%swap3A_356] {strides = array<i32>} : memref<32768xf32, #tpu.memory_space<vmem>>, vector<16xf32>,
      %swap3A_358 = vector.shape_cast %swap3A_357 : vector<16xf32> to vector<16xf32>
      %swap3A_359 = vector.shape_cast %mul3A_353 : vector<16xf32> to vector<16xf32>
      tpu.vector_store %arg9[%swap3A_356], %swap3A_359 {strides = array<i32>} : memref<32768xf32, #tpu.memory_space<vmem>>, vector<16xf32>,
      %mul3A_360 = arith.mulf %scan3A_338#2, %div3A_325 : vector<16xf32>
      %add3A_361 = arith.constant 32 : i32
      %add3A_362 = arith.addi %mul3A_345, %add3A_361 : i32
      %swap3A_363 = arith.index_cast %add3A_362 : i32 to index
      %swap3A_364 = tpu.vector_load %arg9[%swap3A_363] {strides = array<i32>} : memref<32768xf32, #tpu.memory_space<vmem>>, vector<16xf32>,
      %swap3A_365 = vector.shape_cast %swap3A_364 : vector<16xf32> to vector<16xf32>
      %swap3A_366 = vector.shape_cast %mul3A_360 : vector<16xf32> to vector<16xf32>
      tpu.vector_store %arg9[%swap3A_363], %swap3A_366 {strides = array<i32>} : memref<32768xf32, #tpu.memory_space<vmem>>, vector<16xf32>,
      %mul3A_367 = arith.mulf %scan3A_338#3, %div3A_325 : vector<16xf32>
      %add3A_368 = arith.constant 48 : i32
      %add3A_369 = arith.addi %mul3A_345, %add3A_368 : i32
      %swap3A_370 = arith.index_cast %add3A_369 : i32 to index
      %swap3A_371 = tpu.vector_load %arg9[%swap3A_370] {strides = array<i32>} : memref<32768xf32, #tpu.memory_space<vmem>>, vector<16xf32>,
      %swap3A_372 = vector.shape_cast %swap3A_371 : vector<16xf32> to vector<16xf32>
      %swap3A_373 = vector.shape_cast %mul3A_367 : vector<16xf32> to vector<16xf32>
      tpu.vector_store %arg9[%swap3A_370], %swap3A_373 {strides = array<i32>} : memref<32768xf32, #tpu.memory_space<vmem>>, vector<16xf32>,
      %slice3A_374 = vector.extract_strided_slice %get3A_158 {offsets = [4], sizes = [1], strides = [1]} : vector<16xi32> to vector<1xi32>
      %squeeze3A_375 = vector.extract %slice3A_374[0] : i32 from vector<1xi32>
      %broadcast_in_dim3A_376 = vector.broadcast %squeeze3A_375 : i32 to vector<16xi32>
      %convert_element_type3A_377 = arith.sitofp %broadcast_in_dim3A_376 : vector<16xi32> to vector<16xf32>
      %div3A_378 = arith.constant 1.000000e+00 : f32
      %div3A_379 = vector.broadcast %div3A_378 : f32 to vector<16xf32>
      %div3A_380 = arith.divf %div3A_379, %convert_element_type3A_377 : vector<16xf32>
      %broadcast_in_dim3A_381 = arith.constant 0.000000e+00 : f32
      %broadcast_in_dim3A_382 = vector.broadcast %broadcast_in_dim3A_381 : f32 to vector<16xf32>
      %broadcast_in_dim3A_383 = arith.constant 0.000000e+00 : f32
      %broadcast_in_dim3A_384 = vector.broadcast %broadcast_in_dim3A_383 : f32 to vector<16xf32>
      %broadcast_in_dim3A_385 = arith.constant 0.000000e+00 : f32
      %broadcast_in_dim3A_386 = vector.broadcast %broadcast_in_dim3A_385 : f32 to vector<16xf32>
      %broadcast_in_dim3A_387 = arith.constant 0.000000e+00 : f32
      %broadcast_in_dim3A_388 = vector.broadcast %broadcast_in_dim3A_387 : f32 to vector<16xf32>
      %scan3A_389 = arith.constant 0 : i32
      %scan3A_390 = arith.constant 50 : i32
      %scan3A_391 = arith.addi %scan3A_389, %scan3A_390 : i32
      %scan3A_392 = arith.constant 2 : i32
      %scan3A_393:4 = scf.for %scan3A_1123 = %scan3A_389 to %scan3A_391 step %scan3A_392 iter_args(%scan3A_1124 = %broadcast_in_dim3A_382, %scan3A_1125 = %broadcast_in_dim3A_384, %scan3A_1126 = %broadcast_in_dim3A_386, %scan3A_1127 = %broadcast_in_dim3A_388) -> (vector<16xf32>, vector<16xf32>, vector<16xf32>, vector<16xf32>)  : i32 {
        %broadcast_in_dim3A_1128 = vector.broadcast %scan3A_1123 : i32 to vector<16xi32>
        %lt3A_1129 = arith.cmpi slt, %broadcast_in_dim3A_1128, %broadcast_in_dim3A_376 : vector<16xi32>
        %jit3A = arith.constant 1.000000e+00 : f32
        %jit3A_1130 = arith.constant 0.000000e+00 : f32
        %broadcast_in_dim3A_1131 = vector.broadcast %jit3A : f32 to vector<16xf32>
        %broadcast_in_dim3A_1132 = vector.broadcast %jit3A_1130 : f32 to vector<16xf32>
        %select_n3A = arith.select %lt3A_1129, %broadcast_in_dim3A_1131, %broadcast_in_dim3A_1132 : vector<16xi1>, vector<16xf32>
        %add3A_1133 = arith.constant 200 : i32
        %add3A_1134 = arith.addi %add3A_1133, %scan3A_1123 : i32
        %get3A_1135 = arith.constant 0 : i32
        %get3A_1136 = arith.index_cast %get3A_1135 : i32 to index
        %get3A_1137 = arith.index_cast %add3A_1134 : i32 to index
        %get3A_1138 = arith.constant 0 : index
        %get3A_1139 = tpu.vector_load %arg7[%get3A_1136, %get3A_1137, %get3A_1138] {strides = array<i32>} : memref<2x400x64xf32, #tpu.memory_space<vmem>>, vector<1x1x16xf32>,
        %get3A_1140 = vector.shape_cast %get3A_1139 : vector<1x1x16xf32> to vector<16xf32>
        %mul3A_1141 = arith.mulf %get3A_1140, %select_n3A : vector<16xf32>
        %add3A_1142 = arith.addf %scan3A_1124, %mul3A_1141 : vector<16xf32>
        %add3A_1143 = arith.constant 200 : i32
        %add3A_1144 = arith.addi %add3A_1143, %scan3A_1123 : i32
        %get3A_1145 = arith.constant 0 : i32
        %get3A_1146 = arith.index_cast %get3A_1145 : i32 to index
        %get3A_1147 = arith.index_cast %add3A_1144 : i32 to index
        %get3A_1148 = arith.constant 16 : index
        %get3A_1149 = tpu.vector_load %arg7[%get3A_1146, %get3A_1147, %get3A_1148] {strides = array<i32>} : memref<2x400x64xf32, #tpu.memory_space<vmem>>, vector<1x1x16xf32>,
        %get3A_1150 = vector.shape_cast %get3A_1149 : vector<1x1x16xf32> to vector<16xf32>
        %mul3A_1151 = arith.mulf %get3A_1150, %select_n3A : vector<16xf32>
        %add3A_1152 = arith.addf %scan3A_1125, %mul3A_1151 : vector<16xf32>
        %add3A_1153 = arith.constant 200 : i32
        %add3A_1154 = arith.addi %add3A_1153, %scan3A_1123 : i32
        %get3A_1155 = arith.constant 0 : i32
        %get3A_1156 = arith.index_cast %get3A_1155 : i32 to index
        %get3A_1157 = arith.index_cast %add3A_1154 : i32 to index
        %get3A_1158 = arith.constant 32 : index
        %get3A_1159 = tpu.vector_load %arg7[%get3A_1156, %get3A_1157, %get3A_1158] {strides = array<i32>} : memref<2x400x64xf32, #tpu.memory_space<vmem>>, vector<1x1x16xf32>,
        %get3A_1160 = vector.shape_cast %get3A_1159 : vector<1x1x16xf32> to vector<16xf32>
        %mul3A_1161 = arith.mulf %get3A_1160, %select_n3A : vector<16xf32>
        %add3A_1162 = arith.addf %scan3A_1126, %mul3A_1161 : vector<16xf32>
        %add3A_1163 = arith.constant 200 : i32
        %add3A_1164 = arith.addi %add3A_1163, %scan3A_1123 : i32
        %get3A_1165 = arith.constant 0 : i32
        %get3A_1166 = arith.index_cast %get3A_1165 : i32 to index
        %get3A_1167 = arith.index_cast %add3A_1164 : i32 to index
        %get3A_1168 = arith.constant 48 : index
        %get3A_1169 = tpu.vector_load %arg7[%get3A_1166, %get3A_1167, %get3A_1168] {strides = array<i32>} : memref<2x400x64xf32, #tpu.memory_space<vmem>>, vector<1x1x16xf32>,
        %get3A_1170 = vector.shape_cast %get3A_1169 : vector<1x1x16xf32> to vector<16xf32>
        %mul3A_1171 = arith.mulf %get3A_1170, %select_n3A : vector<16xf32>
        %add3A_1172 = arith.addf %scan3A_1127, %mul3A_1171 : vector<16xf32>
        %scan3A_1173 = arith.constant 1 : i32
        %scan3A_1174 = arith.addi %scan3A_1123, %scan3A_1173 : i32
        %broadcast_in_dim3A_1175 = vector.broadcast %scan3A_1174 : i32 to vector<16xi32>
        %lt3A_1176 = arith.cmpi slt, %broadcast_in_dim3A_1175, %broadcast_in_dim3A_376 : vector<16xi32>
        %jit3A_1177 = arith.constant 1.000000e+00 : f32
        %jit3A_1178 = arith.constant 0.000000e+00 : f32
        %broadcast_in_dim3A_1179 = vector.broadcast %jit3A_1177 : f32 to vector<16xf32>
        %broadcast_in_dim3A_1180 = vector.broadcast %jit3A_1178 : f32 to vector<16xf32>
        %select_n3A_1181 = arith.select %lt3A_1176, %broadcast_in_dim3A_1179, %broadcast_in_dim3A_1180 : vector<16xi1>, vector<16xf32>
        %add3A_1182 = arith.constant 200 : i32
        %add3A_1183 = arith.addi %add3A_1182, %scan3A_1174 : i32
        %get3A_1184 = arith.constant 0 : i32
        %get3A_1185 = arith.index_cast %get3A_1184 : i32 to index
        %get3A_1186 = arith.index_cast %add3A_1183 : i32 to index
        %get3A_1187 = arith.constant 0 : index
        %get3A_1188 = tpu.vector_load %arg7[%get3A_1185, %get3A_1186, %get3A_1187] {strides = array<i32>} : memref<2x400x64xf32, #tpu.memory_space<vmem>>, vector<1x1x16xf32>,
        %get3A_1189 = vector.shape_cast %get3A_1188 : vector<1x1x16xf32> to vector<16xf32>
        %mul3A_1190 = arith.mulf %get3A_1189, %select_n3A_1181 : vector<16xf32>
        %add3A_1191 = arith.addf %add3A_1142, %mul3A_1190 : vector<16xf32>
        %add3A_1192 = arith.constant 200 : i32
        %add3A_1193 = arith.addi %add3A_1192, %scan3A_1174 : i32
        %get3A_1194 = arith.constant 0 : i32
        %get3A_1195 = arith.index_cast %get3A_1194 : i32 to index
        %get3A_1196 = arith.index_cast %add3A_1193 : i32 to index
        %get3A_1197 = arith.constant 16 : index
        %get3A_1198 = tpu.vector_load %arg7[%get3A_1195, %get3A_1196, %get3A_1197] {strides = array<i32>} : memref<2x400x64xf32, #tpu.memory_space<vmem>>, vector<1x1x16xf32>,
        %get3A_1199 = vector.shape_cast %get3A_1198 : vector<1x1x16xf32> to vector<16xf32>
        %mul3A_1200 = arith.mulf %get3A_1199, %select_n3A_1181 : vector<16xf32>
        %add3A_1201 = arith.addf %add3A_1152, %mul3A_1200 : vector<16xf32>
        %add3A_1202 = arith.constant 200 : i32
        %add3A_1203 = arith.addi %add3A_1202, %scan3A_1174 : i32
        %get3A_1204 = arith.constant 0 : i32
        %get3A_1205 = arith.index_cast %get3A_1204 : i32 to index
        %get3A_1206 = arith.index_cast %add3A_1203 : i32 to index
        %get3A_1207 = arith.constant 32 : index
        %get3A_1208 = tpu.vector_load %arg7[%get3A_1205, %get3A_1206, %get3A_1207] {strides = array<i32>} : memref<2x400x64xf32, #tpu.memory_space<vmem>>, vector<1x1x16xf32>,
        %get3A_1209 = vector.shape_cast %get3A_1208 : vector<1x1x16xf32> to vector<16xf32>
        %mul3A_1210 = arith.mulf %get3A_1209, %select_n3A_1181 : vector<16xf32>
        %add3A_1211 = arith.addf %add3A_1162, %mul3A_1210 : vector<16xf32>
        %add3A_1212 = arith.constant 200 : i32
        %add3A_1213 = arith.addi %add3A_1212, %scan3A_1174 : i32
        %get3A_1214 = arith.constant 0 : i32
        %get3A_1215 = arith.index_cast %get3A_1214 : i32 to index
        %get3A_1216 = arith.index_cast %add3A_1213 : i32 to index
        %get3A_1217 = arith.constant 48 : index
        %get3A_1218 = tpu.vector_load %arg7[%get3A_1215, %get3A_1216, %get3A_1217] {strides = array<i32>} : memref<2x400x64xf32, #tpu.memory_space<vmem>>, vector<1x1x16xf32>,
        %get3A_1219 = vector.shape_cast %get3A_1218 : vector<1x1x16xf32> to vector<16xf32>
        %mul3A_1220 = arith.mulf %get3A_1219, %select_n3A_1181 : vector<16xf32>
        %add3A_1221 = arith.addf %add3A_1172, %mul3A_1220 : vector<16xf32>
        scf.yield %add3A_1191, %add3A_1201, %add3A_1211, %add3A_1221 : vector<16xf32>, vector<16xf32>, vector<16xf32>, vector<16xf32>
      }
      %scan3A_394 = arith.constant 50 : i32
      %mul3A_395 = arith.constant 8 : i32
      %mul3A_396 = arith.muli %add3A_76, %mul3A_395 : i32
      %add3A_397 = arith.constant 4 : i32
      %add3A_398 = arith.addi %mul3A_396, %add3A_397 : i32
      %mul3A_399 = arith.constant 64 : i32
      %mul3A_400 = arith.muli %add3A_398, %mul3A_399 : i32
      %mul3A_401 = arith.mulf %scan3A_393#0, %div3A_380 : vector<16xf32>
      %add3A_402 = arith.constant 0 : i32
      %add3A_403 = arith.addi %mul3A_400, %add3A_402 : i32
      %swap3A_404 = arith.index_cast %add3A_403 : i32 to index
      %swap3A_405 = tpu.vector_load %arg9[%swap3A_404] {strides = array<i32>} : memref<32768xf32, #tpu.memory_space<vmem>>, vector<16xf32>,
      %swap3A_406 = vector.shape_cast %swap3A_405 : vector<16xf32> to vector<16xf32>
      %swap3A_407 = vector.shape_cast %mul3A_401 : vector<16xf32> to vector<16xf32>
      tpu.vector_store %arg9[%swap3A_404], %swap3A_407 {strides = array<i32>} : memref<32768xf32, #tpu.memory_space<vmem>>, vector<16xf32>,
      %mul3A_408 = arith.mulf %scan3A_393#1, %div3A_380 : vector<16xf32>
      %add3A_409 = arith.constant 16 : i32
      %add3A_410 = arith.addi %mul3A_400, %add3A_409 : i32
      %swap3A_411 = arith.index_cast %add3A_410 : i32 to index
      %swap3A_412 = tpu.vector_load %arg9[%swap3A_411] {strides = array<i32>} : memref<32768xf32, #tpu.memory_space<vmem>>, vector<16xf32>,
      %swap3A_413 = vector.shape_cast %swap3A_412 : vector<16xf32> to vector<16xf32>
      %swap3A_414 = vector.shape_cast %mul3A_408 : vector<16xf32> to vector<16xf32>
      tpu.vector_store %arg9[%swap3A_411], %swap3A_414 {strides = array<i32>} : memref<32768xf32, #tpu.memory_space<vmem>>, vector<16xf32>,
      %mul3A_415 = arith.mulf %scan3A_393#2, %div3A_380 : vector<16xf32>
      %add3A_416 = arith.constant 32 : i32
      %add3A_417 = arith.addi %mul3A_400, %add3A_416 : i32
      %swap3A_418 = arith.index_cast %add3A_417 : i32 to index
      %swap3A_419 = tpu.vector_load %arg9[%swap3A_418] {strides = array<i32>} : memref<32768xf32, #tpu.memory_space<vmem>>, vector<16xf32>,
      %swap3A_420 = vector.shape_cast %swap3A_419 : vector<16xf32> to vector<16xf32>
      %swap3A_421 = vector.shape_cast %mul3A_415 : vector<16xf32> to vector<16xf32>
      tpu.vector_store %arg9[%swap3A_418], %swap3A_421 {strides = array<i32>} : memref<32768xf32, #tpu.memory_space<vmem>>, vector<16xf32>,
      %mul3A_422 = arith.mulf %scan3A_393#3, %div3A_380 : vector<16xf32>
      %add3A_423 = arith.constant 48 : i32
      %add3A_424 = arith.addi %mul3A_400, %add3A_423 : i32
      %swap3A_425 = arith.index_cast %add3A_424 : i32 to index
      %swap3A_426 = tpu.vector_load %arg9[%swap3A_425] {strides = array<i32>} : memref<32768xf32, #tpu.memory_space<vmem>>, vector<16xf32>,
      %swap3A_427 = vector.shape_cast %swap3A_426 : vector<16xf32> to vector<16xf32>
      %swap3A_428 = vector.shape_cast %mul3A_422 : vector<16xf32> to vector<16xf32>
      tpu.vector_store %arg9[%swap3A_425], %swap3A_428 {strides = array<i32>} : memref<32768xf32, #tpu.memory_space<vmem>>, vector<16xf32>,
      %slice3A_429 = vector.extract_strided_slice %get3A_158 {offsets = [5], sizes = [1], strides = [1]} : vector<16xi32> to vector<1xi32>
      %squeeze3A_430 = vector.extract %slice3A_429[0] : i32 from vector<1xi32>
      %broadcast_in_dim3A_431 = vector.broadcast %squeeze3A_430 : i32 to vector<16xi32>
      %convert_element_type3A_432 = arith.sitofp %broadcast_in_dim3A_431 : vector<16xi32> to vector<16xf32>
      %div3A_433 = arith.constant 1.000000e+00 : f32
      %div3A_434 = vector.broadcast %div3A_433 : f32 to vector<16xf32>
      %div3A_435 = arith.divf %div3A_434, %convert_element_type3A_432 : vector<16xf32>
      %broadcast_in_dim3A_436 = arith.constant 0.000000e+00 : f32
      %broadcast_in_dim3A_437 = vector.broadcast %broadcast_in_dim3A_436 : f32 to vector<16xf32>
      %broadcast_in_dim3A_438 = arith.constant 0.000000e+00 : f32
      %broadcast_in_dim3A_439 = vector.broadcast %broadcast_in_dim3A_438 : f32 to vector<16xf32>
      %broadcast_in_dim3A_440 = arith.constant 0.000000e+00 : f32
      %broadcast_in_dim3A_441 = vector.broadcast %broadcast_in_dim3A_440 : f32 to vector<16xf32>
      %broadcast_in_dim3A_442 = arith.constant 0.000000e+00 : f32
      %broadcast_in_dim3A_443 = vector.broadcast %broadcast_in_dim3A_442 : f32 to vector<16xf32>
      %scan3A_444 = arith.constant 0 : i32
      %scan3A_445 = arith.constant 50 : i32
      %scan3A_446 = arith.addi %scan3A_444, %scan3A_445 : i32
      %scan3A_447 = arith.constant 2 : i32
      %scan3A_448:4 = scf.for %scan3A_1123 = %scan3A_444 to %scan3A_446 step %scan3A_447 iter_args(%scan3A_1124 = %broadcast_in_dim3A_437, %scan3A_1125 = %broadcast_in_dim3A_439, %scan3A_1126 = %broadcast_in_dim3A_441, %scan3A_1127 = %broadcast_in_dim3A_443) -> (vector<16xf32>, vector<16xf32>, vector<16xf32>, vector<16xf32>)  : i32 {
        %broadcast_in_dim3A_1128 = vector.broadcast %scan3A_1123 : i32 to vector<16xi32>
        %lt3A_1129 = arith.cmpi slt, %broadcast_in_dim3A_1128, %broadcast_in_dim3A_431 : vector<16xi32>
        %jit3A = arith.constant 1.000000e+00 : f32
        %jit3A_1130 = arith.constant 0.000000e+00 : f32
        %broadcast_in_dim3A_1131 = vector.broadcast %jit3A : f32 to vector<16xf32>
        %broadcast_in_dim3A_1132 = vector.broadcast %jit3A_1130 : f32 to vector<16xf32>
        %select_n3A = arith.select %lt3A_1129, %broadcast_in_dim3A_1131, %broadcast_in_dim3A_1132 : vector<16xi1>, vector<16xf32>
        %add3A_1133 = arith.constant 250 : i32
        %add3A_1134 = arith.addi %add3A_1133, %scan3A_1123 : i32
        %get3A_1135 = arith.constant 0 : i32
        %get3A_1136 = arith.index_cast %get3A_1135 : i32 to index
        %get3A_1137 = arith.index_cast %add3A_1134 : i32 to index
        %get3A_1138 = arith.constant 0 : index
        %get3A_1139 = tpu.vector_load %arg7[%get3A_1136, %get3A_1137, %get3A_1138] {strides = array<i32>} : memref<2x400x64xf32, #tpu.memory_space<vmem>>, vector<1x1x16xf32>,
        %get3A_1140 = vector.shape_cast %get3A_1139 : vector<1x1x16xf32> to vector<16xf32>
        %mul3A_1141 = arith.mulf %get3A_1140, %select_n3A : vector<16xf32>
        %add3A_1142 = arith.addf %scan3A_1124, %mul3A_1141 : vector<16xf32>
        %add3A_1143 = arith.constant 250 : i32
        %add3A_1144 = arith.addi %add3A_1143, %scan3A_1123 : i32
        %get3A_1145 = arith.constant 0 : i32
        %get3A_1146 = arith.index_cast %get3A_1145 : i32 to index
        %get3A_1147 = arith.index_cast %add3A_1144 : i32 to index
        %get3A_1148 = arith.constant 16 : index
        %get3A_1149 = tpu.vector_load %arg7[%get3A_1146, %get3A_1147, %get3A_1148] {strides = array<i32>} : memref<2x400x64xf32, #tpu.memory_space<vmem>>, vector<1x1x16xf32>,
        %get3A_1150 = vector.shape_cast %get3A_1149 : vector<1x1x16xf32> to vector<16xf32>
        %mul3A_1151 = arith.mulf %get3A_1150, %select_n3A : vector<16xf32>
        %add3A_1152 = arith.addf %scan3A_1125, %mul3A_1151 : vector<16xf32>
        %add3A_1153 = arith.constant 250 : i32
        %add3A_1154 = arith.addi %add3A_1153, %scan3A_1123 : i32
        %get3A_1155 = arith.constant 0 : i32
        %get3A_1156 = arith.index_cast %get3A_1155 : i32 to index
        %get3A_1157 = arith.index_cast %add3A_1154 : i32 to index
        %get3A_1158 = arith.constant 32 : index
        %get3A_1159 = tpu.vector_load %arg7[%get3A_1156, %get3A_1157, %get3A_1158] {strides = array<i32>} : memref<2x400x64xf32, #tpu.memory_space<vmem>>, vector<1x1x16xf32>,
        %get3A_1160 = vector.shape_cast %get3A_1159 : vector<1x1x16xf32> to vector<16xf32>
        %mul3A_1161 = arith.mulf %get3A_1160, %select_n3A : vector<16xf32>
        %add3A_1162 = arith.addf %scan3A_1126, %mul3A_1161 : vector<16xf32>
        %add3A_1163 = arith.constant 250 : i32
        %add3A_1164 = arith.addi %add3A_1163, %scan3A_1123 : i32
        %get3A_1165 = arith.constant 0 : i32
        %get3A_1166 = arith.index_cast %get3A_1165 : i32 to index
        %get3A_1167 = arith.index_cast %add3A_1164 : i32 to index
        %get3A_1168 = arith.constant 48 : index
        %get3A_1169 = tpu.vector_load %arg7[%get3A_1166, %get3A_1167, %get3A_1168] {strides = array<i32>} : memref<2x400x64xf32, #tpu.memory_space<vmem>>, vector<1x1x16xf32>,
        %get3A_1170 = vector.shape_cast %get3A_1169 : vector<1x1x16xf32> to vector<16xf32>
        %mul3A_1171 = arith.mulf %get3A_1170, %select_n3A : vector<16xf32>
        %add3A_1172 = arith.addf %scan3A_1127, %mul3A_1171 : vector<16xf32>
        %scan3A_1173 = arith.constant 1 : i32
        %scan3A_1174 = arith.addi %scan3A_1123, %scan3A_1173 : i32
        %broadcast_in_dim3A_1175 = vector.broadcast %scan3A_1174 : i32 to vector<16xi32>
        %lt3A_1176 = arith.cmpi slt, %broadcast_in_dim3A_1175, %broadcast_in_dim3A_431 : vector<16xi32>
        %jit3A_1177 = arith.constant 1.000000e+00 : f32
        %jit3A_1178 = arith.constant 0.000000e+00 : f32
        %broadcast_in_dim3A_1179 = vector.broadcast %jit3A_1177 : f32 to vector<16xf32>
        %broadcast_in_dim3A_1180 = vector.broadcast %jit3A_1178 : f32 to vector<16xf32>
        %select_n3A_1181 = arith.select %lt3A_1176, %broadcast_in_dim3A_1179, %broadcast_in_dim3A_1180 : vector<16xi1>, vector<16xf32>
        %add3A_1182 = arith.constant 250 : i32
        %add3A_1183 = arith.addi %add3A_1182, %scan3A_1174 : i32
        %get3A_1184 = arith.constant 0 : i32
        %get3A_1185 = arith.index_cast %get3A_1184 : i32 to index
        %get3A_1186 = arith.index_cast %add3A_1183 : i32 to index
        %get3A_1187 = arith.constant 0 : index
        %get3A_1188 = tpu.vector_load %arg7[%get3A_1185, %get3A_1186, %get3A_1187] {strides = array<i32>} : memref<2x400x64xf32, #tpu.memory_space<vmem>>, vector<1x1x16xf32>,
        %get3A_1189 = vector.shape_cast %get3A_1188 : vector<1x1x16xf32> to vector<16xf32>
        %mul3A_1190 = arith.mulf %get3A_1189, %select_n3A_1181 : vector<16xf32>
        %add3A_1191 = arith.addf %add3A_1142, %mul3A_1190 : vector<16xf32>
        %add3A_1192 = arith.constant 250 : i32
        %add3A_1193 = arith.addi %add3A_1192, %scan3A_1174 : i32
        %get3A_1194 = arith.constant 0 : i32
        %get3A_1195 = arith.index_cast %get3A_1194 : i32 to index
        %get3A_1196 = arith.index_cast %add3A_1193 : i32 to index
        %get3A_1197 = arith.constant 16 : index
        %get3A_1198 = tpu.vector_load %arg7[%get3A_1195, %get3A_1196, %get3A_1197] {strides = array<i32>} : memref<2x400x64xf32, #tpu.memory_space<vmem>>, vector<1x1x16xf32>,
        %get3A_1199 = vector.shape_cast %get3A_1198 : vector<1x1x16xf32> to vector<16xf32>
        %mul3A_1200 = arith.mulf %get3A_1199, %select_n3A_1181 : vector<16xf32>
        %add3A_1201 = arith.addf %add3A_1152, %mul3A_1200 : vector<16xf32>
        %add3A_1202 = arith.constant 250 : i32
        %add3A_1203 = arith.addi %add3A_1202, %scan3A_1174 : i32
        %get3A_1204 = arith.constant 0 : i32
        %get3A_1205 = arith.index_cast %get3A_1204 : i32 to index
        %get3A_1206 = arith.index_cast %add3A_1203 : i32 to index
        %get3A_1207 = arith.constant 32 : index
        %get3A_1208 = tpu.vector_load %arg7[%get3A_1205, %get3A_1206, %get3A_1207] {strides = array<i32>} : memref<2x400x64xf32, #tpu.memory_space<vmem>>, vector<1x1x16xf32>,
        %get3A_1209 = vector.shape_cast %get3A_1208 : vector<1x1x16xf32> to vector<16xf32>
        %mul3A_1210 = arith.mulf %get3A_1209, %select_n3A_1181 : vector<16xf32>
        %add3A_1211 = arith.addf %add3A_1162, %mul3A_1210 : vector<16xf32>
        %add3A_1212 = arith.constant 250 : i32
        %add3A_1213 = arith.addi %add3A_1212, %scan3A_1174 : i32
        %get3A_1214 = arith.constant 0 : i32
        %get3A_1215 = arith.index_cast %get3A_1214 : i32 to index
        %get3A_1216 = arith.index_cast %add3A_1213 : i32 to index
        %get3A_1217 = arith.constant 48 : index
        %get3A_1218 = tpu.vector_load %arg7[%get3A_1215, %get3A_1216, %get3A_1217] {strides = array<i32>} : memref<2x400x64xf32, #tpu.memory_space<vmem>>, vector<1x1x16xf32>,
        %get3A_1219 = vector.shape_cast %get3A_1218 : vector<1x1x16xf32> to vector<16xf32>
        %mul3A_1220 = arith.mulf %get3A_1219, %select_n3A_1181 : vector<16xf32>
        %add3A_1221 = arith.addf %add3A_1172, %mul3A_1220 : vector<16xf32>
        scf.yield %add3A_1191, %add3A_1201, %add3A_1211, %add3A_1221 : vector<16xf32>, vector<16xf32>, vector<16xf32>, vector<16xf32>
      }
      %scan3A_449 = arith.constant 50 : i32
      %mul3A_450 = arith.constant 8 : i32
      %mul3A_451 = arith.muli %add3A_76, %mul3A_450 : i32
      %add3A_452 = arith.constant 5 : i32
      %add3A_453 = arith.addi %mul3A_451, %add3A_452 : i32
      %mul3A_454 = arith.constant 64 : i32
      %mul3A_455 = arith.muli %add3A_453, %mul3A_454 : i32
      %mul3A_456 = arith.mulf %scan3A_448#0, %div3A_435 : vector<16xf32>
      %add3A_457 = arith.constant 0 : i32
      %add3A_458 = arith.addi %mul3A_455, %add3A_457 : i32
      %swap3A_459 = arith.index_cast %add3A_458 : i32 to index
      %swap3A_460 = tpu.vector_load %arg9[%swap3A_459] {strides = array<i32>} : memref<32768xf32, #tpu.memory_space<vmem>>, vector<16xf32>,
      %swap3A_461 = vector.shape_cast %swap3A_460 : vector<16xf32> to vector<16xf32>
      %swap3A_462 = vector.shape_cast %mul3A_456 : vector<16xf32> to vector<16xf32>
      tpu.vector_store %arg9[%swap3A_459], %swap3A_462 {strides = array<i32>} : memref<32768xf32, #tpu.memory_space<vmem>>, vector<16xf32>,
      %mul3A_463 = arith.mulf %scan3A_448#1, %div3A_435 : vector<16xf32>
      %add3A_464 = arith.constant 16 : i32
      %add3A_465 = arith.addi %mul3A_455, %add3A_464 : i32
      %swap3A_466 = arith.index_cast %add3A_465 : i32 to index
      %swap3A_467 = tpu.vector_load %arg9[%swap3A_466] {strides = array<i32>} : memref<32768xf32, #tpu.memory_space<vmem>>, vector<16xf32>,
      %swap3A_468 = vector.shape_cast %swap3A_467 : vector<16xf32> to vector<16xf32>
      %swap3A_469 = vector.shape_cast %mul3A_463 : vector<16xf32> to vector<16xf32>
      tpu.vector_store %arg9[%swap3A_466], %swap3A_469 {strides = array<i32>} : memref<32768xf32, #tpu.memory_space<vmem>>, vector<16xf32>,
      %mul3A_470 = arith.mulf %scan3A_448#2, %div3A_435 : vector<16xf32>
      %add3A_471 = arith.constant 32 : i32
      %add3A_472 = arith.addi %mul3A_455, %add3A_471 : i32
      %swap3A_473 = arith.index_cast %add3A_472 : i32 to index
      %swap3A_474 = tpu.vector_load %arg9[%swap3A_473] {strides = array<i32>} : memref<32768xf32, #tpu.memory_space<vmem>>, vector<16xf32>,
      %swap3A_475 = vector.shape_cast %swap3A_474 : vector<16xf32> to vector<16xf32>
      %swap3A_476 = vector.shape_cast %mul3A_470 : vector<16xf32> to vector<16xf32>
      tpu.vector_store %arg9[%swap3A_473], %swap3A_476 {strides = array<i32>} : memref<32768xf32, #tpu.memory_space<vmem>>, vector<16xf32>,
      %mul3A_477 = arith.mulf %scan3A_448#3, %div3A_435 : vector<16xf32>
      %add3A_478 = arith.constant 48 : i32
      %add3A_479 = arith.addi %mul3A_455, %add3A_478 : i32
      %swap3A_480 = arith.index_cast %add3A_479 : i32 to index
      %swap3A_481 = tpu.vector_load %arg9[%swap3A_480] {strides = array<i32>} : memref<32768xf32, #tpu.memory_space<vmem>>, vector<16xf32>,
      %swap3A_482 = vector.shape_cast %swap3A_481 : vector<16xf32> to vector<16xf32>
      %swap3A_483 = vector.shape_cast %mul3A_477 : vector<16xf32> to vector<16xf32>
      tpu.vector_store %arg9[%swap3A_480], %swap3A_483 {strides = array<i32>} : memref<32768xf32, #tpu.memory_space<vmem>>, vector<16xf32>,
      %slice3A_484 = vector.extract_strided_slice %get3A_158 {offsets = [6], sizes = [1], strides = [1]} : vector<16xi32> to vector<1xi32>
      %squeeze3A_485 = vector.extract %slice3A_484[0] : i32 from vector<1xi32>
      %broadcast_in_dim3A_486 = vector.broadcast %squeeze3A_485 : i32 to vector<16xi32>
      %convert_element_type3A_487 = arith.sitofp %broadcast_in_dim3A_486 : vector<16xi32> to vector<16xf32>
      %div3A_488 = arith.constant 1.000000e+00 : f32
      %div3A_489 = vector.broadcast %div3A_488 : f32 to vector<16xf32>
      %div3A_490 = arith.divf %div3A_489, %convert_element_type3A_487 : vector<16xf32>
      %broadcast_in_dim3A_491 = arith.constant 0.000000e+00 : f32
      %broadcast_in_dim3A_492 = vector.broadcast %broadcast_in_dim3A_491 : f32 to vector<16xf32>
      %broadcast_in_dim3A_493 = arith.constant 0.000000e+00 : f32
      %broadcast_in_dim3A_494 = vector.broadcast %broadcast_in_dim3A_493 : f32 to vector<16xf32>
      %broadcast_in_dim3A_495 = arith.constant 0.000000e+00 : f32
      %broadcast_in_dim3A_496 = vector.broadcast %broadcast_in_dim3A_495 : f32 to vector<16xf32>
      %broadcast_in_dim3A_497 = arith.constant 0.000000e+00 : f32
      %broadcast_in_dim3A_498 = vector.broadcast %broadcast_in_dim3A_497 : f32 to vector<16xf32>
      %scan3A_499 = arith.constant 0 : i32
      %scan3A_500 = arith.constant 50 : i32
      %scan3A_501 = arith.addi %scan3A_499, %scan3A_500 : i32
      %scan3A_502 = arith.constant 2 : i32
      %scan3A_503:4 = scf.for %scan3A_1123 = %scan3A_499 to %scan3A_501 step %scan3A_502 iter_args(%scan3A_1124 = %broadcast_in_dim3A_492, %scan3A_1125 = %broadcast_in_dim3A_494, %scan3A_1126 = %broadcast_in_dim3A_496, %scan3A_1127 = %broadcast_in_dim3A_498) -> (vector<16xf32>, vector<16xf32>, vector<16xf32>, vector<16xf32>)  : i32 {
        %broadcast_in_dim3A_1128 = vector.broadcast %scan3A_1123 : i32 to vector<16xi32>
        %lt3A_1129 = arith.cmpi slt, %broadcast_in_dim3A_1128, %broadcast_in_dim3A_486 : vector<16xi32>
        %jit3A = arith.constant 1.000000e+00 : f32
        %jit3A_1130 = arith.constant 0.000000e+00 : f32
        %broadcast_in_dim3A_1131 = vector.broadcast %jit3A : f32 to vector<16xf32>
        %broadcast_in_dim3A_1132 = vector.broadcast %jit3A_1130 : f32 to vector<16xf32>
        %select_n3A = arith.select %lt3A_1129, %broadcast_in_dim3A_1131, %broadcast_in_dim3A_1132 : vector<16xi1>, vector<16xf32>
        %add3A_1133 = arith.constant 300 : i32
        %add3A_1134 = arith.addi %add3A_1133, %scan3A_1123 : i32
        %get3A_1135 = arith.constant 0 : i32
        %get3A_1136 = arith.index_cast %get3A_1135 : i32 to index
        %get3A_1137 = arith.index_cast %add3A_1134 : i32 to index
        %get3A_1138 = arith.constant 0 : index
        %get3A_1139 = tpu.vector_load %arg7[%get3A_1136, %get3A_1137, %get3A_1138] {strides = array<i32>} : memref<2x400x64xf32, #tpu.memory_space<vmem>>, vector<1x1x16xf32>,
        %get3A_1140 = vector.shape_cast %get3A_1139 : vector<1x1x16xf32> to vector<16xf32>
        %mul3A_1141 = arith.mulf %get3A_1140, %select_n3A : vector<16xf32>
        %add3A_1142 = arith.addf %scan3A_1124, %mul3A_1141 : vector<16xf32>
        %add3A_1143 = arith.constant 300 : i32
        %add3A_1144 = arith.addi %add3A_1143, %scan3A_1123 : i32
        %get3A_1145 = arith.constant 0 : i32
        %get3A_1146 = arith.index_cast %get3A_1145 : i32 to index
        %get3A_1147 = arith.index_cast %add3A_1144 : i32 to index
        %get3A_1148 = arith.constant 16 : index
        %get3A_1149 = tpu.vector_load %arg7[%get3A_1146, %get3A_1147, %get3A_1148] {strides = array<i32>} : memref<2x400x64xf32, #tpu.memory_space<vmem>>, vector<1x1x16xf32>,
        %get3A_1150 = vector.shape_cast %get3A_1149 : vector<1x1x16xf32> to vector<16xf32>
        %mul3A_1151 = arith.mulf %get3A_1150, %select_n3A : vector<16xf32>
        %add3A_1152 = arith.addf %scan3A_1125, %mul3A_1151 : vector<16xf32>
        %add3A_1153 = arith.constant 300 : i32
        %add3A_1154 = arith.addi %add3A_1153, %scan3A_1123 : i32
        %get3A_1155 = arith.constant 0 : i32
        %get3A_1156 = arith.index_cast %get3A_1155 : i32 to index
        %get3A_1157 = arith.index_cast %add3A_1154 : i32 to index
        %get3A_1158 = arith.constant 32 : index
        %get3A_1159 = tpu.vector_load %arg7[%get3A_1156, %get3A_1157, %get3A_1158] {strides = array<i32>} : memref<2x400x64xf32, #tpu.memory_space<vmem>>, vector<1x1x16xf32>,
        %get3A_1160 = vector.shape_cast %get3A_1159 : vector<1x1x16xf32> to vector<16xf32>
        %mul3A_1161 = arith.mulf %get3A_1160, %select_n3A : vector<16xf32>
        %add3A_1162 = arith.addf %scan3A_1126, %mul3A_1161 : vector<16xf32>
        %add3A_1163 = arith.constant 300 : i32
        %add3A_1164 = arith.addi %add3A_1163, %scan3A_1123 : i32
        %get3A_1165 = arith.constant 0 : i32
        %get3A_1166 = arith.index_cast %get3A_1165 : i32 to index
        %get3A_1167 = arith.index_cast %add3A_1164 : i32 to index
        %get3A_1168 = arith.constant 48 : index
        %get3A_1169 = tpu.vector_load %arg7[%get3A_1166, %get3A_1167, %get3A_1168] {strides = array<i32>} : memref<2x400x64xf32, #tpu.memory_space<vmem>>, vector<1x1x16xf32>,
        %get3A_1170 = vector.shape_cast %get3A_1169 : vector<1x1x16xf32> to vector<16xf32>
        %mul3A_1171 = arith.mulf %get3A_1170, %select_n3A : vector<16xf32>
        %add3A_1172 = arith.addf %scan3A_1127, %mul3A_1171 : vector<16xf32>
        %scan3A_1173 = arith.constant 1 : i32
        %scan3A_1174 = arith.addi %scan3A_1123, %scan3A_1173 : i32
        %broadcast_in_dim3A_1175 = vector.broadcast %scan3A_1174 : i32 to vector<16xi32>
        %lt3A_1176 = arith.cmpi slt, %broadcast_in_dim3A_1175, %broadcast_in_dim3A_486 : vector<16xi32>
        %jit3A_1177 = arith.constant 1.000000e+00 : f32
        %jit3A_1178 = arith.constant 0.000000e+00 : f32
        %broadcast_in_dim3A_1179 = vector.broadcast %jit3A_1177 : f32 to vector<16xf32>
        %broadcast_in_dim3A_1180 = vector.broadcast %jit3A_1178 : f32 to vector<16xf32>
        %select_n3A_1181 = arith.select %lt3A_1176, %broadcast_in_dim3A_1179, %broadcast_in_dim3A_1180 : vector<16xi1>, vector<16xf32>
        %add3A_1182 = arith.constant 300 : i32
        %add3A_1183 = arith.addi %add3A_1182, %scan3A_1174 : i32
        %get3A_1184 = arith.constant 0 : i32
        %get3A_1185 = arith.index_cast %get3A_1184 : i32 to index
        %get3A_1186 = arith.index_cast %add3A_1183 : i32 to index
        %get3A_1187 = arith.constant 0 : index
        %get3A_1188 = tpu.vector_load %arg7[%get3A_1185, %get3A_1186, %get3A_1187] {strides = array<i32>} : memref<2x400x64xf32, #tpu.memory_space<vmem>>, vector<1x1x16xf32>,
        %get3A_1189 = vector.shape_cast %get3A_1188 : vector<1x1x16xf32> to vector<16xf32>
        %mul3A_1190 = arith.mulf %get3A_1189, %select_n3A_1181 : vector<16xf32>
        %add3A_1191 = arith.addf %add3A_1142, %mul3A_1190 : vector<16xf32>
        %add3A_1192 = arith.constant 300 : i32
        %add3A_1193 = arith.addi %add3A_1192, %scan3A_1174 : i32
        %get3A_1194 = arith.constant 0 : i32
        %get3A_1195 = arith.index_cast %get3A_1194 : i32 to index
        %get3A_1196 = arith.index_cast %add3A_1193 : i32 to index
        %get3A_1197 = arith.constant 16 : index
        %get3A_1198 = tpu.vector_load %arg7[%get3A_1195, %get3A_1196, %get3A_1197] {strides = array<i32>} : memref<2x400x64xf32, #tpu.memory_space<vmem>>, vector<1x1x16xf32>,
        %get3A_1199 = vector.shape_cast %get3A_1198 : vector<1x1x16xf32> to vector<16xf32>
        %mul3A_1200 = arith.mulf %get3A_1199, %select_n3A_1181 : vector<16xf32>
        %add3A_1201 = arith.addf %add3A_1152, %mul3A_1200 : vector<16xf32>
        %add3A_1202 = arith.constant 300 : i32
        %add3A_1203 = arith.addi %add3A_1202, %scan3A_1174 : i32
        %get3A_1204 = arith.constant 0 : i32
        %get3A_1205 = arith.index_cast %get3A_1204 : i32 to index
        %get3A_1206 = arith.index_cast %add3A_1203 : i32 to index
        %get3A_1207 = arith.constant 32 : index
        %get3A_1208 = tpu.vector_load %arg7[%get3A_1205, %get3A_1206, %get3A_1207] {strides = array<i32>} : memref<2x400x64xf32, #tpu.memory_space<vmem>>, vector<1x1x16xf32>,
        %get3A_1209 = vector.shape_cast %get3A_1208 : vector<1x1x16xf32> to vector<16xf32>
        %mul3A_1210 = arith.mulf %get3A_1209, %select_n3A_1181 : vector<16xf32>
        %add3A_1211 = arith.addf %add3A_1162, %mul3A_1210 : vector<16xf32>
        %add3A_1212 = arith.constant 300 : i32
        %add3A_1213 = arith.addi %add3A_1212, %scan3A_1174 : i32
        %get3A_1214 = arith.constant 0 : i32
        %get3A_1215 = arith.index_cast %get3A_1214 : i32 to index
        %get3A_1216 = arith.index_cast %add3A_1213 : i32 to index
        %get3A_1217 = arith.constant 48 : index
        %get3A_1218 = tpu.vector_load %arg7[%get3A_1215, %get3A_1216, %get3A_1217] {strides = array<i32>} : memref<2x400x64xf32, #tpu.memory_space<vmem>>, vector<1x1x16xf32>,
        %get3A_1219 = vector.shape_cast %get3A_1218 : vector<1x1x16xf32> to vector<16xf32>
        %mul3A_1220 = arith.mulf %get3A_1219, %select_n3A_1181 : vector<16xf32>
        %add3A_1221 = arith.addf %add3A_1172, %mul3A_1220 : vector<16xf32>
        scf.yield %add3A_1191, %add3A_1201, %add3A_1211, %add3A_1221 : vector<16xf32>, vector<16xf32>, vector<16xf32>, vector<16xf32>
      }
      %scan3A_504 = arith.constant 50 : i32
      %mul3A_505 = arith.constant 8 : i32
      %mul3A_506 = arith.muli %add3A_76, %mul3A_505 : i32
      %add3A_507 = arith.constant 6 : i32
      %add3A_508 = arith.addi %mul3A_506, %add3A_507 : i32
      %mul3A_509 = arith.constant 64 : i32
      %mul3A_510 = arith.muli %add3A_508, %mul3A_509 : i32
      %mul3A_511 = arith.mulf %scan3A_503#0, %div3A_490 : vector<16xf32>
      %add3A_512 = arith.constant 0 : i32
      %add3A_513 = arith.addi %mul3A_510, %add3A_512 : i32
      %swap3A_514 = arith.index_cast %add3A_513 : i32 to index
      %swap3A_515 = tpu.vector_load %arg9[%swap3A_514] {strides = array<i32>} : memref<32768xf32, #tpu.memory_space<vmem>>, vector<16xf32>,
      %swap3A_516 = vector.shape_cast %swap3A_515 : vector<16xf32> to vector<16xf32>
      %swap3A_517 = vector.shape_cast %mul3A_511 : vector<16xf32> to vector<16xf32>
      tpu.vector_store %arg9[%swap3A_514], %swap3A_517 {strides = array<i32>} : memref<32768xf32, #tpu.memory_space<vmem>>, vector<16xf32>,
      %mul3A_518 = arith.mulf %scan3A_503#1, %div3A_490 : vector<16xf32>
      %add3A_519 = arith.constant 16 : i32
      %add3A_520 = arith.addi %mul3A_510, %add3A_519 : i32
      %swap3A_521 = arith.index_cast %add3A_520 : i32 to index
      %swap3A_522 = tpu.vector_load %arg9[%swap3A_521] {strides = array<i32>} : memref<32768xf32, #tpu.memory_space<vmem>>, vector<16xf32>,
      %swap3A_523 = vector.shape_cast %swap3A_522 : vector<16xf32> to vector<16xf32>
      %swap3A_524 = vector.shape_cast %mul3A_518 : vector<16xf32> to vector<16xf32>
      tpu.vector_store %arg9[%swap3A_521], %swap3A_524 {strides = array<i32>} : memref<32768xf32, #tpu.memory_space<vmem>>, vector<16xf32>,
      %mul3A_525 = arith.mulf %scan3A_503#2, %div3A_490 : vector<16xf32>
      %add3A_526 = arith.constant 32 : i32
      %add3A_527 = arith.addi %mul3A_510, %add3A_526 : i32
      %swap3A_528 = arith.index_cast %add3A_527 : i32 to index
      %swap3A_529 = tpu.vector_load %arg9[%swap3A_528] {strides = array<i32>} : memref<32768xf32, #tpu.memory_space<vmem>>, vector<16xf32>,
      %swap3A_530 = vector.shape_cast %swap3A_529 : vector<16xf32> to vector<16xf32>
      %swap3A_531 = vector.shape_cast %mul3A_525 : vector<16xf32> to vector<16xf32>
      tpu.vector_store %arg9[%swap3A_528], %swap3A_531 {strides = array<i32>} : memref<32768xf32, #tpu.memory_space<vmem>>, vector<16xf32>,
      %mul3A_532 = arith.mulf %scan3A_503#3, %div3A_490 : vector<16xf32>
      %add3A_533 = arith.constant 48 : i32
      %add3A_534 = arith.addi %mul3A_510, %add3A_533 : i32
      %swap3A_535 = arith.index_cast %add3A_534 : i32 to index
      %swap3A_536 = tpu.vector_load %arg9[%swap3A_535] {strides = array<i32>} : memref<32768xf32, #tpu.memory_space<vmem>>, vector<16xf32>,
      %swap3A_537 = vector.shape_cast %swap3A_536 : vector<16xf32> to vector<16xf32>
      %swap3A_538 = vector.shape_cast %mul3A_532 : vector<16xf32> to vector<16xf32>
      tpu.vector_store %arg9[%swap3A_535], %swap3A_538 {strides = array<i32>} : memref<32768xf32, #tpu.memory_space<vmem>>, vector<16xf32>,
      %slice3A_539 = vector.extract_strided_slice %get3A_158 {offsets = [7], sizes = [1], strides = [1]} : vector<16xi32> to vector<1xi32>
      %squeeze3A_540 = vector.extract %slice3A_539[0] : i32 from vector<1xi32>
      %broadcast_in_dim3A_541 = vector.broadcast %squeeze3A_540 : i32 to vector<16xi32>
      %convert_element_type3A_542 = arith.sitofp %broadcast_in_dim3A_541 : vector<16xi32> to vector<16xf32>
      %div3A_543 = arith.constant 1.000000e+00 : f32
      %div3A_544 = vector.broadcast %div3A_543 : f32 to vector<16xf32>
      %div3A_545 = arith.divf %div3A_544, %convert_element_type3A_542 : vector<16xf32>
      %broadcast_in_dim3A_546 = arith.constant 0.000000e+00 : f32
      %broadcast_in_dim3A_547 = vector.broadcast %broadcast_in_dim3A_546 : f32 to vector<16xf32>
      %broadcast_in_dim3A_548 = arith.constant 0.000000e+00 : f32
      %broadcast_in_dim3A_549 = vector.broadcast %broadcast_in_dim3A_548 : f32 to vector<16xf32>
      %broadcast_in_dim3A_550 = arith.constant 0.000000e+00 : f32
      %broadcast_in_dim3A_551 = vector.broadcast %broadcast_in_dim3A_550 : f32 to vector<16xf32>
      %broadcast_in_dim3A_552 = arith.constant 0.000000e+00 : f32
      %broadcast_in_dim3A_553 = vector.broadcast %broadcast_in_dim3A_552 : f32 to vector<16xf32>
      %scan3A_554 = arith.constant 0 : i32
      %scan3A_555 = arith.constant 50 : i32
      %scan3A_556 = arith.addi %scan3A_554, %scan3A_555 : i32
      %scan3A_557 = arith.constant 2 : i32
      %scan3A_558:4 = scf.for %scan3A_1123 = %scan3A_554 to %scan3A_556 step %scan3A_557 iter_args(%scan3A_1124 = %broadcast_in_dim3A_547, %scan3A_1125 = %broadcast_in_dim3A_549, %scan3A_1126 = %broadcast_in_dim3A_551, %scan3A_1127 = %broadcast_in_dim3A_553) -> (vector<16xf32>, vector<16xf32>, vector<16xf32>, vector<16xf32>)  : i32 {
        %broadcast_in_dim3A_1128 = vector.broadcast %scan3A_1123 : i32 to vector<16xi32>
        %lt3A_1129 = arith.cmpi slt, %broadcast_in_dim3A_1128, %broadcast_in_dim3A_541 : vector<16xi32>
        %jit3A = arith.constant 1.000000e+00 : f32
        %jit3A_1130 = arith.constant 0.000000e+00 : f32
        %broadcast_in_dim3A_1131 = vector.broadcast %jit3A : f32 to vector<16xf32>
        %broadcast_in_dim3A_1132 = vector.broadcast %jit3A_1130 : f32 to vector<16xf32>
        %select_n3A = arith.select %lt3A_1129, %broadcast_in_dim3A_1131, %broadcast_in_dim3A_1132 : vector<16xi1>, vector<16xf32>
        %add3A_1133 = arith.constant 350 : i32
        %add3A_1134 = arith.addi %add3A_1133, %scan3A_1123 : i32
        %get3A_1135 = arith.constant 0 : i32
        %get3A_1136 = arith.index_cast %get3A_1135 : i32 to index
        %get3A_1137 = arith.index_cast %add3A_1134 : i32 to index
        %get3A_1138 = arith.constant 0 : index
        %get3A_1139 = tpu.vector_load %arg7[%get3A_1136, %get3A_1137, %get3A_1138] {strides = array<i32>} : memref<2x400x64xf32, #tpu.memory_space<vmem>>, vector<1x1x16xf32>,
        %get3A_1140 = vector.shape_cast %get3A_1139 : vector<1x1x16xf32> to vector<16xf32>
        %mul3A_1141 = arith.mulf %get3A_1140, %select_n3A : vector<16xf32>
        %add3A_1142 = arith.addf %scan3A_1124, %mul3A_1141 : vector<16xf32>
        %add3A_1143 = arith.constant 350 : i32
        %add3A_1144 = arith.addi %add3A_1143, %scan3A_1123 : i32
        %get3A_1145 = arith.constant 0 : i32
        %get3A_1146 = arith.index_cast %get3A_1145 : i32 to index
        %get3A_1147 = arith.index_cast %add3A_1144 : i32 to index
        %get3A_1148 = arith.constant 16 : index
        %get3A_1149 = tpu.vector_load %arg7[%get3A_1146, %get3A_1147, %get3A_1148] {strides = array<i32>} : memref<2x400x64xf32, #tpu.memory_space<vmem>>, vector<1x1x16xf32>,
        %get3A_1150 = vector.shape_cast %get3A_1149 : vector<1x1x16xf32> to vector<16xf32>
        %mul3A_1151 = arith.mulf %get3A_1150, %select_n3A : vector<16xf32>
        %add3A_1152 = arith.addf %scan3A_1125, %mul3A_1151 : vector<16xf32>
        %add3A_1153 = arith.constant 350 : i32
        %add3A_1154 = arith.addi %add3A_1153, %scan3A_1123 : i32
        %get3A_1155 = arith.constant 0 : i32
        %get3A_1156 = arith.index_cast %get3A_1155 : i32 to index
        %get3A_1157 = arith.index_cast %add3A_1154 : i32 to index
        %get3A_1158 = arith.constant 32 : index
        %get3A_1159 = tpu.vector_load %arg7[%get3A_1156, %get3A_1157, %get3A_1158] {strides = array<i32>} : memref<2x400x64xf32, #tpu.memory_space<vmem>>, vector<1x1x16xf32>,
        %get3A_1160 = vector.shape_cast %get3A_1159 : vector<1x1x16xf32> to vector<16xf32>
        %mul3A_1161 = arith.mulf %get3A_1160, %select_n3A : vector<16xf32>
        %add3A_1162 = arith.addf %scan3A_1126, %mul3A_1161 : vector<16xf32>
        %add3A_1163 = arith.constant 350 : i32
        %add3A_1164 = arith.addi %add3A_1163, %scan3A_1123 : i32
        %get3A_1165 = arith.constant 0 : i32
        %get3A_1166 = arith.index_cast %get3A_1165 : i32 to index
        %get3A_1167 = arith.index_cast %add3A_1164 : i32 to index
        %get3A_1168 = arith.constant 48 : index
        %get3A_1169 = tpu.vector_load %arg7[%get3A_1166, %get3A_1167, %get3A_1168] {strides = array<i32>} : memref<2x400x64xf32, #tpu.memory_space<vmem>>, vector<1x1x16xf32>,
        %get3A_1170 = vector.shape_cast %get3A_1169 : vector<1x1x16xf32> to vector<16xf32>
        %mul3A_1171 = arith.mulf %get3A_1170, %select_n3A : vector<16xf32>
        %add3A_1172 = arith.addf %scan3A_1127, %mul3A_1171 : vector<16xf32>
        %scan3A_1173 = arith.constant 1 : i32
        %scan3A_1174 = arith.addi %scan3A_1123, %scan3A_1173 : i32
        %broadcast_in_dim3A_1175 = vector.broadcast %scan3A_1174 : i32 to vector<16xi32>
        %lt3A_1176 = arith.cmpi slt, %broadcast_in_dim3A_1175, %broadcast_in_dim3A_541 : vector<16xi32>
        %jit3A_1177 = arith.constant 1.000000e+00 : f32
        %jit3A_1178 = arith.constant 0.000000e+00 : f32
        %broadcast_in_dim3A_1179 = vector.broadcast %jit3A_1177 : f32 to vector<16xf32>
        %broadcast_in_dim3A_1180 = vector.broadcast %jit3A_1178 : f32 to vector<16xf32>
        %select_n3A_1181 = arith.select %lt3A_1176, %broadcast_in_dim3A_1179, %broadcast_in_dim3A_1180 : vector<16xi1>, vector<16xf32>
        %add3A_1182 = arith.constant 350 : i32
        %add3A_1183 = arith.addi %add3A_1182, %scan3A_1174 : i32
        %get3A_1184 = arith.constant 0 : i32
        %get3A_1185 = arith.index_cast %get3A_1184 : i32 to index
        %get3A_1186 = arith.index_cast %add3A_1183 : i32 to index
        %get3A_1187 = arith.constant 0 : index
        %get3A_1188 = tpu.vector_load %arg7[%get3A_1185, %get3A_1186, %get3A_1187] {strides = array<i32>} : memref<2x400x64xf32, #tpu.memory_space<vmem>>, vector<1x1x16xf32>,
        %get3A_1189 = vector.shape_cast %get3A_1188 : vector<1x1x16xf32> to vector<16xf32>
        %mul3A_1190 = arith.mulf %get3A_1189, %select_n3A_1181 : vector<16xf32>
        %add3A_1191 = arith.addf %add3A_1142, %mul3A_1190 : vector<16xf32>
        %add3A_1192 = arith.constant 350 : i32
        %add3A_1193 = arith.addi %add3A_1192, %scan3A_1174 : i32
        %get3A_1194 = arith.constant 0 : i32
        %get3A_1195 = arith.index_cast %get3A_1194 : i32 to index
        %get3A_1196 = arith.index_cast %add3A_1193 : i32 to index
        %get3A_1197 = arith.constant 16 : index
        %get3A_1198 = tpu.vector_load %arg7[%get3A_1195, %get3A_1196, %get3A_1197] {strides = array<i32>} : memref<2x400x64xf32, #tpu.memory_space<vmem>>, vector<1x1x16xf32>,
        %get3A_1199 = vector.shape_cast %get3A_1198 : vector<1x1x16xf32> to vector<16xf32>
        %mul3A_1200 = arith.mulf %get3A_1199, %select_n3A_1181 : vector<16xf32>
        %add3A_1201 = arith.addf %add3A_1152, %mul3A_1200 : vector<16xf32>
        %add3A_1202 = arith.constant 350 : i32
        %add3A_1203 = arith.addi %add3A_1202, %scan3A_1174 : i32
        %get3A_1204 = arith.constant 0 : i32
        %get3A_1205 = arith.index_cast %get3A_1204 : i32 to index
        %get3A_1206 = arith.index_cast %add3A_1203 : i32 to index
        %get3A_1207 = arith.constant 32 : index
        %get3A_1208 = tpu.vector_load %arg7[%get3A_1205, %get3A_1206, %get3A_1207] {strides = array<i32>} : memref<2x400x64xf32, #tpu.memory_space<vmem>>, vector<1x1x16xf32>,
        %get3A_1209 = vector.shape_cast %get3A_1208 : vector<1x1x16xf32> to vector<16xf32>
        %mul3A_1210 = arith.mulf %get3A_1209, %select_n3A_1181 : vector<16xf32>
        %add3A_1211 = arith.addf %add3A_1162, %mul3A_1210 : vector<16xf32>
        %add3A_1212 = arith.constant 350 : i32
        %add3A_1213 = arith.addi %add3A_1212, %scan3A_1174 : i32
        %get3A_1214 = arith.constant 0 : i32
        %get3A_1215 = arith.index_cast %get3A_1214 : i32 to index
        %get3A_1216 = arith.index_cast %add3A_1213 : i32 to index
        %get3A_1217 = arith.constant 48 : index
        %get3A_1218 = tpu.vector_load %arg7[%get3A_1215, %get3A_1216, %get3A_1217] {strides = array<i32>} : memref<2x400x64xf32, #tpu.memory_space<vmem>>, vector<1x1x16xf32>,
        %get3A_1219 = vector.shape_cast %get3A_1218 : vector<1x1x16xf32> to vector<16xf32>
        %mul3A_1220 = arith.mulf %get3A_1219, %select_n3A_1181 : vector<16xf32>
        %add3A_1221 = arith.addf %add3A_1172, %mul3A_1220 : vector<16xf32>
        scf.yield %add3A_1191, %add3A_1201, %add3A_1211, %add3A_1221 : vector<16xf32>, vector<16xf32>, vector<16xf32>, vector<16xf32>
      }
      %scan3A_559 = arith.constant 50 : i32
      %mul3A_560 = arith.constant 8 : i32
      %mul3A_561 = arith.muli %add3A_76, %mul3A_560 : i32
      %add3A_562 = arith.constant 7 : i32
      %add3A_563 = arith.addi %mul3A_561, %add3A_562 : i32
      %mul3A_564 = arith.constant 64 : i32
      %mul3A_565 = arith.muli %add3A_563, %mul3A_564 : i32
      %mul3A_566 = arith.mulf %scan3A_558#0, %div3A_545 : vector<16xf32>
      %add3A_567 = arith.constant 0 : i32
      %add3A_568 = arith.addi %mul3A_565, %add3A_567 : i32
      %swap3A_569 = arith.index_cast %add3A_568 : i32 to index
      %swap3A_570 = tpu.vector_load %arg9[%swap3A_569] {strides = array<i32>} : memref<32768xf32, #tpu.memory_space<vmem>>, vector<16xf32>,
      %swap3A_571 = vector.shape_cast %swap3A_570 : vector<16xf32> to vector<16xf32>
      %swap3A_572 = vector.shape_cast %mul3A_566 : vector<16xf32> to vector<16xf32>
      tpu.vector_store %arg9[%swap3A_569], %swap3A_572 {strides = array<i32>} : memref<32768xf32, #tpu.memory_space<vmem>>, vector<16xf32>,
      %mul3A_573 = arith.mulf %scan3A_558#1, %div3A_545 : vector<16xf32>
      %add3A_574 = arith.constant 16 : i32
      %add3A_575 = arith.addi %mul3A_565, %add3A_574 : i32
      %swap3A_576 = arith.index_cast %add3A_575 : i32 to index
      %swap3A_577 = tpu.vector_load %arg9[%swap3A_576] {strides = array<i32>} : memref<32768xf32, #tpu.memory_space<vmem>>, vector<16xf32>,
      %swap3A_578 = vector.shape_cast %swap3A_577 : vector<16xf32> to vector<16xf32>
      %swap3A_579 = vector.shape_cast %mul3A_573 : vector<16xf32> to vector<16xf32>
      tpu.vector_store %arg9[%swap3A_576], %swap3A_579 {strides = array<i32>} : memref<32768xf32, #tpu.memory_space<vmem>>, vector<16xf32>,
      %mul3A_580 = arith.mulf %scan3A_558#2, %div3A_545 : vector<16xf32>
      %add3A_581 = arith.constant 32 : i32
      %add3A_582 = arith.addi %mul3A_565, %add3A_581 : i32
      %swap3A_583 = arith.index_cast %add3A_582 : i32 to index
      %swap3A_584 = tpu.vector_load %arg9[%swap3A_583] {strides = array<i32>} : memref<32768xf32, #tpu.memory_space<vmem>>, vector<16xf32>,
      %swap3A_585 = vector.shape_cast %swap3A_584 : vector<16xf32> to vector<16xf32>
      %swap3A_586 = vector.shape_cast %mul3A_580 : vector<16xf32> to vector<16xf32>
      tpu.vector_store %arg9[%swap3A_583], %swap3A_586 {strides = array<i32>} : memref<32768xf32, #tpu.memory_space<vmem>>, vector<16xf32>,
      %mul3A_587 = arith.mulf %scan3A_558#3, %div3A_545 : vector<16xf32>
      %add3A_588 = arith.constant 48 : i32
      %add3A_589 = arith.addi %mul3A_565, %add3A_588 : i32
      %swap3A_590 = arith.index_cast %add3A_589 : i32 to index
      %swap3A_591 = tpu.vector_load %arg9[%swap3A_590] {strides = array<i32>} : memref<32768xf32, #tpu.memory_space<vmem>>, vector<16xf32>,
      %swap3A_592 = vector.shape_cast %swap3A_591 : vector<16xf32> to vector<16xf32>
      %swap3A_593 = vector.shape_cast %mul3A_587 : vector<16xf32> to vector<16xf32>
      tpu.vector_store %arg9[%swap3A_590], %swap3A_593 {strides = array<i32>} : memref<32768xf32, #tpu.memory_space<vmem>>, vector<16xf32>,
      %add3A_594 = arith.constant 1 : i32
      %add3A_595 = arith.addi %add3A_74, %add3A_594 : i32
      %add3A_596 = arith.constant 1 : i32
      %add3A_597 = arith.addi %add3A_595, %add3A_596 : i32
      %lt3A_598 = arith.constant 64 : i32
      %lt3A_599 = arith.cmpi slt, %add3A_597, %lt3A_598 : i32
      %convert_element_type3A_600 = arith.extui %lt3A_599 : i1 to i32
      %cond3A_601 = arith.constant 0 : i32
      %cond3A_602 = arith.cmpi ne, %convert_element_type3A_600, %cond3A_601 : i32
      scf.if %cond3A_602 {
        %add3A_1123 = arith.constant 1 : i32
        %add3A_1124 = arith.addi %add3A_595, %add3A_1123 : i32
        %mul3A_1125 = arith.constant 5 : i32
        %mul3A_1126 = arith.muli %add3A_1124, %mul3A_1125 : i32
        %add3A_1127 = arith.constant 0 : i32
        %add3A_1128 = arith.addi %mul3A_1126, %add3A_1127 : i32
        %dma_start3A_1129 = arith.constant 0 : i32
        %dma_start3A_1130 = arith.constant 0 : i32
        %dma_start3A_1131 = arith.constant 0 : i32
        %dma_start3A_1132 = tpu.memref_slice %arg7[%dma_start3A_1129, %dma_start3A_1130, %dma_start3A_1131] : memref<2x400x64xf32, #tpu.memory_space<vmem>> -> memref<1x80x64xf32, #tpu.memory_space<vmem>>
        %dma_start3A_1133 = tpu.memref_squeeze %dma_start3A_1132 : memref<1x80x64xf32, #tpu.memory_space<vmem>> -> memref<80x64xf32, #tpu.memory_space<vmem>>
        %dma_start3A_1134 = arith.constant 0 : i32
        %dma_start3A_1135 = tpu.memref_slice %arg6[%add3A_1128, %dma_start3A_1134] : memref<320x80xi32, #tpu.memory_space<vmem>> -> memref<1x80xi32, #tpu.memory_space<vmem>>
        %dma_start3A_1136 = tpu.memref_squeeze %dma_start3A_1135 : memref<1x80xi32, #tpu.memory_space<vmem>> -> memref<80xi32, #tpu.memory_space<vmem>>
        %dma_start3A_1137 = arith.constant 0 : i32
        %dma_start3A_1138 = arith.constant 0 : i32
        %dma_start3A_1139 = tpu.memref_slice %arg4[%dma_start3A_1137, %dma_start3A_1138] : memref<1000000x64xf32, #tpu.memory_space<hbm>> -> memref<1000000x64xf32, #tpu.memory_space<hbm>>
        tpu.enqueue_indirect_dma source(%dma_start3A_1139 : memref<1000000x64xf32, #tpu.memory_space<hbm>>) target(%dma_start3A_1133 : memref<80x64xf32, #tpu.memory_space<vmem>>) offsets(%dma_start3A_1136 : memref<80xi32, #tpu.memory_space<vmem>>) semaphore(%arg10 : memref<!tpu.dma_semaphore, #tpu.memory_space<semaphore_mem>>)
        %mul3A_1140 = arith.constant 5 : i32
        %mul3A_1141 = arith.muli %add3A_1124, %mul3A_1140 : i32
        %add3A_1142 = arith.constant 1 : i32
        %add3A_1143 = arith.addi %mul3A_1141, %add3A_1142 : i32
        %dma_start3A_1144 = arith.constant 0 : i32
        %dma_start3A_1145 = arith.constant 80 : i32
        %dma_start3A_1146 = arith.constant 0 : i32
        %dma_start3A_1147 = tpu.memref_slice %arg7[%dma_start3A_1144, %dma_start3A_1145, %dma_start3A_1146] : memref<2x400x64xf32, #tpu.memory_space<vmem>> -> memref<1x80x64xf32, #tpu.memory_space<vmem>>
        %dma_start3A_1148 = tpu.memref_squeeze %dma_start3A_1147 : memref<1x80x64xf32, #tpu.memory_space<vmem>> -> memref<80x64xf32, #tpu.memory_space<vmem>>
        %dma_start3A_1149 = arith.constant 0 : i32
        %dma_start3A_1150 = tpu.memref_slice %arg6[%add3A_1143, %dma_start3A_1149] : memref<320x80xi32, #tpu.memory_space<vmem>> -> memref<1x80xi32, #tpu.memory_space<vmem>>
        %dma_start3A_1151 = tpu.memref_squeeze %dma_start3A_1150 : memref<1x80xi32, #tpu.memory_space<vmem>> -> memref<80xi32, #tpu.memory_space<vmem>>
        %dma_start3A_1152 = arith.constant 0 : i32
        %dma_start3A_1153 = arith.constant 0 : i32
        %dma_start3A_1154 = tpu.memref_slice %arg4[%dma_start3A_1152, %dma_start3A_1153] : memref<1000000x64xf32, #tpu.memory_space<hbm>> -> memref<1000000x64xf32, #tpu.memory_space<hbm>>
        tpu.enqueue_indirect_dma source(%dma_start3A_1154 : memref<1000000x64xf32, #tpu.memory_space<hbm>>) target(%dma_start3A_1148 : memref<80x64xf32, #tpu.memory_space<vmem>>) offsets(%dma_start3A_1151 : memref<80xi32, #tpu.memory_space<vmem>>) semaphore(%arg10 : memref<!tpu.dma_semaphore, #tpu.memory_space<semaphore_mem>>)
        %mul3A_1155 = arith.constant 5 : i32
        %mul3A_1156 = arith.muli %add3A_1124, %mul3A_1155 : i32
        %add3A_1157 = arith.constant 2 : i32
        %add3A_1158 = arith.addi %mul3A_1156, %add3A_1157 : i32
        %dma_start3A_1159 = arith.constant 0 : i32
        %dma_start3A_1160 = arith.constant 160 : i32
        %dma_start3A_1161 = arith.constant 0 : i32
        %dma_start3A_1162 = tpu.memref_slice %arg7[%dma_start3A_1159, %dma_start3A_1160, %dma_start3A_1161] : memref<2x400x64xf32, #tpu.memory_space<vmem>> -> memref<1x80x64xf32, #tpu.memory_space<vmem>>
        %dma_start3A_1163 = tpu.memref_squeeze %dma_start3A_1162 : memref<1x80x64xf32, #tpu.memory_space<vmem>> -> memref<80x64xf32, #tpu.memory_space<vmem>>
        %dma_start3A_1164 = arith.constant 0 : i32
        %dma_start3A_1165 = tpu.memref_slice %arg6[%add3A_1158, %dma_start3A_1164] : memref<320x80xi32, #tpu.memory_space<vmem>> -> memref<1x80xi32, #tpu.memory_space<vmem>>
        %dma_start3A_1166 = tpu.memref_squeeze %dma_start3A_1165 : memref<1x80xi32, #tpu.memory_space<vmem>> -> memref<80xi32, #tpu.memory_space<vmem>>
        %dma_start3A_1167 = arith.constant 0 : i32
        %dma_start3A_1168 = arith.constant 0 : i32
        %dma_start3A_1169 = tpu.memref_slice %arg4[%dma_start3A_1167, %dma_start3A_1168] : memref<1000000x64xf32, #tpu.memory_space<hbm>> -> memref<1000000x64xf32, #tpu.memory_space<hbm>>
        tpu.enqueue_indirect_dma source(%dma_start3A_1169 : memref<1000000x64xf32, #tpu.memory_space<hbm>>) target(%dma_start3A_1163 : memref<80x64xf32, #tpu.memory_space<vmem>>) offsets(%dma_start3A_1166 : memref<80xi32, #tpu.memory_space<vmem>>) semaphore(%arg10 : memref<!tpu.dma_semaphore, #tpu.memory_space<semaphore_mem>>)
        %mul3A_1170 = arith.constant 5 : i32
        %mul3A_1171 = arith.muli %add3A_1124, %mul3A_1170 : i32
        %add3A_1172 = arith.constant 3 : i32
        %add3A_1173 = arith.addi %mul3A_1171, %add3A_1172 : i32
        %dma_start3A_1174 = arith.constant 0 : i32
        %dma_start3A_1175 = arith.constant 240 : i32
        %dma_start3A_1176 = arith.constant 0 : i32
        %dma_start3A_1177 = tpu.memref_slice %arg7[%dma_start3A_1174, %dma_start3A_1175, %dma_start3A_1176] : memref<2x400x64xf32, #tpu.memory_space<vmem>> -> memref<1x80x64xf32, #tpu.memory_space<vmem>>
        %dma_start3A_1178 = tpu.memref_squeeze %dma_start3A_1177 : memref<1x80x64xf32, #tpu.memory_space<vmem>> -> memref<80x64xf32, #tpu.memory_space<vmem>>
        %dma_start3A_1179 = arith.constant 0 : i32
        %dma_start3A_1180 = tpu.memref_slice %arg6[%add3A_1173, %dma_start3A_1179] : memref<320x80xi32, #tpu.memory_space<vmem>> -> memref<1x80xi32, #tpu.memory_space<vmem>>
        %dma_start3A_1181 = tpu.memref_squeeze %dma_start3A_1180 : memref<1x80xi32, #tpu.memory_space<vmem>> -> memref<80xi32, #tpu.memory_space<vmem>>
        %dma_start3A_1182 = arith.constant 0 : i32
        %dma_start3A_1183 = arith.constant 0 : i32
        %dma_start3A_1184 = tpu.memref_slice %arg4[%dma_start3A_1182, %dma_start3A_1183] : memref<1000000x64xf32, #tpu.memory_space<hbm>> -> memref<1000000x64xf32, #tpu.memory_space<hbm>>
        tpu.enqueue_indirect_dma source(%dma_start3A_1184 : memref<1000000x64xf32, #tpu.memory_space<hbm>>) target(%dma_start3A_1178 : memref<80x64xf32, #tpu.memory_space<vmem>>) offsets(%dma_start3A_1181 : memref<80xi32, #tpu.memory_space<vmem>>) semaphore(%arg10 : memref<!tpu.dma_semaphore, #tpu.memory_space<semaphore_mem>>)
        %mul3A_1185 = arith.constant 5 : i32
        %mul3A_1186 = arith.muli %add3A_1124, %mul3A_1185 : i32
        %add3A_1187 = arith.constant 4 : i32
        %add3A_1188 = arith.addi %mul3A_1186, %add3A_1187 : i32
        %dma_start3A_1189 = arith.constant 0 : i32
        %dma_start3A_1190 = arith.constant 320 : i32
        %dma_start3A_1191 = arith.constant 0 : i32
        %dma_start3A_1192 = tpu.memref_slice %arg7[%dma_start3A_1189, %dma_start3A_1190, %dma_start3A_1191] : memref<2x400x64xf32, #tpu.memory_space<vmem>> -> memref<1x80x64xf32, #tpu.memory_space<vmem>>
        %dma_start3A_1193 = tpu.memref_squeeze %dma_start3A_1192 : memref<1x80x64xf32, #tpu.memory_space<vmem>> -> memref<80x64xf32, #tpu.memory_space<vmem>>
        %dma_start3A_1194 = arith.constant 0 : i32
        %dma_start3A_1195 = tpu.memref_slice %arg6[%add3A_1188, %dma_start3A_1194] : memref<320x80xi32, #tpu.memory_space<vmem>> -> memref<1x80xi32, #tpu.memory_space<vmem>>
        %dma_start3A_1196 = tpu.memref_squeeze %dma_start3A_1195 : memref<1x80xi32, #tpu.memory_space<vmem>> -> memref<80xi32, #tpu.memory_space<vmem>>
        %dma_start3A_1197 = arith.constant 0 : i32
        %dma_start3A_1198 = arith.constant 0 : i32
        %dma_start3A_1199 = tpu.memref_slice %arg4[%dma_start3A_1197, %dma_start3A_1198] : memref<1000000x64xf32, #tpu.memory_space<hbm>> -> memref<1000000x64xf32, #tpu.memory_space<hbm>>
        tpu.enqueue_indirect_dma source(%dma_start3A_1199 : memref<1000000x64xf32, #tpu.memory_space<hbm>>) target(%dma_start3A_1193 : memref<80x64xf32, #tpu.memory_space<vmem>>) offsets(%dma_start3A_1196 : memref<80xi32, #tpu.memory_space<vmem>>) semaphore(%arg10 : memref<!tpu.dma_semaphore, #tpu.memory_space<semaphore_mem>>)
      } else {
      }
      %mul3A_603 = arith.constant 5 : i32
      %mul3A_604 = arith.muli %add3A_595, %mul3A_603 : i32
      %add3A_605 = arith.constant 0 : i32
      %add3A_606 = arith.addi %mul3A_604, %add3A_605 : i32
      %dma_wait3A_607 = arith.constant 1 : i32
      %dma_wait3A_608 = arith.constant 0 : i32
      %dma_wait3A_609 = arith.constant 0 : i32
      %dma_wait3A_610 = tpu.memref_slice %arg7[%dma_wait3A_607, %dma_wait3A_608, %dma_wait3A_609] : memref<2x400x64xf32, #tpu.memory_space<vmem>> -> memref<1x80x64xf32, #tpu.memory_space<vmem>>
      %dma_wait3A_611 = tpu.memref_squeeze %dma_wait3A_610 : memref<1x80x64xf32, #tpu.memory_space<vmem>> -> memref<80x64xf32, #tpu.memory_space<vmem>>
      %dma_wait3A_612 = arith.constant 0 : i32
      %dma_wait3A_613 = tpu.memref_slice %arg6[%add3A_606, %dma_wait3A_612] : memref<320x80xi32, #tpu.memory_space<vmem>> -> memref<1x80xi32, #tpu.memory_space<vmem>>
      %dma_wait3A_614 = tpu.memref_squeeze %dma_wait3A_613 : memref<1x80xi32, #tpu.memory_space<vmem>> -> memref<80xi32, #tpu.memory_space<vmem>>
      %dma_wait3A_615 = arith.constant 0 : i32
      %dma_wait3A_616 = arith.constant 0 : i32
      %dma_wait3A_617 = tpu.memref_slice %arg4[%dma_wait3A_615, %dma_wait3A_616] : memref<1000000x64xf32, #tpu.memory_space<hbm>> -> memref<1000000x64xf32, #tpu.memory_space<hbm>>
      tpu.wait_indirect_dma semaphore(%arg11 : memref<!tpu.dma_semaphore, #tpu.memory_space<semaphore_mem>>) src(%dma_wait3A_617 : memref<1000000x64xf32, #tpu.memory_space<hbm>>) dst(%dma_wait3A_611 : memref<80x64xf32, #tpu.memory_space<vmem>>)
      %mul3A_618 = arith.constant 5 : i32
      %mul3A_619 = arith.muli %add3A_595, %mul3A_618 : i32
      %add3A_620 = arith.constant 1 : i32
      %add3A_621 = arith.addi %mul3A_619, %add3A_620 : i32
      %dma_wait3A_622 = arith.constant 1 : i32
      %dma_wait3A_623 = arith.constant 80 : i32
      %dma_wait3A_624 = arith.constant 0 : i32
      %dma_wait3A_625 = tpu.memref_slice %arg7[%dma_wait3A_622, %dma_wait3A_623, %dma_wait3A_624] : memref<2x400x64xf32, #tpu.memory_space<vmem>> -> memref<1x80x64xf32, #tpu.memory_space<vmem>>
      %dma_wait3A_626 = tpu.memref_squeeze %dma_wait3A_625 : memref<1x80x64xf32, #tpu.memory_space<vmem>> -> memref<80x64xf32, #tpu.memory_space<vmem>>
      %dma_wait3A_627 = arith.constant 0 : i32
      %dma_wait3A_628 = tpu.memref_slice %arg6[%add3A_621, %dma_wait3A_627] : memref<320x80xi32, #tpu.memory_space<vmem>> -> memref<1x80xi32, #tpu.memory_space<vmem>>
      %dma_wait3A_629 = tpu.memref_squeeze %dma_wait3A_628 : memref<1x80xi32, #tpu.memory_space<vmem>> -> memref<80xi32, #tpu.memory_space<vmem>>
      %dma_wait3A_630 = arith.constant 0 : i32
      %dma_wait3A_631 = arith.constant 0 : i32
      %dma_wait3A_632 = tpu.memref_slice %arg4[%dma_wait3A_630, %dma_wait3A_631] : memref<1000000x64xf32, #tpu.memory_space<hbm>> -> memref<1000000x64xf32, #tpu.memory_space<hbm>>
      tpu.wait_indirect_dma semaphore(%arg11 : memref<!tpu.dma_semaphore, #tpu.memory_space<semaphore_mem>>) src(%dma_wait3A_632 : memref<1000000x64xf32, #tpu.memory_space<hbm>>) dst(%dma_wait3A_626 : memref<80x64xf32, #tpu.memory_space<vmem>>)
      %mul3A_633 = arith.constant 5 : i32
      %mul3A_634 = arith.muli %add3A_595, %mul3A_633 : i32
      %add3A_635 = arith.constant 2 : i32
      %add3A_636 = arith.addi %mul3A_634, %add3A_635 : i32
      %dma_wait3A_637 = arith.constant 1 : i32
      %dma_wait3A_638 = arith.constant 160 : i32
      %dma_wait3A_639 = arith.constant 0 : i32
      %dma_wait3A_640 = tpu.memref_slice %arg7[%dma_wait3A_637, %dma_wait3A_638, %dma_wait3A_639] : memref<2x400x64xf32, #tpu.memory_space<vmem>> -> memref<1x80x64xf32, #tpu.memory_space<vmem>>
      %dma_wait3A_641 = tpu.memref_squeeze %dma_wait3A_640 : memref<1x80x64xf32, #tpu.memory_space<vmem>> -> memref<80x64xf32, #tpu.memory_space<vmem>>
      %dma_wait3A_642 = arith.constant 0 : i32
      %dma_wait3A_643 = tpu.memref_slice %arg6[%add3A_636, %dma_wait3A_642] : memref<320x80xi32, #tpu.memory_space<vmem>> -> memref<1x80xi32, #tpu.memory_space<vmem>>
      %dma_wait3A_644 = tpu.memref_squeeze %dma_wait3A_643 : memref<1x80xi32, #tpu.memory_space<vmem>> -> memref<80xi32, #tpu.memory_space<vmem>>
      %dma_wait3A_645 = arith.constant 0 : i32
      %dma_wait3A_646 = arith.constant 0 : i32
      %dma_wait3A_647 = tpu.memref_slice %arg4[%dma_wait3A_645, %dma_wait3A_646] : memref<1000000x64xf32, #tpu.memory_space<hbm>> -> memref<1000000x64xf32, #tpu.memory_space<hbm>>
      tpu.wait_indirect_dma semaphore(%arg11 : memref<!tpu.dma_semaphore, #tpu.memory_space<semaphore_mem>>) src(%dma_wait3A_647 : memref<1000000x64xf32, #tpu.memory_space<hbm>>) dst(%dma_wait3A_641 : memref<80x64xf32, #tpu.memory_space<vmem>>)
      %mul3A_648 = arith.constant 5 : i32
      %mul3A_649 = arith.muli %add3A_595, %mul3A_648 : i32
      %add3A_650 = arith.constant 3 : i32
      %add3A_651 = arith.addi %mul3A_649, %add3A_650 : i32
      %dma_wait3A_652 = arith.constant 1 : i32
      %dma_wait3A_653 = arith.constant 240 : i32
      %dma_wait3A_654 = arith.constant 0 : i32
      %dma_wait3A_655 = tpu.memref_slice %arg7[%dma_wait3A_652, %dma_wait3A_653, %dma_wait3A_654] : memref<2x400x64xf32, #tpu.memory_space<vmem>> -> memref<1x80x64xf32, #tpu.memory_space<vmem>>
      %dma_wait3A_656 = tpu.memref_squeeze %dma_wait3A_655 : memref<1x80x64xf32, #tpu.memory_space<vmem>> -> memref<80x64xf32, #tpu.memory_space<vmem>>
      %dma_wait3A_657 = arith.constant 0 : i32
      %dma_wait3A_658 = tpu.memref_slice %arg6[%add3A_651, %dma_wait3A_657] : memref<320x80xi32, #tpu.memory_space<vmem>> -> memref<1x80xi32, #tpu.memory_space<vmem>>
      %dma_wait3A_659 = tpu.memref_squeeze %dma_wait3A_658 : memref<1x80xi32, #tpu.memory_space<vmem>> -> memref<80xi32, #tpu.memory_space<vmem>>
      %dma_wait3A_660 = arith.constant 0 : i32
      %dma_wait3A_661 = arith.constant 0 : i32
      %dma_wait3A_662 = tpu.memref_slice %arg4[%dma_wait3A_660, %dma_wait3A_661] : memref<1000000x64xf32, #tpu.memory_space<hbm>> -> memref<1000000x64xf32, #tpu.memory_space<hbm>>
      tpu.wait_indirect_dma semaphore(%arg11 : memref<!tpu.dma_semaphore, #tpu.memory_space<semaphore_mem>>) src(%dma_wait3A_662 : memref<1000000x64xf32, #tpu.memory_space<hbm>>) dst(%dma_wait3A_656 : memref<80x64xf32, #tpu.memory_space<vmem>>)
      %mul3A_663 = arith.constant 5 : i32
      %mul3A_664 = arith.muli %add3A_595, %mul3A_663 : i32
      %add3A_665 = arith.constant 4 : i32
      %add3A_666 = arith.addi %mul3A_664, %add3A_665 : i32
      %dma_wait3A_667 = arith.constant 1 : i32
      %dma_wait3A_668 = arith.constant 320 : i32
      %dma_wait3A_669 = arith.constant 0 : i32
      %dma_wait3A_670 = tpu.memref_slice %arg7[%dma_wait3A_667, %dma_wait3A_668, %dma_wait3A_669] : memref<2x400x64xf32, #tpu.memory_space<vmem>> -> memref<1x80x64xf32, #tpu.memory_space<vmem>>
      %dma_wait3A_671 = tpu.memref_squeeze %dma_wait3A_670 : memref<1x80x64xf32, #tpu.memory_space<vmem>> -> memref<80x64xf32, #tpu.memory_space<vmem>>
      %dma_wait3A_672 = arith.constant 0 : i32
      %dma_wait3A_673 = tpu.memref_slice %arg6[%add3A_666, %dma_wait3A_672] : memref<320x80xi32, #tpu.memory_space<vmem>> -> memref<1x80xi32, #tpu.memory_space<vmem>>
      %dma_wait3A_674 = tpu.memref_squeeze %dma_wait3A_673 : memref<1x80xi32, #tpu.memory_space<vmem>> -> memref<80xi32, #tpu.memory_space<vmem>>
      %dma_wait3A_675 = arith.constant 0 : i32
      %dma_wait3A_676 = arith.constant 0 : i32
      %dma_wait3A_677 = tpu.memref_slice %arg4[%dma_wait3A_675, %dma_wait3A_676] : memref<1000000x64xf32, #tpu.memory_space<hbm>> -> memref<1000000x64xf32, #tpu.memory_space<hbm>>
      tpu.wait_indirect_dma semaphore(%arg11 : memref<!tpu.dma_semaphore, #tpu.memory_space<semaphore_mem>>) src(%dma_wait3A_677 : memref<1000000x64xf32, #tpu.memory_space<hbm>>) dst(%dma_wait3A_671 : memref<80x64xf32, #tpu.memory_space<vmem>>)
      %mul3A_678 = arith.constant 8 : i32
      %mul3A_679 = arith.muli %add3A_595, %mul3A_678 : i32
      %get3A_680 = arith.index_cast %mul3A_679 : i32 to index
      %get3A_681 = tpu.vector_load %arg8[%get3A_680] {strides = array<i32>} : memref<520xi32, #tpu.memory_space<vmem>>, vector<16xi32>,
      %get3A_682 = vector.shape_cast %get3A_681 : vector<16xi32> to vector<16xi32>
      %slice3A_683 = vector.extract_strided_slice %get3A_682 {offsets = [0], sizes = [1], strides = [1]} : vector<16xi32> to vector<1xi32>
      %squeeze3A_684 = vector.extract %slice3A_683[0] : i32 from vector<1xi32>
      %broadcast_in_dim3A_685 = vector.broadcast %squeeze3A_684 : i32 to vector<16xi32>
      %convert_element_type3A_686 = arith.sitofp %broadcast_in_dim3A_685 : vector<16xi32> to vector<16xf32>
      %div3A_687 = arith.constant 1.000000e+00 : f32
      %div3A_688 = vector.broadcast %div3A_687 : f32 to vector<16xf32>
      %div3A_689 = arith.divf %div3A_688, %convert_element_type3A_686 : vector<16xf32>
      %broadcast_in_dim3A_690 = arith.constant 0.000000e+00 : f32
      %broadcast_in_dim3A_691 = vector.broadcast %broadcast_in_dim3A_690 : f32 to vector<16xf32>
      %broadcast_in_dim3A_692 = arith.constant 0.000000e+00 : f32
      %broadcast_in_dim3A_693 = vector.broadcast %broadcast_in_dim3A_692 : f32 to vector<16xf32>
      %broadcast_in_dim3A_694 = arith.constant 0.000000e+00 : f32
      %broadcast_in_dim3A_695 = vector.broadcast %broadcast_in_dim3A_694 : f32 to vector<16xf32>
      %broadcast_in_dim3A_696 = arith.constant 0.000000e+00 : f32
      %broadcast_in_dim3A_697 = vector.broadcast %broadcast_in_dim3A_696 : f32 to vector<16xf32>
      %scan3A_698 = arith.constant 0 : i32
      %scan3A_699 = arith.constant 50 : i32
      %scan3A_700 = arith.addi %scan3A_698, %scan3A_699 : i32
      %scan3A_701 = arith.constant 2 : i32
      %scan3A_702:4 = scf.for %scan3A_1123 = %scan3A_698 to %scan3A_700 step %scan3A_701 iter_args(%scan3A_1124 = %broadcast_in_dim3A_691, %scan3A_1125 = %broadcast_in_dim3A_693, %scan3A_1126 = %broadcast_in_dim3A_695, %scan3A_1127 = %broadcast_in_dim3A_697) -> (vector<16xf32>, vector<16xf32>, vector<16xf32>, vector<16xf32>)  : i32 {
        %broadcast_in_dim3A_1128 = vector.broadcast %scan3A_1123 : i32 to vector<16xi32>
        %lt3A_1129 = arith.cmpi slt, %broadcast_in_dim3A_1128, %broadcast_in_dim3A_685 : vector<16xi32>
        %jit3A = arith.constant 1.000000e+00 : f32
        %jit3A_1130 = arith.constant 0.000000e+00 : f32
        %broadcast_in_dim3A_1131 = vector.broadcast %jit3A : f32 to vector<16xf32>
        %broadcast_in_dim3A_1132 = vector.broadcast %jit3A_1130 : f32 to vector<16xf32>
        %select_n3A = arith.select %lt3A_1129, %broadcast_in_dim3A_1131, %broadcast_in_dim3A_1132 : vector<16xi1>, vector<16xf32>
        %add3A_1133 = arith.constant 0 : i32
        %add3A_1134 = arith.addi %add3A_1133, %scan3A_1123 : i32
        %get3A_1135 = arith.constant 1 : i32
        %get3A_1136 = arith.index_cast %get3A_1135 : i32 to index
        %get3A_1137 = arith.index_cast %add3A_1134 : i32 to index
        %get3A_1138 = arith.constant 0 : index
        %get3A_1139 = tpu.vector_load %arg7[%get3A_1136, %get3A_1137, %get3A_1138] {strides = array<i32>} : memref<2x400x64xf32, #tpu.memory_space<vmem>>, vector<1x1x16xf32>,
        %get3A_1140 = vector.shape_cast %get3A_1139 : vector<1x1x16xf32> to vector<16xf32>
        %mul3A_1141 = arith.mulf %get3A_1140, %select_n3A : vector<16xf32>
        %add3A_1142 = arith.addf %scan3A_1124, %mul3A_1141 : vector<16xf32>
        %add3A_1143 = arith.constant 0 : i32
        %add3A_1144 = arith.addi %add3A_1143, %scan3A_1123 : i32
        %get3A_1145 = arith.constant 1 : i32
        %get3A_1146 = arith.index_cast %get3A_1145 : i32 to index
        %get3A_1147 = arith.index_cast %add3A_1144 : i32 to index
        %get3A_1148 = arith.constant 16 : index
        %get3A_1149 = tpu.vector_load %arg7[%get3A_1146, %get3A_1147, %get3A_1148] {strides = array<i32>} : memref<2x400x64xf32, #tpu.memory_space<vmem>>, vector<1x1x16xf32>,
        %get3A_1150 = vector.shape_cast %get3A_1149 : vector<1x1x16xf32> to vector<16xf32>
        %mul3A_1151 = arith.mulf %get3A_1150, %select_n3A : vector<16xf32>
        %add3A_1152 = arith.addf %scan3A_1125, %mul3A_1151 : vector<16xf32>
        %add3A_1153 = arith.constant 0 : i32
        %add3A_1154 = arith.addi %add3A_1153, %scan3A_1123 : i32
        %get3A_1155 = arith.constant 1 : i32
        %get3A_1156 = arith.index_cast %get3A_1155 : i32 to index
        %get3A_1157 = arith.index_cast %add3A_1154 : i32 to index
        %get3A_1158 = arith.constant 32 : index
        %get3A_1159 = tpu.vector_load %arg7[%get3A_1156, %get3A_1157, %get3A_1158] {strides = array<i32>} : memref<2x400x64xf32, #tpu.memory_space<vmem>>, vector<1x1x16xf32>,
        %get3A_1160 = vector.shape_cast %get3A_1159 : vector<1x1x16xf32> to vector<16xf32>
        %mul3A_1161 = arith.mulf %get3A_1160, %select_n3A : vector<16xf32>
        %add3A_1162 = arith.addf %scan3A_1126, %mul3A_1161 : vector<16xf32>
        %add3A_1163 = arith.constant 0 : i32
        %add3A_1164 = arith.addi %add3A_1163, %scan3A_1123 : i32
        %get3A_1165 = arith.constant 1 : i32
        %get3A_1166 = arith.index_cast %get3A_1165 : i32 to index
        %get3A_1167 = arith.index_cast %add3A_1164 : i32 to index
        %get3A_1168 = arith.constant 48 : index
        %get3A_1169 = tpu.vector_load %arg7[%get3A_1166, %get3A_1167, %get3A_1168] {strides = array<i32>} : memref<2x400x64xf32, #tpu.memory_space<vmem>>, vector<1x1x16xf32>,
        %get3A_1170 = vector.shape_cast %get3A_1169 : vector<1x1x16xf32> to vector<16xf32>
        %mul3A_1171 = arith.mulf %get3A_1170, %select_n3A : vector<16xf32>
        %add3A_1172 = arith.addf %scan3A_1127, %mul3A_1171 : vector<16xf32>
        %scan3A_1173 = arith.constant 1 : i32
        %scan3A_1174 = arith.addi %scan3A_1123, %scan3A_1173 : i32
        %broadcast_in_dim3A_1175 = vector.broadcast %scan3A_1174 : i32 to vector<16xi32>
        %lt3A_1176 = arith.cmpi slt, %broadcast_in_dim3A_1175, %broadcast_in_dim3A_685 : vector<16xi32>
        %jit3A_1177 = arith.constant 1.000000e+00 : f32
        %jit3A_1178 = arith.constant 0.000000e+00 : f32
        %broadcast_in_dim3A_1179 = vector.broadcast %jit3A_1177 : f32 to vector<16xf32>
        %broadcast_in_dim3A_1180 = vector.broadcast %jit3A_1178 : f32 to vector<16xf32>
        %select_n3A_1181 = arith.select %lt3A_1176, %broadcast_in_dim3A_1179, %broadcast_in_dim3A_1180 : vector<16xi1>, vector<16xf32>
        %add3A_1182 = arith.constant 0 : i32
        %add3A_1183 = arith.addi %add3A_1182, %scan3A_1174 : i32
        %get3A_1184 = arith.constant 1 : i32
        %get3A_1185 = arith.index_cast %get3A_1184 : i32 to index
        %get3A_1186 = arith.index_cast %add3A_1183 : i32 to index
        %get3A_1187 = arith.constant 0 : index
        %get3A_1188 = tpu.vector_load %arg7[%get3A_1185, %get3A_1186, %get3A_1187] {strides = array<i32>} : memref<2x400x64xf32, #tpu.memory_space<vmem>>, vector<1x1x16xf32>,
        %get3A_1189 = vector.shape_cast %get3A_1188 : vector<1x1x16xf32> to vector<16xf32>
        %mul3A_1190 = arith.mulf %get3A_1189, %select_n3A_1181 : vector<16xf32>
        %add3A_1191 = arith.addf %add3A_1142, %mul3A_1190 : vector<16xf32>
        %add3A_1192 = arith.constant 0 : i32
        %add3A_1193 = arith.addi %add3A_1192, %scan3A_1174 : i32
        %get3A_1194 = arith.constant 1 : i32
        %get3A_1195 = arith.index_cast %get3A_1194 : i32 to index
        %get3A_1196 = arith.index_cast %add3A_1193 : i32 to index
        %get3A_1197 = arith.constant 16 : index
        %get3A_1198 = tpu.vector_load %arg7[%get3A_1195, %get3A_1196, %get3A_1197] {strides = array<i32>} : memref<2x400x64xf32, #tpu.memory_space<vmem>>, vector<1x1x16xf32>,
        %get3A_1199 = vector.shape_cast %get3A_1198 : vector<1x1x16xf32> to vector<16xf32>
        %mul3A_1200 = arith.mulf %get3A_1199, %select_n3A_1181 : vector<16xf32>
        %add3A_1201 = arith.addf %add3A_1152, %mul3A_1200 : vector<16xf32>
        %add3A_1202 = arith.constant 0 : i32
        %add3A_1203 = arith.addi %add3A_1202, %scan3A_1174 : i32
        %get3A_1204 = arith.constant 1 : i32
        %get3A_1205 = arith.index_cast %get3A_1204 : i32 to index
        %get3A_1206 = arith.index_cast %add3A_1203 : i32 to index
        %get3A_1207 = arith.constant 32 : index
        %get3A_1208 = tpu.vector_load %arg7[%get3A_1205, %get3A_1206, %get3A_1207] {strides = array<i32>} : memref<2x400x64xf32, #tpu.memory_space<vmem>>, vector<1x1x16xf32>,
        %get3A_1209 = vector.shape_cast %get3A_1208 : vector<1x1x16xf32> to vector<16xf32>
        %mul3A_1210 = arith.mulf %get3A_1209, %select_n3A_1181 : vector<16xf32>
        %add3A_1211 = arith.addf %add3A_1162, %mul3A_1210 : vector<16xf32>
        %add3A_1212 = arith.constant 0 : i32
        %add3A_1213 = arith.addi %add3A_1212, %scan3A_1174 : i32
        %get3A_1214 = arith.constant 1 : i32
        %get3A_1215 = arith.index_cast %get3A_1214 : i32 to index
        %get3A_1216 = arith.index_cast %add3A_1213 : i32 to index
        %get3A_1217 = arith.constant 48 : index
        %get3A_1218 = tpu.vector_load %arg7[%get3A_1215, %get3A_1216, %get3A_1217] {strides = array<i32>} : memref<2x400x64xf32, #tpu.memory_space<vmem>>, vector<1x1x16xf32>,
        %get3A_1219 = vector.shape_cast %get3A_1218 : vector<1x1x16xf32> to vector<16xf32>
        %mul3A_1220 = arith.mulf %get3A_1219, %select_n3A_1181 : vector<16xf32>
        %add3A_1221 = arith.addf %add3A_1172, %mul3A_1220 : vector<16xf32>
        scf.yield %add3A_1191, %add3A_1201, %add3A_1211, %add3A_1221 : vector<16xf32>, vector<16xf32>, vector<16xf32>, vector<16xf32>
      }
      %scan3A_703 = arith.constant 50 : i32
      %mul3A_704 = arith.constant 8 : i32
      %mul3A_705 = arith.muli %add3A_595, %mul3A_704 : i32
      %add3A_706 = arith.constant 0 : i32
      %add3A_707 = arith.addi %mul3A_705, %add3A_706 : i32
      %mul3A_708 = arith.constant 64 : i32
      %mul3A_709 = arith.muli %add3A_707, %mul3A_708 : i32
      %mul3A_710 = arith.mulf %scan3A_702#0, %div3A_689 : vector<16xf32>
      %add3A_711 = arith.constant 0 : i32
      %add3A_712 = arith.addi %mul3A_709, %add3A_711 : i32
      %swap3A_713 = arith.index_cast %add3A_712 : i32 to index
      %swap3A_714 = tpu.vector_load %arg9[%swap3A_713] {strides = array<i32>} : memref<32768xf32, #tpu.memory_space<vmem>>, vector<16xf32>,
      %swap3A_715 = vector.shape_cast %swap3A_714 : vector<16xf32> to vector<16xf32>
      %swap3A_716 = vector.shape_cast %mul3A_710 : vector<16xf32> to vector<16xf32>
      tpu.vector_store %arg9[%swap3A_713], %swap3A_716 {strides = array<i32>} : memref<32768xf32, #tpu.memory_space<vmem>>, vector<16xf32>,
      %mul3A_717 = arith.mulf %scan3A_702#1, %div3A_689 : vector<16xf32>
      %add3A_718 = arith.constant 16 : i32
      %add3A_719 = arith.addi %mul3A_709, %add3A_718 : i32
      %swap3A_720 = arith.index_cast %add3A_719 : i32 to index
      %swap3A_721 = tpu.vector_load %arg9[%swap3A_720] {strides = array<i32>} : memref<32768xf32, #tpu.memory_space<vmem>>, vector<16xf32>,
      %swap3A_722 = vector.shape_cast %swap3A_721 : vector<16xf32> to vector<16xf32>
      %swap3A_723 = vector.shape_cast %mul3A_717 : vector<16xf32> to vector<16xf32>
      tpu.vector_store %arg9[%swap3A_720], %swap3A_723 {strides = array<i32>} : memref<32768xf32, #tpu.memory_space<vmem>>, vector<16xf32>,
      %mul3A_724 = arith.mulf %scan3A_702#2, %div3A_689 : vector<16xf32>
      %add3A_725 = arith.constant 32 : i32
      %add3A_726 = arith.addi %mul3A_709, %add3A_725 : i32
      %swap3A_727 = arith.index_cast %add3A_726 : i32 to index
      %swap3A_728 = tpu.vector_load %arg9[%swap3A_727] {strides = array<i32>} : memref<32768xf32, #tpu.memory_space<vmem>>, vector<16xf32>,
      %swap3A_729 = vector.shape_cast %swap3A_728 : vector<16xf32> to vector<16xf32>
      %swap3A_730 = vector.shape_cast %mul3A_724 : vector<16xf32> to vector<16xf32>
      tpu.vector_store %arg9[%swap3A_727], %swap3A_730 {strides = array<i32>} : memref<32768xf32, #tpu.memory_space<vmem>>, vector<16xf32>,
      %mul3A_731 = arith.mulf %scan3A_702#3, %div3A_689 : vector<16xf32>
      %add3A_732 = arith.constant 48 : i32
      %add3A_733 = arith.addi %mul3A_709, %add3A_732 : i32
      %swap3A_734 = arith.index_cast %add3A_733 : i32 to index
      %swap3A_735 = tpu.vector_load %arg9[%swap3A_734] {strides = array<i32>} : memref<32768xf32, #tpu.memory_space<vmem>>, vector<16xf32>,
      %swap3A_736 = vector.shape_cast %swap3A_735 : vector<16xf32> to vector<16xf32>
      %swap3A_737 = vector.shape_cast %mul3A_731 : vector<16xf32> to vector<16xf32>
      tpu.vector_store %arg9[%swap3A_734], %swap3A_737 {strides = array<i32>} : memref<32768xf32, #tpu.memory_space<vmem>>, vector<16xf32>,
      %slice3A_738 = vector.extract_strided_slice %get3A_682 {offsets = [1], sizes = [1], strides = [1]} : vector<16xi32> to vector<1xi32>
      %squeeze3A_739 = vector.extract %slice3A_738[0] : i32 from vector<1xi32>
      %broadcast_in_dim3A_740 = vector.broadcast %squeeze3A_739 : i32 to vector<16xi32>
      %convert_element_type3A_741 = arith.sitofp %broadcast_in_dim3A_740 : vector<16xi32> to vector<16xf32>
      %div3A_742 = arith.constant 1.000000e+00 : f32
      %div3A_743 = vector.broadcast %div3A_742 : f32 to vector<16xf32>
      %div3A_744 = arith.divf %div3A_743, %convert_element_type3A_741 : vector<16xf32>
      %broadcast_in_dim3A_745 = arith.constant 0.000000e+00 : f32
      %broadcast_in_dim3A_746 = vector.broadcast %broadcast_in_dim3A_745 : f32 to vector<16xf32>
      %broadcast_in_dim3A_747 = arith.constant 0.000000e+00 : f32
      %broadcast_in_dim3A_748 = vector.broadcast %broadcast_in_dim3A_747 : f32 to vector<16xf32>
      %broadcast_in_dim3A_749 = arith.constant 0.000000e+00 : f32
      %broadcast_in_dim3A_750 = vector.broadcast %broadcast_in_dim3A_749 : f32 to vector<16xf32>
      %broadcast_in_dim3A_751 = arith.constant 0.000000e+00 : f32
      %broadcast_in_dim3A_752 = vector.broadcast %broadcast_in_dim3A_751 : f32 to vector<16xf32>
      %scan3A_753 = arith.constant 0 : i32
      %scan3A_754 = arith.constant 50 : i32
      %scan3A_755 = arith.addi %scan3A_753, %scan3A_754 : i32
      %scan3A_756 = arith.constant 2 : i32
      %scan3A_757:4 = scf.for %scan3A_1123 = %scan3A_753 to %scan3A_755 step %scan3A_756 iter_args(%scan3A_1124 = %broadcast_in_dim3A_746, %scan3A_1125 = %broadcast_in_dim3A_748, %scan3A_1126 = %broadcast_in_dim3A_750, %scan3A_1127 = %broadcast_in_dim3A_752) -> (vector<16xf32>, vector<16xf32>, vector<16xf32>, vector<16xf32>)  : i32 {
        %broadcast_in_dim3A_1128 = vector.broadcast %scan3A_1123 : i32 to vector<16xi32>
        %lt3A_1129 = arith.cmpi slt, %broadcast_in_dim3A_1128, %broadcast_in_dim3A_740 : vector<16xi32>
        %jit3A = arith.constant 1.000000e+00 : f32
        %jit3A_1130 = arith.constant 0.000000e+00 : f32
        %broadcast_in_dim3A_1131 = vector.broadcast %jit3A : f32 to vector<16xf32>
        %broadcast_in_dim3A_1132 = vector.broadcast %jit3A_1130 : f32 to vector<16xf32>
        %select_n3A = arith.select %lt3A_1129, %broadcast_in_dim3A_1131, %broadcast_in_dim3A_1132 : vector<16xi1>, vector<16xf32>
        %add3A_1133 = arith.constant 50 : i32
        %add3A_1134 = arith.addi %add3A_1133, %scan3A_1123 : i32
        %get3A_1135 = arith.constant 1 : i32
        %get3A_1136 = arith.index_cast %get3A_1135 : i32 to index
        %get3A_1137 = arith.index_cast %add3A_1134 : i32 to index
        %get3A_1138 = arith.constant 0 : index
        %get3A_1139 = tpu.vector_load %arg7[%get3A_1136, %get3A_1137, %get3A_1138] {strides = array<i32>} : memref<2x400x64xf32, #tpu.memory_space<vmem>>, vector<1x1x16xf32>,
        %get3A_1140 = vector.shape_cast %get3A_1139 : vector<1x1x16xf32> to vector<16xf32>
        %mul3A_1141 = arith.mulf %get3A_1140, %select_n3A : vector<16xf32>
        %add3A_1142 = arith.addf %scan3A_1124, %mul3A_1141 : vector<16xf32>
        %add3A_1143 = arith.constant 50 : i32
        %add3A_1144 = arith.addi %add3A_1143, %scan3A_1123 : i32
        %get3A_1145 = arith.constant 1 : i32
        %get3A_1146 = arith.index_cast %get3A_1145 : i32 to index
        %get3A_1147 = arith.index_cast %add3A_1144 : i32 to index
        %get3A_1148 = arith.constant 16 : index
        %get3A_1149 = tpu.vector_load %arg7[%get3A_1146, %get3A_1147, %get3A_1148] {strides = array<i32>} : memref<2x400x64xf32, #tpu.memory_space<vmem>>, vector<1x1x16xf32>,
        %get3A_1150 = vector.shape_cast %get3A_1149 : vector<1x1x16xf32> to vector<16xf32>
        %mul3A_1151 = arith.mulf %get3A_1150, %select_n3A : vector<16xf32>
        %add3A_1152 = arith.addf %scan3A_1125, %mul3A_1151 : vector<16xf32>
        %add3A_1153 = arith.constant 50 : i32
        %add3A_1154 = arith.addi %add3A_1153, %scan3A_1123 : i32
        %get3A_1155 = arith.constant 1 : i32
        %get3A_1156 = arith.index_cast %get3A_1155 : i32 to index
        %get3A_1157 = arith.index_cast %add3A_1154 : i32 to index
        %get3A_1158 = arith.constant 32 : index
        %get3A_1159 = tpu.vector_load %arg7[%get3A_1156, %get3A_1157, %get3A_1158] {strides = array<i32>} : memref<2x400x64xf32, #tpu.memory_space<vmem>>, vector<1x1x16xf32>,
        %get3A_1160 = vector.shape_cast %get3A_1159 : vector<1x1x16xf32> to vector<16xf32>
        %mul3A_1161 = arith.mulf %get3A_1160, %select_n3A : vector<16xf32>
        %add3A_1162 = arith.addf %scan3A_1126, %mul3A_1161 : vector<16xf32>
        %add3A_1163 = arith.constant 50 : i32
        %add3A_1164 = arith.addi %add3A_1163, %scan3A_1123 : i32
        %get3A_1165 = arith.constant 1 : i32
        %get3A_1166 = arith.index_cast %get3A_1165 : i32 to index
        %get3A_1167 = arith.index_cast %add3A_1164 : i32 to index
        %get3A_1168 = arith.constant 48 : index
        %get3A_1169 = tpu.vector_load %arg7[%get3A_1166, %get3A_1167, %get3A_1168] {strides = array<i32>} : memref<2x400x64xf32, #tpu.memory_space<vmem>>, vector<1x1x16xf32>,
        %get3A_1170 = vector.shape_cast %get3A_1169 : vector<1x1x16xf32> to vector<16xf32>
        %mul3A_1171 = arith.mulf %get3A_1170, %select_n3A : vector<16xf32>
        %add3A_1172 = arith.addf %scan3A_1127, %mul3A_1171 : vector<16xf32>
        %scan3A_1173 = arith.constant 1 : i32
        %scan3A_1174 = arith.addi %scan3A_1123, %scan3A_1173 : i32
        %broadcast_in_dim3A_1175 = vector.broadcast %scan3A_1174 : i32 to vector<16xi32>
        %lt3A_1176 = arith.cmpi slt, %broadcast_in_dim3A_1175, %broadcast_in_dim3A_740 : vector<16xi32>
        %jit3A_1177 = arith.constant 1.000000e+00 : f32
        %jit3A_1178 = arith.constant 0.000000e+00 : f32
        %broadcast_in_dim3A_1179 = vector.broadcast %jit3A_1177 : f32 to vector<16xf32>
        %broadcast_in_dim3A_1180 = vector.broadcast %jit3A_1178 : f32 to vector<16xf32>
        %select_n3A_1181 = arith.select %lt3A_1176, %broadcast_in_dim3A_1179, %broadcast_in_dim3A_1180 : vector<16xi1>, vector<16xf32>
        %add3A_1182 = arith.constant 50 : i32
        %add3A_1183 = arith.addi %add3A_1182, %scan3A_1174 : i32
        %get3A_1184 = arith.constant 1 : i32
        %get3A_1185 = arith.index_cast %get3A_1184 : i32 to index
        %get3A_1186 = arith.index_cast %add3A_1183 : i32 to index
        %get3A_1187 = arith.constant 0 : index
        %get3A_1188 = tpu.vector_load %arg7[%get3A_1185, %get3A_1186, %get3A_1187] {strides = array<i32>} : memref<2x400x64xf32, #tpu.memory_space<vmem>>, vector<1x1x16xf32>,
        %get3A_1189 = vector.shape_cast %get3A_1188 : vector<1x1x16xf32> to vector<16xf32>
        %mul3A_1190 = arith.mulf %get3A_1189, %select_n3A_1181 : vector<16xf32>
        %add3A_1191 = arith.addf %add3A_1142, %mul3A_1190 : vector<16xf32>
        %add3A_1192 = arith.constant 50 : i32
        %add3A_1193 = arith.addi %add3A_1192, %scan3A_1174 : i32
        %get3A_1194 = arith.constant 1 : i32
        %get3A_1195 = arith.index_cast %get3A_1194 : i32 to index
        %get3A_1196 = arith.index_cast %add3A_1193 : i32 to index
        %get3A_1197 = arith.constant 16 : index
        %get3A_1198 = tpu.vector_load %arg7[%get3A_1195, %get3A_1196, %get3A_1197] {strides = array<i32>} : memref<2x400x64xf32, #tpu.memory_space<vmem>>, vector<1x1x16xf32>,
        %get3A_1199 = vector.shape_cast %get3A_1198 : vector<1x1x16xf32> to vector<16xf32>
        %mul3A_1200 = arith.mulf %get3A_1199, %select_n3A_1181 : vector<16xf32>
        %add3A_1201 = arith.addf %add3A_1152, %mul3A_1200 : vector<16xf32>
        %add3A_1202 = arith.constant 50 : i32
        %add3A_1203 = arith.addi %add3A_1202, %scan3A_1174 : i32
        %get3A_1204 = arith.constant 1 : i32
        %get3A_1205 = arith.index_cast %get3A_1204 : i32 to index
        %get3A_1206 = arith.index_cast %add3A_1203 : i32 to index
        %get3A_1207 = arith.constant 32 : index
        %get3A_1208 = tpu.vector_load %arg7[%get3A_1205, %get3A_1206, %get3A_1207] {strides = array<i32>} : memref<2x400x64xf32, #tpu.memory_space<vmem>>, vector<1x1x16xf32>,
        %get3A_1209 = vector.shape_cast %get3A_1208 : vector<1x1x16xf32> to vector<16xf32>
        %mul3A_1210 = arith.mulf %get3A_1209, %select_n3A_1181 : vector<16xf32>
        %add3A_1211 = arith.addf %add3A_1162, %mul3A_1210 : vector<16xf32>
        %add3A_1212 = arith.constant 50 : i32
        %add3A_1213 = arith.addi %add3A_1212, %scan3A_1174 : i32
        %get3A_1214 = arith.constant 1 : i32
        %get3A_1215 = arith.index_cast %get3A_1214 : i32 to index
        %get3A_1216 = arith.index_cast %add3A_1213 : i32 to index
        %get3A_1217 = arith.constant 48 : index
        %get3A_1218 = tpu.vector_load %arg7[%get3A_1215, %get3A_1216, %get3A_1217] {strides = array<i32>} : memref<2x400x64xf32, #tpu.memory_space<vmem>>, vector<1x1x16xf32>,
        %get3A_1219 = vector.shape_cast %get3A_1218 : vector<1x1x16xf32> to vector<16xf32>
        %mul3A_1220 = arith.mulf %get3A_1219, %select_n3A_1181 : vector<16xf32>
        %add3A_1221 = arith.addf %add3A_1172, %mul3A_1220 : vector<16xf32>
        scf.yield %add3A_1191, %add3A_1201, %add3A_1211, %add3A_1221 : vector<16xf32>, vector<16xf32>, vector<16xf32>, vector<16xf32>
      }
      %scan3A_758 = arith.constant 50 : i32
      %mul3A_759 = arith.constant 8 : i32
      %mul3A_760 = arith.muli %add3A_595, %mul3A_759 : i32
      %add3A_761 = arith.constant 1 : i32
      %add3A_762 = arith.addi %mul3A_760, %add3A_761 : i32
      %mul3A_763 = arith.constant 64 : i32
      %mul3A_764 = arith.muli %add3A_762, %mul3A_763 : i32
      %mul3A_765 = arith.mulf %scan3A_757#0, %div3A_744 : vector<16xf32>
      %add3A_766 = arith.constant 0 : i32
      %add3A_767 = arith.addi %mul3A_764, %add3A_766 : i32
      %swap3A_768 = arith.index_cast %add3A_767 : i32 to index
      %swap3A_769 = tpu.vector_load %arg9[%swap3A_768] {strides = array<i32>} : memref<32768xf32, #tpu.memory_space<vmem>>, vector<16xf32>,
      %swap3A_770 = vector.shape_cast %swap3A_769 : vector<16xf32> to vector<16xf32>
      %swap3A_771 = vector.shape_cast %mul3A_765 : vector<16xf32> to vector<16xf32>
      tpu.vector_store %arg9[%swap3A_768], %swap3A_771 {strides = array<i32>} : memref<32768xf32, #tpu.memory_space<vmem>>, vector<16xf32>,
      %mul3A_772 = arith.mulf %scan3A_757#1, %div3A_744 : vector<16xf32>
      %add3A_773 = arith.constant 16 : i32
      %add3A_774 = arith.addi %mul3A_764, %add3A_773 : i32
      %swap3A_775 = arith.index_cast %add3A_774 : i32 to index
      %swap3A_776 = tpu.vector_load %arg9[%swap3A_775] {strides = array<i32>} : memref<32768xf32, #tpu.memory_space<vmem>>, vector<16xf32>,
      %swap3A_777 = vector.shape_cast %swap3A_776 : vector<16xf32> to vector<16xf32>
      %swap3A_778 = vector.shape_cast %mul3A_772 : vector<16xf32> to vector<16xf32>
      tpu.vector_store %arg9[%swap3A_775], %swap3A_778 {strides = array<i32>} : memref<32768xf32, #tpu.memory_space<vmem>>, vector<16xf32>,
      %mul3A_779 = arith.mulf %scan3A_757#2, %div3A_744 : vector<16xf32>
      %add3A_780 = arith.constant 32 : i32
      %add3A_781 = arith.addi %mul3A_764, %add3A_780 : i32
      %swap3A_782 = arith.index_cast %add3A_781 : i32 to index
      %swap3A_783 = tpu.vector_load %arg9[%swap3A_782] {strides = array<i32>} : memref<32768xf32, #tpu.memory_space<vmem>>, vector<16xf32>,
      %swap3A_784 = vector.shape_cast %swap3A_783 : vector<16xf32> to vector<16xf32>
      %swap3A_785 = vector.shape_cast %mul3A_779 : vector<16xf32> to vector<16xf32>
      tpu.vector_store %arg9[%swap3A_782], %swap3A_785 {strides = array<i32>} : memref<32768xf32, #tpu.memory_space<vmem>>, vector<16xf32>,
      %mul3A_786 = arith.mulf %scan3A_757#3, %div3A_744 : vector<16xf32>
      %add3A_787 = arith.constant 48 : i32
      %add3A_788 = arith.addi %mul3A_764, %add3A_787 : i32
      %swap3A_789 = arith.index_cast %add3A_788 : i32 to index
      %swap3A_790 = tpu.vector_load %arg9[%swap3A_789] {strides = array<i32>} : memref<32768xf32, #tpu.memory_space<vmem>>, vector<16xf32>,
      %swap3A_791 = vector.shape_cast %swap3A_790 : vector<16xf32> to vector<16xf32>
      %swap3A_792 = vector.shape_cast %mul3A_786 : vector<16xf32> to vector<16xf32>
      tpu.vector_store %arg9[%swap3A_789], %swap3A_792 {strides = array<i32>} : memref<32768xf32, #tpu.memory_space<vmem>>, vector<16xf32>,
      %slice3A_793 = vector.extract_strided_slice %get3A_682 {offsets = [2], sizes = [1], strides = [1]} : vector<16xi32> to vector<1xi32>
      %squeeze3A_794 = vector.extract %slice3A_793[0] : i32 from vector<1xi32>
      %broadcast_in_dim3A_795 = vector.broadcast %squeeze3A_794 : i32 to vector<16xi32>
      %convert_element_type3A_796 = arith.sitofp %broadcast_in_dim3A_795 : vector<16xi32> to vector<16xf32>
      %div3A_797 = arith.constant 1.000000e+00 : f32
      %div3A_798 = vector.broadcast %div3A_797 : f32 to vector<16xf32>
      %div3A_799 = arith.divf %div3A_798, %convert_element_type3A_796 : vector<16xf32>
      %broadcast_in_dim3A_800 = arith.constant 0.000000e+00 : f32
      %broadcast_in_dim3A_801 = vector.broadcast %broadcast_in_dim3A_800 : f32 to vector<16xf32>
      %broadcast_in_dim3A_802 = arith.constant 0.000000e+00 : f32
      %broadcast_in_dim3A_803 = vector.broadcast %broadcast_in_dim3A_802 : f32 to vector<16xf32>
      %broadcast_in_dim3A_804 = arith.constant 0.000000e+00 : f32
      %broadcast_in_dim3A_805 = vector.broadcast %broadcast_in_dim3A_804 : f32 to vector<16xf32>
      %broadcast_in_dim3A_806 = arith.constant 0.000000e+00 : f32
      %broadcast_in_dim3A_807 = vector.broadcast %broadcast_in_dim3A_806 : f32 to vector<16xf32>
      %scan3A_808 = arith.constant 0 : i32
      %scan3A_809 = arith.constant 50 : i32
      %scan3A_810 = arith.addi %scan3A_808, %scan3A_809 : i32
      %scan3A_811 = arith.constant 2 : i32
      %scan3A_812:4 = scf.for %scan3A_1123 = %scan3A_808 to %scan3A_810 step %scan3A_811 iter_args(%scan3A_1124 = %broadcast_in_dim3A_801, %scan3A_1125 = %broadcast_in_dim3A_803, %scan3A_1126 = %broadcast_in_dim3A_805, %scan3A_1127 = %broadcast_in_dim3A_807) -> (vector<16xf32>, vector<16xf32>, vector<16xf32>, vector<16xf32>)  : i32 {
        %broadcast_in_dim3A_1128 = vector.broadcast %scan3A_1123 : i32 to vector<16xi32>
        %lt3A_1129 = arith.cmpi slt, %broadcast_in_dim3A_1128, %broadcast_in_dim3A_795 : vector<16xi32>
        %jit3A = arith.constant 1.000000e+00 : f32
        %jit3A_1130 = arith.constant 0.000000e+00 : f32
        %broadcast_in_dim3A_1131 = vector.broadcast %jit3A : f32 to vector<16xf32>
        %broadcast_in_dim3A_1132 = vector.broadcast %jit3A_1130 : f32 to vector<16xf32>
        %select_n3A = arith.select %lt3A_1129, %broadcast_in_dim3A_1131, %broadcast_in_dim3A_1132 : vector<16xi1>, vector<16xf32>
        %add3A_1133 = arith.constant 100 : i32
        %add3A_1134 = arith.addi %add3A_1133, %scan3A_1123 : i32
        %get3A_1135 = arith.constant 1 : i32
        %get3A_1136 = arith.index_cast %get3A_1135 : i32 to index
        %get3A_1137 = arith.index_cast %add3A_1134 : i32 to index
        %get3A_1138 = arith.constant 0 : index
        %get3A_1139 = tpu.vector_load %arg7[%get3A_1136, %get3A_1137, %get3A_1138] {strides = array<i32>} : memref<2x400x64xf32, #tpu.memory_space<vmem>>, vector<1x1x16xf32>,
        %get3A_1140 = vector.shape_cast %get3A_1139 : vector<1x1x16xf32> to vector<16xf32>
        %mul3A_1141 = arith.mulf %get3A_1140, %select_n3A : vector<16xf32>
        %add3A_1142 = arith.addf %scan3A_1124, %mul3A_1141 : vector<16xf32>
        %add3A_1143 = arith.constant 100 : i32
        %add3A_1144 = arith.addi %add3A_1143, %scan3A_1123 : i32
        %get3A_1145 = arith.constant 1 : i32
        %get3A_1146 = arith.index_cast %get3A_1145 : i32 to index
        %get3A_1147 = arith.index_cast %add3A_1144 : i32 to index
        %get3A_1148 = arith.constant 16 : index
        %get3A_1149 = tpu.vector_load %arg7[%get3A_1146, %get3A_1147, %get3A_1148] {strides = array<i32>} : memref<2x400x64xf32, #tpu.memory_space<vmem>>, vector<1x1x16xf32>,
        %get3A_1150 = vector.shape_cast %get3A_1149 : vector<1x1x16xf32> to vector<16xf32>
        %mul3A_1151 = arith.mulf %get3A_1150, %select_n3A : vector<16xf32>
        %add3A_1152 = arith.addf %scan3A_1125, %mul3A_1151 : vector<16xf32>
        %add3A_1153 = arith.constant 100 : i32
        %add3A_1154 = arith.addi %add3A_1153, %scan3A_1123 : i32
        %get3A_1155 = arith.constant 1 : i32
        %get3A_1156 = arith.index_cast %get3A_1155 : i32 to index
        %get3A_1157 = arith.index_cast %add3A_1154 : i32 to index
        %get3A_1158 = arith.constant 32 : index
        %get3A_1159 = tpu.vector_load %arg7[%get3A_1156, %get3A_1157, %get3A_1158] {strides = array<i32>} : memref<2x400x64xf32, #tpu.memory_space<vmem>>, vector<1x1x16xf32>,
        %get3A_1160 = vector.shape_cast %get3A_1159 : vector<1x1x16xf32> to vector<16xf32>
        %mul3A_1161 = arith.mulf %get3A_1160, %select_n3A : vector<16xf32>
        %add3A_1162 = arith.addf %scan3A_1126, %mul3A_1161 : vector<16xf32>
        %add3A_1163 = arith.constant 100 : i32
        %add3A_1164 = arith.addi %add3A_1163, %scan3A_1123 : i32
        %get3A_1165 = arith.constant 1 : i32
        %get3A_1166 = arith.index_cast %get3A_1165 : i32 to index
        %get3A_1167 = arith.index_cast %add3A_1164 : i32 to index
        %get3A_1168 = arith.constant 48 : index
        %get3A_1169 = tpu.vector_load %arg7[%get3A_1166, %get3A_1167, %get3A_1168] {strides = array<i32>} : memref<2x400x64xf32, #tpu.memory_space<vmem>>, vector<1x1x16xf32>,
        %get3A_1170 = vector.shape_cast %get3A_1169 : vector<1x1x16xf32> to vector<16xf32>
        %mul3A_1171 = arith.mulf %get3A_1170, %select_n3A : vector<16xf32>
        %add3A_1172 = arith.addf %scan3A_1127, %mul3A_1171 : vector<16xf32>
        %scan3A_1173 = arith.constant 1 : i32
        %scan3A_1174 = arith.addi %scan3A_1123, %scan3A_1173 : i32
        %broadcast_in_dim3A_1175 = vector.broadcast %scan3A_1174 : i32 to vector<16xi32>
        %lt3A_1176 = arith.cmpi slt, %broadcast_in_dim3A_1175, %broadcast_in_dim3A_795 : vector<16xi32>
        %jit3A_1177 = arith.constant 1.000000e+00 : f32
        %jit3A_1178 = arith.constant 0.000000e+00 : f32
        %broadcast_in_dim3A_1179 = vector.broadcast %jit3A_1177 : f32 to vector<16xf32>
        %broadcast_in_dim3A_1180 = vector.broadcast %jit3A_1178 : f32 to vector<16xf32>
        %select_n3A_1181 = arith.select %lt3A_1176, %broadcast_in_dim3A_1179, %broadcast_in_dim3A_1180 : vector<16xi1>, vector<16xf32>
        %add3A_1182 = arith.constant 100 : i32
        %add3A_1183 = arith.addi %add3A_1182, %scan3A_1174 : i32
        %get3A_1184 = arith.constant 1 : i32
        %get3A_1185 = arith.index_cast %get3A_1184 : i32 to index
        %get3A_1186 = arith.index_cast %add3A_1183 : i32 to index
        %get3A_1187 = arith.constant 0 : index
        %get3A_1188 = tpu.vector_load %arg7[%get3A_1185, %get3A_1186, %get3A_1187] {strides = array<i32>} : memref<2x400x64xf32, #tpu.memory_space<vmem>>, vector<1x1x16xf32>,
        %get3A_1189 = vector.shape_cast %get3A_1188 : vector<1x1x16xf32> to vector<16xf32>
        %mul3A_1190 = arith.mulf %get3A_1189, %select_n3A_1181 : vector<16xf32>
        %add3A_1191 = arith.addf %add3A_1142, %mul3A_1190 : vector<16xf32>
        %add3A_1192 = arith.constant 100 : i32
        %add3A_1193 = arith.addi %add3A_1192, %scan3A_1174 : i32
        %get3A_1194 = arith.constant 1 : i32
        %get3A_1195 = arith.index_cast %get3A_1194 : i32 to index
        %get3A_1196 = arith.index_cast %add3A_1193 : i32 to index
        %get3A_1197 = arith.constant 16 : index
        %get3A_1198 = tpu.vector_load %arg7[%get3A_1195, %get3A_1196, %get3A_1197] {strides = array<i32>} : memref<2x400x64xf32, #tpu.memory_space<vmem>>, vector<1x1x16xf32>,
        %get3A_1199 = vector.shape_cast %get3A_1198 : vector<1x1x16xf32> to vector<16xf32>
        %mul3A_1200 = arith.mulf %get3A_1199, %select_n3A_1181 : vector<16xf32>
        %add3A_1201 = arith.addf %add3A_1152, %mul3A_1200 : vector<16xf32>
        %add3A_1202 = arith.constant 100 : i32
        %add3A_1203 = arith.addi %add3A_1202, %scan3A_1174 : i32
        %get3A_1204 = arith.constant 1 : i32
        %get3A_1205 = arith.index_cast %get3A_1204 : i32 to index
        %get3A_1206 = arith.index_cast %add3A_1203 : i32 to index
        %get3A_1207 = arith.constant 32 : index
        %get3A_1208 = tpu.vector_load %arg7[%get3A_1205, %get3A_1206, %get3A_1207] {strides = array<i32>} : memref<2x400x64xf32, #tpu.memory_space<vmem>>, vector<1x1x16xf32>,
        %get3A_1209 = vector.shape_cast %get3A_1208 : vector<1x1x16xf32> to vector<16xf32>
        %mul3A_1210 = arith.mulf %get3A_1209, %select_n3A_1181 : vector<16xf32>
        %add3A_1211 = arith.addf %add3A_1162, %mul3A_1210 : vector<16xf32>
        %add3A_1212 = arith.constant 100 : i32
        %add3A_1213 = arith.addi %add3A_1212, %scan3A_1174 : i32
        %get3A_1214 = arith.constant 1 : i32
        %get3A_1215 = arith.index_cast %get3A_1214 : i32 to index
        %get3A_1216 = arith.index_cast %add3A_1213 : i32 to index
        %get3A_1217 = arith.constant 48 : index
        %get3A_1218 = tpu.vector_load %arg7[%get3A_1215, %get3A_1216, %get3A_1217] {strides = array<i32>} : memref<2x400x64xf32, #tpu.memory_space<vmem>>, vector<1x1x16xf32>,
        %get3A_1219 = vector.shape_cast %get3A_1218 : vector<1x1x16xf32> to vector<16xf32>
        %mul3A_1220 = arith.mulf %get3A_1219, %select_n3A_1181 : vector<16xf32>
        %add3A_1221 = arith.addf %add3A_1172, %mul3A_1220 : vector<16xf32>
        scf.yield %add3A_1191, %add3A_1201, %add3A_1211, %add3A_1221 : vector<16xf32>, vector<16xf32>, vector<16xf32>, vector<16xf32>
      }
      %scan3A_813 = arith.constant 50 : i32
      %mul3A_814 = arith.constant 8 : i32
      %mul3A_815 = arith.muli %add3A_595, %mul3A_814 : i32
      %add3A_816 = arith.constant 2 : i32
      %add3A_817 = arith.addi %mul3A_815, %add3A_816 : i32
      %mul3A_818 = arith.constant 64 : i32
      %mul3A_819 = arith.muli %add3A_817, %mul3A_818 : i32
      %mul3A_820 = arith.mulf %scan3A_812#0, %div3A_799 : vector<16xf32>
      %add3A_821 = arith.constant 0 : i32
      %add3A_822 = arith.addi %mul3A_819, %add3A_821 : i32
      %swap3A_823 = arith.index_cast %add3A_822 : i32 to index
      %swap3A_824 = tpu.vector_load %arg9[%swap3A_823] {strides = array<i32>} : memref<32768xf32, #tpu.memory_space<vmem>>, vector<16xf32>,
      %swap3A_825 = vector.shape_cast %swap3A_824 : vector<16xf32> to vector<16xf32>
      %swap3A_826 = vector.shape_cast %mul3A_820 : vector<16xf32> to vector<16xf32>
      tpu.vector_store %arg9[%swap3A_823], %swap3A_826 {strides = array<i32>} : memref<32768xf32, #tpu.memory_space<vmem>>, vector<16xf32>,
      %mul3A_827 = arith.mulf %scan3A_812#1, %div3A_799 : vector<16xf32>
      %add3A_828 = arith.constant 16 : i32
      %add3A_829 = arith.addi %mul3A_819, %add3A_828 : i32
      %swap3A_830 = arith.index_cast %add3A_829 : i32 to index
      %swap3A_831 = tpu.vector_load %arg9[%swap3A_830] {strides = array<i32>} : memref<32768xf32, #tpu.memory_space<vmem>>, vector<16xf32>,
      %swap3A_832 = vector.shape_cast %swap3A_831 : vector<16xf32> to vector<16xf32>
      %swap3A_833 = vector.shape_cast %mul3A_827 : vector<16xf32> to vector<16xf32>
      tpu.vector_store %arg9[%swap3A_830], %swap3A_833 {strides = array<i32>} : memref<32768xf32, #tpu.memory_space<vmem>>, vector<16xf32>,
      %mul3A_834 = arith.mulf %scan3A_812#2, %div3A_799 : vector<16xf32>
      %add3A_835 = arith.constant 32 : i32
      %add3A_836 = arith.addi %mul3A_819, %add3A_835 : i32
      %swap3A_837 = arith.index_cast %add3A_836 : i32 to index
      %swap3A_838 = tpu.vector_load %arg9[%swap3A_837] {strides = array<i32>} : memref<32768xf32, #tpu.memory_space<vmem>>, vector<16xf32>,
      %swap3A_839 = vector.shape_cast %swap3A_838 : vector<16xf32> to vector<16xf32>
      %swap3A_840 = vector.shape_cast %mul3A_834 : vector<16xf32> to vector<16xf32>
      tpu.vector_store %arg9[%swap3A_837], %swap3A_840 {strides = array<i32>} : memref<32768xf32, #tpu.memory_space<vmem>>, vector<16xf32>,
      %mul3A_841 = arith.mulf %scan3A_812#3, %div3A_799 : vector<16xf32>
      %add3A_842 = arith.constant 48 : i32
      %add3A_843 = arith.addi %mul3A_819, %add3A_842 : i32
      %swap3A_844 = arith.index_cast %add3A_843 : i32 to index
      %swap3A_845 = tpu.vector_load %arg9[%swap3A_844] {strides = array<i32>} : memref<32768xf32, #tpu.memory_space<vmem>>, vector<16xf32>,
      %swap3A_846 = vector.shape_cast %swap3A_845 : vector<16xf32> to vector<16xf32>
      %swap3A_847 = vector.shape_cast %mul3A_841 : vector<16xf32> to vector<16xf32>
      tpu.vector_store %arg9[%swap3A_844], %swap3A_847 {strides = array<i32>} : memref<32768xf32, #tpu.memory_space<vmem>>, vector<16xf32>,
      %slice3A_848 = vector.extract_strided_slice %get3A_682 {offsets = [3], sizes = [1], strides = [1]} : vector<16xi32> to vector<1xi32>
      %squeeze3A_849 = vector.extract %slice3A_848[0] : i32 from vector<1xi32>
      %broadcast_in_dim3A_850 = vector.broadcast %squeeze3A_849 : i32 to vector<16xi32>
      %convert_element_type3A_851 = arith.sitofp %broadcast_in_dim3A_850 : vector<16xi32> to vector<16xf32>
      %div3A_852 = arith.constant 1.000000e+00 : f32
      %div3A_853 = vector.broadcast %div3A_852 : f32 to vector<16xf32>
      %div3A_854 = arith.divf %div3A_853, %convert_element_type3A_851 : vector<16xf32>
      %broadcast_in_dim3A_855 = arith.constant 0.000000e+00 : f32
      %broadcast_in_dim3A_856 = vector.broadcast %broadcast_in_dim3A_855 : f32 to vector<16xf32>
      %broadcast_in_dim3A_857 = arith.constant 0.000000e+00 : f32
      %broadcast_in_dim3A_858 = vector.broadcast %broadcast_in_dim3A_857 : f32 to vector<16xf32>
      %broadcast_in_dim3A_859 = arith.constant 0.000000e+00 : f32
      %broadcast_in_dim3A_860 = vector.broadcast %broadcast_in_dim3A_859 : f32 to vector<16xf32>
      %broadcast_in_dim3A_861 = arith.constant 0.000000e+00 : f32
      %broadcast_in_dim3A_862 = vector.broadcast %broadcast_in_dim3A_861 : f32 to vector<16xf32>
      %scan3A_863 = arith.constant 0 : i32
      %scan3A_864 = arith.constant 50 : i32
      %scan3A_865 = arith.addi %scan3A_863, %scan3A_864 : i32
      %scan3A_866 = arith.constant 2 : i32
      %scan3A_867:4 = scf.for %scan3A_1123 = %scan3A_863 to %scan3A_865 step %scan3A_866 iter_args(%scan3A_1124 = %broadcast_in_dim3A_856, %scan3A_1125 = %broadcast_in_dim3A_858, %scan3A_1126 = %broadcast_in_dim3A_860, %scan3A_1127 = %broadcast_in_dim3A_862) -> (vector<16xf32>, vector<16xf32>, vector<16xf32>, vector<16xf32>)  : i32 {
        %broadcast_in_dim3A_1128 = vector.broadcast %scan3A_1123 : i32 to vector<16xi32>
        %lt3A_1129 = arith.cmpi slt, %broadcast_in_dim3A_1128, %broadcast_in_dim3A_850 : vector<16xi32>
        %jit3A = arith.constant 1.000000e+00 : f32
        %jit3A_1130 = arith.constant 0.000000e+00 : f32
        %broadcast_in_dim3A_1131 = vector.broadcast %jit3A : f32 to vector<16xf32>
        %broadcast_in_dim3A_1132 = vector.broadcast %jit3A_1130 : f32 to vector<16xf32>
        %select_n3A = arith.select %lt3A_1129, %broadcast_in_dim3A_1131, %broadcast_in_dim3A_1132 : vector<16xi1>, vector<16xf32>
        %add3A_1133 = arith.constant 150 : i32
        %add3A_1134 = arith.addi %add3A_1133, %scan3A_1123 : i32
        %get3A_1135 = arith.constant 1 : i32
        %get3A_1136 = arith.index_cast %get3A_1135 : i32 to index
        %get3A_1137 = arith.index_cast %add3A_1134 : i32 to index
        %get3A_1138 = arith.constant 0 : index
        %get3A_1139 = tpu.vector_load %arg7[%get3A_1136, %get3A_1137, %get3A_1138] {strides = array<i32>} : memref<2x400x64xf32, #tpu.memory_space<vmem>>, vector<1x1x16xf32>,
        %get3A_1140 = vector.shape_cast %get3A_1139 : vector<1x1x16xf32> to vector<16xf32>
        %mul3A_1141 = arith.mulf %get3A_1140, %select_n3A : vector<16xf32>
        %add3A_1142 = arith.addf %scan3A_1124, %mul3A_1141 : vector<16xf32>
        %add3A_1143 = arith.constant 150 : i32
        %add3A_1144 = arith.addi %add3A_1143, %scan3A_1123 : i32
        %get3A_1145 = arith.constant 1 : i32
        %get3A_1146 = arith.index_cast %get3A_1145 : i32 to index
        %get3A_1147 = arith.index_cast %add3A_1144 : i32 to index
        %get3A_1148 = arith.constant 16 : index
        %get3A_1149 = tpu.vector_load %arg7[%get3A_1146, %get3A_1147, %get3A_1148] {strides = array<i32>} : memref<2x400x64xf32, #tpu.memory_space<vmem>>, vector<1x1x16xf32>,
        %get3A_1150 = vector.shape_cast %get3A_1149 : vector<1x1x16xf32> to vector<16xf32>
        %mul3A_1151 = arith.mulf %get3A_1150, %select_n3A : vector<16xf32>
        %add3A_1152 = arith.addf %scan3A_1125, %mul3A_1151 : vector<16xf32>
        %add3A_1153 = arith.constant 150 : i32
        %add3A_1154 = arith.addi %add3A_1153, %scan3A_1123 : i32
        %get3A_1155 = arith.constant 1 : i32
        %get3A_1156 = arith.index_cast %get3A_1155 : i32 to index
        %get3A_1157 = arith.index_cast %add3A_1154 : i32 to index
        %get3A_1158 = arith.constant 32 : index
        %get3A_1159 = tpu.vector_load %arg7[%get3A_1156, %get3A_1157, %get3A_1158] {strides = array<i32>} : memref<2x400x64xf32, #tpu.memory_space<vmem>>, vector<1x1x16xf32>,
        %get3A_1160 = vector.shape_cast %get3A_1159 : vector<1x1x16xf32> to vector<16xf32>
        %mul3A_1161 = arith.mulf %get3A_1160, %select_n3A : vector<16xf32>
        %add3A_1162 = arith.addf %scan3A_1126, %mul3A_1161 : vector<16xf32>
        %add3A_1163 = arith.constant 150 : i32
        %add3A_1164 = arith.addi %add3A_1163, %scan3A_1123 : i32
        %get3A_1165 = arith.constant 1 : i32
        %get3A_1166 = arith.index_cast %get3A_1165 : i32 to index
        %get3A_1167 = arith.index_cast %add3A_1164 : i32 to index
        %get3A_1168 = arith.constant 48 : index
        %get3A_1169 = tpu.vector_load %arg7[%get3A_1166, %get3A_1167, %get3A_1168] {strides = array<i32>} : memref<2x400x64xf32, #tpu.memory_space<vmem>>, vector<1x1x16xf32>,
        %get3A_1170 = vector.shape_cast %get3A_1169 : vector<1x1x16xf32> to vector<16xf32>
        %mul3A_1171 = arith.mulf %get3A_1170, %select_n3A : vector<16xf32>
        %add3A_1172 = arith.addf %scan3A_1127, %mul3A_1171 : vector<16xf32>
        %scan3A_1173 = arith.constant 1 : i32
        %scan3A_1174 = arith.addi %scan3A_1123, %scan3A_1173 : i32
        %broadcast_in_dim3A_1175 = vector.broadcast %scan3A_1174 : i32 to vector<16xi32>
        %lt3A_1176 = arith.cmpi slt, %broadcast_in_dim3A_1175, %broadcast_in_dim3A_850 : vector<16xi32>
        %jit3A_1177 = arith.constant 1.000000e+00 : f32
        %jit3A_1178 = arith.constant 0.000000e+00 : f32
        %broadcast_in_dim3A_1179 = vector.broadcast %jit3A_1177 : f32 to vector<16xf32>
        %broadcast_in_dim3A_1180 = vector.broadcast %jit3A_1178 : f32 to vector<16xf32>
        %select_n3A_1181 = arith.select %lt3A_1176, %broadcast_in_dim3A_1179, %broadcast_in_dim3A_1180 : vector<16xi1>, vector<16xf32>
        %add3A_1182 = arith.constant 150 : i32
        %add3A_1183 = arith.addi %add3A_1182, %scan3A_1174 : i32
        %get3A_1184 = arith.constant 1 : i32
        %get3A_1185 = arith.index_cast %get3A_1184 : i32 to index
        %get3A_1186 = arith.index_cast %add3A_1183 : i32 to index
        %get3A_1187 = arith.constant 0 : index
        %get3A_1188 = tpu.vector_load %arg7[%get3A_1185, %get3A_1186, %get3A_1187] {strides = array<i32>} : memref<2x400x64xf32, #tpu.memory_space<vmem>>, vector<1x1x16xf32>,
        %get3A_1189 = vector.shape_cast %get3A_1188 : vector<1x1x16xf32> to vector<16xf32>
        %mul3A_1190 = arith.mulf %get3A_1189, %select_n3A_1181 : vector<16xf32>
        %add3A_1191 = arith.addf %add3A_1142, %mul3A_1190 : vector<16xf32>
        %add3A_1192 = arith.constant 150 : i32
        %add3A_1193 = arith.addi %add3A_1192, %scan3A_1174 : i32
        %get3A_1194 = arith.constant 1 : i32
        %get3A_1195 = arith.index_cast %get3A_1194 : i32 to index
        %get3A_1196 = arith.index_cast %add3A_1193 : i32 to index
        %get3A_1197 = arith.constant 16 : index
        %get3A_1198 = tpu.vector_load %arg7[%get3A_1195, %get3A_1196, %get3A_1197] {strides = array<i32>} : memref<2x400x64xf32, #tpu.memory_space<vmem>>, vector<1x1x16xf32>,
        %get3A_1199 = vector.shape_cast %get3A_1198 : vector<1x1x16xf32> to vector<16xf32>
        %mul3A_1200 = arith.mulf %get3A_1199, %select_n3A_1181 : vector<16xf32>
        %add3A_1201 = arith.addf %add3A_1152, %mul3A_1200 : vector<16xf32>
        %add3A_1202 = arith.constant 150 : i32
        %add3A_1203 = arith.addi %add3A_1202, %scan3A_1174 : i32
        %get3A_1204 = arith.constant 1 : i32
        %get3A_1205 = arith.index_cast %get3A_1204 : i32 to index
        %get3A_1206 = arith.index_cast %add3A_1203 : i32 to index
        %get3A_1207 = arith.constant 32 : index
        %get3A_1208 = tpu.vector_load %arg7[%get3A_1205, %get3A_1206, %get3A_1207] {strides = array<i32>} : memref<2x400x64xf32, #tpu.memory_space<vmem>>, vector<1x1x16xf32>,
        %get3A_1209 = vector.shape_cast %get3A_1208 : vector<1x1x16xf32> to vector<16xf32>
        %mul3A_1210 = arith.mulf %get3A_1209, %select_n3A_1181 : vector<16xf32>
        %add3A_1211 = arith.addf %add3A_1162, %mul3A_1210 : vector<16xf32>
        %add3A_1212 = arith.constant 150 : i32
        %add3A_1213 = arith.addi %add3A_1212, %scan3A_1174 : i32
        %get3A_1214 = arith.constant 1 : i32
        %get3A_1215 = arith.index_cast %get3A_1214 : i32 to index
        %get3A_1216 = arith.index_cast %add3A_1213 : i32 to index
        %get3A_1217 = arith.constant 48 : index
        %get3A_1218 = tpu.vector_load %arg7[%get3A_1215, %get3A_1216, %get3A_1217] {strides = array<i32>} : memref<2x400x64xf32, #tpu.memory_space<vmem>>, vector<1x1x16xf32>,
        %get3A_1219 = vector.shape_cast %get3A_1218 : vector<1x1x16xf32> to vector<16xf32>
        %mul3A_1220 = arith.mulf %get3A_1219, %select_n3A_1181 : vector<16xf32>
        %add3A_1221 = arith.addf %add3A_1172, %mul3A_1220 : vector<16xf32>
        scf.yield %add3A_1191, %add3A_1201, %add3A_1211, %add3A_1221 : vector<16xf32>, vector<16xf32>, vector<16xf32>, vector<16xf32>
      }
      %scan3A_868 = arith.constant 50 : i32
      %mul3A_869 = arith.constant 8 : i32
      %mul3A_870 = arith.muli %add3A_595, %mul3A_869 : i32
      %add3A_871 = arith.constant 3 : i32
      %add3A_872 = arith.addi %mul3A_870, %add3A_871 : i32
      %mul3A_873 = arith.constant 64 : i32
      %mul3A_874 = arith.muli %add3A_872, %mul3A_873 : i32
      %mul3A_875 = arith.mulf %scan3A_867#0, %div3A_854 : vector<16xf32>
      %add3A_876 = arith.constant 0 : i32
      %add3A_877 = arith.addi %mul3A_874, %add3A_876 : i32
      %swap3A_878 = arith.index_cast %add3A_877 : i32 to index
      %swap3A_879 = tpu.vector_load %arg9[%swap3A_878] {strides = array<i32>} : memref<32768xf32, #tpu.memory_space<vmem>>, vector<16xf32>,
      %swap3A_880 = vector.shape_cast %swap3A_879 : vector<16xf32> to vector<16xf32>
      %swap3A_881 = vector.shape_cast %mul3A_875 : vector<16xf32> to vector<16xf32>
      tpu.vector_store %arg9[%swap3A_878], %swap3A_881 {strides = array<i32>} : memref<32768xf32, #tpu.memory_space<vmem>>, vector<16xf32>,
      %mul3A_882 = arith.mulf %scan3A_867#1, %div3A_854 : vector<16xf32>
      %add3A_883 = arith.constant 16 : i32
      %add3A_884 = arith.addi %mul3A_874, %add3A_883 : i32
      %swap3A_885 = arith.index_cast %add3A_884 : i32 to index
      %swap3A_886 = tpu.vector_load %arg9[%swap3A_885] {strides = array<i32>} : memref<32768xf32, #tpu.memory_space<vmem>>, vector<16xf32>,
      %swap3A_887 = vector.shape_cast %swap3A_886 : vector<16xf32> to vector<16xf32>
      %swap3A_888 = vector.shape_cast %mul3A_882 : vector<16xf32> to vector<16xf32>
      tpu.vector_store %arg9[%swap3A_885], %swap3A_888 {strides = array<i32>} : memref<32768xf32, #tpu.memory_space<vmem>>, vector<16xf32>,
      %mul3A_889 = arith.mulf %scan3A_867#2, %div3A_854 : vector<16xf32>
      %add3A_890 = arith.constant 32 : i32
      %add3A_891 = arith.addi %mul3A_874, %add3A_890 : i32
      %swap3A_892 = arith.index_cast %add3A_891 : i32 to index
      %swap3A_893 = tpu.vector_load %arg9[%swap3A_892] {strides = array<i32>} : memref<32768xf32, #tpu.memory_space<vmem>>, vector<16xf32>,
      %swap3A_894 = vector.shape_cast %swap3A_893 : vector<16xf32> to vector<16xf32>
      %swap3A_895 = vector.shape_cast %mul3A_889 : vector<16xf32> to vector<16xf32>
      tpu.vector_store %arg9[%swap3A_892], %swap3A_895 {strides = array<i32>} : memref<32768xf32, #tpu.memory_space<vmem>>, vector<16xf32>,
      %mul3A_896 = arith.mulf %scan3A_867#3, %div3A_854 : vector<16xf32>
      %add3A_897 = arith.constant 48 : i32
      %add3A_898 = arith.addi %mul3A_874, %add3A_897 : i32
      %swap3A_899 = arith.index_cast %add3A_898 : i32 to index
      %swap3A_900 = tpu.vector_load %arg9[%swap3A_899] {strides = array<i32>} : memref<32768xf32, #tpu.memory_space<vmem>>, vector<16xf32>,
      %swap3A_901 = vector.shape_cast %swap3A_900 : vector<16xf32> to vector<16xf32>
      %swap3A_902 = vector.shape_cast %mul3A_896 : vector<16xf32> to vector<16xf32>
      tpu.vector_store %arg9[%swap3A_899], %swap3A_902 {strides = array<i32>} : memref<32768xf32, #tpu.memory_space<vmem>>, vector<16xf32>,
      %slice3A_903 = vector.extract_strided_slice %get3A_682 {offsets = [4], sizes = [1], strides = [1]} : vector<16xi32> to vector<1xi32>
      %squeeze3A_904 = vector.extract %slice3A_903[0] : i32 from vector<1xi32>
      %broadcast_in_dim3A_905 = vector.broadcast %squeeze3A_904 : i32 to vector<16xi32>
      %convert_element_type3A_906 = arith.sitofp %broadcast_in_dim3A_905 : vector<16xi32> to vector<16xf32>
      %div3A_907 = arith.constant 1.000000e+00 : f32
      %div3A_908 = vector.broadcast %div3A_907 : f32 to vector<16xf32>
      %div3A_909 = arith.divf %div3A_908, %convert_element_type3A_906 : vector<16xf32>
      %broadcast_in_dim3A_910 = arith.constant 0.000000e+00 : f32
      %broadcast_in_dim3A_911 = vector.broadcast %broadcast_in_dim3A_910 : f32 to vector<16xf32>
      %broadcast_in_dim3A_912 = arith.constant 0.000000e+00 : f32
      %broadcast_in_dim3A_913 = vector.broadcast %broadcast_in_dim3A_912 : f32 to vector<16xf32>
      %broadcast_in_dim3A_914 = arith.constant 0.000000e+00 : f32
      %broadcast_in_dim3A_915 = vector.broadcast %broadcast_in_dim3A_914 : f32 to vector<16xf32>
      %broadcast_in_dim3A_916 = arith.constant 0.000000e+00 : f32
      %broadcast_in_dim3A_917 = vector.broadcast %broadcast_in_dim3A_916 : f32 to vector<16xf32>
      %scan3A_918 = arith.constant 0 : i32
      %scan3A_919 = arith.constant 50 : i32
      %scan3A_920 = arith.addi %scan3A_918, %scan3A_919 : i32
      %scan3A_921 = arith.constant 2 : i32
      %scan3A_922:4 = scf.for %scan3A_1123 = %scan3A_918 to %scan3A_920 step %scan3A_921 iter_args(%scan3A_1124 = %broadcast_in_dim3A_911, %scan3A_1125 = %broadcast_in_dim3A_913, %scan3A_1126 = %broadcast_in_dim3A_915, %scan3A_1127 = %broadcast_in_dim3A_917) -> (vector<16xf32>, vector<16xf32>, vector<16xf32>, vector<16xf32>)  : i32 {
        %broadcast_in_dim3A_1128 = vector.broadcast %scan3A_1123 : i32 to vector<16xi32>
        %lt3A_1129 = arith.cmpi slt, %broadcast_in_dim3A_1128, %broadcast_in_dim3A_905 : vector<16xi32>
        %jit3A = arith.constant 1.000000e+00 : f32
        %jit3A_1130 = arith.constant 0.000000e+00 : f32
        %broadcast_in_dim3A_1131 = vector.broadcast %jit3A : f32 to vector<16xf32>
        %broadcast_in_dim3A_1132 = vector.broadcast %jit3A_1130 : f32 to vector<16xf32>
        %select_n3A = arith.select %lt3A_1129, %broadcast_in_dim3A_1131, %broadcast_in_dim3A_1132 : vector<16xi1>, vector<16xf32>
        %add3A_1133 = arith.constant 200 : i32
        %add3A_1134 = arith.addi %add3A_1133, %scan3A_1123 : i32
        %get3A_1135 = arith.constant 1 : i32
        %get3A_1136 = arith.index_cast %get3A_1135 : i32 to index
        %get3A_1137 = arith.index_cast %add3A_1134 : i32 to index
        %get3A_1138 = arith.constant 0 : index
        %get3A_1139 = tpu.vector_load %arg7[%get3A_1136, %get3A_1137, %get3A_1138] {strides = array<i32>} : memref<2x400x64xf32, #tpu.memory_space<vmem>>, vector<1x1x16xf32>,
        %get3A_1140 = vector.shape_cast %get3A_1139 : vector<1x1x16xf32> to vector<16xf32>
        %mul3A_1141 = arith.mulf %get3A_1140, %select_n3A : vector<16xf32>
        %add3A_1142 = arith.addf %scan3A_1124, %mul3A_1141 : vector<16xf32>
        %add3A_1143 = arith.constant 200 : i32
        %add3A_1144 = arith.addi %add3A_1143, %scan3A_1123 : i32
        %get3A_1145 = arith.constant 1 : i32
        %get3A_1146 = arith.index_cast %get3A_1145 : i32 to index
        %get3A_1147 = arith.index_cast %add3A_1144 : i32 to index
        %get3A_1148 = arith.constant 16 : index
        %get3A_1149 = tpu.vector_load %arg7[%get3A_1146, %get3A_1147, %get3A_1148] {strides = array<i32>} : memref<2x400x64xf32, #tpu.memory_space<vmem>>, vector<1x1x16xf32>,
        %get3A_1150 = vector.shape_cast %get3A_1149 : vector<1x1x16xf32> to vector<16xf32>
        %mul3A_1151 = arith.mulf %get3A_1150, %select_n3A : vector<16xf32>
        %add3A_1152 = arith.addf %scan3A_1125, %mul3A_1151 : vector<16xf32>
        %add3A_1153 = arith.constant 200 : i32
        %add3A_1154 = arith.addi %add3A_1153, %scan3A_1123 : i32
        %get3A_1155 = arith.constant 1 : i32
        %get3A_1156 = arith.index_cast %get3A_1155 : i32 to index
        %get3A_1157 = arith.index_cast %add3A_1154 : i32 to index
        %get3A_1158 = arith.constant 32 : index
        %get3A_1159 = tpu.vector_load %arg7[%get3A_1156, %get3A_1157, %get3A_1158] {strides = array<i32>} : memref<2x400x64xf32, #tpu.memory_space<vmem>>, vector<1x1x16xf32>,
        %get3A_1160 = vector.shape_cast %get3A_1159 : vector<1x1x16xf32> to vector<16xf32>
        %mul3A_1161 = arith.mulf %get3A_1160, %select_n3A : vector<16xf32>
        %add3A_1162 = arith.addf %scan3A_1126, %mul3A_1161 : vector<16xf32>
        %add3A_1163 = arith.constant 200 : i32
        %add3A_1164 = arith.addi %add3A_1163, %scan3A_1123 : i32
        %get3A_1165 = arith.constant 1 : i32
        %get3A_1166 = arith.index_cast %get3A_1165 : i32 to index
        %get3A_1167 = arith.index_cast %add3A_1164 : i32 to index
        %get3A_1168 = arith.constant 48 : index
        %get3A_1169 = tpu.vector_load %arg7[%get3A_1166, %get3A_1167, %get3A_1168] {strides = array<i32>} : memref<2x400x64xf32, #tpu.memory_space<vmem>>, vector<1x1x16xf32>,
        %get3A_1170 = vector.shape_cast %get3A_1169 : vector<1x1x16xf32> to vector<16xf32>
        %mul3A_1171 = arith.mulf %get3A_1170, %select_n3A : vector<16xf32>
        %add3A_1172 = arith.addf %scan3A_1127, %mul3A_1171 : vector<16xf32>
        %scan3A_1173 = arith.constant 1 : i32
        %scan3A_1174 = arith.addi %scan3A_1123, %scan3A_1173 : i32
        %broadcast_in_dim3A_1175 = vector.broadcast %scan3A_1174 : i32 to vector<16xi32>
        %lt3A_1176 = arith.cmpi slt, %broadcast_in_dim3A_1175, %broadcast_in_dim3A_905 : vector<16xi32>
        %jit3A_1177 = arith.constant 1.000000e+00 : f32
        %jit3A_1178 = arith.constant 0.000000e+00 : f32
        %broadcast_in_dim3A_1179 = vector.broadcast %jit3A_1177 : f32 to vector<16xf32>
        %broadcast_in_dim3A_1180 = vector.broadcast %jit3A_1178 : f32 to vector<16xf32>
        %select_n3A_1181 = arith.select %lt3A_1176, %broadcast_in_dim3A_1179, %broadcast_in_dim3A_1180 : vector<16xi1>, vector<16xf32>
        %add3A_1182 = arith.constant 200 : i32
        %add3A_1183 = arith.addi %add3A_1182, %scan3A_1174 : i32
        %get3A_1184 = arith.constant 1 : i32
        %get3A_1185 = arith.index_cast %get3A_1184 : i32 to index
        %get3A_1186 = arith.index_cast %add3A_1183 : i32 to index
        %get3A_1187 = arith.constant 0 : index
        %get3A_1188 = tpu.vector_load %arg7[%get3A_1185, %get3A_1186, %get3A_1187] {strides = array<i32>} : memref<2x400x64xf32, #tpu.memory_space<vmem>>, vector<1x1x16xf32>,
        %get3A_1189 = vector.shape_cast %get3A_1188 : vector<1x1x16xf32> to vector<16xf32>
        %mul3A_1190 = arith.mulf %get3A_1189, %select_n3A_1181 : vector<16xf32>
        %add3A_1191 = arith.addf %add3A_1142, %mul3A_1190 : vector<16xf32>
        %add3A_1192 = arith.constant 200 : i32
        %add3A_1193 = arith.addi %add3A_1192, %scan3A_1174 : i32
        %get3A_1194 = arith.constant 1 : i32
        %get3A_1195 = arith.index_cast %get3A_1194 : i32 to index
        %get3A_1196 = arith.index_cast %add3A_1193 : i32 to index
        %get3A_1197 = arith.constant 16 : index
        %get3A_1198 = tpu.vector_load %arg7[%get3A_1195, %get3A_1196, %get3A_1197] {strides = array<i32>} : memref<2x400x64xf32, #tpu.memory_space<vmem>>, vector<1x1x16xf32>,
        %get3A_1199 = vector.shape_cast %get3A_1198 : vector<1x1x16xf32> to vector<16xf32>
        %mul3A_1200 = arith.mulf %get3A_1199, %select_n3A_1181 : vector<16xf32>
        %add3A_1201 = arith.addf %add3A_1152, %mul3A_1200 : vector<16xf32>
        %add3A_1202 = arith.constant 200 : i32
        %add3A_1203 = arith.addi %add3A_1202, %scan3A_1174 : i32
        %get3A_1204 = arith.constant 1 : i32
        %get3A_1205 = arith.index_cast %get3A_1204 : i32 to index
        %get3A_1206 = arith.index_cast %add3A_1203 : i32 to index
        %get3A_1207 = arith.constant 32 : index
        %get3A_1208 = tpu.vector_load %arg7[%get3A_1205, %get3A_1206, %get3A_1207] {strides = array<i32>} : memref<2x400x64xf32, #tpu.memory_space<vmem>>, vector<1x1x16xf32>,
        %get3A_1209 = vector.shape_cast %get3A_1208 : vector<1x1x16xf32> to vector<16xf32>
        %mul3A_1210 = arith.mulf %get3A_1209, %select_n3A_1181 : vector<16xf32>
        %add3A_1211 = arith.addf %add3A_1162, %mul3A_1210 : vector<16xf32>
        %add3A_1212 = arith.constant 200 : i32
        %add3A_1213 = arith.addi %add3A_1212, %scan3A_1174 : i32
        %get3A_1214 = arith.constant 1 : i32
        %get3A_1215 = arith.index_cast %get3A_1214 : i32 to index
        %get3A_1216 = arith.index_cast %add3A_1213 : i32 to index
        %get3A_1217 = arith.constant 48 : index
        %get3A_1218 = tpu.vector_load %arg7[%get3A_1215, %get3A_1216, %get3A_1217] {strides = array<i32>} : memref<2x400x64xf32, #tpu.memory_space<vmem>>, vector<1x1x16xf32>,
        %get3A_1219 = vector.shape_cast %get3A_1218 : vector<1x1x16xf32> to vector<16xf32>
        %mul3A_1220 = arith.mulf %get3A_1219, %select_n3A_1181 : vector<16xf32>
        %add3A_1221 = arith.addf %add3A_1172, %mul3A_1220 : vector<16xf32>
        scf.yield %add3A_1191, %add3A_1201, %add3A_1211, %add3A_1221 : vector<16xf32>, vector<16xf32>, vector<16xf32>, vector<16xf32>
      }
      %scan3A_923 = arith.constant 50 : i32
      %mul3A_924 = arith.constant 8 : i32
      %mul3A_925 = arith.muli %add3A_595, %mul3A_924 : i32
      %add3A_926 = arith.constant 4 : i32
      %add3A_927 = arith.addi %mul3A_925, %add3A_926 : i32
      %mul3A_928 = arith.constant 64 : i32
      %mul3A_929 = arith.muli %add3A_927, %mul3A_928 : i32
      %mul3A_930 = arith.mulf %scan3A_922#0, %div3A_909 : vector<16xf32>
      %add3A_931 = arith.constant 0 : i32
      %add3A_932 = arith.addi %mul3A_929, %add3A_931 : i32
      %swap3A_933 = arith.index_cast %add3A_932 : i32 to index
      %swap3A_934 = tpu.vector_load %arg9[%swap3A_933] {strides = array<i32>} : memref<32768xf32, #tpu.memory_space<vmem>>, vector<16xf32>,
      %swap3A_935 = vector.shape_cast %swap3A_934 : vector<16xf32> to vector<16xf32>
      %swap3A_936 = vector.shape_cast %mul3A_930 : vector<16xf32> to vector<16xf32>
      tpu.vector_store %arg9[%swap3A_933], %swap3A_936 {strides = array<i32>} : memref<32768xf32, #tpu.memory_space<vmem>>, vector<16xf32>,
      %mul3A_937 = arith.mulf %scan3A_922#1, %div3A_909 : vector<16xf32>
      %add3A_938 = arith.constant 16 : i32
      %add3A_939 = arith.addi %mul3A_929, %add3A_938 : i32
      %swap3A_940 = arith.index_cast %add3A_939 : i32 to index
      %swap3A_941 = tpu.vector_load %arg9[%swap3A_940] {strides = array<i32>} : memref<32768xf32, #tpu.memory_space<vmem>>, vector<16xf32>,
      %swap3A_942 = vector.shape_cast %swap3A_941 : vector<16xf32> to vector<16xf32>
      %swap3A_943 = vector.shape_cast %mul3A_937 : vector<16xf32> to vector<16xf32>
      tpu.vector_store %arg9[%swap3A_940], %swap3A_943 {strides = array<i32>} : memref<32768xf32, #tpu.memory_space<vmem>>, vector<16xf32>,
      %mul3A_944 = arith.mulf %scan3A_922#2, %div3A_909 : vector<16xf32>
      %add3A_945 = arith.constant 32 : i32
      %add3A_946 = arith.addi %mul3A_929, %add3A_945 : i32
      %swap3A_947 = arith.index_cast %add3A_946 : i32 to index
      %swap3A_948 = tpu.vector_load %arg9[%swap3A_947] {strides = array<i32>} : memref<32768xf32, #tpu.memory_space<vmem>>, vector<16xf32>,
      %swap3A_949 = vector.shape_cast %swap3A_948 : vector<16xf32> to vector<16xf32>
      %swap3A_950 = vector.shape_cast %mul3A_944 : vector<16xf32> to vector<16xf32>
      tpu.vector_store %arg9[%swap3A_947], %swap3A_950 {strides = array<i32>} : memref<32768xf32, #tpu.memory_space<vmem>>, vector<16xf32>,
      %mul3A_951 = arith.mulf %scan3A_922#3, %div3A_909 : vector<16xf32>
      %add3A_952 = arith.constant 48 : i32
      %add3A_953 = arith.addi %mul3A_929, %add3A_952 : i32
      %swap3A_954 = arith.index_cast %add3A_953 : i32 to index
      %swap3A_955 = tpu.vector_load %arg9[%swap3A_954] {strides = array<i32>} : memref<32768xf32, #tpu.memory_space<vmem>>, vector<16xf32>,
      %swap3A_956 = vector.shape_cast %swap3A_955 : vector<16xf32> to vector<16xf32>
      %swap3A_957 = vector.shape_cast %mul3A_951 : vector<16xf32> to vector<16xf32>
      tpu.vector_store %arg9[%swap3A_954], %swap3A_957 {strides = array<i32>} : memref<32768xf32, #tpu.memory_space<vmem>>, vector<16xf32>,
      %slice3A_958 = vector.extract_strided_slice %get3A_682 {offsets = [5], sizes = [1], strides = [1]} : vector<16xi32> to vector<1xi32>
      %squeeze3A_959 = vector.extract %slice3A_958[0] : i32 from vector<1xi32>
      %broadcast_in_dim3A_960 = vector.broadcast %squeeze3A_959 : i32 to vector<16xi32>
      %convert_element_type3A_961 = arith.sitofp %broadcast_in_dim3A_960 : vector<16xi32> to vector<16xf32>
      %div3A_962 = arith.constant 1.000000e+00 : f32
      %div3A_963 = vector.broadcast %div3A_962 : f32 to vector<16xf32>
      %div3A_964 = arith.divf %div3A_963, %convert_element_type3A_961 : vector<16xf32>
      %broadcast_in_dim3A_965 = arith.constant 0.000000e+00 : f32
      %broadcast_in_dim3A_966 = vector.broadcast %broadcast_in_dim3A_965 : f32 to vector<16xf32>
      %broadcast_in_dim3A_967 = arith.constant 0.000000e+00 : f32
      %broadcast_in_dim3A_968 = vector.broadcast %broadcast_in_dim3A_967 : f32 to vector<16xf32>
      %broadcast_in_dim3A_969 = arith.constant 0.000000e+00 : f32
      %broadcast_in_dim3A_970 = vector.broadcast %broadcast_in_dim3A_969 : f32 to vector<16xf32>
      %broadcast_in_dim3A_971 = arith.constant 0.000000e+00 : f32
      %broadcast_in_dim3A_972 = vector.broadcast %broadcast_in_dim3A_971 : f32 to vector<16xf32>
      %scan3A_973 = arith.constant 0 : i32
      %scan3A_974 = arith.constant 50 : i32
      %scan3A_975 = arith.addi %scan3A_973, %scan3A_974 : i32
      %scan3A_976 = arith.constant 2 : i32
      %scan3A_977:4 = scf.for %scan3A_1123 = %scan3A_973 to %scan3A_975 step %scan3A_976 iter_args(%scan3A_1124 = %broadcast_in_dim3A_966, %scan3A_1125 = %broadcast_in_dim3A_968, %scan3A_1126 = %broadcast_in_dim3A_970, %scan3A_1127 = %broadcast_in_dim3A_972) -> (vector<16xf32>, vector<16xf32>, vector<16xf32>, vector<16xf32>)  : i32 {
        %broadcast_in_dim3A_1128 = vector.broadcast %scan3A_1123 : i32 to vector<16xi32>
        %lt3A_1129 = arith.cmpi slt, %broadcast_in_dim3A_1128, %broadcast_in_dim3A_960 : vector<16xi32>
        %jit3A = arith.constant 1.000000e+00 : f32
        %jit3A_1130 = arith.constant 0.000000e+00 : f32
        %broadcast_in_dim3A_1131 = vector.broadcast %jit3A : f32 to vector<16xf32>
        %broadcast_in_dim3A_1132 = vector.broadcast %jit3A_1130 : f32 to vector<16xf32>
        %select_n3A = arith.select %lt3A_1129, %broadcast_in_dim3A_1131, %broadcast_in_dim3A_1132 : vector<16xi1>, vector<16xf32>
        %add3A_1133 = arith.constant 250 : i32
        %add3A_1134 = arith.addi %add3A_1133, %scan3A_1123 : i32
        %get3A_1135 = arith.constant 1 : i32
        %get3A_1136 = arith.index_cast %get3A_1135 : i32 to index
        %get3A_1137 = arith.index_cast %add3A_1134 : i32 to index
        %get3A_1138 = arith.constant 0 : index
        %get3A_1139 = tpu.vector_load %arg7[%get3A_1136, %get3A_1137, %get3A_1138] {strides = array<i32>} : memref<2x400x64xf32, #tpu.memory_space<vmem>>, vector<1x1x16xf32>,
        %get3A_1140 = vector.shape_cast %get3A_1139 : vector<1x1x16xf32> to vector<16xf32>
        %mul3A_1141 = arith.mulf %get3A_1140, %select_n3A : vector<16xf32>
        %add3A_1142 = arith.addf %scan3A_1124, %mul3A_1141 : vector<16xf32>
        %add3A_1143 = arith.constant 250 : i32
        %add3A_1144 = arith.addi %add3A_1143, %scan3A_1123 : i32
        %get3A_1145 = arith.constant 1 : i32
        %get3A_1146 = arith.index_cast %get3A_1145 : i32 to index
        %get3A_1147 = arith.index_cast %add3A_1144 : i32 to index
        %get3A_1148 = arith.constant 16 : index
        %get3A_1149 = tpu.vector_load %arg7[%get3A_1146, %get3A_1147, %get3A_1148] {strides = array<i32>} : memref<2x400x64xf32, #tpu.memory_space<vmem>>, vector<1x1x16xf32>,
        %get3A_1150 = vector.shape_cast %get3A_1149 : vector<1x1x16xf32> to vector<16xf32>
        %mul3A_1151 = arith.mulf %get3A_1150, %select_n3A : vector<16xf32>
        %add3A_1152 = arith.addf %scan3A_1125, %mul3A_1151 : vector<16xf32>
        %add3A_1153 = arith.constant 250 : i32
        %add3A_1154 = arith.addi %add3A_1153, %scan3A_1123 : i32
        %get3A_1155 = arith.constant 1 : i32
        %get3A_1156 = arith.index_cast %get3A_1155 : i32 to index
        %get3A_1157 = arith.index_cast %add3A_1154 : i32 to index
        %get3A_1158 = arith.constant 32 : index
        %get3A_1159 = tpu.vector_load %arg7[%get3A_1156, %get3A_1157, %get3A_1158] {strides = array<i32>} : memref<2x400x64xf32, #tpu.memory_space<vmem>>, vector<1x1x16xf32>,
        %get3A_1160 = vector.shape_cast %get3A_1159 : vector<1x1x16xf32> to vector<16xf32>
        %mul3A_1161 = arith.mulf %get3A_1160, %select_n3A : vector<16xf32>
        %add3A_1162 = arith.addf %scan3A_1126, %mul3A_1161 : vector<16xf32>
        %add3A_1163 = arith.constant 250 : i32
        %add3A_1164 = arith.addi %add3A_1163, %scan3A_1123 : i32
        %get3A_1165 = arith.constant 1 : i32
        %get3A_1166 = arith.index_cast %get3A_1165 : i32 to index
        %get3A_1167 = arith.index_cast %add3A_1164 : i32 to index
        %get3A_1168 = arith.constant 48 : index
        %get3A_1169 = tpu.vector_load %arg7[%get3A_1166, %get3A_1167, %get3A_1168] {strides = array<i32>} : memref<2x400x64xf32, #tpu.memory_space<vmem>>, vector<1x1x16xf32>,
        %get3A_1170 = vector.shape_cast %get3A_1169 : vector<1x1x16xf32> to vector<16xf32>
        %mul3A_1171 = arith.mulf %get3A_1170, %select_n3A : vector<16xf32>
        %add3A_1172 = arith.addf %scan3A_1127, %mul3A_1171 : vector<16xf32>
        %scan3A_1173 = arith.constant 1 : i32
        %scan3A_1174 = arith.addi %scan3A_1123, %scan3A_1173 : i32
        %broadcast_in_dim3A_1175 = vector.broadcast %scan3A_1174 : i32 to vector<16xi32>
        %lt3A_1176 = arith.cmpi slt, %broadcast_in_dim3A_1175, %broadcast_in_dim3A_960 : vector<16xi32>
        %jit3A_1177 = arith.constant 1.000000e+00 : f32
        %jit3A_1178 = arith.constant 0.000000e+00 : f32
        %broadcast_in_dim3A_1179 = vector.broadcast %jit3A_1177 : f32 to vector<16xf32>
        %broadcast_in_dim3A_1180 = vector.broadcast %jit3A_1178 : f32 to vector<16xf32>
        %select_n3A_1181 = arith.select %lt3A_1176, %broadcast_in_dim3A_1179, %broadcast_in_dim3A_1180 : vector<16xi1>, vector<16xf32>
        %add3A_1182 = arith.constant 250 : i32
        %add3A_1183 = arith.addi %add3A_1182, %scan3A_1174 : i32
        %get3A_1184 = arith.constant 1 : i32
        %get3A_1185 = arith.index_cast %get3A_1184 : i32 to index
        %get3A_1186 = arith.index_cast %add3A_1183 : i32 to index
        %get3A_1187 = arith.constant 0 : index
        %get3A_1188 = tpu.vector_load %arg7[%get3A_1185, %get3A_1186, %get3A_1187] {strides = array<i32>} : memref<2x400x64xf32, #tpu.memory_space<vmem>>, vector<1x1x16xf32>,
        %get3A_1189 = vector.shape_cast %get3A_1188 : vector<1x1x16xf32> to vector<16xf32>
        %mul3A_1190 = arith.mulf %get3A_1189, %select_n3A_1181 : vector<16xf32>
        %add3A_1191 = arith.addf %add3A_1142, %mul3A_1190 : vector<16xf32>
        %add3A_1192 = arith.constant 250 : i32
        %add3A_1193 = arith.addi %add3A_1192, %scan3A_1174 : i32
        %get3A_1194 = arith.constant 1 : i32
        %get3A_1195 = arith.index_cast %get3A_1194 : i32 to index
        %get3A_1196 = arith.index_cast %add3A_1193 : i32 to index
        %get3A_1197 = arith.constant 16 : index
        %get3A_1198 = tpu.vector_load %arg7[%get3A_1195, %get3A_1196, %get3A_1197] {strides = array<i32>} : memref<2x400x64xf32, #tpu.memory_space<vmem>>, vector<1x1x16xf32>,
        %get3A_1199 = vector.shape_cast %get3A_1198 : vector<1x1x16xf32> to vector<16xf32>
        %mul3A_1200 = arith.mulf %get3A_1199, %select_n3A_1181 : vector<16xf32>
        %add3A_1201 = arith.addf %add3A_1152, %mul3A_1200 : vector<16xf32>
        %add3A_1202 = arith.constant 250 : i32
        %add3A_1203 = arith.addi %add3A_1202, %scan3A_1174 : i32
        %get3A_1204 = arith.constant 1 : i32
        %get3A_1205 = arith.index_cast %get3A_1204 : i32 to index
        %get3A_1206 = arith.index_cast %add3A_1203 : i32 to index
        %get3A_1207 = arith.constant 32 : index
        %get3A_1208 = tpu.vector_load %arg7[%get3A_1205, %get3A_1206, %get3A_1207] {strides = array<i32>} : memref<2x400x64xf32, #tpu.memory_space<vmem>>, vector<1x1x16xf32>,
        %get3A_1209 = vector.shape_cast %get3A_1208 : vector<1x1x16xf32> to vector<16xf32>
        %mul3A_1210 = arith.mulf %get3A_1209, %select_n3A_1181 : vector<16xf32>
        %add3A_1211 = arith.addf %add3A_1162, %mul3A_1210 : vector<16xf32>
        %add3A_1212 = arith.constant 250 : i32
        %add3A_1213 = arith.addi %add3A_1212, %scan3A_1174 : i32
        %get3A_1214 = arith.constant 1 : i32
        %get3A_1215 = arith.index_cast %get3A_1214 : i32 to index
        %get3A_1216 = arith.index_cast %add3A_1213 : i32 to index
        %get3A_1217 = arith.constant 48 : index
        %get3A_1218 = tpu.vector_load %arg7[%get3A_1215, %get3A_1216, %get3A_1217] {strides = array<i32>} : memref<2x400x64xf32, #tpu.memory_space<vmem>>, vector<1x1x16xf32>,
        %get3A_1219 = vector.shape_cast %get3A_1218 : vector<1x1x16xf32> to vector<16xf32>
        %mul3A_1220 = arith.mulf %get3A_1219, %select_n3A_1181 : vector<16xf32>
        %add3A_1221 = arith.addf %add3A_1172, %mul3A_1220 : vector<16xf32>
        scf.yield %add3A_1191, %add3A_1201, %add3A_1211, %add3A_1221 : vector<16xf32>, vector<16xf32>, vector<16xf32>, vector<16xf32>
      }
      %scan3A_978 = arith.constant 50 : i32
      %mul3A_979 = arith.constant 8 : i32
      %mul3A_980 = arith.muli %add3A_595, %mul3A_979 : i32
      %add3A_981 = arith.constant 5 : i32
      %add3A_982 = arith.addi %mul3A_980, %add3A_981 : i32
      %mul3A_983 = arith.constant 64 : i32
      %mul3A_984 = arith.muli %add3A_982, %mul3A_983 : i32
      %mul3A_985 = arith.mulf %scan3A_977#0, %div3A_964 : vector<16xf32>
      %add3A_986 = arith.constant 0 : i32
      %add3A_987 = arith.addi %mul3A_984, %add3A_986 : i32
      %swap3A_988 = arith.index_cast %add3A_987 : i32 to index
      %swap3A_989 = tpu.vector_load %arg9[%swap3A_988] {strides = array<i32>} : memref<32768xf32, #tpu.memory_space<vmem>>, vector<16xf32>,
      %swap3A_990 = vector.shape_cast %swap3A_989 : vector<16xf32> to vector<16xf32>
      %swap3A_991 = vector.shape_cast %mul3A_985 : vector<16xf32> to vector<16xf32>
      tpu.vector_store %arg9[%swap3A_988], %swap3A_991 {strides = array<i32>} : memref<32768xf32, #tpu.memory_space<vmem>>, vector<16xf32>,
      %mul3A_992 = arith.mulf %scan3A_977#1, %div3A_964 : vector<16xf32>
      %add3A_993 = arith.constant 16 : i32
      %add3A_994 = arith.addi %mul3A_984, %add3A_993 : i32
      %swap3A_995 = arith.index_cast %add3A_994 : i32 to index
      %swap3A_996 = tpu.vector_load %arg9[%swap3A_995] {strides = array<i32>} : memref<32768xf32, #tpu.memory_space<vmem>>, vector<16xf32>,
      %swap3A_997 = vector.shape_cast %swap3A_996 : vector<16xf32> to vector<16xf32>
      %swap3A_998 = vector.shape_cast %mul3A_992 : vector<16xf32> to vector<16xf32>
      tpu.vector_store %arg9[%swap3A_995], %swap3A_998 {strides = array<i32>} : memref<32768xf32, #tpu.memory_space<vmem>>, vector<16xf32>,
      %mul3A_999 = arith.mulf %scan3A_977#2, %div3A_964 : vector<16xf32>
      %add3A_1000 = arith.constant 32 : i32
      %add3A_1001 = arith.addi %mul3A_984, %add3A_1000 : i32
      %swap3A_1002 = arith.index_cast %add3A_1001 : i32 to index
      %swap3A_1003 = tpu.vector_load %arg9[%swap3A_1002] {strides = array<i32>} : memref<32768xf32, #tpu.memory_space<vmem>>, vector<16xf32>,
      %swap3A_1004 = vector.shape_cast %swap3A_1003 : vector<16xf32> to vector<16xf32>
      %swap3A_1005 = vector.shape_cast %mul3A_999 : vector<16xf32> to vector<16xf32>
      tpu.vector_store %arg9[%swap3A_1002], %swap3A_1005 {strides = array<i32>} : memref<32768xf32, #tpu.memory_space<vmem>>, vector<16xf32>,
      %mul3A_1006 = arith.mulf %scan3A_977#3, %div3A_964 : vector<16xf32>
      %add3A_1007 = arith.constant 48 : i32
      %add3A_1008 = arith.addi %mul3A_984, %add3A_1007 : i32
      %swap3A_1009 = arith.index_cast %add3A_1008 : i32 to index
      %swap3A_1010 = tpu.vector_load %arg9[%swap3A_1009] {strides = array<i32>} : memref<32768xf32, #tpu.memory_space<vmem>>, vector<16xf32>,
      %swap3A_1011 = vector.shape_cast %swap3A_1010 : vector<16xf32> to vector<16xf32>
      %swap3A_1012 = vector.shape_cast %mul3A_1006 : vector<16xf32> to vector<16xf32>
      tpu.vector_store %arg9[%swap3A_1009], %swap3A_1012 {strides = array<i32>} : memref<32768xf32, #tpu.memory_space<vmem>>, vector<16xf32>,
      %slice3A_1013 = vector.extract_strided_slice %get3A_682 {offsets = [6], sizes = [1], strides = [1]} : vector<16xi32> to vector<1xi32>
      %squeeze3A_1014 = vector.extract %slice3A_1013[0] : i32 from vector<1xi32>
      %broadcast_in_dim3A_1015 = vector.broadcast %squeeze3A_1014 : i32 to vector<16xi32>
      %convert_element_type3A_1016 = arith.sitofp %broadcast_in_dim3A_1015 : vector<16xi32> to vector<16xf32>
      %div3A_1017 = arith.constant 1.000000e+00 : f32
      %div3A_1018 = vector.broadcast %div3A_1017 : f32 to vector<16xf32>
      %div3A_1019 = arith.divf %div3A_1018, %convert_element_type3A_1016 : vector<16xf32>
      %broadcast_in_dim3A_1020 = arith.constant 0.000000e+00 : f32
      %broadcast_in_dim3A_1021 = vector.broadcast %broadcast_in_dim3A_1020 : f32 to vector<16xf32>
      %broadcast_in_dim3A_1022 = arith.constant 0.000000e+00 : f32
      %broadcast_in_dim3A_1023 = vector.broadcast %broadcast_in_dim3A_1022 : f32 to vector<16xf32>
      %broadcast_in_dim3A_1024 = arith.constant 0.000000e+00 : f32
      %broadcast_in_dim3A_1025 = vector.broadcast %broadcast_in_dim3A_1024 : f32 to vector<16xf32>
      %broadcast_in_dim3A_1026 = arith.constant 0.000000e+00 : f32
      %broadcast_in_dim3A_1027 = vector.broadcast %broadcast_in_dim3A_1026 : f32 to vector<16xf32>
      %scan3A_1028 = arith.constant 0 : i32
      %scan3A_1029 = arith.constant 50 : i32
      %scan3A_1030 = arith.addi %scan3A_1028, %scan3A_1029 : i32
      %scan3A_1031 = arith.constant 2 : i32
      %scan3A_1032:4 = scf.for %scan3A_1123 = %scan3A_1028 to %scan3A_1030 step %scan3A_1031 iter_args(%scan3A_1124 = %broadcast_in_dim3A_1021, %scan3A_1125 = %broadcast_in_dim3A_1023, %scan3A_1126 = %broadcast_in_dim3A_1025, %scan3A_1127 = %broadcast_in_dim3A_1027) -> (vector<16xf32>, vector<16xf32>, vector<16xf32>, vector<16xf32>)  : i32 {
        %broadcast_in_dim3A_1128 = vector.broadcast %scan3A_1123 : i32 to vector<16xi32>
        %lt3A_1129 = arith.cmpi slt, %broadcast_in_dim3A_1128, %broadcast_in_dim3A_1015 : vector<16xi32>
        %jit3A = arith.constant 1.000000e+00 : f32
        %jit3A_1130 = arith.constant 0.000000e+00 : f32
        %broadcast_in_dim3A_1131 = vector.broadcast %jit3A : f32 to vector<16xf32>
        %broadcast_in_dim3A_1132 = vector.broadcast %jit3A_1130 : f32 to vector<16xf32>
        %select_n3A = arith.select %lt3A_1129, %broadcast_in_dim3A_1131, %broadcast_in_dim3A_1132 : vector<16xi1>, vector<16xf32>
        %add3A_1133 = arith.constant 300 : i32
        %add3A_1134 = arith.addi %add3A_1133, %scan3A_1123 : i32
        %get3A_1135 = arith.constant 1 : i32
        %get3A_1136 = arith.index_cast %get3A_1135 : i32 to index
        %get3A_1137 = arith.index_cast %add3A_1134 : i32 to index
        %get3A_1138 = arith.constant 0 : index
        %get3A_1139 = tpu.vector_load %arg7[%get3A_1136, %get3A_1137, %get3A_1138] {strides = array<i32>} : memref<2x400x64xf32, #tpu.memory_space<vmem>>, vector<1x1x16xf32>,
        %get3A_1140 = vector.shape_cast %get3A_1139 : vector<1x1x16xf32> to vector<16xf32>
        %mul3A_1141 = arith.mulf %get3A_1140, %select_n3A : vector<16xf32>
        %add3A_1142 = arith.addf %scan3A_1124, %mul3A_1141 : vector<16xf32>
        %add3A_1143 = arith.constant 300 : i32
        %add3A_1144 = arith.addi %add3A_1143, %scan3A_1123 : i32
        %get3A_1145 = arith.constant 1 : i32
        %get3A_1146 = arith.index_cast %get3A_1145 : i32 to index
        %get3A_1147 = arith.index_cast %add3A_1144 : i32 to index
        %get3A_1148 = arith.constant 16 : index
        %get3A_1149 = tpu.vector_load %arg7[%get3A_1146, %get3A_1147, %get3A_1148] {strides = array<i32>} : memref<2x400x64xf32, #tpu.memory_space<vmem>>, vector<1x1x16xf32>,
        %get3A_1150 = vector.shape_cast %get3A_1149 : vector<1x1x16xf32> to vector<16xf32>
        %mul3A_1151 = arith.mulf %get3A_1150, %select_n3A : vector<16xf32>
        %add3A_1152 = arith.addf %scan3A_1125, %mul3A_1151 : vector<16xf32>
        %add3A_1153 = arith.constant 300 : i32
        %add3A_1154 = arith.addi %add3A_1153, %scan3A_1123 : i32
        %get3A_1155 = arith.constant 1 : i32
        %get3A_1156 = arith.index_cast %get3A_1155 : i32 to index
        %get3A_1157 = arith.index_cast %add3A_1154 : i32 to index
        %get3A_1158 = arith.constant 32 : index
        %get3A_1159 = tpu.vector_load %arg7[%get3A_1156, %get3A_1157, %get3A_1158] {strides = array<i32>} : memref<2x400x64xf32, #tpu.memory_space<vmem>>, vector<1x1x16xf32>,
        %get3A_1160 = vector.shape_cast %get3A_1159 : vector<1x1x16xf32> to vector<16xf32>
        %mul3A_1161 = arith.mulf %get3A_1160, %select_n3A : vector<16xf32>
        %add3A_1162 = arith.addf %scan3A_1126, %mul3A_1161 : vector<16xf32>
        %add3A_1163 = arith.constant 300 : i32
        %add3A_1164 = arith.addi %add3A_1163, %scan3A_1123 : i32
        %get3A_1165 = arith.constant 1 : i32
        %get3A_1166 = arith.index_cast %get3A_1165 : i32 to index
        %get3A_1167 = arith.index_cast %add3A_1164 : i32 to index
        %get3A_1168 = arith.constant 48 : index
        %get3A_1169 = tpu.vector_load %arg7[%get3A_1166, %get3A_1167, %get3A_1168] {strides = array<i32>} : memref<2x400x64xf32, #tpu.memory_space<vmem>>, vector<1x1x16xf32>,
        %get3A_1170 = vector.shape_cast %get3A_1169 : vector<1x1x16xf32> to vector<16xf32>
        %mul3A_1171 = arith.mulf %get3A_1170, %select_n3A : vector<16xf32>
        %add3A_1172 = arith.addf %scan3A_1127, %mul3A_1171 : vector<16xf32>
        %scan3A_1173 = arith.constant 1 : i32
        %scan3A_1174 = arith.addi %scan3A_1123, %scan3A_1173 : i32
        %broadcast_in_dim3A_1175 = vector.broadcast %scan3A_1174 : i32 to vector<16xi32>
        %lt3A_1176 = arith.cmpi slt, %broadcast_in_dim3A_1175, %broadcast_in_dim3A_1015 : vector<16xi32>
        %jit3A_1177 = arith.constant 1.000000e+00 : f32
        %jit3A_1178 = arith.constant 0.000000e+00 : f32
        %broadcast_in_dim3A_1179 = vector.broadcast %jit3A_1177 : f32 to vector<16xf32>
        %broadcast_in_dim3A_1180 = vector.broadcast %jit3A_1178 : f32 to vector<16xf32>
        %select_n3A_1181 = arith.select %lt3A_1176, %broadcast_in_dim3A_1179, %broadcast_in_dim3A_1180 : vector<16xi1>, vector<16xf32>
        %add3A_1182 = arith.constant 300 : i32
        %add3A_1183 = arith.addi %add3A_1182, %scan3A_1174 : i32
        %get3A_1184 = arith.constant 1 : i32
        %get3A_1185 = arith.index_cast %get3A_1184 : i32 to index
        %get3A_1186 = arith.index_cast %add3A_1183 : i32 to index
        %get3A_1187 = arith.constant 0 : index
        %get3A_1188 = tpu.vector_load %arg7[%get3A_1185, %get3A_1186, %get3A_1187] {strides = array<i32>} : memref<2x400x64xf32, #tpu.memory_space<vmem>>, vector<1x1x16xf32>,
        %get3A_1189 = vector.shape_cast %get3A_1188 : vector<1x1x16xf32> to vector<16xf32>
        %mul3A_1190 = arith.mulf %get3A_1189, %select_n3A_1181 : vector<16xf32>
        %add3A_1191 = arith.addf %add3A_1142, %mul3A_1190 : vector<16xf32>
        %add3A_1192 = arith.constant 300 : i32
        %add3A_1193 = arith.addi %add3A_1192, %scan3A_1174 : i32
        %get3A_1194 = arith.constant 1 : i32
        %get3A_1195 = arith.index_cast %get3A_1194 : i32 to index
        %get3A_1196 = arith.index_cast %add3A_1193 : i32 to index
        %get3A_1197 = arith.constant 16 : index
        %get3A_1198 = tpu.vector_load %arg7[%get3A_1195, %get3A_1196, %get3A_1197] {strides = array<i32>} : memref<2x400x64xf32, #tpu.memory_space<vmem>>, vector<1x1x16xf32>,
        %get3A_1199 = vector.shape_cast %get3A_1198 : vector<1x1x16xf32> to vector<16xf32>
        %mul3A_1200 = arith.mulf %get3A_1199, %select_n3A_1181 : vector<16xf32>
        %add3A_1201 = arith.addf %add3A_1152, %mul3A_1200 : vector<16xf32>
        %add3A_1202 = arith.constant 300 : i32
        %add3A_1203 = arith.addi %add3A_1202, %scan3A_1174 : i32
        %get3A_1204 = arith.constant 1 : i32
        %get3A_1205 = arith.index_cast %get3A_1204 : i32 to index
        %get3A_1206 = arith.index_cast %add3A_1203 : i32 to index
        %get3A_1207 = arith.constant 32 : index
        %get3A_1208 = tpu.vector_load %arg7[%get3A_1205, %get3A_1206, %get3A_1207] {strides = array<i32>} : memref<2x400x64xf32, #tpu.memory_space<vmem>>, vector<1x1x16xf32>,
        %get3A_1209 = vector.shape_cast %get3A_1208 : vector<1x1x16xf32> to vector<16xf32>
        %mul3A_1210 = arith.mulf %get3A_1209, %select_n3A_1181 : vector<16xf32>
        %add3A_1211 = arith.addf %add3A_1162, %mul3A_1210 : vector<16xf32>
        %add3A_1212 = arith.constant 300 : i32
        %add3A_1213 = arith.addi %add3A_1212, %scan3A_1174 : i32
        %get3A_1214 = arith.constant 1 : i32
        %get3A_1215 = arith.index_cast %get3A_1214 : i32 to index
        %get3A_1216 = arith.index_cast %add3A_1213 : i32 to index
        %get3A_1217 = arith.constant 48 : index
        %get3A_1218 = tpu.vector_load %arg7[%get3A_1215, %get3A_1216, %get3A_1217] {strides = array<i32>} : memref<2x400x64xf32, #tpu.memory_space<vmem>>, vector<1x1x16xf32>,
        %get3A_1219 = vector.shape_cast %get3A_1218 : vector<1x1x16xf32> to vector<16xf32>
        %mul3A_1220 = arith.mulf %get3A_1219, %select_n3A_1181 : vector<16xf32>
        %add3A_1221 = arith.addf %add3A_1172, %mul3A_1220 : vector<16xf32>
        scf.yield %add3A_1191, %add3A_1201, %add3A_1211, %add3A_1221 : vector<16xf32>, vector<16xf32>, vector<16xf32>, vector<16xf32>
      }
      %scan3A_1033 = arith.constant 50 : i32
      %mul3A_1034 = arith.constant 8 : i32
      %mul3A_1035 = arith.muli %add3A_595, %mul3A_1034 : i32
      %add3A_1036 = arith.constant 6 : i32
      %add3A_1037 = arith.addi %mul3A_1035, %add3A_1036 : i32
      %mul3A_1038 = arith.constant 64 : i32
      %mul3A_1039 = arith.muli %add3A_1037, %mul3A_1038 : i32
      %mul3A_1040 = arith.mulf %scan3A_1032#0, %div3A_1019 : vector<16xf32>
      %add3A_1041 = arith.constant 0 : i32
      %add3A_1042 = arith.addi %mul3A_1039, %add3A_1041 : i32
      %swap3A_1043 = arith.index_cast %add3A_1042 : i32 to index
      %swap3A_1044 = tpu.vector_load %arg9[%swap3A_1043] {strides = array<i32>} : memref<32768xf32, #tpu.memory_space<vmem>>, vector<16xf32>,
      %swap3A_1045 = vector.shape_cast %swap3A_1044 : vector<16xf32> to vector<16xf32>
      %swap3A_1046 = vector.shape_cast %mul3A_1040 : vector<16xf32> to vector<16xf32>
      tpu.vector_store %arg9[%swap3A_1043], %swap3A_1046 {strides = array<i32>} : memref<32768xf32, #tpu.memory_space<vmem>>, vector<16xf32>,
      %mul3A_1047 = arith.mulf %scan3A_1032#1, %div3A_1019 : vector<16xf32>
      %add3A_1048 = arith.constant 16 : i32
      %add3A_1049 = arith.addi %mul3A_1039, %add3A_1048 : i32
      %swap3A_1050 = arith.index_cast %add3A_1049 : i32 to index
      %swap3A_1051 = tpu.vector_load %arg9[%swap3A_1050] {strides = array<i32>} : memref<32768xf32, #tpu.memory_space<vmem>>, vector<16xf32>,
      %swap3A_1052 = vector.shape_cast %swap3A_1051 : vector<16xf32> to vector<16xf32>
      %swap3A_1053 = vector.shape_cast %mul3A_1047 : vector<16xf32> to vector<16xf32>
      tpu.vector_store %arg9[%swap3A_1050], %swap3A_1053 {strides = array<i32>} : memref<32768xf32, #tpu.memory_space<vmem>>, vector<16xf32>,
      %mul3A_1054 = arith.mulf %scan3A_1032#2, %div3A_1019 : vector<16xf32>
      %add3A_1055 = arith.constant 32 : i32
      %add3A_1056 = arith.addi %mul3A_1039, %add3A_1055 : i32
      %swap3A_1057 = arith.index_cast %add3A_1056 : i32 to index
      %swap3A_1058 = tpu.vector_load %arg9[%swap3A_1057] {strides = array<i32>} : memref<32768xf32, #tpu.memory_space<vmem>>, vector<16xf32>,
      %swap3A_1059 = vector.shape_cast %swap3A_1058 : vector<16xf32> to vector<16xf32>
      %swap3A_1060 = vector.shape_cast %mul3A_1054 : vector<16xf32> to vector<16xf32>
      tpu.vector_store %arg9[%swap3A_1057], %swap3A_1060 {strides = array<i32>} : memref<32768xf32, #tpu.memory_space<vmem>>, vector<16xf32>,
      %mul3A_1061 = arith.mulf %scan3A_1032#3, %div3A_1019 : vector<16xf32>
      %add3A_1062 = arith.constant 48 : i32
      %add3A_1063 = arith.addi %mul3A_1039, %add3A_1062 : i32
      %swap3A_1064 = arith.index_cast %add3A_1063 : i32 to index
      %swap3A_1065 = tpu.vector_load %arg9[%swap3A_1064] {strides = array<i32>} : memref<32768xf32, #tpu.memory_space<vmem>>, vector<16xf32>,
      %swap3A_1066 = vector.shape_cast %swap3A_1065 : vector<16xf32> to vector<16xf32>
      %swap3A_1067 = vector.shape_cast %mul3A_1061 : vector<16xf32> to vector<16xf32>
      tpu.vector_store %arg9[%swap3A_1064], %swap3A_1067 {strides = array<i32>} : memref<32768xf32, #tpu.memory_space<vmem>>, vector<16xf32>,
      %slice3A_1068 = vector.extract_strided_slice %get3A_682 {offsets = [7], sizes = [1], strides = [1]} : vector<16xi32> to vector<1xi32>
      %squeeze3A_1069 = vector.extract %slice3A_1068[0] : i32 from vector<1xi32>
      %broadcast_in_dim3A_1070 = vector.broadcast %squeeze3A_1069 : i32 to vector<16xi32>
      %convert_element_type3A_1071 = arith.sitofp %broadcast_in_dim3A_1070 : vector<16xi32> to vector<16xf32>
      %div3A_1072 = arith.constant 1.000000e+00 : f32
      %div3A_1073 = vector.broadcast %div3A_1072 : f32 to vector<16xf32>
      %div3A_1074 = arith.divf %div3A_1073, %convert_element_type3A_1071 : vector<16xf32>
      %broadcast_in_dim3A_1075 = arith.constant 0.000000e+00 : f32
      %broadcast_in_dim3A_1076 = vector.broadcast %broadcast_in_dim3A_1075 : f32 to vector<16xf32>
      %broadcast_in_dim3A_1077 = arith.constant 0.000000e+00 : f32
      %broadcast_in_dim3A_1078 = vector.broadcast %broadcast_in_dim3A_1077 : f32 to vector<16xf32>
      %broadcast_in_dim3A_1079 = arith.constant 0.000000e+00 : f32
      %broadcast_in_dim3A_1080 = vector.broadcast %broadcast_in_dim3A_1079 : f32 to vector<16xf32>
      %broadcast_in_dim3A_1081 = arith.constant 0.000000e+00 : f32
      %broadcast_in_dim3A_1082 = vector.broadcast %broadcast_in_dim3A_1081 : f32 to vector<16xf32>
      %scan3A_1083 = arith.constant 0 : i32
      %scan3A_1084 = arith.constant 50 : i32
      %scan3A_1085 = arith.addi %scan3A_1083, %scan3A_1084 : i32
      %scan3A_1086 = arith.constant 2 : i32
      %scan3A_1087:4 = scf.for %scan3A_1123 = %scan3A_1083 to %scan3A_1085 step %scan3A_1086 iter_args(%scan3A_1124 = %broadcast_in_dim3A_1076, %scan3A_1125 = %broadcast_in_dim3A_1078, %scan3A_1126 = %broadcast_in_dim3A_1080, %scan3A_1127 = %broadcast_in_dim3A_1082) -> (vector<16xf32>, vector<16xf32>, vector<16xf32>, vector<16xf32>)  : i32 {
        %broadcast_in_dim3A_1128 = vector.broadcast %scan3A_1123 : i32 to vector<16xi32>
        %lt3A_1129 = arith.cmpi slt, %broadcast_in_dim3A_1128, %broadcast_in_dim3A_1070 : vector<16xi32>
        %jit3A = arith.constant 1.000000e+00 : f32
        %jit3A_1130 = arith.constant 0.000000e+00 : f32
        %broadcast_in_dim3A_1131 = vector.broadcast %jit3A : f32 to vector<16xf32>
        %broadcast_in_dim3A_1132 = vector.broadcast %jit3A_1130 : f32 to vector<16xf32>
        %select_n3A = arith.select %lt3A_1129, %broadcast_in_dim3A_1131, %broadcast_in_dim3A_1132 : vector<16xi1>, vector<16xf32>
        %add3A_1133 = arith.constant 350 : i32
        %add3A_1134 = arith.addi %add3A_1133, %scan3A_1123 : i32
        %get3A_1135 = arith.constant 1 : i32
        %get3A_1136 = arith.index_cast %get3A_1135 : i32 to index
        %get3A_1137 = arith.index_cast %add3A_1134 : i32 to index
        %get3A_1138 = arith.constant 0 : index
        %get3A_1139 = tpu.vector_load %arg7[%get3A_1136, %get3A_1137, %get3A_1138] {strides = array<i32>} : memref<2x400x64xf32, #tpu.memory_space<vmem>>, vector<1x1x16xf32>,
        %get3A_1140 = vector.shape_cast %get3A_1139 : vector<1x1x16xf32> to vector<16xf32>
        %mul3A_1141 = arith.mulf %get3A_1140, %select_n3A : vector<16xf32>
        %add3A_1142 = arith.addf %scan3A_1124, %mul3A_1141 : vector<16xf32>
        %add3A_1143 = arith.constant 350 : i32
        %add3A_1144 = arith.addi %add3A_1143, %scan3A_1123 : i32
        %get3A_1145 = arith.constant 1 : i32
        %get3A_1146 = arith.index_cast %get3A_1145 : i32 to index
        %get3A_1147 = arith.index_cast %add3A_1144 : i32 to index
        %get3A_1148 = arith.constant 16 : index
        %get3A_1149 = tpu.vector_load %arg7[%get3A_1146, %get3A_1147, %get3A_1148] {strides = array<i32>} : memref<2x400x64xf32, #tpu.memory_space<vmem>>, vector<1x1x16xf32>,
        %get3A_1150 = vector.shape_cast %get3A_1149 : vector<1x1x16xf32> to vector<16xf32>
        %mul3A_1151 = arith.mulf %get3A_1150, %select_n3A : vector<16xf32>
        %add3A_1152 = arith.addf %scan3A_1125, %mul3A_1151 : vector<16xf32>
        %add3A_1153 = arith.constant 350 : i32
        %add3A_1154 = arith.addi %add3A_1153, %scan3A_1123 : i32
        %get3A_1155 = arith.constant 1 : i32
        %get3A_1156 = arith.index_cast %get3A_1155 : i32 to index
        %get3A_1157 = arith.index_cast %add3A_1154 : i32 to index
        %get3A_1158 = arith.constant 32 : index
        %get3A_1159 = tpu.vector_load %arg7[%get3A_1156, %get3A_1157, %get3A_1158] {strides = array<i32>} : memref<2x400x64xf32, #tpu.memory_space<vmem>>, vector<1x1x16xf32>,
        %get3A_1160 = vector.shape_cast %get3A_1159 : vector<1x1x16xf32> to vector<16xf32>
        %mul3A_1161 = arith.mulf %get3A_1160, %select_n3A : vector<16xf32>
        %add3A_1162 = arith.addf %scan3A_1126, %mul3A_1161 : vector<16xf32>
        %add3A_1163 = arith.constant 350 : i32
        %add3A_1164 = arith.addi %add3A_1163, %scan3A_1123 : i32
        %get3A_1165 = arith.constant 1 : i32
        %get3A_1166 = arith.index_cast %get3A_1165 : i32 to index
        %get3A_1167 = arith.index_cast %add3A_1164 : i32 to index
        %get3A_1168 = arith.constant 48 : index
        %get3A_1169 = tpu.vector_load %arg7[%get3A_1166, %get3A_1167, %get3A_1168] {strides = array<i32>} : memref<2x400x64xf32, #tpu.memory_space<vmem>>, vector<1x1x16xf32>,
        %get3A_1170 = vector.shape_cast %get3A_1169 : vector<1x1x16xf32> to vector<16xf32>
        %mul3A_1171 = arith.mulf %get3A_1170, %select_n3A : vector<16xf32>
        %add3A_1172 = arith.addf %scan3A_1127, %mul3A_1171 : vector<16xf32>
        %scan3A_1173 = arith.constant 1 : i32
        %scan3A_1174 = arith.addi %scan3A_1123, %scan3A_1173 : i32
        %broadcast_in_dim3A_1175 = vector.broadcast %scan3A_1174 : i32 to vector<16xi32>
        %lt3A_1176 = arith.cmpi slt, %broadcast_in_dim3A_1175, %broadcast_in_dim3A_1070 : vector<16xi32>
        %jit3A_1177 = arith.constant 1.000000e+00 : f32
        %jit3A_1178 = arith.constant 0.000000e+00 : f32
        %broadcast_in_dim3A_1179 = vector.broadcast %jit3A_1177 : f32 to vector<16xf32>
        %broadcast_in_dim3A_1180 = vector.broadcast %jit3A_1178 : f32 to vector<16xf32>
        %select_n3A_1181 = arith.select %lt3A_1176, %broadcast_in_dim3A_1179, %broadcast_in_dim3A_1180 : vector<16xi1>, vector<16xf32>
        %add3A_1182 = arith.constant 350 : i32
        %add3A_1183 = arith.addi %add3A_1182, %scan3A_1174 : i32
        %get3A_1184 = arith.constant 1 : i32
        %get3A_1185 = arith.index_cast %get3A_1184 : i32 to index
        %get3A_1186 = arith.index_cast %add3A_1183 : i32 to index
        %get3A_1187 = arith.constant 0 : index
        %get3A_1188 = tpu.vector_load %arg7[%get3A_1185, %get3A_1186, %get3A_1187] {strides = array<i32>} : memref<2x400x64xf32, #tpu.memory_space<vmem>>, vector<1x1x16xf32>,
        %get3A_1189 = vector.shape_cast %get3A_1188 : vector<1x1x16xf32> to vector<16xf32>
        %mul3A_1190 = arith.mulf %get3A_1189, %select_n3A_1181 : vector<16xf32>
        %add3A_1191 = arith.addf %add3A_1142, %mul3A_1190 : vector<16xf32>
        %add3A_1192 = arith.constant 350 : i32
        %add3A_1193 = arith.addi %add3A_1192, %scan3A_1174 : i32
        %get3A_1194 = arith.constant 1 : i32
        %get3A_1195 = arith.index_cast %get3A_1194 : i32 to index
        %get3A_1196 = arith.index_cast %add3A_1193 : i32 to index
        %get3A_1197 = arith.constant 16 : index
        %get3A_1198 = tpu.vector_load %arg7[%get3A_1195, %get3A_1196, %get3A_1197] {strides = array<i32>} : memref<2x400x64xf32, #tpu.memory_space<vmem>>, vector<1x1x16xf32>,
        %get3A_1199 = vector.shape_cast %get3A_1198 : vector<1x1x16xf32> to vector<16xf32>
        %mul3A_1200 = arith.mulf %get3A_1199, %select_n3A_1181 : vector<16xf32>
        %add3A_1201 = arith.addf %add3A_1152, %mul3A_1200 : vector<16xf32>
        %add3A_1202 = arith.constant 350 : i32
        %add3A_1203 = arith.addi %add3A_1202, %scan3A_1174 : i32
        %get3A_1204 = arith.constant 1 : i32
        %get3A_1205 = arith.index_cast %get3A_1204 : i32 to index
        %get3A_1206 = arith.index_cast %add3A_1203 : i32 to index
        %get3A_1207 = arith.constant 32 : index
        %get3A_1208 = tpu.vector_load %arg7[%get3A_1205, %get3A_1206, %get3A_1207] {strides = array<i32>} : memref<2x400x64xf32, #tpu.memory_space<vmem>>, vector<1x1x16xf32>,
        %get3A_1209 = vector.shape_cast %get3A_1208 : vector<1x1x16xf32> to vector<16xf32>
        %mul3A_1210 = arith.mulf %get3A_1209, %select_n3A_1181 : vector<16xf32>
        %add3A_1211 = arith.addf %add3A_1162, %mul3A_1210 : vector<16xf32>
        %add3A_1212 = arith.constant 350 : i32
        %add3A_1213 = arith.addi %add3A_1212, %scan3A_1174 : i32
        %get3A_1214 = arith.constant 1 : i32
        %get3A_1215 = arith.index_cast %get3A_1214 : i32 to index
        %get3A_1216 = arith.index_cast %add3A_1213 : i32 to index
        %get3A_1217 = arith.constant 48 : index
        %get3A_1218 = tpu.vector_load %arg7[%get3A_1215, %get3A_1216, %get3A_1217] {strides = array<i32>} : memref<2x400x64xf32, #tpu.memory_space<vmem>>, vector<1x1x16xf32>,
        %get3A_1219 = vector.shape_cast %get3A_1218 : vector<1x1x16xf32> to vector<16xf32>
        %mul3A_1220 = arith.mulf %get3A_1219, %select_n3A_1181 : vector<16xf32>
        %add3A_1221 = arith.addf %add3A_1172, %mul3A_1220 : vector<16xf32>
        scf.yield %add3A_1191, %add3A_1201, %add3A_1211, %add3A_1221 : vector<16xf32>, vector<16xf32>, vector<16xf32>, vector<16xf32>
      }
      %scan3A_1088 = arith.constant 50 : i32
      %mul3A_1089 = arith.constant 8 : i32
      %mul3A_1090 = arith.muli %add3A_595, %mul3A_1089 : i32
      %add3A_1091 = arith.constant 7 : i32
      %add3A_1092 = arith.addi %mul3A_1090, %add3A_1091 : i32
      %mul3A_1093 = arith.constant 64 : i32
      %mul3A_1094 = arith.muli %add3A_1092, %mul3A_1093 : i32
      %mul3A_1095 = arith.mulf %scan3A_1087#0, %div3A_1074 : vector<16xf32>
      %add3A_1096 = arith.constant 0 : i32
      %add3A_1097 = arith.addi %mul3A_1094, %add3A_1096 : i32
      %swap3A_1098 = arith.index_cast %add3A_1097 : i32 to index
      %swap3A_1099 = tpu.vector_load %arg9[%swap3A_1098] {strides = array<i32>} : memref<32768xf32, #tpu.memory_space<vmem>>, vector<16xf32>,
      %swap3A_1100 = vector.shape_cast %swap3A_1099 : vector<16xf32> to vector<16xf32>
      %swap3A_1101 = vector.shape_cast %mul3A_1095 : vector<16xf32> to vector<16xf32>
      tpu.vector_store %arg9[%swap3A_1098], %swap3A_1101 {strides = array<i32>} : memref<32768xf32, #tpu.memory_space<vmem>>, vector<16xf32>,
      %mul3A_1102 = arith.mulf %scan3A_1087#1, %div3A_1074 : vector<16xf32>
      %add3A_1103 = arith.constant 16 : i32
      %add3A_1104 = arith.addi %mul3A_1094, %add3A_1103 : i32
      %swap3A_1105 = arith.index_cast %add3A_1104 : i32 to index
      %swap3A_1106 = tpu.vector_load %arg9[%swap3A_1105] {strides = array<i32>} : memref<32768xf32, #tpu.memory_space<vmem>>, vector<16xf32>,
      %swap3A_1107 = vector.shape_cast %swap3A_1106 : vector<16xf32> to vector<16xf32>
      %swap3A_1108 = vector.shape_cast %mul3A_1102 : vector<16xf32> to vector<16xf32>
      tpu.vector_store %arg9[%swap3A_1105], %swap3A_1108 {strides = array<i32>} : memref<32768xf32, #tpu.memory_space<vmem>>, vector<16xf32>,
      %mul3A_1109 = arith.mulf %scan3A_1087#2, %div3A_1074 : vector<16xf32>
      %add3A_1110 = arith.constant 32 : i32
      %add3A_1111 = arith.addi %mul3A_1094, %add3A_1110 : i32
      %swap3A_1112 = arith.index_cast %add3A_1111 : i32 to index
      %swap3A_1113 = tpu.vector_load %arg9[%swap3A_1112] {strides = array<i32>} : memref<32768xf32, #tpu.memory_space<vmem>>, vector<16xf32>,
      %swap3A_1114 = vector.shape_cast %swap3A_1113 : vector<16xf32> to vector<16xf32>
      %swap3A_1115 = vector.shape_cast %mul3A_1109 : vector<16xf32> to vector<16xf32>
      tpu.vector_store %arg9[%swap3A_1112], %swap3A_1115 {strides = array<i32>} : memref<32768xf32, #tpu.memory_space<vmem>>, vector<16xf32>,
      %mul3A_1116 = arith.mulf %scan3A_1087#3, %div3A_1074 : vector<16xf32>
      %add3A_1117 = arith.constant 48 : i32
      %add3A_1118 = arith.addi %mul3A_1094, %add3A_1117 : i32
      %swap3A_1119 = arith.index_cast %add3A_1118 : i32 to index
      %swap3A_1120 = tpu.vector_load %arg9[%swap3A_1119] {strides = array<i32>} : memref<32768xf32, #tpu.memory_space<vmem>>, vector<16xf32>,
      %swap3A_1121 = vector.shape_cast %swap3A_1120 : vector<16xf32> to vector<16xf32>
      %swap3A_1122 = vector.shape_cast %mul3A_1116 : vector<16xf32> to vector<16xf32>
      tpu.vector_store %arg9[%swap3A_1119], %swap3A_1122 {strides = array<i32>} : memref<32768xf32, #tpu.memory_space<vmem>>, vector<16xf32>,
    }
    %scan3A_67 = arith.constant 32 : i32
    %mul3A_68 = arith.constant 64 : i32
    %mul3A_69 = arith.muli %mul3A_2, %mul3A_68 : i32
    "tpu.region"() ({
      %run_scoped3A = tpu.sem_alloc : memref<!tpu.dma_semaphore, #tpu.memory_space<semaphore_mem>>
      %dma_start3A_70 = tpu.memref_slice %arg5[%mul3A_69] : memref<1048576xf32, #tpu.memory_space<hbm>> -> memref<32768xf32, #tpu.memory_space<hbm>>
      %dma_start3A_71 = tpu.memref_slice %arg5[%mul3A_69] : memref<1048576xf32, #tpu.memory_space<hbm>> -> memref<32768xf32, #tpu.memory_space<hbm>>
      tpu.enqueue_dma source(%arg9 : memref<32768xf32, #tpu.memory_space<vmem>>) target(%dma_start3A_71 : memref<32768xf32, #tpu.memory_space<hbm>>) target_semaphore(%run_scoped3A : memref<!tpu.dma_semaphore, #tpu.memory_space<semaphore_mem>>)
      %dma_wait3A = tpu.memref_slice %arg5[%mul3A_69] : memref<1048576xf32, #tpu.memory_space<hbm>> -> memref<32768xf32, #tpu.memory_space<hbm>>
      %dma_wait3A_72 = tpu.memref_slice %arg5[%mul3A_69] : memref<1048576xf32, #tpu.memory_space<hbm>> -> memref<32768xf32, #tpu.memory_space<hbm>>
      tpu.wait_dma2 semaphore(%run_scoped3A : memref<!tpu.dma_semaphore, #tpu.memory_space<semaphore_mem>>) src(%arg9 : memref<32768xf32, #tpu.memory_space<vmem>>) dst(%dma_wait3A_72 : memref<32768xf32, #tpu.memory_space<hbm>>)
      tpu.yield
    }) : () -> ()
    return
  }
}

</mosaic_0001>

<sc_bundles>
// kernel: kernel.3.cloned.1.call-start
scs
__scs_entry_jumppad:
0x0: {  	(pc) =	sbr.rel $0x88, $3  }
0x1: {  	(tag) =	ssettag $0x0;
	lr =	simm.s32 $0x1  }
0x2: {  	[smem:$0x3F9E] =	sst lr;
	_ =	strace $0xD0000000  }
0x3: {  	_ = 	snop  }
0x4: {  	_ = 	snop  }
0x5: {  	_ = 	snop  }
0x6: {  	_ = 	snop  }
0x7: {  	_ = 	snop  }
__scs_overlays_trampoline_lowered:
0x8: {  	[smem:$0x3FAD] =	sst s0  }
0x9: {  	[smem:$0x3FAE] =	sst s1  }
0xa: {  	[smem:$0x3FAF] =	sst s2  }
0xb: {  	[smem:$0x3FB0] =	sst s3  }
0xc: {  	[smem:$0x3FB1] =	sst s4  }
0xd: {  	[smem:$0x3FB2] =	sst s5  }
0xe: {  	[smem:$0x3FB3] =	sst s6  }
0xf: {  	[smem:$0x3FB4] =	sst s7  }
0x10: {  	[smem:$0x3FB5] =	sst s8  }
0x11: {  	[smem:$0x3FB6] =	sst s9;
	s0 =	simm.s32 @!p0 $0x0  }
0x12: {  	s1 =	sld [smem:$0x3F9C];
	s0 =	simm.s32 @p0 $0x1  }
0x13: {  	[smem:$0x3FB7] =	sst s0;
	s0 =	simm.s32 @!p1 $0x0  }
0x14: {  	s2 =	sld [smem:$0x3F9B];
	s0 =	simm.s32 @p1 $0x1  }
0x15: {  	[smem:$0x3FB8] =	sst s0;
	s0 =	simm.s32 @!p2 $0x0  }
0x16: {  	s3 =	sld [smem:$0x3FDB];
	s0 =	simm.s32 @p2 $0x1  }
0x17: {  	s4 =	simm.s32 $0x1BF5;
	[smem:$0x3FBA] =	sst s0  }
0x18: {  	s0 =	sld [smem:$0x3F9D];
	_ =	swait.ge [sflag:s4], $0x0  }
0x19: {  	s7 =	sld [smem:$0x3F9E]  }
0x1a: {  	s8 =	sadd.s32 $0xFFFFE003, lr  }
0x1b: {  	s9 =	sadd.s32 $0xFFFFFEF7, lr;
	s5 =	simm.s32 $0xFFFFFFFF;
	p2 =	slt.u32 s8, $0xFFFFF086  }
0x1c: {  	p1 =	slt.u32 s9, $0xF7A;
	s5 =	simm.s32 @!p2 $0x0  }
0x1d: {  	s5 =	simm.s32 @p1 $0x1;
	p0 =	seq.s32 s7, s2  }
0x1e: {  	s7 =	smul.u32 @!p0 $0xF7A, s2;
	p2 =	seq.s32 @!p0 s5, $0x0  }
0x1f: {  	s9 =	smul.u32 $0xF7A, s1;
	s8 =	simm.s32 @!p0 $0x1BF5;
	p2 =	por !p2, p0  }
0x20: {  	[sflag:s8] =	ssyncset.s32 @!p0 $0xFFFFF086;
	s6 =	sadd.s32 @!p0 s3, s7;
	s7 =	simm.s32 @!p0 $0x108  }
0x21: {  	s3 =	sadd.s32 s3, s9;
	s6 =	sadd.s32 @!p0 $0x88, s6;
	s7 =	simm.s32 @p2 $0x1082  }
0x22: {  	[simem:s7], [sflag:s8] =	dma.local @!p0 [hbm:s6], $0xF7A  }
0x23: {  	s9 =	sor.u32 $0xD0000000, s2;
	s6 =	simm.s32 $0x108;
	_ =	swait.ge @!p0 [sflag:s8], $0x0  }
0x24: {  	s3 =	sadd.s32 $0x88, s3;
	s6 =	simm.s32 @!p1 $0x1082;
	[sflag:s4] =	ssyncset.s32 $0xFFFFF086  }
0x25: {  	[simem:s6], [sflag:s4] =	dma.local [hbm:s3], $0xF7A  }
0x26: {  	[smem:$0x3F9E] =	sst s1;
	(tag) =	ssettag s2;
	_ =	strace s9  }
0x27: {  	s1 =	sld [smem:$0x3FAE]  }
0x28: {  	s2 =	sld [smem:$0x3FAF]  }
0x29: {  	s4 =	sld [smem:$0x3FB1]  }
0x2a: {  	p0 =	seq.s32 s5, $0x0;
	s5 =	sld [smem:$0x3FB2]  }
0x2b: {  	s6 =	sld [smem:$0x3FB3]  }
0x2c: {  	s7 =	sld [smem:$0x3FB4]  }
0x2d: {  	s3 =	simm.s32 $0x108;
	s8 =	sld [smem:$0x3FB5]  }
0x2e: {  	s3 =	simm.s32 @!p0 $0x1082;
	s9 =	sld [smem:$0x3FB6]  }
0x2f: {  	lr =	sadd.s32 s0, s3;
	s0 =	sld [smem:$0x3FAD]  }
0x30: {  	s3 =	sld [smem:$0x3FB0]  }
0x31: {  	[smem:$0x3FB9] =	sst s10  }
0x32: {  	s10 =	sld [smem:$0x3FB7];
	_ =	sdelay $0x3  }
0x33: {  	p0 =	seq.s32 s10, $0x1;
	s10 =	sld [smem:$0x3FB9];
	_ =	sdelay $0x3  }
0x34: {  	[smem:$0x3FB9] =	sst s10  }
0x35: {  	s10 =	sld [smem:$0x3FB8];
	_ =	sdelay $0x3  }
0x36: {  	p1 =	seq.s32 s10, $0x1;
	s10 =	sld [smem:$0x3FB9];
	_ =	sdelay $0x3  }
0x37: {  	[smem:$0x3FB9] =	sst s10  }
0x38: {  	s10 =	sld [smem:$0x3FBA]  }
0x39: {  	_ = 	snop;
	(pc) =	sbr.ind lr, $3  }
0x3a: {  	_ = 	snop  }
0x3b: {  	_ = 	snop  }
0x3c: {  	p2 =	seq.s32 s10, $0x1;
	s10 =	sld [smem:$0x3FB9]  }
0x3d: {  	_ =	shalt  }
0x3e: {  	_ =	shalt  }
0x3f: {  	_ =	shalt  }
0x40: {  	_ =	shalt  }
0x41: {  	_ =	shalt  }
0x42: {  	_ =	shalt  }
0x43: {  	_ =	shalt  }
0x44: {  	_ =	shalt  }
0x45: {  	_ =	shalt  }
0x46: {  	_ =	shalt  }
0x47: {  	_ =	shalt  }
0x48: {  	_ =	shalt  }
0x49: {  	_ =	shalt  }
0x4a: {  	_ =	shalt  }
0x4b: {  	_ =	shalt  }
0x4c: {  	_ =	shalt  }
0x4d: {  	_ =	shalt  }
0x4e: {  	_ =	shalt  }
0x4f: {  	_ =	shalt  }
0x50: {  	_ =	shalt  }
0x51: {  	_ =	shalt  }
0x52: {  	_ =	shalt  }
0x53: {  	_ =	shalt  }
0x54: {  	_ =	shalt  }
0x55: {  	_ =	shalt  }
0x56: {  	_ =	shalt  }
0x57: {  	_ =	shalt  }
0x58: {  	_ =	shalt  }
0x59: {  	_ =	shalt  }
0x5a: {  	_ =	shalt  }
0x5b: {  	_ =	shalt  }
0x5c: {  	_ =	shalt  }
0x5d: {  	_ =	shalt  }
0x5e: {  	_ =	shalt  }
0x5f: {  	_ =	shalt  }
0x60: {  	_ =	shalt  }
0x61: {  	_ =	shalt  }
0x62: {  	_ =	shalt  }
0x63: {  	_ =	shalt  }
0x64: {  	_ =	shalt  }
0x65: {  	_ =	shalt  }
0x66: {  	_ =	shalt  }
0x67: {  	_ =	shalt  }
0x68: {  	_ =	shalt  }
0x69: {  	_ =	shalt  }
0x6a: {  	_ =	shalt  }
0x6b: {  	_ =	shalt  }
0x6c: {  	_ =	shalt  }
0x6d: {  	_ =	shalt  }
0x6e: {  	_ =	shalt  }
0x6f: {  	_ =	shalt  }
0x70: {  	_ =	shalt  }
0x71: {  	_ =	shalt  }
0x72: {  	_ =	shalt  }
0x73: {  	_ =	shalt  }
0x74: {  	_ =	shalt  }
0x75: {  	_ =	shalt  }
0x76: {  	_ =	shalt  }
0x77: {  	_ =	shalt  }
0x78: {  	_ =	shalt  }
0x79: {  	_ =	shalt  }
0x7a: {  	_ =	shalt  }
0x7b: {  	_ =	shalt  }
0x7c: {  	_ =	shalt  }
0x7d: {  	_ =	shalt  }
0x7e: {  	_ =	shalt  }
0x7f: {  	_ =	shalt  }
0x80: {  	_ =	shalt  }
0x81: {  	_ =	shalt  }
0x82: {  	_ =	shalt  }
0x83: {  	_ =	shalt  }
0x84: {  	_ =	shalt  }
0x85: {  	_ =	shalt  }
0x86: {  	_ =	shalt  }
0x87: {  	_ =	shalt  }
.Lfunc_end0:
.L_simem_size_0:
called_computation_lowered:
.L_overlay_start_0:
0x88: {  	s2 =	sld [smem:$0x3FD9]  }
0x89: {  	s3 =	sld [smem:$0x3FFE];
	_ =	sdelay $0x1  }
0x8a: {  	s1 =	srdreg.scid  }
0x8b: {  	s0 =	sand.u32 $0x1, s1  }
0x8c: {  	s17 =	sshll.u32 s0, $0xA;
	s2 =	sadd.s32 s3, s2  }
0x8d: {  	s2 =	sadd.s32 s2, s17  }
0x8e: {  	[smem:$0x3FC5] =	sst s2  }
0x8f: {  	_ = 	snop  }
0x90: {  	s2 =	sld [smem:$0x3FC8]  }
0x91: {  	s18 =	sld [smem:$0x3FD0];
	(tm) =	ssettm $0x1  }
0x92: {  	s4 =	sld [smem:$0x3FFB];
	_ =	sdelay $0x3  }
0x93: {  	_ =	strace s4  }
0x94: {  	s4 =	sld [smem:$0x3FFC];
	_ =	sdelay $0x3  }
0x95: {  	_ =	strace s4  }
0x96: {  	s4 =	sld [smem:$0x3FFD];
	_ =	sdelay $0x3  }
0x97: {  	_ =	strace s4  }
0x98: {  	_ =	strace $0x8FFFFFFF  }
0x99: {  	s19 =	sld [smem:$0x3FDB];
	_ =	sdelay $0x1  }
0x9a: {  	s5 =	simm.s32 $_scs_section_size  }
0x9b: {  	s6 =	simm.s32 $_size__tile_overlayer_lowered;
	s7 =	simm.s32 $_tile_overlayer_lowered  }
0x9c: {  	s22 =	simm.s32 $0x1BFF;
	s21 =	sshll.u32 s7, $0x1;
	s4 =	sadd.s32 s5, s19  }
0x9d: {  	s8 =	simm.s32 $0x0;
	s20 =	sshll.u32 s6, $0x1;
	s6 =	sadd.s32 s21, s4  }
0x9e: {  	[timem:s8], [sflag:s22] =	dma.local [hbm:s6], s20  }
0x9f: {  	_ =	swait.ge [sflag:s22], s20  }
0xa0: {  	s5 =	ssub.s32 $0x0, s20;
	[sflag:s22] =	ssyncset.done $0x0  }
0xa1: {  	[sflag:s22] =	ssyncadd.s32 s5;
	_ =	sdelay $0x1  }
0xa2: {  	s23 =	simm.s32 $0x1B8B  }
0xa3: {  	_ =	swait.ge [sflag:s23], $0x1  }
0xa4: {  	[sflag:s23] =	ssyncset.done $0x0  }
0xa5: {  	s25 =	simm.s32 $0x1B8E;
	s24 =	sld [smem:$0x3FFE];
	[sflag:s23] =	ssyncadd.s32 $0xFFFFFFFF  }
0xa6: {  	s26 =	simm.s32 $execute0_lowered;
	[smem:$0x3FD2] =	sst s25  }
0xa7: {  	s6 =	sshll.u32 s26, $0x1;
	_ =	strace $0x80000046;
	[dreg:$0x1] =	wrdreg $0xFFFFFFFF  }
0xa8: {  	s28 =	simm.s32 $_size_execute0_lowered;
	s4 =	sadd.s32 s4, s6;
	[dreg:$0x0] =	wrdreg $0x0  }
0xa9: {  	s6 =	sshll.u32 s28, $0x1;
	[dreg:$0x2] =	wrdreg s4  }
0xaa: {  	[dreg:$0x3] =	wrdreg s6  }
0xab: {  	[dreg:$0x4] =	wrdreg $0xC0  }
0xac: {  	_ =	task [dreg:s8], $0x5FFFF  }
0xad: {  	[dreg:$0x1] =	wrdreg $0xFFFFFFFF  }
0xae: {  	[dreg:$0x0] =	wrdreg $0x60  }
0xaf: {  	[dreg:$0x2] =	wrdreg s24  }
0xb0: {  	[dreg:$0x3] =	wrdreg s2  }
0xb1: {  	[dreg:$0x4] =	wrdreg s18  }
0xb2: {  	[dreg:$0x5] =	wrdreg $0x9  }
0xb3: {  	_ =	task.clear_ibuf [dreg:s8], $0x6FFFF;
	_ =	strace $0x90000046  }
0xb4: {  	s29 =	simm.s32 $0x9;
	_ =	strace $0x80000048  }
0xb5: {  	_ =	swait.ge [sflag:s29], $0x1  }
0xb6: {  	[sflag:s29] =	ssyncadd.s32 $0xFFFFFFFF  }
0xb7: {  	_ =	strace $0x90000048  }
0xb8: {  	_ =	sfence  }
0xb9: {  	s30 =	sld [smem:$0x0];
	_ =	sdelay $0x2  }
0xba: {  	s31 =	sshll.u32 s1, $0xD;
	s1 =	sshrl.u32 s1, $0x2  }
0xbb: {  	s3 =	sand.u32 $0x4000, s31;
	s1 =	sadd.s32 s1, s30  }
0xbc: {  	s0 =	sor.u32 s3, s0;
	s1 =	sshll.u32 s1, $0x11  }
0xbd: {  	s0 =	sor.u32 s1, s0  }
0xbe: {  	s0 =	sadd.s32 $0x8F2B, s0  }
0xbf: {  	[sflag:s0] =	ssyncadd.remote.s32 $0x1  }
0xc0: {  	_ =	sfence.sel $0xFFFF  }
0xc1: {  	[dreg:$0x0] =	wrdreg $0xFFFFFFFF;
	(pc) =	sbr.abs _section_cstart, $3  }
0xc2: {  	[dreg:$0x1] =	wrdreg $0xFFFFFFFF  }
0xc3: {  	_ =	task.clear_ibuf [dreg:s8], $0x2FFFF;
	_ =	strace $0x9FFFFFFF  }
0xc4: {  	(tm) =	ssettm $0x7FFFFFFF  }
0xc5: {  	_ =	shalt  }
tec
execute0_lowered:
.L_overlay_start_1:
0x0: {  	(tag) =	ssettag $0x1  }
0x1: {  	s0 =	rddreg [dreg:$0x0]  }
0x2: {  	s1 =	rddreg [dreg:$0x1];
	s2 =	srdreg.scid  }
0x3: {  	s4 =	stileid.u32;
	s6 =	rddreg [dreg:$0x2];
	s9 =	simm.s32 $0x3  }
0x4: {  	s10 =	simm.s32 $0x50;
	s11 =	simm.s32 $0x6400;
	s12 =	simm.s32 $0x7800  }
0x5: {  	s13 =	simm.s32 $0xA0;
	s14 =	simm.s32 $0x8C00;
	s15 =	simm.s32 $0xF0  }
0x6: {  	s16 =	simm.s32 $0xA000;
	s17 =	simm.s32 $0x140;
	s18 =	simm.s32 $0xB400  }
0x7: {  	s19 =	simm.s32 $0xC800;
	s20 =	simm.s32 $0xDC00;
	s21 =	simm.s32 $0xF000  }
0x8: {  	s22 =	simm.s32 $0x10400;
	s23 =	simm.s32 $0x11800;
	s24 =	simm.s32 $0x1  }
0x9: {  	s25 =	simm.s32 $0x2;
	s3 =	sand.u32 $0x1, s2;
	s4 =	sshll.u32 s4, $0x1  }
0xa: {  	s26 =	simm.s32 $0x12E08;
	s2 =	simm.s32 $0x0;
	s4 =	sor.u32 s3, s4  }
0xb: {  	[smem:$0x7FF] =	sst s2;
	s7 =	ssub.s32 $0x2, s3;
	s3 =	sadd.s32 $0xF42A00, s0  }
0xc: {  	s28 =	simm.s32 $0x0;
	s5 =	smul.u32 $0xC80, s4;
	_ =	strace $0x80000047  }
0xd: {  	s30 =	sshrl.u32 s7, $0x1;
	s31 =	sshll.u32 s4, $0x6;
	s8 =	sshll.u32 s4, $0xC  }
0xe: {  	s4 =	sadd.s32 s1, s31;
	s5 =	sadd.s32 s5, s0;
	s0 =	ssub.s32 s7, s30  }
0xf: {  	v0 =	vimm.s32 $0x0;
	v1 =	vimm.f32 $0.0e+00;
	s6 =	sadd.s32 s6, s8;
	s5 =	sadd.s32 $0x600, s5;
	s7 =	smax.u32 s0, $0x1  }
.LBB2_1:
0x10: {  	s0 =	simm.s32 $0x12C00  }
0x11: {  	[tilespmem:s0], [sflag:$0x3] =	stream.linear.gather [hbm4b:s4+s2], $0x200, $0x38;
	[tilespmem:$0x1AE08] =	vst v63  }
0x12: {  	_ =	swait.ge [sflag:s9], $0x200  }
0x13: {  	[sflag:s9] =	ssyncset.done $0x0  }
0x14: {  	[sflag:s9] =	ssyncadd.s32 $0xFFFFFE00  }
0x15: {  	[tilespmem:s2], [sflag:$0x3] =	stream.linear.gather [hbm4b:s5+s2], $0x6400, $0x38;
	[tilespmem:$0x1AE08] =	vst v63  }
0x16: {  	_ =	swait.ge [sflag:s9], $0x6400  }
0x17: {  	[sflag:s9] =	ssyncset.done $0x0  }
0x18: {  	[sflag:s9] =	ssyncadd.s32 $0xFFFF9C00  }
0x19: {  	[tilespmem:s11], [sflag:$0x1] =	stream.indirect.gather [hbm4b:s3+s10], $0x40, s2, s10, $0xb8;
	[tilespmem:$0x1AE08] =	vst v63  }
0x1a: {  	_ = 	snop  }
0x1b: {  	[tilespmem:s12], [sflag:$0x1] =	stream.indirect.gather [hbm4b:s3+s10], $0x40, s10, s10, $0xb8;
	[tilespmem:$0x1AE08] =	vst v63  }
0x1c: {  	_ = 	snop  }
0x1d: {  	[tilespmem:s14], [sflag:$0x1] =	stream.indirect.gather [hbm4b:s3+s10], $0x40, s13, s10, $0xb8;
	[tilespmem:$0x1AE08] =	vst v63  }
0x1e: {  	_ = 	snop  }
0x1f: {  	[tilespmem:s16], [sflag:$0x1] =	stream.indirect.gather [hbm4b:s3+s10], $0x40, s15, s10, $0xb8;
	[tilespmem:$0x1AE08] =	vst v63  }
0x20: {  	s29 =	simm.s32 $0x0  }
0x21: {  	[tilespmem:s18], [sflag:$0x1] =	stream.indirect.gather [hbm4b:s3+s10], $0x40, s17, s10, $0xb8;
	[tilespmem:$0x1AE08] =	vst v63  }
.LBB2_2:
0x22: {  	s30 =	sshllo.u32 s29, $0x1  }
0x23: {  	s0 =	smul.u32 $0x640, s30;
	_ =	sdelay $0x1  }
0x24: {  	s0 =	sshra.s32 s0, $0x2  }
0x25: {  	[tilespmem:s19], [sflag:$0x2] =	stream.indirect.gather [hbm4b:s3+s10], $0x40, s0, s10, $0xb8;
	[tilespmem:$0x1AE08] =	vst v63  }
0x26: {  	s1 =	sadd.s32 $0x50, s0  }
0x27: {  	[tilespmem:s20], [sflag:$0x2] =	stream.indirect.gather [hbm4b:s3+s10], $0x40, s1, s10, $0xb8;
	[tilespmem:$0x1AE08] =	vst v63  }
0x28: {  	s8 =	sadd.s32 $0xA0, s0  }
0x29: {  	[tilespmem:s21], [sflag:$0x2] =	stream.indirect.gather [hbm4b:s3+s10], $0x40, s8, s10, $0xb8;
	[tilespmem:$0x1AE08] =	vst v63  }
0x2a: {  	s8 =	sadd.s32 $0xF0, s0  }
0x2b: {  	[tilespmem:s22], [sflag:$0x2] =	stream.indirect.gather [hbm4b:s3+s10], $0x40, s8, s10, $0xb8;
	[tilespmem:$0x1AE08] =	vst v63  }
0x2c: {  	s0 =	sadd.s32 $0x140, s0  }
0x2d: {  	[tilespmem:s23], [sflag:$0x2] =	stream.indirect.gather [hbm4b:s3+s10], $0x40, s0, s10, $0xb8;
	[tilespmem:$0x1AE08] =	vst v63  }
0x2e: {  	_ =	swait.ge [sflag:s24], $0x1400  }
0x2f: {  	[sflag:s24] =	ssyncset.done $0x0  }
0x30: {  	[sflag:s24] =	ssyncadd.s32 $0xFFFFEC00  }
0x31: {  	_ =	swait.ge [sflag:s24], $0x1400  }
0x32: {  	[sflag:s24] =	ssyncset.done $0x0  }
0x33: {  	[sflag:s24] =	ssyncadd.s32 $0xFFFFEC00  }
0x34: {  	_ =	swait.ge [sflag:s24], $0x1400  }
0x35: {  	[sflag:s24] =	ssyncset.done $0x0  }
0x36: {  	[sflag:s24] =	ssyncadd.s32 $0xFFFFEC00  }
0x37: {  	_ =	swait.ge [sflag:s24], $0x1400  }
0x38: {  	[sflag:s24] =	ssyncset.done $0x0  }
0x39: {  	[sflag:s24] =	ssyncadd.s32 $0xFFFFEC00  }
0x3a: {  	_ =	swait.ge [sflag:s24], $0x1400  }
0x3b: {  	s1 =	sshll.u32 s29, $0x4;
	[sflag:s24] =	ssyncset.done $0x0  }
0x3c: {  	s0 =	sand.u32 $0x3FFFFFF0, s1;
	[sflag:s24] =	ssyncadd.s32 $0xFFFFEC00  }
0x3d: {  	v2 =	vld [tilespmem:s0+$0x12C00];
	_ =	sdelay $0x2  }
0x3e: {  	s8 =	simm.s32 $0x0;
	s1 =	simm.s32 $0x6440  }
0x3f: {  	v3 =	vmov s8;
	v4 =	vld [tilespmem:s1+$0x0]  }
0x40: {  	s8 =	simm.s32 $0x1;
	v7 =	vld [tilespmem:s1+$0xFFFFFFD0];
	vm0 =	vlt.s32 v3, v2  }
0x41: {  	v5 =	vmov s8;
	v8 =	vld [tilespmem:s1+$0xFFFFFFF0];
	v6 =	vsel vm0, $0x1, v0  }
0x42: {  	v3 =	vld [tilespmem:s1+$0xFFFFFFC0];
	vm0 =	vlt.s32 v5, v2;
	v5 =	vbroadcast v6, $0x0  }
0x43: {  	v9 =	vimm.f32 $0.0e+00;
	s8 =	simm.s32 $0x2;
	v6 =	vld [tilespmem:s1+$0xFFFFFFE0];
	v10 =	vsel vm0, $0x1, v0  }
0x44: {  	v11 =	vmov s8;
	s8 =	simm.s32 $0x3;
	v12 =	vld [tilespmem:s1+$0x10];
	v10 =	vbroadcast v10, $0x0;
	v5 =	vand.u32 $0x1, v5  }
0x45: {  	v15 =	vld [tilespmem:s1+$0x30];
	vm1 =	vlt.s32 v11, v2;
	v11 =	vmov s8;
	vm2 =	veq.s32 v5, $0x1  }
0x46: {  	vm0 =	vlt.s32 v11, v2;
	v5 =	vld [tilespmem:s1+$0x20];
	v10 =	vand.u32 $0x1, v10;
	v11 =	vsel vm2, $0x3F800000, v1  }
0x47: {  	vm2 =	veq.s32 v10, $0x1;
	v13 =	vmul.f32 v3, v11;
	v16 =	vmul.f32 v7, v11  }
0x48: {  	s31 =	simm.s32 $0x64C0;
	v17 =	vmul.f32 v6, v11;
	v18 =	vmul.f32 v8, v11;
	v19 =	vsel vm2, $0x3F800000, v1  }
0x49: {  	v10 =	vsel vm1, $0x1, v0;
	v3 =	vld [tilespmem:s31+$0x0];
	v7 =	vmul.f32 v4, v19;
	v6 =	vmul.f32 v12, v19  }
0x4a: {  	v4 =	vld [tilespmem:s31+$0xFFFFFFC0];
	v12 =	vmul.f32 v15, v19;
	v14 =	vadd.f32 v13, v9;
	v11 =	vadd.f32 v16, v9  }
0x4b: {  	s1 =	simm.s32 $0x4;
	v13 =	vadd.f32 v17, v9;
	v9 =	vadd.f32 v18, v9;
	v8 =	vmul.f32 v5, v19;
	v5 =	vld [tilespmem:s31+$0xFFFFFFD0]  }
.LBB2_3:
0x4c: {  	p0 =	slt.u32 s1, $0x30;
	v10 =	vbroadcast v10, $0x0;
	v15 =	vld [tilespmem:s31+$0xFFFFFFE0];
	v14 =	vadd.f32 v7, v14;
	v11 =	vadd.f32 v6, v11  }
0x4d: {  	v7 =	vsel vm0, $0x1, v0;
	v6 =	vld [tilespmem:s31+$0xFFFFFFF0];
	v13 =	vadd.f32 v8, v13;
	v9 =	vadd.f32 v12, v9  }
0x4e: {  	s0 =	sadd.s32 $0x1, s1;
	v8 =	vmov s1;
	v7 =	vbroadcast v7, $0x0;
	v10 =	vand.u32 $0x1, v10;
	v12 =	vld [tilespmem:s31+$0x10]  }
0x4f: {  	vm1 =	vlt.s32 v8, v2;
	v8 =	vmov s0;
	vm2 =	veq.s32 v10, $0x1;
	v16 =	vld [tilespmem:s31+$0x20]  }
0x50: {  	vm0 =	vlt.s32 v8, v2;
	v7 =	vand.u32 $0x1, v7;
	v8 =	vsel vm2, $0x3F800000, v1;
	v17 =	vld [tilespmem:s31+$0x30]  }
.Ltmp0:
0x51: {  	vm2 =	veq.s32 v7, $0x1;
	v18 =	vmul.f32 v4, v8;
	v5 =	vmul.f32 v5, v8;
	(pc) =	sbr.rel @p0 .LBB2_3-.Ltmp0, $4  }
0x52: {  	s31 =	sadd.s32 $0x80, s31;
	v15 =	vmul.f32 v15, v8;
	v20 =	vsel vm2, $0x3F800000, v1;
	v19 =	vmul.f32 v6, v8  }
0x53: {  	v10 =	vsel vm1, $0x1, v0;
	v7 =	vmul.f32 v3, v20;
	v3 =	vld [tilespmem:s31+$0x0];
	v6 =	vmul.f32 v12, v20  }
0x54: {  	v14 =	vadd.f32 v18, v14;
	v11 =	vadd.f32 v5, v11;
	v4 =	vld [tilespmem:s31+$0xFFFFFFC0];
	v8 =	vmul.f32 v16, v20  }
0x55: {  	s1 =	sadd.s32 $0x2, s1;
	v13 =	vadd.f32 v15, v13;
	v9 =	vadd.f32 v19, v9;
	v5 =	vld [tilespmem:s31+$0xFFFFFFD0];
	v12 =	vmul.f32 v17, v20  }
0x56: {  	v15 =	vcvt.s32.f32 v2;
	_ =	sdelay $0x1  }
0x57: {  	v15 =	vbroadcast v15, $0x0  }
0x58: {  	v10 =	vbroadcast v10, $0x0  }
0x59: {  	v16 =	vld [tilespmem:s31+$0xFFFFFFE0];
	v17 =	vsel vm0, $0x1, v0;
	(erf) = vrcp.f32 v15  }
0x5a: {  	v17 =	vbroadcast v17, $0x0;
	v10 =	vand.u32 $0x1, v10;
	v15 =	vld [tilespmem:s31+$0xFFFFFFF0]  }
0x5b: {  	v7 =	vadd.f32 v7, v14;
	v14 =	vld [tilespmem:s31+$0x10];
	v6 =	vadd.f32 v6, v11;
	vm13 =	veq.s32 v10, $0x1  }
0x5c: {  	v8 =	vadd.f32 v8, v13;
	v13 =	vld [tilespmem:s31+$0x30];
	v17 =	vand.u32 $0x1, v17;
	v11 =	vsel vm13, $0x3F800000, v1  }
0x5d: {  	v10 =	vld [tilespmem:s31+$0x20];
	vm14 =	veq.s32 v17, $0x1;
	v4 =	vmul.f32 v4, v11  }
0x5e: {  	v9 =	vadd.f32 v12, v9;
	v5 =	vmul.f32 v5, v11;
	v12 =	vsel vm14, $0x3F800000, v1  }
0x5f: {  	v3 =	vmul.f32 v3, v12;
	v4 =	vadd.f32 v4, v7;
	v7 =	vmul.f32 v15, v11  }
0x60: {  	v16 =	vmul.f32 v16, v11;
	v5 =	vadd.f32 v5, v6;
	v11 =	vmul.f32 v14, v12  }
0x61: {  	v3 =	vadd.f32 v3, v4;
	v4 =	vadd.f32 v7, v9;
	v7 =	vmul.f32 v13, v12  }
0x62: {  	v8 =	vadd.f32 v16, v8;
	v6 =	vmul.f32 v10, v12;
	v5 =	vadd.f32 v11, v5;
	v9 =	vpop (erf)  }
0x63: {  	s0 =	sshll.u32 s29, $0xA;
	v4 =	vadd.f32 v7, v4;
	v3 =	vmul.f32 v3, v9  }
0x64: {  	s31 =	sand.u32 $0x3FFFFC00, s0;
	v6 =	vadd.f32 v6, v8;
	v5 =	vmul.f32 v5, v9  }
0x65: {  	v4 =	vmul.f32 v4, v9;
	[tilespmem:s31+$0x12E08] =	vst v3  }
0x66: {  	v3 =	vmul.f32 v6, v9;
	[tilespmem:s31+$0x12E18] =	vst v5  }
0x67: {  	[tilespmem:s31+$0x12E38] =	vst v4  }
0x68: {  	s0 =	simm.s32 $0x70F0;
	[tilespmem:s31+$0x12E28] =	vst v3  }
0x69: {  	v5 =	vld [tilespmem:s0+$0xFFFFFFD0]  }
0x6a: {  	v6 =	vld [tilespmem:s0+$0xFFFFFFE0]  }
0x6b: {  	v7 =	vld [tilespmem:s0+$0xFFFFFF90]  }
0x6c: {  	v8 =	vld [tilespmem:s0+$0xFFFFFFA0]  }
0x6d: {  	s1 =	simm.s32 $0x1;
	v3 =	vbroadcast v2, $0x1;
	v9 =	vld [tilespmem:s0+$0xFFFFFFB0]  }
0x6e: {  	s8 =	simm.s32 $0x0;
	v4 =	vmov s1;
	v11 =	vld [tilespmem:s0+$0xFFFFFFC0]  }
0x6f: {  	v10 =	vmov s8;
	v12 =	vld [tilespmem:s0+$0xFFFFFFF0];
	vm15 =	vlt.s32 v4, v3  }
0x70: {  	s1 =	simm.s32 $0x7170;
	v17 =	vld [tilespmem:s0+$0x0];
	vm1 =	vlt.s32 v10, v3;
	v16 =	vsel vm15, $0x3F800000, v1  }
0x71: {  	v4 =	vld [tilespmem:s1+$0xFFFFFFD0];
	v13 =	vsel vm1, $0x3F800000, v1;
	v18 =	vmul.f32 v5, v16;
	v19 =	vmul.f32 v6, v16  }
0x72: {  	s8 =	simm.s32 $0x2;
	v14 =	vimm.f32 $0.0e+00;
	v5 =	vld [tilespmem:s1+$0xFFFFFFE0];
	v15 =	vmul.f32 v7, v13;
	v8 =	vmul.f32 v8, v13  }
0x73: {  	v10 =	vmov s8;
	v6 =	vld [tilespmem:s1+$0xFFFFFF90];
	v9 =	vmul.f32 v9, v13;
	v11 =	vmul.f32 v11, v13  }
0x74: {  	v7 =	vld [tilespmem:s1+$0xFFFFFFA0];
	v13 =	vmul.f32 v12, v16;
	v20 =	vadd.f32 v15, v14;
	v21 =	vadd.f32 v8, v14  }
0x75: {  	s8 =	simm.s32 $0x3;
	v16 =	vmul.f32 v17, v16;
	v8 =	vld [tilespmem:s1+$0xFFFFFFB0];
	v15 =	vadd.f32 v9, v14;
	v14 =	vadd.f32 v11, v14  }
0x76: {  	s0 =	simm.s32 $0x4;
	v17 =	vmov s8;
	v9 =	vld [tilespmem:s1+$0xFFFFFFC0];
	v12 =	vadd.f32 v18, v20;
	v11 =	vadd.f32 v19, v21  }
.LBB2_5:
0x77: {  	p0 =	slt.u32 s0, $0x30;
	vm0 =	vlt.s32 v17, v3;
	v17 =	vld [tilespmem:s1+$0xFFFFFFF0];
	v15 =	vadd.f32 v13, v15;
	v14 =	vadd.f32 v16, v14  }
0x78: {  	vm1 =	vlt.s32 v10, v3;
	v16 =	vsel vm0, $0x3F800000, v1;
	v18 =	vld [tilespmem:s1+$0x0];
	s1 =	sadd.s32 $0x80, s1  }
0x79: {  	v13 =	vsel vm1, $0x3F800000, v1;
	v19 =	vmul.f32 v4, v16;
	v4 =	vld [tilespmem:s1+$0xFFFFFFD0];
	v20 =	vmul.f32 v5, v16  }
.Ltmp1:
0x7a: {  	v21 =	vmul.f32 v6, v13;
	v22 =	vmul.f32 v7, v13;
	v5 =	vld [tilespmem:s1+$0xFFFFFFE0];
	(pc) =	sbr.rel @p0 .LBB2_5-.Ltmp1, $4  }
0x7b: {  	v10 =	vmov s0;
	v23 =	vmul.f32 v8, v13;
	v6 =	vld [tilespmem:s1+$0xFFFFFF90];
	v9 =	vmul.f32 v9, v13  }
0x7c: {  	v12 =	vadd.f32 v21, v12;
	v11 =	vadd.f32 v22, v11;
	v7 =	vld [tilespmem:s1+$0xFFFFFFA0];
	v13 =	vmul.f32 v17, v16  }
0x7d: {  	s8 =	sadd.s32 $0x1, s0;
	v15 =	vadd.f32 v23, v15;
	v8 =	vld [tilespmem:s1+$0xFFFFFFB0];
	v14 =	vadd.f32 v9, v14;
	v16 =	vmul.f32 v18, v16  }
0x7e: {  	s0 =	sadd.s32 $0x2, s0;
	v17 =	vmov s8;
	v12 =	vadd.f32 v19, v12;
	v11 =	vadd.f32 v20, v11;
	v9 =	vld [tilespmem:s1+$0xFFFFFFC0]  }
0x7f: {  	v18 =	vcvt.s32.f32 v3;
	_ =	sdelay $0x1  }
0x80: {  	(erf) = vrcp.f32 v18  }
0x81: {  	vm0 =	vlt.s32 v10, v3  }
0x82: {  	v18 =	vsel vm0, $0x3F800000, v1  }
0x83: {  	v10 =	vld [tilespmem:s1+$0xFFFFFFF0];
	v7 =	vmul.f32 v7, v18  }
0x84: {  	vm14 =	vlt.s32 v17, v3;
	v3 =	vadd.f32 v13, v15;
	v13 =	vld [tilespmem:s1+$0x0];
	v6 =	vmul.f32 v6, v18  }
0x85: {  	v15 =	vsel vm14, $0x3F800000, v1;
	v7 =	vadd.f32 v7, v11  }
0x86: {  	v4 =	vmul.f32 v4, v15;
	v8 =	vmul.f32 v8, v18;
	v6 =	vadd.f32 v6, v12  }
0x87: {  	v14 =	vadd.f32 v16, v14;
	v5 =	vmul.f32 v5, v15;
	v9 =	vmul.f32 v9, v18  }
0x88: {  	v10 =	vmul.f32 v10, v15;
	v3 =	vadd.f32 v8, v3;
	v4 =	vadd.f32 v4, v6  }
0x89: {  	v8 =	vmul.f32 v13, v15;
	v6 =	vadd.f32 v9, v14;
	v5 =	vadd.f32 v5, v7;
	v7 =	vpop (erf)  }
0x8a: {  	v3 =	vadd.f32 v10, v3;
	v4 =	vmul.f32 v4, v7  }
0x8b: {  	v6 =	vadd.f32 v8, v6;
	v5 =	vmul.f32 v5, v7  }
0x8c: {  	v3 =	vmul.f32 v3, v7;
	[tilespmem:s31+$0x12E48] =	vst v4  }
0x8d: {  	[tilespmem:s31+$0x12E58] =	vst v5;
	v4 =	vmul.f32 v6, v7  }
0x8e: {  	[tilespmem:s31+$0x12E68] =	vst v3  }
0x8f: {  	s0 =	simm.s32 $0x7D70;
	[tilespmem:s31+$0x12E78] =	vst v4  }
0x90: {  	v5 =	vld [tilespmem:s0+$0xFFFFFFD0]  }
0x91: {  	v6 =	vld [tilespmem:s0+$0xFFFFFFE0]  }
0x92: {  	v7 =	vld [tilespmem:s0+$0xFFFFFF90]  }
0x93: {  	v8 =	vld [tilespmem:s0+$0xFFFFFFA0]  }
0x94: {  	s8 =	simm.s32 $0x1;
	v3 =	vbroadcast v2, $0x2;
	v9 =	vld [tilespmem:s0+$0xFFFFFFB0]  }
0x95: {  	v4 =	vmov s8;
	s8 =	simm.s32 $0x0;
	v11 =	vld [tilespmem:s0+$0xFFFFFFC0]  }
0x96: {  	v10 =	vmov s8;
	vm15 =	vlt.s32 v4, v3;
	v12 =	vld [tilespmem:s0+$0xFFFFFFF0]  }
0x97: {  	s1 =	simm.s32 $0x7DF0;
	v17 =	vld [tilespmem:s0+$0x0];
	vm1 =	vlt.s32 v10, v3;
	v16 =	vsel vm15, $0x3F800000, v1  }
0x98: {  	v4 =	vld [tilespmem:s1+$0xFFFFFFD0];
	v13 =	vsel vm1, $0x3F800000, v1;
	v18 =	vmul.f32 v5, v16;
	v19 =	vmul.f32 v6, v16  }
0x99: {  	v14 =	vimm.f32 $0.0e+00;
	s8 =	simm.s32 $0x2;
	v5 =	vld [tilespmem:s1+$0xFFFFFFE0];
	v15 =	vmul.f32 v7, v13;
	v8 =	vmul.f32 v8, v13  }
0x9a: {  	v10 =	vmov s8;
	v6 =	vld [tilespmem:s1+$0xFFFFFF90];
	v9 =	vmul.f32 v9, v13;
	v11 =	vmul.f32 v11, v13  }
0x9b: {  	v7 =	vld [tilespmem:s1+$0xFFFFFFA0];
	v13 =	vmul.f32 v12, v16;
	v20 =	vadd.f32 v15, v14;
	v21 =	vadd.f32 v8, v14  }
0x9c: {  	s8 =	simm.s32 $0x3;
	v16 =	vmul.f32 v17, v16;
	v8 =	vld [tilespmem:s1+$0xFFFFFFB0];
	v15 =	vadd.f32 v9, v14;
	v14 =	vadd.f32 v11, v14  }
0x9d: {  	s0 =	simm.s32 $0x4;
	v17 =	vmov s8;
	v9 =	vld [tilespmem:s1+$0xFFFFFFC0];
	v12 =	vadd.f32 v18, v20;
	v11 =	vadd.f32 v19, v21  }
.LBB2_7:
0x9e: {  	p0 =	slt.u32 s0, $0x30;
	vm0 =	vlt.s32 v17, v3;
	v17 =	vld [tilespmem:s1+$0xFFFFFFF0];
	v15 =	vadd.f32 v13, v15;
	v14 =	vadd.f32 v16, v14  }
0x9f: {  	vm1 =	vlt.s32 v10, v3;
	v16 =	vsel vm0, $0x3F800000, v1;
	v18 =	vld [tilespmem:s1+$0x0];
	s1 =	sadd.s32 $0x80, s1  }
0xa0: {  	v13 =	vsel vm1, $0x3F800000, v1;
	v19 =	vmul.f32 v4, v16;
	v4 =	vld [tilespmem:s1+$0xFFFFFFD0];
	v20 =	vmul.f32 v5, v16  }
.Ltmp2:
0xa1: {  	v21 =	vmul.f32 v6, v13;
	v22 =	vmul.f32 v7, v13;
	v5 =	vld [tilespmem:s1+$0xFFFFFFE0];
	(pc) =	sbr.rel @p0 .LBB2_7-.Ltmp2, $4  }
0xa2: {  	v10 =	vmov s0;
	v23 =	vmul.f32 v8, v13;
	v6 =	vld [tilespmem:s1+$0xFFFFFF90];
	v9 =	vmul.f32 v9, v13  }
0xa3: {  	v12 =	vadd.f32 v21, v12;
	v11 =	vadd.f32 v22, v11;
	v7 =	vld [tilespmem:s1+$0xFFFFFFA0];
	v13 =	vmul.f32 v17, v16  }
0xa4: {  	s8 =	sadd.s32 $0x1, s0;
	v15 =	vadd.f32 v23, v15;
	v8 =	vld [tilespmem:s1+$0xFFFFFFB0];
	v14 =	vadd.f32 v9, v14;
	v16 =	vmul.f32 v18, v16  }
0xa5: {  	s0 =	sadd.s32 $0x2, s0;
	v17 =	vmov s8;
	v12 =	vadd.f32 v19, v12;
	v11 =	vadd.f32 v20, v11;
	v9 =	vld [tilespmem:s1+$0xFFFFFFC0]  }
0xa6: {  	v18 =	vcvt.s32.f32 v3;
	_ =	sdelay $0x1  }
0xa7: {  	(erf) = vrcp.f32 v18  }
0xa8: {  	vm0 =	vlt.s32 v10, v3  }
0xa9: {  	v18 =	vsel vm0, $0x3F800000, v1  }
0xaa: {  	v10 =	vld [tilespmem:s1+$0xFFFFFFF0];
	v7 =	vmul.f32 v7, v18  }
0xab: {  	vm14 =	vlt.s32 v17, v3;
	v3 =	vadd.f32 v13, v15;
	v13 =	vld [tilespmem:s1+$0x0];
	v6 =	vmul.f32 v6, v18  }
0xac: {  	v15 =	vsel vm14, $0x3F800000, v1;
	v7 =	vadd.f32 v7, v11  }
0xad: {  	v4 =	vmul.f32 v4, v15;
	v8 =	vmul.f32 v8, v18;
	v6 =	vadd.f32 v6, v12  }
0xae: {  	v14 =	vadd.f32 v16, v14;
	v5 =	vmul.f32 v5, v15;
	v9 =	vmul.f32 v9, v18  }
0xaf: {  	v10 =	vmul.f32 v10, v15;
	v3 =	vadd.f32 v8, v3;
	v4 =	vadd.f32 v4, v6  }
0xb0: {  	v8 =	vmul.f32 v13, v15;
	v6 =	vadd.f32 v9, v14;
	v5 =	vadd.f32 v5, v7;
	v7 =	vpop (erf)  }
0xb1: {  	v3 =	vadd.f32 v10, v3;
	v4 =	vmul.f32 v4, v7  }
0xb2: {  	v6 =	vadd.f32 v8, v6;
	v5 =	vmul.f32 v5, v7  }
0xb3: {  	v3 =	vmul.f32 v3, v7;
	[tilespmem:s31+$0x12E88] =	vst v4  }
0xb4: {  	[tilespmem:s31+$0x12E98] =	vst v5;
	v4 =	vmul.f32 v6, v7  }
0xb5: {  	[tilespmem:s31+$0x12EA8] =	vst v3  }
0xb6: {  	s0 =	simm.s32 $0x89F0;
	[tilespmem:s31+$0x12EB8] =	vst v4  }
0xb7: {  	v5 =	vld [tilespmem:s0+$0xFFFFFFD0]  }
0xb8: {  	v6 =	vld [tilespmem:s0+$0xFFFFFFE0]  }
0xb9: {  	v7 =	vld [tilespmem:s0+$0xFFFFFF90]  }
0xba: {  	v8 =	vld [tilespmem:s0+$0xFFFFFFA0]  }
0xbb: {  	s8 =	simm.s32 $0x1;
	v3 =	vbroadcast v2, $0x3;
	v9 =	vld [tilespmem:s0+$0xFFFFFFB0]  }
0xbc: {  	v4 =	vmov s8;
	s8 =	simm.s32 $0x0;
	v11 =	vld [tilespmem:s0+$0xFFFFFFC0]  }
0xbd: {  	v10 =	vmov s8;
	vm15 =	vlt.s32 v4, v3;
	v12 =	vld [tilespmem:s0+$0xFFFFFFF0]  }
0xbe: {  	s1 =	simm.s32 $0x8A70;
	v17 =	vld [tilespmem:s0+$0x0];
	vm1 =	vlt.s32 v10, v3;
	v16 =	vsel vm15, $0x3F800000, v1  }
0xbf: {  	v4 =	vld [tilespmem:s1+$0xFFFFFFD0];
	v13 =	vsel vm1, $0x3F800000, v1;
	v18 =	vmul.f32 v5, v16;
	v19 =	vmul.f32 v6, v16  }
0xc0: {  	v14 =	vimm.f32 $0.0e+00;
	s8 =	simm.s32 $0x2;
	v5 =	vld [tilespmem:s1+$0xFFFFFFE0];
	v15 =	vmul.f32 v7, v13;
	v8 =	vmul.f32 v8, v13  }
0xc1: {  	v10 =	vmov s8;
	v6 =	vld [tilespmem:s1+$0xFFFFFF90];
	v9 =	vmul.f32 v9, v13;
	v11 =	vmul.f32 v11, v13  }
0xc2: {  	v7 =	vld [tilespmem:s1+$0xFFFFFFA0];
	v13 =	vmul.f32 v12, v16;
	v20 =	vadd.f32 v15, v14;
	v21 =	vadd.f32 v8, v14  }
0xc3: {  	s8 =	simm.s32 $0x3;
	v16 =	vmul.f32 v17, v16;
	v8 =	vld [tilespmem:s1+$0xFFFFFFB0];
	v15 =	vadd.f32 v9, v14;
	v14 =	vadd.f32 v11, v14  }
0xc4: {  	s0 =	simm.s32 $0x4;
	v17 =	vmov s8;
	v9 =	vld [tilespmem:s1+$0xFFFFFFC0];
	v12 =	vadd.f32 v18, v20;
	v11 =	vadd.f32 v19, v21  }
.LBB2_9:
0xc5: {  	p0 =	slt.u32 s0, $0x30;
	vm0 =	vlt.s32 v17, v3;
	v17 =	vld [tilespmem:s1+$0xFFFFFFF0];
	v15 =	vadd.f32 v13, v15;
	v14 =	vadd.f32 v16, v14  }
0xc6: {  	vm1 =	vlt.s32 v10, v3;
	v16 =	vsel vm0, $0x3F800000, v1;
	v18 =	vld [tilespmem:s1+$0x0];
	s1 =	sadd.s32 $0x80, s1  }
0xc7: {  	v13 =	vsel vm1, $0x3F800000, v1;
	v19 =	vmul.f32 v4, v16;
	v4 =	vld [tilespmem:s1+$0xFFFFFFD0];
	v20 =	vmul.f32 v5, v16  }
.Ltmp3:
0xc8: {  	v21 =	vmul.f32 v6, v13;
	v22 =	vmul.f32 v7, v13;
	v5 =	vld [tilespmem:s1+$0xFFFFFFE0];
	(pc) =	sbr.rel @p0 .LBB2_9-.Ltmp3, $4  }
0xc9: {  	v10 =	vmov s0;
	v23 =	vmul.f32 v8, v13;
	v6 =	vld [tilespmem:s1+$0xFFFFFF90];
	v9 =	vmul.f32 v9, v13  }
0xca: {  	v12 =	vadd.f32 v21, v12;
	v11 =	vadd.f32 v22, v11;
	v7 =	vld [tilespmem:s1+$0xFFFFFFA0];
	v13 =	vmul.f32 v17, v16  }
0xcb: {  	s8 =	sadd.s32 $0x1, s0;
	v15 =	vadd.f32 v23, v15;
	v8 =	vld [tilespmem:s1+$0xFFFFFFB0];
	v14 =	vadd.f32 v9, v14;
	v16 =	vmul.f32 v18, v16  }
0xcc: {  	s0 =	sadd.s32 $0x2, s0;
	v17 =	vmov s8;
	v12 =	vadd.f32 v19, v12;
	v11 =	vadd.f32 v20, v11;
	v9 =	vld [tilespmem:s1+$0xFFFFFFC0]  }
0xcd: {  	v18 =	vcvt.s32.f32 v3;
	_ =	sdelay $0x1  }
0xce: {  	(erf) = vrcp.f32 v18  }
0xcf: {  	vm0 =	vlt.s32 v10, v3  }
0xd0: {  	v18 =	vsel vm0, $0x3F800000, v1  }
0xd1: {  	v10 =	vld [tilespmem:s1+$0xFFFFFFF0];
	v7 =	vmul.f32 v7, v18  }
0xd2: {  	vm14 =	vlt.s32 v17, v3;
	v3 =	vadd.f32 v13, v15;
	v13 =	vld [tilespmem:s1+$0x0];
	v6 =	vmul.f32 v6, v18  }
0xd3: {  	v15 =	vsel vm14, $0x3F800000, v1;
	v7 =	vadd.f32 v7, v11  }
0xd4: {  	v4 =	vmul.f32 v4, v15;
	v8 =	vmul.f32 v8, v18;
	v6 =	vadd.f32 v6, v12  }
0xd5: {  	v14 =	vadd.f32 v16, v14;
	v5 =	vmul.f32 v5, v15;
	v9 =	vmul.f32 v9, v18  }
0xd6: {  	v10 =	vmul.f32 v10, v15;
	v3 =	vadd.f32 v8, v3;
	v4 =	vadd.f32 v4, v6  }
0xd7: {  	v8 =	vmul.f32 v13, v15;
	v6 =	vadd.f32 v9, v14;
	v5 =	vadd.f32 v5, v7;
	v7 =	vpop (erf)  }
0xd8: {  	v3 =	vadd.f32 v10, v3;
	v4 =	vmul.f32 v4, v7  }
0xd9: {  	v6 =	vadd.f32 v8, v6;
	v5 =	vmul.f32 v5, v7  }
0xda: {  	v3 =	vmul.f32 v3, v7;
	[tilespmem:s31+$0x12EC8] =	vst v4  }
0xdb: {  	[tilespmem:s31+$0x12ED8] =	vst v5;
	v4 =	vmul.f32 v6, v7  }
0xdc: {  	[tilespmem:s31+$0x12EE8] =	vst v3  }
0xdd: {  	s0 =	simm.s32 $0x9670;
	[tilespmem:s31+$0x12EF8] =	vst v4  }
0xde: {  	v5 =	vld [tilespmem:s0+$0xFFFFFFD0]  }
0xdf: {  	v6 =	vld [tilespmem:s0+$0xFFFFFFE0]  }
0xe0: {  	v7 =	vld [tilespmem:s0+$0xFFFFFF90]  }
0xe1: {  	v8 =	vld [tilespmem:s0+$0xFFFFFFA0]  }
0xe2: {  	s8 =	simm.s32 $0x1;
	v3 =	vbroadcast v2, $0x4;
	v9 =	vld [tilespmem:s0+$0xFFFFFFB0]  }
0xe3: {  	v4 =	vmov s8;
	s8 =	simm.s32 $0x0;
	v11 =	vld [tilespmem:s0+$0xFFFFFFC0]  }
0xe4: {  	v10 =	vmov s8;
	vm15 =	vlt.s32 v4, v3;
	v12 =	vld [tilespmem:s0+$0xFFFFFFF0]  }
0xe5: {  	s1 =	simm.s32 $0x96F0;
	v17 =	vld [tilespmem:s0+$0x0];
	vm1 =	vlt.s32 v10, v3;
	v16 =	vsel vm15, $0x3F800000, v1  }
0xe6: {  	v4 =	vld [tilespmem:s1+$0xFFFFFFD0];
	v13 =	vsel vm1, $0x3F800000, v1;
	v18 =	vmul.f32 v5, v16;
	v19 =	vmul.f32 v6, v16  }
0xe7: {  	v14 =	vimm.f32 $0.0e+00;
	s8 =	simm.s32 $0x2;
	v5 =	vld [tilespmem:s1+$0xFFFFFFE0];
	v15 =	vmul.f32 v7, v13;
	v8 =	vmul.f32 v8, v13  }
0xe8: {  	v10 =	vmov s8;
	v6 =	vld [tilespmem:s1+$0xFFFFFF90];
	v9 =	vmul.f32 v9, v13;
	v11 =	vmul.f32 v11, v13  }
0xe9: {  	v7 =	vld [tilespmem:s1+$0xFFFFFFA0];
	v13 =	vmul.f32 v12, v16;
	v20 =	vadd.f32 v15, v14;
	v21 =	vadd.f32 v8, v14  }
0xea: {  	s8 =	simm.s32 $0x3;
	v16 =	vmul.f32 v17, v16;
	v8 =	vld [tilespmem:s1+$0xFFFFFFB0];
	v15 =	vadd.f32 v9, v14;
	v14 =	vadd.f32 v11, v14  }
0xeb: {  	s0 =	simm.s32 $0x4;
	v17 =	vmov s8;
	v9 =	vld [tilespmem:s1+$0xFFFFFFC0];
	v12 =	vadd.f32 v18, v20;
	v11 =	vadd.f32 v19, v21  }
.LBB2_11:
0xec: {  	p0 =	slt.u32 s0, $0x30;
	vm0 =	vlt.s32 v17, v3;
	v17 =	vld [tilespmem:s1+$0xFFFFFFF0];
	v15 =	vadd.f32 v13, v15;
	v14 =	vadd.f32 v16, v14  }
0xed: {  	vm1 =	vlt.s32 v10, v3;
	v16 =	vsel vm0, $0x3F800000, v1;
	v18 =	vld [tilespmem:s1+$0x0];
	s1 =	sadd.s32 $0x80, s1  }
0xee: {  	v13 =	vsel vm1, $0x3F800000, v1;
	v19 =	vmul.f32 v4, v16;
	v4 =	vld [tilespmem:s1+$0xFFFFFFD0];
	v20 =	vmul.f32 v5, v16  }
.Ltmp4:
0xef: {  	v21 =	vmul.f32 v6, v13;
	v22 =	vmul.f32 v7, v13;
	v5 =	vld [tilespmem:s1+$0xFFFFFFE0];
	(pc) =	sbr.rel @p0 .LBB2_11-.Ltmp4, $4  }
0xf0: {  	v10 =	vmov s0;
	v23 =	vmul.f32 v8, v13;
	v6 =	vld [tilespmem:s1+$0xFFFFFF90];
	v9 =	vmul.f32 v9, v13  }
0xf1: {  	v12 =	vadd.f32 v21, v12;
	v11 =	vadd.f32 v22, v11;
	v7 =	vld [tilespmem:s1+$0xFFFFFFA0];
	v13 =	vmul.f32 v17, v16  }
0xf2: {  	s8 =	sadd.s32 $0x1, s0;
	v15 =	vadd.f32 v23, v15;
	v8 =	vld [tilespmem:s1+$0xFFFFFFB0];
	v14 =	vadd.f32 v9, v14;
	v16 =	vmul.f32 v18, v16  }
0xf3: {  	s0 =	sadd.s32 $0x2, s0;
	v17 =	vmov s8;
	v12 =	vadd.f32 v19, v12;
	v11 =	vadd.f32 v20, v11;
	v9 =	vld [tilespmem:s1+$0xFFFFFFC0]  }
0xf4: {  	v18 =	vcvt.s32.f32 v3;
	_ =	sdelay $0x1  }
0xf5: {  	(erf) = vrcp.f32 v18  }
0xf6: {  	vm0 =	vlt.s32 v10, v3  }
0xf7: {  	v18 =	vsel vm0, $0x3F800000, v1  }
0xf8: {  	v10 =	vld [tilespmem:s1+$0xFFFFFFF0];
	v7 =	vmul.f32 v7, v18  }
0xf9: {  	vm14 =	vlt.s32 v17, v3;
	v3 =	vadd.f32 v13, v15;
	v13 =	vld [tilespmem:s1+$0x0];
	v6 =	vmul.f32 v6, v18  }
0xfa: {  	v15 =	vsel vm14, $0x3F800000, v1;
	v7 =	vadd.f32 v7, v11  }
0xfb: {  	v4 =	vmul.f32 v4, v15;
	v8 =	vmul.f32 v8, v18;
	v6 =	vadd.f32 v6, v12  }
0xfc: {  	v14 =	vadd.f32 v16, v14;
	v5 =	vmul.f32 v5, v15;
	v9 =	vmul.f32 v9, v18  }
0xfd: {  	v10 =	vmul.f32 v10, v15;
	v3 =	vadd.f32 v8, v3;
	v4 =	vadd.f32 v4, v6  }
0xfe: {  	v8 =	vmul.f32 v13, v15;
	v6 =	vadd.f32 v9, v14;
	v5 =	vadd.f32 v5, v7;
	v7 =	vpop (erf)  }
0xff: {  	v3 =	vadd.f32 v10, v3;
	v4 =	vmul.f32 v4, v7  }
0x100: {  	v6 =	vadd.f32 v8, v6;
	v5 =	vmul.f32 v5, v7  }
0x101: {  	v3 =	vmul.f32 v3, v7;
	[tilespmem:s31+$0x12F08] =	vst v4  }
0x102: {  	[tilespmem:s31+$0x12F18] =	vst v5;
	v4 =	vmul.f32 v6, v7  }
0x103: {  	[tilespmem:s31+$0x12F28] =	vst v3  }
0x104: {  	s0 =	simm.s32 $0xA2F0;
	[tilespmem:s31+$0x12F38] =	vst v4  }
0x105: {  	v5 =	vld [tilespmem:s0+$0xFFFFFFD0]  }
0x106: {  	v6 =	vld [tilespmem:s0+$0xFFFFFFE0]  }
0x107: {  	v7 =	vld [tilespmem:s0+$0xFFFFFF90]  }
0x108: {  	v8 =	vld [tilespmem:s0+$0xFFFFFFA0]  }
0x109: {  	s8 =	simm.s32 $0x1;
	v3 =	vbroadcast v2, $0x5;
	v9 =	vld [tilespmem:s0+$0xFFFFFFB0]  }
0x10a: {  	v4 =	vmov s8;
	s8 =	simm.s32 $0x0;
	v11 =	vld [tilespmem:s0+$0xFFFFFFC0]  }
0x10b: {  	v10 =	vmov s8;
	vm15 =	vlt.s32 v4, v3;
	v12 =	vld [tilespmem:s0+$0xFFFFFFF0]  }
0x10c: {  	s1 =	simm.s32 $0xA370;
	v17 =	vld [tilespmem:s0+$0x0];
	vm1 =	vlt.s32 v10, v3;
	v16 =	vsel vm15, $0x3F800000, v1  }
0x10d: {  	v4 =	vld [tilespmem:s1+$0xFFFFFFD0];
	v13 =	vsel vm1, $0x3F800000, v1;
	v18 =	vmul.f32 v5, v16;
	v19 =	vmul.f32 v6, v16  }
0x10e: {  	v14 =	vimm.f32 $0.0e+00;
	s8 =	simm.s32 $0x2;
	v5 =	vld [tilespmem:s1+$0xFFFFFFE0];
	v15 =	vmul.f32 v7, v13;
	v8 =	vmul.f32 v8, v13  }
0x10f: {  	v10 =	vmov s8;
	v6 =	vld [tilespmem:s1+$0xFFFFFF90];
	v9 =	vmul.f32 v9, v13;
	v11 =	vmul.f32 v11, v13  }
0x110: {  	v7 =	vld [tilespmem:s1+$0xFFFFFFA0];
	v13 =	vmul.f32 v12, v16;
	v20 =	vadd.f32 v15, v14;
	v21 =	vadd.f32 v8, v14  }
0x111: {  	s8 =	simm.s32 $0x3;
	v16 =	vmul.f32 v17, v16;
	v8 =	vld [tilespmem:s1+$0xFFFFFFB0];
	v15 =	vadd.f32 v9, v14;
	v14 =	vadd.f32 v11, v14  }
0x112: {  	s0 =	simm.s32 $0x4;
	v17 =	vmov s8;
	v9 =	vld [tilespmem:s1+$0xFFFFFFC0];
	v12 =	vadd.f32 v18, v20;
	v11 =	vadd.f32 v19, v21  }
.LBB2_13:
0x113: {  	p0 =	slt.u32 s0, $0x30;
	vm0 =	vlt.s32 v17, v3;
	v17 =	vld [tilespmem:s1+$0xFFFFFFF0];
	v15 =	vadd.f32 v13, v15;
	v14 =	vadd.f32 v16, v14  }
0x114: {  	vm1 =	vlt.s32 v10, v3;
	v16 =	vsel vm0, $0x3F800000, v1;
	v18 =	vld [tilespmem:s1+$0x0];
	s1 =	sadd.s32 $0x80, s1  }
0x115: {  	v13 =	vsel vm1, $0x3F800000, v1;
	v19 =	vmul.f32 v4, v16;
	v4 =	vld [tilespmem:s1+$0xFFFFFFD0];
	v20 =	vmul.f32 v5, v16  }
.Ltmp5:
0x116: {  	v21 =	vmul.f32 v6, v13;
	v22 =	vmul.f32 v7, v13;
	v5 =	vld [tilespmem:s1+$0xFFFFFFE0];
	(pc) =	sbr.rel @p0 .LBB2_13-.Ltmp5, $4  }
0x117: {  	v10 =	vmov s0;
	v23 =	vmul.f32 v8, v13;
	v6 =	vld [tilespmem:s1+$0xFFFFFF90];
	v9 =	vmul.f32 v9, v13  }
0x118: {  	v12 =	vadd.f32 v21, v12;
	v11 =	vadd.f32 v22, v11;
	v7 =	vld [tilespmem:s1+$0xFFFFFFA0];
	v13 =	vmul.f32 v17, v16  }
0x119: {  	s8 =	sadd.s32 $0x1, s0;
	v15 =	vadd.f32 v23, v15;
	v8 =	vld [tilespmem:s1+$0xFFFFFFB0];
	v14 =	vadd.f32 v9, v14;
	v16 =	vmul.f32 v18, v16  }
0x11a: {  	s0 =	sadd.s32 $0x2, s0;
	v17 =	vmov s8;
	v12 =	vadd.f32 v19, v12;
	v11 =	vadd.f32 v20, v11;
	v9 =	vld [tilespmem:s1+$0xFFFFFFC0]  }
0x11b: {  	v18 =	vcvt.s32.f32 v3;
	_ =	sdelay $0x1  }
0x11c: {  	(erf) = vrcp.f32 v18  }
0x11d: {  	vm0 =	vlt.s32 v10, v3  }
0x11e: {  	v18 =	vsel vm0, $0x3F800000, v1  }
0x11f: {  	v10 =	vld [tilespmem:s1+$0xFFFFFFF0];
	v7 =	vmul.f32 v7, v18  }
0x120: {  	vm14 =	vlt.s32 v17, v3;
	v3 =	vadd.f32 v13, v15;
	v13 =	vld [tilespmem:s1+$0x0];
	v6 =	vmul.f32 v6, v18  }
0x121: {  	v15 =	vsel vm14, $0x3F800000, v1;
	v7 =	vadd.f32 v7, v11  }
0x122: {  	v4 =	vmul.f32 v4, v15;
	v8 =	vmul.f32 v8, v18;
	v6 =	vadd.f32 v6, v12  }
0x123: {  	v14 =	vadd.f32 v16, v14;
	v5 =	vmul.f32 v5, v15;
	v9 =	vmul.f32 v9, v18  }
0x124: {  	v10 =	vmul.f32 v10, v15;
	v3 =	vadd.f32 v8, v3;
	v4 =	vadd.f32 v4, v6  }
0x125: {  	v8 =	vmul.f32 v13, v15;
	v6 =	vadd.f32 v9, v14;
	v5 =	vadd.f32 v5, v7;
	v7 =	vpop (erf)  }
0x126: {  	v3 =	vadd.f32 v10, v3;
	v4 =	vmul.f32 v4, v7  }
0x127: {  	v6 =	vadd.f32 v8, v6;
	v5 =	vmul.f32 v5, v7  }
0x128: {  	v3 =	vmul.f32 v3, v7;
	[tilespmem:s31+$0x12F48] =	vst v4  }
0x129: {  	[tilespmem:s31+$0x12F58] =	vst v5;
	v4 =	vmul.f32 v6, v7  }
0x12a: {  	[tilespmem:s31+$0x12F68] =	vst v3  }
0x12b: {  	s0 =	simm.s32 $0xAF00;
	[tilespmem:s31+$0x12F78] =	vst v4  }
0x12c: {  	v5 =	vld [tilespmem:s0+$0x40]  }
0x12d: {  	v6 =	vld [tilespmem:s0+$0x50]  }
0x12e: {  	v7 =	vld [tilespmem:s0+$0x0]  }
0x12f: {  	v8 =	vld [tilespmem:s0+$0x10]  }
0x130: {  	s8 =	simm.s32 $0x1;
	v3 =	vbroadcast v2, $0x6;
	v9 =	vld [tilespmem:s0+$0x20]  }
0x131: {  	v4 =	vmov s8;
	s8 =	simm.s32 $0x0;
	v11 =	vld [tilespmem:s0+$0x30]  }
0x132: {  	v10 =	vmov s8;
	vm15 =	vlt.s32 v4, v3;
	v12 =	vld [tilespmem:s0+$0x60]  }
0x133: {  	s1 =	simm.s32 $0xAF80;
	v17 =	vld [tilespmem:s0+$0x70];
	vm1 =	vlt.s32 v10, v3;
	v16 =	vsel vm15, $0x3F800000, v1  }
0x134: {  	v4 =	vld [tilespmem:s1+$0x40];
	v13 =	vsel vm1, $0x3F800000, v1;
	v18 =	vmul.f32 v5, v16;
	v19 =	vmul.f32 v6, v16  }
0x135: {  	v14 =	vimm.f32 $0.0e+00;
	s8 =	simm.s32 $0x2;
	v5 =	vld [tilespmem:s1+$0x50];
	v15 =	vmul.f32 v7, v13;
	v8 =	vmul.f32 v8, v13  }
0x136: {  	v10 =	vmov s8;
	v6 =	vld [tilespmem:s1+$0x0];
	v9 =	vmul.f32 v9, v13;
	v11 =	vmul.f32 v11, v13  }
0x137: {  	v7 =	vld [tilespmem:s1+$0x10];
	v13 =	vmul.f32 v12, v16;
	v20 =	vadd.f32 v15, v14;
	v21 =	vadd.f32 v8, v14  }
0x138: {  	s8 =	simm.s32 $0x3;
	v16 =	vmul.f32 v17, v16;
	v8 =	vld [tilespmem:s1+$0x20];
	v15 =	vadd.f32 v9, v14;
	v14 =	vadd.f32 v11, v14  }
0x139: {  	s0 =	simm.s32 $0x4;
	v17 =	vmov s8;
	v9 =	vld [tilespmem:s1+$0x30];
	v12 =	vadd.f32 v18, v20;
	v11 =	vadd.f32 v19, v21  }
.LBB2_15:
0x13a: {  	p0 =	slt.u32 s0, $0x30;
	vm0 =	vlt.s32 v17, v3;
	v17 =	vld [tilespmem:s1+$0x60];
	v15 =	vadd.f32 v13, v15;
	v14 =	vadd.f32 v16, v14  }
0x13b: {  	vm1 =	vlt.s32 v10, v3;
	v16 =	vsel vm0, $0x3F800000, v1;
	v18 =	vld [tilespmem:s1+$0x70];
	s1 =	sadd.s32 $0x80, s1  }
0x13c: {  	v13 =	vsel vm1, $0x3F800000, v1;
	v19 =	vmul.f32 v4, v16;
	v4 =	vld [tilespmem:s1+$0x40];
	v20 =	vmul.f32 v5, v16  }
.Ltmp6:
0x13d: {  	v21 =	vmul.f32 v6, v13;
	v22 =	vmul.f32 v7, v13;
	v5 =	vld [tilespmem:s1+$0x50];
	(pc) =	sbr.rel @p0 .LBB2_15-.Ltmp6, $4  }
0x13e: {  	v10 =	vmov s0;
	v23 =	vmul.f32 v8, v13;
	v6 =	vld [tilespmem:s1+$0x0];
	v9 =	vmul.f32 v9, v13  }
0x13f: {  	v12 =	vadd.f32 v21, v12;
	v11 =	vadd.f32 v22, v11;
	v7 =	vld [tilespmem:s1+$0x10];
	v13 =	vmul.f32 v17, v16  }
0x140: {  	s8 =	sadd.s32 $0x1, s0;
	v15 =	vadd.f32 v23, v15;
	v8 =	vld [tilespmem:s1+$0x20];
	v14 =	vadd.f32 v9, v14;
	v16 =	vmul.f32 v18, v16  }
0x141: {  	s0 =	sadd.s32 $0x2, s0;
	v17 =	vmov s8;
	v12 =	vadd.f32 v19, v12;
	v11 =	vadd.f32 v20, v11;
	v9 =	vld [tilespmem:s1+$0x30]  }
0x142: {  	v18 =	vcvt.s32.f32 v3;
	_ =	sdelay $0x1  }
0x143: {  	(erf) = vrcp.f32 v18  }
0x144: {  	vm0 =	vlt.s32 v10, v3  }
0x145: {  	v18 =	vsel vm0, $0x3F800000, v1  }
0x146: {  	v10 =	vld [tilespmem:s1+$0x60];
	v7 =	vmul.f32 v7, v18  }
0x147: {  	vm14 =	vlt.s32 v17, v3;
	v3 =	vadd.f32 v13, v15;
	v13 =	vld [tilespmem:s1+$0x70];
	v6 =	vmul.f32 v6, v18  }
0x148: {  	v15 =	vsel vm14, $0x3F800000, v1;
	v7 =	vadd.f32 v7, v11  }
0x149: {  	v4 =	vmul.f32 v4, v15;
	v8 =	vmul.f32 v8, v18;
	v6 =	vadd.f32 v6, v12  }
0x14a: {  	v14 =	vadd.f32 v16, v14;
	v5 =	vmul.f32 v5, v15;
	v9 =	vmul.f32 v9, v18  }
0x14b: {  	v10 =	vmul.f32 v10, v15;
	v3 =	vadd.f32 v8, v3;
	v4 =	vadd.f32 v4, v6  }
0x14c: {  	v8 =	vmul.f32 v13, v15;
	v6 =	vadd.f32 v9, v14;
	v5 =	vadd.f32 v5, v7;
	v7 =	vpop (erf)  }
0x14d: {  	v3 =	vadd.f32 v10, v3;
	v4 =	vmul.f32 v4, v7  }
0x14e: {  	v6 =	vadd.f32 v8, v6;
	v5 =	vmul.f32 v5, v7  }
0x14f: {  	v3 =	vmul.f32 v3, v7;
	[tilespmem:s31+$0x12F88] =	vst v4  }
0x150: {  	[tilespmem:s31+$0x12F98] =	vst v5;
	v4 =	vmul.f32 v6, v7  }
0x151: {  	[tilespmem:s31+$0x12FA8] =	vst v3  }
0x152: {  	s0 =	simm.s32 $0xBB80;
	[tilespmem:s31+$0x12FB8] =	vst v4  }
0x153: {  	v4 =	vld [tilespmem:s0+$0x40]  }
0x154: {  	v5 =	vld [tilespmem:s0+$0x50]  }
0x155: {  	v6 =	vld [tilespmem:s0+$0x0]  }
0x156: {  	v7 =	vld [tilespmem:s0+$0x10]  }
0x157: {  	v2 =	vbroadcast v2, $0x7;
	s8 =	simm.s32 $0x1;
	v8 =	vld [tilespmem:s0+$0x20]  }
0x158: {  	v3 =	vmov s8;
	s8 =	simm.s32 $0x0;
	v10 =	vld [tilespmem:s0+$0x30]  }
0x159: {  	v9 =	vmov s8;
	vm15 =	vlt.s32 v3, v2;
	v11 =	vld [tilespmem:s0+$0x60]  }
0x15a: {  	s1 =	simm.s32 $0xBC00;
	vm1 =	vlt.s32 v9, v2;
	v15 =	vsel vm15, $0x3F800000, v1;
	v16 =	vld [tilespmem:s0+$0x70]  }
0x15b: {  	v3 =	vld [tilespmem:s1+$0x40];
	v12 =	vsel vm1, $0x3F800000, v1;
	v17 =	vmul.f32 v4, v15;
	v18 =	vmul.f32 v5, v15  }
0x15c: {  	v13 =	vimm.f32 $0.0e+00;
	s8 =	simm.s32 $0x2;
	v4 =	vld [tilespmem:s1+$0x50];
	v14 =	vmul.f32 v6, v12;
	v7 =	vmul.f32 v7, v12  }
0x15d: {  	v9 =	vmov s8;
	v5 =	vld [tilespmem:s1+$0x0];
	v8 =	vmul.f32 v8, v12;
	v10 =	vmul.f32 v10, v12  }
0x15e: {  	v6 =	vld [tilespmem:s1+$0x10];
	v12 =	vmul.f32 v11, v15;
	v19 =	vadd.f32 v14, v13;
	v20 =	vadd.f32 v7, v13  }
0x15f: {  	s8 =	simm.s32 $0x3;
	v15 =	vmul.f32 v16, v15;
	v7 =	vld [tilespmem:s1+$0x20];
	v14 =	vadd.f32 v8, v13;
	v13 =	vadd.f32 v10, v13  }
0x160: {  	s0 =	simm.s32 $0x4;
	v16 =	vmov s8;
	v8 =	vld [tilespmem:s1+$0x30];
	v11 =	vadd.f32 v17, v19;
	v10 =	vadd.f32 v18, v20  }
.LBB2_17:
0x161: {  	p0 =	slt.u32 s0, $0x30;
	vm0 =	vlt.s32 v16, v2;
	v16 =	vld [tilespmem:s1+$0x60];
	v14 =	vadd.f32 v12, v14;
	v13 =	vadd.f32 v15, v13  }
0x162: {  	vm1 =	vlt.s32 v9, v2;
	v15 =	vsel vm0, $0x3F800000, v1;
	v17 =	vld [tilespmem:s1+$0x70];
	s1 =	sadd.s32 $0x80, s1  }
0x163: {  	v12 =	vsel vm1, $0x3F800000, v1;
	v18 =	vmul.f32 v3, v15;
	v3 =	vld [tilespmem:s1+$0x40];
	v19 =	vmul.f32 v4, v15  }
.Ltmp7:
0x164: {  	v20 =	vmul.f32 v5, v12;
	v21 =	vmul.f32 v6, v12;
	v4 =	vld [tilespmem:s1+$0x50];
	(pc) =	sbr.rel @p0 .LBB2_17-.Ltmp7, $4  }
0x165: {  	v9 =	vmov s0;
	v22 =	vmul.f32 v7, v12;
	v5 =	vld [tilespmem:s1+$0x0];
	v8 =	vmul.f32 v8, v12  }
0x166: {  	v11 =	vadd.f32 v20, v11;
	v10 =	vadd.f32 v21, v10;
	v6 =	vld [tilespmem:s1+$0x10];
	v12 =	vmul.f32 v16, v15  }
0x167: {  	s8 =	sadd.s32 $0x1, s0;
	v14 =	vadd.f32 v22, v14;
	v7 =	vld [tilespmem:s1+$0x20];
	v13 =	vadd.f32 v8, v13;
	v15 =	vmul.f32 v17, v15  }
0x168: {  	s0 =	sadd.s32 $0x2, s0;
	v16 =	vmov s8;
	v11 =	vadd.f32 v18, v11;
	v10 =	vadd.f32 v19, v10;
	v8 =	vld [tilespmem:s1+$0x30]  }
0x169: {  	v17 =	vcvt.s32.f32 v2;
	_ =	sdelay $0x1  }
0x16a: {  	(erf) = vrcp.f32 v17  }
0x16b: {  	vm0 =	vlt.s32 v9, v2  }
0x16c: {  	v61 =	vsel vm0, $0x3F800000, v1  }
0x16d: {  	v9 =	vld [tilespmem:s1+$0x60];
	v6 =	vmul.f32 v6, v61  }
0x16e: {  	vm0 =	vlt.s32 v16, v2;
	v2 =	vadd.f32 v12, v14;
	v12 =	vld [tilespmem:s1+$0x70];
	v5 =	vmul.f32 v5, v61  }
0x16f: {  	v14 =	vsel vm0, $0x3F800000, v1;
	v6 =	vadd.f32 v6, v10  }
0x170: {  	v3 =	vmul.f32 v3, v14;
	v7 =	vmul.f32 v7, v61;
	v5 =	vadd.f32 v5, v11  }
0x171: {  	v13 =	vadd.f32 v15, v13;
	v4 =	vmul.f32 v4, v14;
	v8 =	vmul.f32 v8, v61  }
0x172: {  	v9 =	vmul.f32 v9, v14;
	v2 =	vadd.f32 v7, v2;
	v3 =	vadd.f32 v3, v5  }
0x173: {  	v5 =	vadd.f32 v8, v13;
	v7 =	vmul.f32 v12, v14;
	v4 =	vadd.f32 v4, v6;
	v6 =	vpop (erf)  }
0x174: {  	v2 =	vadd.f32 v9, v2;
	v3 =	vmul.f32 v3, v6  }
0x175: {  	p0 =	seq.s32 s29, $0x1F;
	v5 =	vadd.f32 v7, v5;
	v4 =	vmul.f32 v4, v6  }
0x176: {  	s0 =	smul.u32 @!p0 $0xC80, s29;
	v2 =	vmul.f32 v2, v6;
	[tilespmem:s31+$0x12FC8] =	vst v3  }
0x177: {  	[tilespmem:s31+$0x12FD8] =	vst v4;
	v3 =	vmul.f32 v5, v6  }
0x178: {  	s0 =	sshra.s32 @!p0 s0, $0x2;
	[tilespmem:s31+$0x12FE8] =	vst v2  }
0x179: {  	s8 =	simm.s32 @!p0 $0x50;
	s1 =	sadd.s32 @!p0 $0x320, s0;
	[tilespmem:s31+$0x12FF8] =	vst v3;
	s31 =	simm.s32 @!p0 $0x6400  }
0x17a: {  	[tilespmem:s31], [sflag:$0x1] =	stream.indirect.gather @!p0 [hbm4b:s3+s8], $0x40, s1, s8, $0xb8;
	[tilespmem:$0x1AE08] =	vst v63  }
0x17b: {  	s1 =	sadd.s32 @!p0 $0x370, s0;
	s31 =	simm.s32 @!p0 $0x7800  }
0x17c: {  	[tilespmem:s31], [sflag:$0x1] =	stream.indirect.gather @!p0 [hbm4b:s3+s8], $0x40, s1, s8, $0xb8;
	[tilespmem:$0x1AE08] =	vst v63  }
0x17d: {  	s1 =	sadd.s32 @!p0 $0x3C0, s0;
	s31 =	simm.s32 @!p0 $0x8C00  }
0x17e: {  	[tilespmem:s31], [sflag:$0x1] =	stream.indirect.gather @!p0 [hbm4b:s3+s8], $0x40, s1, s8, $0xb8;
	[tilespmem:$0x1AE08] =	vst v63  }
0x17f: {  	s1 =	sadd.s32 @!p0 $0x410, s0;
	s31 =	simm.s32 @!p0 $0xA000  }
0x180: {  	[tilespmem:s31], [sflag:$0x1] =	stream.indirect.gather @!p0 [hbm4b:s3+s8], $0x40, s1, s8, $0xb8;
	[tilespmem:$0x1AE08] =	vst v63  }
0x181: {  	s0 =	sadd.s32 @!p0 $0x460, s0;
	s1 =	simm.s32 @!p0 $0xB400  }
0x182: {  	[tilespmem:s1], [sflag:$0x1] =	stream.indirect.gather @!p0 [hbm4b:s3+s8], $0x40, s0, s8, $0xb8;
	[tilespmem:$0x1AE08] =	vst v63  }
0x183: {  	_ =	swait.ge [sflag:s25], $0x1400  }
0x184: {  	[sflag:s25] =	ssyncset.done $0x0  }
0x185: {  	[sflag:s25] =	ssyncadd.s32 $0xFFFFEC00  }
0x186: {  	_ =	swait.ge [sflag:s25], $0x1400  }
0x187: {  	[sflag:s25] =	ssyncset.done $0x0  }
0x188: {  	[sflag:s25] =	ssyncadd.s32 $0xFFFFEC00  }
0x189: {  	_ =	swait.ge [sflag:s25], $0x1400  }
0x18a: {  	[sflag:s25] =	ssyncset.done $0x0  }
0x18b: {  	[sflag:s25] =	ssyncadd.s32 $0xFFFFEC00  }
0x18c: {  	_ =	swait.ge [sflag:s25], $0x1400  }
0x18d: {  	[sflag:s25] =	ssyncset.done $0x0  }
0x18e: {  	[sflag:s25] =	ssyncadd.s32 $0xFFFFEC00  }
0x18f: {  	_ =	swait.ge [sflag:s25], $0x1400  }
0x190: {  	s1 =	sshll.u32 s30, $0x3;
	[sflag:s25] =	ssyncset.done $0x0  }
0x191: {  	s0 =	sand.u32 $0x3FFFFFF8, s1;
	[sflag:s25] =	ssyncadd.s32 $0xFFFFEC00  }
0x192: {  	v2 =	vld [tilespmem:s0+$0x12C00];
	_ =	sdelay $0x2  }
0x193: {  	s8 =	simm.s32 $0x0;
	s1 =	simm.s32 $0xC870  }
0x194: {  	v3 =	vmov s8;
	v4 =	vld [tilespmem:s1+$0xFFFFFFD0]  }
0x195: {  	s8 =	simm.s32 $0x1;
	v7 =	vld [tilespmem:s1+$0xFFFFFFA0];
	vm0 =	vlt.s32 v3, v2  }
0x196: {  	v5 =	vmov s8;
	v8 =	vld [tilespmem:s1+$0xFFFFFFC0];
	v6 =	vsel vm0, $0x1, v0  }
0x197: {  	v3 =	vld [tilespmem:s1+$0xFFFFFF90];
	vm0 =	vlt.s32 v5, v2;
	v5 =	vbroadcast v6, $0x0  }
0x198: {  	v9 =	vimm.f32 $0.0e+00;
	s8 =	simm.s32 $0x2;
	v6 =	vld [tilespmem:s1+$0xFFFFFFB0];
	v10 =	vsel vm0, $0x1, v0  }
0x199: {  	v11 =	vmov s8;
	s8 =	simm.s32 $0x3;
	v12 =	vld [tilespmem:s1+$0xFFFFFFE0];
	v10 =	vbroadcast v10, $0x0;
	v5 =	vand.u32 $0x1, v5  }
0x19a: {  	v15 =	vld [tilespmem:s1+$0x0];
	vm1 =	vlt.s32 v11, v2;
	v11 =	vmov s8;
	vm2 =	veq.s32 v5, $0x1  }
0x19b: {  	vm0 =	vlt.s32 v11, v2;
	v5 =	vld [tilespmem:s1+$0xFFFFFFF0];
	v10 =	vand.u32 $0x1, v10;
	v11 =	vsel vm2, $0x3F800000, v1  }
0x19c: {  	vm2 =	veq.s32 v10, $0x1;
	v13 =	vmul.f32 v3, v11;
	v62 =	vmul.f32 v7, v11  }
0x19d: {  	s31 =	simm.s32 $0xC8F0;
	v63 =	vmul.f32 v6, v11;
	v18 =	vmul.f32 v8, v11;
	v19 =	vsel vm2, $0x3F800000, v1  }
0x19e: {  	v10 =	vsel vm1, $0x1, v0;
	v3 =	vld [tilespmem:s31+$0xFFFFFFD0];
	v7 =	vmul.f32 v4, v19;
	v6 =	vmul.f32 v12, v19  }
0x19f: {  	v4 =	vld [tilespmem:s31+$0xFFFFFF90];
	v12 =	vmul.f32 v15, v19;
	v14 =	vadd.f32 v13, v9;
	v11 =	vadd.f32 v62, v9  }
0x1a0: {  	s1 =	simm.s32 $0x4;
	v13 =	vadd.f32 v63, v9;
	v9 =	vadd.f32 v18, v9;
	v8 =	vmul.f32 v5, v19;
	v5 =	vld [tilespmem:s31+$0xFFFFFFA0]  }
.LBB2_19:
0x1a1: {  	p0 =	slt.u32 s1, $0x30;
	v10 =	vbroadcast v10, $0x0;
	v15 =	vld [tilespmem:s31+$0xFFFFFFB0];
	v14 =	vadd.f32 v7, v14;
	v11 =	vadd.f32 v6, v11  }
0x1a2: {  	v7 =	vsel vm0, $0x1, v0;
	v6 =	vld [tilespmem:s31+$0xFFFFFFC0];
	v13 =	vadd.f32 v8, v13;
	v9 =	vadd.f32 v12, v9  }
0x1a3: {  	s0 =	sadd.s32 $0x1, s1;
	v8 =	vmov s1;
	v7 =	vbroadcast v7, $0x0;
	v10 =	vand.u32 $0x1, v10;
	v12 =	vld [tilespmem:s31+$0xFFFFFFE0]  }
0x1a4: {  	vm1 =	vlt.s32 v8, v2;
	v8 =	vmov s0;
	vm2 =	veq.s32 v10, $0x1;
	v16 =	vld [tilespmem:s31+$0xFFFFFFF0]  }
0x1a5: {  	vm0 =	vlt.s32 v8, v2;
	v7 =	vand.u32 $0x1, v7;
	v8 =	vsel vm2, $0x3F800000, v1;
	v17 =	vld [tilespmem:s31+$0x0]  }
.Ltmp8:
0x1a6: {  	vm2 =	veq.s32 v7, $0x1;
	v18 =	vmul.f32 v4, v8;
	v5 =	vmul.f32 v5, v8;
	(pc) =	sbr.rel @p0 .LBB2_19-.Ltmp8, $4  }
0x1a7: {  	s31 =	sadd.s32 $0x80, s31;
	v15 =	vmul.f32 v15, v8;
	v20 =	vsel vm2, $0x3F800000, v1;
	v19 =	vmul.f32 v6, v8  }
0x1a8: {  	v10 =	vsel vm1, $0x1, v0;
	v7 =	vmul.f32 v3, v20;
	v3 =	vld [tilespmem:s31+$0xFFFFFFD0];
	v6 =	vmul.f32 v12, v20  }
0x1a9: {  	v14 =	vadd.f32 v18, v14;
	v11 =	vadd.f32 v5, v11;
	v4 =	vld [tilespmem:s31+$0xFFFFFF90];
	v8 =	vmul.f32 v16, v20  }
0x1aa: {  	s1 =	sadd.s32 $0x2, s1;
	v13 =	vadd.f32 v15, v13;
	v9 =	vadd.f32 v19, v9;
	v5 =	vld [tilespmem:s31+$0xFFFFFFA0];
	v12 =	vmul.f32 v17, v20  }
0x1ab: {  	v15 =	vcvt.s32.f32 v2;
	_ =	sdelay $0x1  }
0x1ac: {  	v15 =	vbroadcast v15, $0x0  }
0x1ad: {  	v10 =	vbroadcast v10, $0x0  }
0x1ae: {  	v16 =	vld [tilespmem:s31+$0xFFFFFFB0];
	v17 =	vsel vm0, $0x1, v0;
	(erf) = vrcp.f32 v15  }
0x1af: {  	v17 =	vbroadcast v17, $0x0;
	v10 =	vand.u32 $0x1, v10;
	v15 =	vld [tilespmem:s31+$0xFFFFFFC0]  }
0x1b0: {  	v7 =	vadd.f32 v7, v14;
	v14 =	vld [tilespmem:s31+$0xFFFFFFE0];
	v6 =	vadd.f32 v6, v11;
	vm13 =	veq.s32 v10, $0x1  }
0x1b1: {  	v8 =	vadd.f32 v8, v13;
	v13 =	vld [tilespmem:s31+$0x0];
	v17 =	vand.u32 $0x1, v17;
	v11 =	vsel vm13, $0x3F800000, v1  }
0x1b2: {  	v10 =	vld [tilespmem:s31+$0xFFFFFFF0];
	vm14 =	veq.s32 v17, $0x1;
	v4 =	vmul.f32 v4, v11  }
0x1b3: {  	v9 =	vadd.f32 v12, v9;
	v5 =	vmul.f32 v5, v11;
	v12 =	vsel vm14, $0x3F800000, v1  }
0x1b4: {  	v3 =	vmul.f32 v3, v12;
	v4 =	vadd.f32 v4, v7;
	v7 =	vmul.f32 v15, v11  }
0x1b5: {  	v16 =	vmul.f32 v16, v11;
	v5 =	vadd.f32 v5, v6;
	v11 =	vmul.f32 v14, v12  }
0x1b6: {  	v3 =	vadd.f32 v3, v4;
	v4 =	vadd.f32 v7, v9;
	v7 =	vmul.f32 v13, v12  }
0x1b7: {  	v8 =	vadd.f32 v16, v8;
	v6 =	vmul.f32 v10, v12;
	v5 =	vadd.f32 v11, v5;
	v9 =	vpop (erf)  }
0x1b8: {  	s0 =	sshll.u32 s30, $0x9;
	v4 =	vadd.f32 v7, v4;
	v3 =	vmul.f32 v3, v9  }
0x1b9: {  	s30 =	sand.u32 $0x3FFFFE00, s0;
	v6 =	vadd.f32 v6, v8;
	v5 =	vmul.f32 v5, v9  }
0x1ba: {  	v4 =	vmul.f32 v4, v9;
	[tilespmem:s30+$0x12E08] =	vst v3  }
0x1bb: {  	v3 =	vmul.f32 v6, v9;
	[tilespmem:s30+$0x12E18] =	vst v5  }
0x1bc: {  	[tilespmem:s30+$0x12E38] =	vst v4  }
0x1bd: {  	s8 =	simm.s32 $0xD480;
	[tilespmem:s30+$0x12E28] =	vst v3  }
0x1be: {  	v5 =	vld [tilespmem:s8+$0x40]  }
0x1bf: {  	v6 =	vld [tilespmem:s8+$0x50]  }
0x1c0: {  	v7 =	vld [tilespmem:s8+$0x0]  }
0x1c1: {  	v8 =	vld [tilespmem:s8+$0x10]  }
0x1c2: {  	s1 =	simm.s32 $0x1;
	v3 =	vbroadcast v2, $0x1;
	v9 =	vld [tilespmem:s8+$0x20]  }
0x1c3: {  	s31 =	simm.s32 $0x0;
	v4 =	vmov s1;
	v11 =	vld [tilespmem:s8+$0x30]  }
0x1c4: {  	v10 =	vmov s31;
	v12 =	vld [tilespmem:s8+$0x60];
	vm15 =	vlt.s32 v4, v3  }
0x1c5: {  	s1 =	simm.s32 $0xD500;
	v17 =	vld [tilespmem:s8+$0x70];
	vm1 =	vlt.s32 v10, v3;
	v16 =	vsel vm15, $0x3F800000, v1  }
0x1c6: {  	v4 =	vld [tilespmem:s1+$0x40];
	v13 =	vsel vm1, $0x3F800000, v1;
	v18 =	vmul.f32 v5, v16;
	v19 =	vmul.f32 v6, v16  }
0x1c7: {  	v14 =	vimm.f32 $0.0e+00;
	s8 =	simm.s32 $0x2;
	v5 =	vld [tilespmem:s1+$0x50];
	v15 =	vmul.f32 v7, v13;
	v8 =	vmul.f32 v8, v13  }
0x1c8: {  	v10 =	vmov s8;
	v6 =	vld [tilespmem:s1+$0x0];
	v9 =	vmul.f32 v9, v13;
	v11 =	vmul.f32 v11, v13  }
0x1c9: {  	v7 =	vld [tilespmem:s1+$0x10];
	v13 =	vmul.f32 v12, v16;
	v20 =	vadd.f32 v15, v14;
	v21 =	vadd.f32 v8, v14  }
0x1ca: {  	s31 =	simm.s32 $0x3;
	v16 =	vmul.f32 v17, v16;
	v8 =	vld [tilespmem:s1+$0x20];
	v15 =	vadd.f32 v9, v14;
	v14 =	vadd.f32 v11, v14  }
0x1cb: {  	s0 =	simm.s32 $0x4;
	v17 =	vmov s31;
	v9 =	vld [tilespmem:s1+$0x30];
	v12 =	vadd.f32 v18, v20;
	v11 =	vadd.f32 v19, v21  }
.LBB2_21:
0x1cc: {  	p0 =	slt.u32 s0, $0x30;
	vm0 =	vlt.s32 v17, v3;
	v17 =	vld [tilespmem:s1+$0x60];
	v15 =	vadd.f32 v13, v15;
	v14 =	vadd.f32 v16, v14  }
0x1cd: {  	vm1 =	vlt.s32 v10, v3;
	v16 =	vsel vm0, $0x3F800000, v1;
	v18 =	vld [tilespmem:s1+$0x70];
	s1 =	sadd.s32 $0x80, s1  }
0x1ce: {  	v13 =	vsel vm1, $0x3F800000, v1;
	v19 =	vmul.f32 v4, v16;
	v4 =	vld [tilespmem:s1+$0x40];
	v20 =	vmul.f32 v5, v16  }
.Ltmp9:
0x1cf: {  	v21 =	vmul.f32 v6, v13;
	v22 =	vmul.f32 v7, v13;
	v5 =	vld [tilespmem:s1+$0x50];
	(pc) =	sbr.rel @p0 .LBB2_21-.Ltmp9, $4  }
0x1d0: {  	v10 =	vmov s0;
	v23 =	vmul.f32 v8, v13;
	v6 =	vld [tilespmem:s1+$0x0];
	v9 =	vmul.f32 v9, v13  }
0x1d1: {  	v12 =	vadd.f32 v21, v12;
	v11 =	vadd.f32 v22, v11;
	v7 =	vld [tilespmem:s1+$0x10];
	v13 =	vmul.f32 v17, v16  }
0x1d2: {  	s8 =	sadd.s32 $0x1, s0;
	v15 =	vadd.f32 v23, v15;
	v8 =	vld [tilespmem:s1+$0x20];
	v14 =	vadd.f32 v9, v14;
	v16 =	vmul.f32 v18, v16  }
0x1d3: {  	s0 =	sadd.s32 $0x2, s0;
	v17 =	vmov s8;
	v12 =	vadd.f32 v19, v12;
	v11 =	vadd.f32 v20, v11;
	v9 =	vld [tilespmem:s1+$0x30]  }
0x1d4: {  	v18 =	vcvt.s32.f32 v3;
	_ =	sdelay $0x1  }
0x1d5: {  	(erf) = vrcp.f32 v18  }
0x1d6: {  	vm0 =	vlt.s32 v10, v3  }
0x1d7: {  	v18 =	vsel vm0, $0x3F800000, v1  }
0x1d8: {  	v10 =	vld [tilespmem:s1+$0x60];
	v7 =	vmul.f32 v7, v18  }
0x1d9: {  	vm14 =	vlt.s32 v17, v3;
	v3 =	vadd.f32 v13, v15;
	v13 =	vld [tilespmem:s1+$0x70];
	v6 =	vmul.f32 v6, v18  }
0x1da: {  	v15 =	vsel vm14, $0x3F800000, v1;
	v7 =	vadd.f32 v7, v11  }
0x1db: {  	v4 =	vmul.f32 v4, v15;
	v8 =	vmul.f32 v8, v18;
	v6 =	vadd.f32 v6, v12  }
0x1dc: {  	v14 =	vadd.f32 v16, v14;
	v5 =	vmul.f32 v5, v15;
	v9 =	vmul.f32 v9, v18  }
0x1dd: {  	v10 =	vmul.f32 v10, v15;
	v3 =	vadd.f32 v8, v3;
	v4 =	vadd.f32 v4, v6  }
0x1de: {  	v8 =	vmul.f32 v13, v15;
	v6 =	vadd.f32 v9, v14;
	v5 =	vadd.f32 v5, v7;
	v7 =	vpop (erf)  }
0x1df: {  	v3 =	vadd.f32 v10, v3;
	v4 =	vmul.f32 v4, v7  }
0x1e0: {  	v6 =	vadd.f32 v8, v6;
	v5 =	vmul.f32 v5, v7  }
0x1e1: {  	v3 =	vmul.f32 v3, v7;
	[tilespmem:s30+$0x12E48] =	vst v4  }
0x1e2: {  	[tilespmem:s30+$0x12E58] =	vst v5;
	v4 =	vmul.f32 v6, v7  }
0x1e3: {  	[tilespmem:s30+$0x12E68] =	vst v3  }
0x1e4: {  	s0 =	simm.s32 $0xE100;
	[tilespmem:s30+$0x12E78] =	vst v4  }
0x1e5: {  	v5 =	vld [tilespmem:s0+$0x40]  }
0x1e6: {  	v6 =	vld [tilespmem:s0+$0x50]  }
0x1e7: {  	v7 =	vld [tilespmem:s0+$0x0]  }
0x1e8: {  	v8 =	vld [tilespmem:s0+$0x10]  }
0x1e9: {  	s8 =	simm.s32 $0x1;
	v3 =	vbroadcast v2, $0x2;
	v9 =	vld [tilespmem:s0+$0x20]  }
0x1ea: {  	s31 =	simm.s32 $0x0;
	v4 =	vmov s8;
	v11 =	vld [tilespmem:s0+$0x30]  }
0x1eb: {  	v10 =	vmov s31;
	vm15 =	vlt.s32 v4, v3;
	v12 =	vld [tilespmem:s0+$0x60]  }
0x1ec: {  	s1 =	simm.s32 $0xE180;
	vm1 =	vlt.s32 v10, v3;
	v17 =	vld [tilespmem:s0+$0x70];
	v16 =	vsel vm15, $0x3F800000, v1  }
0x1ed: {  	v4 =	vld [tilespmem:s1+$0x40];
	v13 =	vsel vm1, $0x3F800000, v1;
	v18 =	vmul.f32 v5, v16;
	v19 =	vmul.f32 v6, v16  }
0x1ee: {  	v14 =	vimm.f32 $0.0e+00;
	s8 =	simm.s32 $0x2;
	v5 =	vld [tilespmem:s1+$0x50];
	v15 =	vmul.f32 v7, v13;
	v8 =	vmul.f32 v8, v13  }
0x1ef: {  	v10 =	vmov s8;
	v6 =	vld [tilespmem:s1+$0x0];
	v9 =	vmul.f32 v9, v13;
	v11 =	vmul.f32 v11, v13  }
0x1f0: {  	v7 =	vld [tilespmem:s1+$0x10];
	v13 =	vmul.f32 v12, v16;
	v20 =	vadd.f32 v15, v14;
	v21 =	vadd.f32 v8, v14  }
0x1f1: {  	s31 =	simm.s32 $0x3;
	v16 =	vmul.f32 v17, v16;
	v8 =	vld [tilespmem:s1+$0x20];
	v15 =	vadd.f32 v9, v14;
	v14 =	vadd.f32 v11, v14  }
0x1f2: {  	s0 =	simm.s32 $0x4;
	v17 =	vmov s31;
	v9 =	vld [tilespmem:s1+$0x30];
	v12 =	vadd.f32 v18, v20;
	v11 =	vadd.f32 v19, v21  }
.LBB2_23:
0x1f3: {  	p0 =	slt.u32 s0, $0x30;
	vm0 =	vlt.s32 v17, v3;
	v17 =	vld [tilespmem:s1+$0x60];
	v15 =	vadd.f32 v13, v15;
	v14 =	vadd.f32 v16, v14  }
0x1f4: {  	vm1 =	vlt.s32 v10, v3;
	v16 =	vsel vm0, $0x3F800000, v1;
	v18 =	vld [tilespmem:s1+$0x70];
	s1 =	sadd.s32 $0x80, s1  }
0x1f5: {  	v13 =	vsel vm1, $0x3F800000, v1;
	v19 =	vmul.f32 v4, v16;
	v4 =	vld [tilespmem:s1+$0x40];
	v20 =	vmul.f32 v5, v16  }
.Ltmp10:
0x1f6: {  	v21 =	vmul.f32 v6, v13;
	v22 =	vmul.f32 v7, v13;
	v5 =	vld [tilespmem:s1+$0x50];
	(pc) =	sbr.rel @p0 .LBB2_23-.Ltmp10, $4  }
0x1f7: {  	v10 =	vmov s0;
	v23 =	vmul.f32 v8, v13;
	v6 =	vld [tilespmem:s1+$0x0];
	v9 =	vmul.f32 v9, v13  }
0x1f8: {  	v12 =	vadd.f32 v21, v12;
	v11 =	vadd.f32 v22, v11;
	v7 =	vld [tilespmem:s1+$0x10];
	v13 =	vmul.f32 v17, v16  }
0x1f9: {  	s8 =	sadd.s32 $0x1, s0;
	v15 =	vadd.f32 v23, v15;
	v8 =	vld [tilespmem:s1+$0x20];
	v14 =	vadd.f32 v9, v14;
	v16 =	vmul.f32 v18, v16  }
0x1fa: {  	s0 =	sadd.s32 $0x2, s0;
	v17 =	vmov s8;
	v12 =	vadd.f32 v19, v12;
	v11 =	vadd.f32 v20, v11;
	v9 =	vld [tilespmem:s1+$0x30]  }
0x1fb: {  	v18 =	vcvt.s32.f32 v3;
	_ =	sdelay $0x1  }
0x1fc: {  	(erf) = vrcp.f32 v18  }
0x1fd: {  	vm0 =	vlt.s32 v10, v3  }
0x1fe: {  	v18 =	vsel vm0, $0x3F800000, v1  }
0x1ff: {  	v10 =	vld [tilespmem:s1+$0x60];
	v7 =	vmul.f32 v7, v18  }
0x200: {  	vm14 =	vlt.s32 v17, v3;
	v3 =	vadd.f32 v13, v15;
	v13 =	vld [tilespmem:s1+$0x70];
	v6 =	vmul.f32 v6, v18  }
0x201: {  	v15 =	vsel vm14, $0x3F800000, v1;
	v7 =	vadd.f32 v7, v11  }
0x202: {  	v4 =	vmul.f32 v4, v15;
	v8 =	vmul.f32 v8, v18;
	v6 =	vadd.f32 v6, v12  }
0x203: {  	v14 =	vadd.f32 v16, v14;
	v5 =	vmul.f32 v5, v15;
	v9 =	vmul.f32 v9, v18  }
0x204: {  	v10 =	vmul.f32 v10, v15;
	v3 =	vadd.f32 v8, v3;
	v4 =	vadd.f32 v4, v6  }
0x205: {  	v8 =	vmul.f32 v13, v15;
	v6 =	vadd.f32 v9, v14;
	v5 =	vadd.f32 v5, v7;
	v7 =	vpop (erf)  }
0x206: {  	v3 =	vadd.f32 v10, v3;
	v4 =	vmul.f32 v4, v7  }
0x207: {  	v6 =	vadd.f32 v8, v6;
	v5 =	vmul.f32 v5, v7  }
0x208: {  	v3 =	vmul.f32 v3, v7;
	[tilespmem:s30+$0x12E88] =	vst v4  }
0x209: {  	[tilespmem:s30+$0x12E98] =	vst v5;
	v4 =	vmul.f32 v6, v7  }
0x20a: {  	[tilespmem:s30+$0x12EA8] =	vst v3  }
0x20b: {  	s0 =	simm.s32 $0xED80;
	[tilespmem:s30+$0x12EB8] =	vst v4  }
0x20c: {  	v5 =	vld [tilespmem:s0+$0x40]  }
0x20d: {  	v6 =	vld [tilespmem:s0+$0x50]  }
0x20e: {  	v7 =	vld [tilespmem:s0+$0x0]  }
0x20f: {  	v8 =	vld [tilespmem:s0+$0x10]  }
0x210: {  	s8 =	simm.s32 $0x1;
	v3 =	vbroadcast v2, $0x3;
	v9 =	vld [tilespmem:s0+$0x20]  }
0x211: {  	s31 =	simm.s32 $0x0;
	v4 =	vmov s8;
	v11 =	vld [tilespmem:s0+$0x30]  }
0x212: {  	v10 =	vmov s31;
	vm15 =	vlt.s32 v4, v3;
	v12 =	vld [tilespmem:s0+$0x60]  }
0x213: {  	s1 =	simm.s32 $0xEE00;
	vm1 =	vlt.s32 v10, v3;
	v17 =	vld [tilespmem:s0+$0x70];
	v16 =	vsel vm15, $0x3F800000, v1  }
0x214: {  	v4 =	vld [tilespmem:s1+$0x40];
	v13 =	vsel vm1, $0x3F800000, v1;
	v18 =	vmul.f32 v5, v16;
	v19 =	vmul.f32 v6, v16  }
0x215: {  	v14 =	vimm.f32 $0.0e+00;
	s8 =	simm.s32 $0x2;
	v5 =	vld [tilespmem:s1+$0x50];
	v15 =	vmul.f32 v7, v13;
	v8 =	vmul.f32 v8, v13  }
0x216: {  	v10 =	vmov s8;
	v6 =	vld [tilespmem:s1+$0x0];
	v9 =	vmul.f32 v9, v13;
	v11 =	vmul.f32 v11, v13  }
0x217: {  	v7 =	vld [tilespmem:s1+$0x10];
	v13 =	vmul.f32 v12, v16;
	v20 =	vadd.f32 v15, v14;
	v21 =	vadd.f32 v8, v14  }
0x218: {  	s31 =	simm.s32 $0x3;
	v16 =	vmul.f32 v17, v16;
	v8 =	vld [tilespmem:s1+$0x20];
	v15 =	vadd.f32 v9, v14;
	v14 =	vadd.f32 v11, v14  }
0x219: {  	s0 =	simm.s32 $0x4;
	v17 =	vmov s31;
	v9 =	vld [tilespmem:s1+$0x30];
	v12 =	vadd.f32 v18, v20;
	v11 =	vadd.f32 v19, v21  }
.LBB2_25:
0x21a: {  	p0 =	slt.u32 s0, $0x30;
	vm0 =	vlt.s32 v17, v3;
	v17 =	vld [tilespmem:s1+$0x60];
	v15 =	vadd.f32 v13, v15;
	v14 =	vadd.f32 v16, v14  }
0x21b: {  	vm1 =	vlt.s32 v10, v3;
	v16 =	vsel vm0, $0x3F800000, v1;
	v18 =	vld [tilespmem:s1+$0x70];
	s1 =	sadd.s32 $0x80, s1  }
0x21c: {  	v13 =	vsel vm1, $0x3F800000, v1;
	v19 =	vmul.f32 v4, v16;
	v4 =	vld [tilespmem:s1+$0x40];
	v20 =	vmul.f32 v5, v16  }
.Ltmp11:
0x21d: {  	v21 =	vmul.f32 v6, v13;
	v22 =	vmul.f32 v7, v13;
	v5 =	vld [tilespmem:s1+$0x50];
	(pc) =	sbr.rel @p0 .LBB2_25-.Ltmp11, $4  }
0x21e: {  	v10 =	vmov s0;
	v23 =	vmul.f32 v8, v13;
	v6 =	vld [tilespmem:s1+$0x0];
	v9 =	vmul.f32 v9, v13  }
0x21f: {  	v12 =	vadd.f32 v21, v12;
	v11 =	vadd.f32 v22, v11;
	v7 =	vld [tilespmem:s1+$0x10];
	v13 =	vmul.f32 v17, v16  }
0x220: {  	s8 =	sadd.s32 $0x1, s0;
	v15 =	vadd.f32 v23, v15;
	v8 =	vld [tilespmem:s1+$0x20];
	v14 =	vadd.f32 v9, v14;
	v16 =	vmul.f32 v18, v16  }
0x221: {  	s0 =	sadd.s32 $0x2, s0;
	v17 =	vmov s8;
	v12 =	vadd.f32 v19, v12;
	v11 =	vadd.f32 v20, v11;
	v9 =	vld [tilespmem:s1+$0x30]  }
0x222: {  	v18 =	vcvt.s32.f32 v3;
	_ =	sdelay $0x1  }
0x223: {  	(erf) = vrcp.f32 v18  }
0x224: {  	vm0 =	vlt.s32 v10, v3  }
0x225: {  	v18 =	vsel vm0, $0x3F800000, v1  }
0x226: {  	v10 =	vld [tilespmem:s1+$0x60];
	v7 =	vmul.f32 v7, v18  }
0x227: {  	vm14 =	vlt.s32 v17, v3;
	v3 =	vadd.f32 v13, v15;
	v13 =	vld [tilespmem:s1+$0x70];
	v6 =	vmul.f32 v6, v18  }
0x228: {  	v15 =	vsel vm14, $0x3F800000, v1;
	v7 =	vadd.f32 v7, v11  }
0x229: {  	v4 =	vmul.f32 v4, v15;
	v8 =	vmul.f32 v8, v18;
	v6 =	vadd.f32 v6, v12  }
0x22a: {  	v14 =	vadd.f32 v16, v14;
	v5 =	vmul.f32 v5, v15;
	v9 =	vmul.f32 v9, v18  }
0x22b: {  	v10 =	vmul.f32 v10, v15;
	v3 =	vadd.f32 v8, v3;
	v4 =	vadd.f32 v4, v6  }
0x22c: {  	v8 =	vmul.f32 v13, v15;
	v6 =	vadd.f32 v9, v14;
	v5 =	vadd.f32 v5, v7;
	v7 =	vpop (erf)  }
0x22d: {  	v3 =	vadd.f32 v10, v3;
	v4 =	vmul.f32 v4, v7  }
0x22e: {  	v6 =	vadd.f32 v8, v6;
	v5 =	vmul.f32 v5, v7  }
0x22f: {  	v3 =	vmul.f32 v3, v7;
	[tilespmem:s30+$0x12EC8] =	vst v4  }
0x230: {  	[tilespmem:s30+$0x12ED8] =	vst v5;
	v4 =	vmul.f32 v6, v7  }
0x231: {  	[tilespmem:s30+$0x12EE8] =	vst v3  }
0x232: {  	s0 =	simm.s32 $0xFA00;
	[tilespmem:s30+$0x12EF8] =	vst v4  }
0x233: {  	v5 =	vld [tilespmem:s0+$0x40]  }
0x234: {  	v6 =	vld [tilespmem:s0+$0x50]  }
0x235: {  	v7 =	vld [tilespmem:s0+$0x0]  }
0x236: {  	v8 =	vld [tilespmem:s0+$0x10]  }
0x237: {  	s8 =	simm.s32 $0x1;
	v3 =	vbroadcast v2, $0x4;
	v9 =	vld [tilespmem:s0+$0x20]  }
0x238: {  	s31 =	simm.s32 $0x0;
	v4 =	vmov s8;
	v11 =	vld [tilespmem:s0+$0x30]  }
0x239: {  	v10 =	vmov s31;
	vm15 =	vlt.s32 v4, v3;
	v12 =	vld [tilespmem:s0+$0x60]  }
0x23a: {  	s1 =	simm.s32 $0xFA80;
	vm1 =	vlt.s32 v10, v3;
	v17 =	vld [tilespmem:s0+$0x70];
	v16 =	vsel vm15, $0x3F800000, v1  }
0x23b: {  	v4 =	vld [tilespmem:s1+$0x40];
	v13 =	vsel vm1, $0x3F800000, v1;
	v18 =	vmul.f32 v5, v16;
	v19 =	vmul.f32 v6, v16  }
0x23c: {  	v14 =	vimm.f32 $0.0e+00;
	s8 =	simm.s32 $0x2;
	v5 =	vld [tilespmem:s1+$0x50];
	v15 =	vmul.f32 v7, v13;
	v8 =	vmul.f32 v8, v13  }
0x23d: {  	v10 =	vmov s8;
	v6 =	vld [tilespmem:s1+$0x0];
	v9 =	vmul.f32 v9, v13;
	v11 =	vmul.f32 v11, v13  }
0x23e: {  	v7 =	vld [tilespmem:s1+$0x10];
	v13 =	vmul.f32 v12, v16;
	v20 =	vadd.f32 v15, v14;
	v21 =	vadd.f32 v8, v14  }
0x23f: {  	s31 =	simm.s32 $0x3;
	v16 =	vmul.f32 v17, v16;
	v8 =	vld [tilespmem:s1+$0x20];
	v15 =	vadd.f32 v9, v14;
	v14 =	vadd.f32 v11, v14  }
0x240: {  	s0 =	simm.s32 $0x4;
	v17 =	vmov s31;
	v9 =	vld [tilespmem:s1+$0x30];
	v12 =	vadd.f32 v18, v20;
	v11 =	vadd.f32 v19, v21  }
.LBB2_27:
0x241: {  	p0 =	slt.u32 s0, $0x30;
	vm0 =	vlt.s32 v17, v3;
	v17 =	vld [tilespmem:s1+$0x60];
	v15 =	vadd.f32 v13, v15;
	v14 =	vadd.f32 v16, v14  }
0x242: {  	vm1 =	vlt.s32 v10, v3;
	v16 =	vsel vm0, $0x3F800000, v1;
	v18 =	vld [tilespmem:s1+$0x70];
	s1 =	sadd.s32 $0x80, s1  }
0x243: {  	v13 =	vsel vm1, $0x3F800000, v1;
	v19 =	vmul.f32 v4, v16;
	v4 =	vld [tilespmem:s1+$0x40];
	v20 =	vmul.f32 v5, v16  }
.Ltmp12:
0x244: {  	v21 =	vmul.f32 v6, v13;
	v22 =	vmul.f32 v7, v13;
	v5 =	vld [tilespmem:s1+$0x50];
	(pc) =	sbr.rel @p0 .LBB2_27-.Ltmp12, $4  }
0x245: {  	v10 =	vmov s0;
	v23 =	vmul.f32 v8, v13;
	v6 =	vld [tilespmem:s1+$0x0];
	v9 =	vmul.f32 v9, v13  }
0x246: {  	v12 =	vadd.f32 v21, v12;
	v11 =	vadd.f32 v22, v11;
	v7 =	vld [tilespmem:s1+$0x10];
	v13 =	vmul.f32 v17, v16  }
0x247: {  	s8 =	sadd.s32 $0x1, s0;
	v15 =	vadd.f32 v23, v15;
	v8 =	vld [tilespmem:s1+$0x20];
	v14 =	vadd.f32 v9, v14;
	v16 =	vmul.f32 v18, v16  }
0x248: {  	s0 =	sadd.s32 $0x2, s0;
	v17 =	vmov s8;
	v12 =	vadd.f32 v19, v12;
	v11 =	vadd.f32 v20, v11;
	v9 =	vld [tilespmem:s1+$0x30]  }
0x249: {  	v18 =	vcvt.s32.f32 v3;
	_ =	sdelay $0x1  }
0x24a: {  	(erf) = vrcp.f32 v18  }
0x24b: {  	vm0 =	vlt.s32 v10, v3  }
0x24c: {  	v18 =	vsel vm0, $0x3F800000, v1  }
0x24d: {  	v10 =	vld [tilespmem:s1+$0x60];
	v7 =	vmul.f32 v7, v18  }
0x24e: {  	vm14 =	vlt.s32 v17, v3;
	v3 =	vadd.f32 v13, v15;
	v13 =	vld [tilespmem:s1+$0x70];
	v6 =	vmul.f32 v6, v18  }
0x24f: {  	v15 =	vsel vm14, $0x3F800000, v1;
	v7 =	vadd.f32 v7, v11  }
0x250: {  	v4 =	vmul.f32 v4, v15;
	v8 =	vmul.f32 v8, v18;
	v6 =	vadd.f32 v6, v12  }
0x251: {  	v14 =	vadd.f32 v16, v14;
	v5 =	vmul.f32 v5, v15;
	v9 =	vmul.f32 v9, v18  }
0x252: {  	v10 =	vmul.f32 v10, v15;
	v3 =	vadd.f32 v8, v3;
	v4 =	vadd.f32 v4, v6  }
0x253: {  	v8 =	vmul.f32 v13, v15;
	v6 =	vadd.f32 v9, v14;
	v5 =	vadd.f32 v5, v7;
	v7 =	vpop (erf)  }
0x254: {  	v3 =	vadd.f32 v10, v3;
	v4 =	vmul.f32 v4, v7  }
0x255: {  	v6 =	vadd.f32 v8, v6;
	v5 =	vmul.f32 v5, v7  }
0x256: {  	v3 =	vmul.f32 v3, v7;
	[tilespmem:s30+$0x12F08] =	vst v4  }
0x257: {  	[tilespmem:s30+$0x12F18] =	vst v5;
	v4 =	vmul.f32 v6, v7  }
0x258: {  	[tilespmem:s30+$0x12F28] =	vst v3  }
0x259: {  	s0 =	simm.s32 $0x10680;
	[tilespmem:s30+$0x12F38] =	vst v4  }
0x25a: {  	v5 =	vld [tilespmem:s0+$0x40]  }
0x25b: {  	v6 =	vld [tilespmem:s0+$0x50]  }
0x25c: {  	v7 =	vld [tilespmem:s0+$0x0]  }
0x25d: {  	v8 =	vld [tilespmem:s0+$0x10]  }
0x25e: {  	s8 =	simm.s32 $0x1;
	v3 =	vbroadcast v2, $0x5;
	v9 =	vld [tilespmem:s0+$0x20]  }
0x25f: {  	s31 =	simm.s32 $0x0;
	v4 =	vmov s8;
	v11 =	vld [tilespmem:s0+$0x30]  }
0x260: {  	v10 =	vmov s31;
	vm15 =	vlt.s32 v4, v3;
	v12 =	vld [tilespmem:s0+$0x60]  }
0x261: {  	s1 =	simm.s32 $0x10700;
	vm1 =	vlt.s32 v10, v3;
	v17 =	vld [tilespmem:s0+$0x70];
	v16 =	vsel vm15, $0x3F800000, v1  }
0x262: {  	v4 =	vld [tilespmem:s1+$0x40];
	v13 =	vsel vm1, $0x3F800000, v1;
	v18 =	vmul.f32 v5, v16;
	v19 =	vmul.f32 v6, v16  }
0x263: {  	v14 =	vimm.f32 $0.0e+00;
	s8 =	simm.s32 $0x2;
	v5 =	vld [tilespmem:s1+$0x50];
	v15 =	vmul.f32 v7, v13;
	v8 =	vmul.f32 v8, v13  }
0x264: {  	v10 =	vmov s8;
	v6 =	vld [tilespmem:s1+$0x0];
	v9 =	vmul.f32 v9, v13;
	v11 =	vmul.f32 v11, v13  }
0x265: {  	v7 =	vld [tilespmem:s1+$0x10];
	v13 =	vmul.f32 v12, v16;
	v20 =	vadd.f32 v15, v14;
	v21 =	vadd.f32 v8, v14  }
0x266: {  	s31 =	simm.s32 $0x3;
	v16 =	vmul.f32 v17, v16;
	v8 =	vld [tilespmem:s1+$0x20];
	v15 =	vadd.f32 v9, v14;
	v14 =	vadd.f32 v11, v14  }
0x267: {  	s0 =	simm.s32 $0x4;
	v17 =	vmov s31;
	v9 =	vld [tilespmem:s1+$0x30];
	v12 =	vadd.f32 v18, v20;
	v11 =	vadd.f32 v19, v21  }
.LBB2_29:
0x268: {  	p0 =	slt.u32 s0, $0x30;
	vm0 =	vlt.s32 v17, v3;
	v17 =	vld [tilespmem:s1+$0x60];
	v15 =	vadd.f32 v13, v15;
	v14 =	vadd.f32 v16, v14  }
0x269: {  	vm1 =	vlt.s32 v10, v3;
	v16 =	vsel vm0, $0x3F800000, v1;
	v18 =	vld [tilespmem:s1+$0x70];
	s1 =	sadd.s32 $0x80, s1  }
0x26a: {  	v13 =	vsel vm1, $0x3F800000, v1;
	v19 =	vmul.f32 v4, v16;
	v4 =	vld [tilespmem:s1+$0x40];
	v20 =	vmul.f32 v5, v16  }
.Ltmp13:
0x26b: {  	v21 =	vmul.f32 v6, v13;
	v22 =	vmul.f32 v7, v13;
	v5 =	vld [tilespmem:s1+$0x50];
	(pc) =	sbr.rel @p0 .LBB2_29-.Ltmp13, $4  }
0x26c: {  	v10 =	vmov s0;
	v23 =	vmul.f32 v8, v13;
	v6 =	vld [tilespmem:s1+$0x0];
	v9 =	vmul.f32 v9, v13  }
0x26d: {  	v12 =	vadd.f32 v21, v12;
	v11 =	vadd.f32 v22, v11;
	v7 =	vld [tilespmem:s1+$0x10];
	v13 =	vmul.f32 v17, v16  }
0x26e: {  	s8 =	sadd.s32 $0x1, s0;
	v15 =	vadd.f32 v23, v15;
	v8 =	vld [tilespmem:s1+$0x20];
	v14 =	vadd.f32 v9, v14;
	v16 =	vmul.f32 v18, v16  }
0x26f: {  	s0 =	sadd.s32 $0x2, s0;
	v17 =	vmov s8;
	v12 =	vadd.f32 v19, v12;
	v11 =	vadd.f32 v20, v11;
	v9 =	vld [tilespmem:s1+$0x30]  }
0x270: {  	v18 =	vcvt.s32.f32 v3;
	_ =	sdelay $0x1  }
0x271: {  	(erf) = vrcp.f32 v18  }
0x272: {  	vm0 =	vlt.s32 v10, v3  }
0x273: {  	v18 =	vsel vm0, $0x3F800000, v1  }
0x274: {  	v10 =	vld [tilespmem:s1+$0x60];
	v7 =	vmul.f32 v7, v18  }
0x275: {  	vm14 =	vlt.s32 v17, v3;
	v3 =	vadd.f32 v13, v15;
	v13 =	vld [tilespmem:s1+$0x70];
	v6 =	vmul.f32 v6, v18  }
0x276: {  	v15 =	vsel vm14, $0x3F800000, v1;
	v7 =	vadd.f32 v7, v11  }
0x277: {  	v4 =	vmul.f32 v4, v15;
	v8 =	vmul.f32 v8, v18;
	v6 =	vadd.f32 v6, v12  }
0x278: {  	v14 =	vadd.f32 v16, v14;
	v5 =	vmul.f32 v5, v15;
	v9 =	vmul.f32 v9, v18  }
0x279: {  	v10 =	vmul.f32 v10, v15;
	v3 =	vadd.f32 v8, v3;
	v4 =	vadd.f32 v4, v6  }
0x27a: {  	v8 =	vmul.f32 v13, v15;
	v6 =	vadd.f32 v9, v14;
	v5 =	vadd.f32 v5, v7;
	v7 =	vpop (erf)  }
0x27b: {  	v3 =	vadd.f32 v10, v3;
	v4 =	vmul.f32 v4, v7  }
0x27c: {  	v6 =	vadd.f32 v8, v6;
	v5 =	vmul.f32 v5, v7  }
0x27d: {  	v3 =	vmul.f32 v3, v7;
	[tilespmem:s30+$0x12F48] =	vst v4  }
0x27e: {  	[tilespmem:s30+$0x12F58] =	vst v5;
	v4 =	vmul.f32 v6, v7  }
0x27f: {  	[tilespmem:s30+$0x12F68] =	vst v3  }
0x280: {  	s0 =	simm.s32 $0x11300;
	[tilespmem:s30+$0x12F78] =	vst v4  }
0x281: {  	v5 =	vld [tilespmem:s0+$0x40]  }
0x282: {  	v6 =	vld [tilespmem:s0+$0x50]  }
0x283: {  	v7 =	vld [tilespmem:s0+$0x0]  }
0x284: {  	v8 =	vld [tilespmem:s0+$0x10]  }
0x285: {  	s8 =	simm.s32 $0x1;
	v3 =	vbroadcast v2, $0x6;
	v9 =	vld [tilespmem:s0+$0x20]  }
0x286: {  	s31 =	simm.s32 $0x0;
	v4 =	vmov s8;
	v11 =	vld [tilespmem:s0+$0x30]  }
0x287: {  	v10 =	vmov s31;
	vm15 =	vlt.s32 v4, v3;
	v12 =	vld [tilespmem:s0+$0x60]  }
0x288: {  	s1 =	simm.s32 $0x11380;
	vm1 =	vlt.s32 v10, v3;
	v17 =	vld [tilespmem:s0+$0x70];
	v16 =	vsel vm15, $0x3F800000, v1  }
0x289: {  	v4 =	vld [tilespmem:s1+$0x40];
	v13 =	vsel vm1, $0x3F800000, v1;
	v18 =	vmul.f32 v5, v16;
	v19 =	vmul.f32 v6, v16  }
0x28a: {  	v14 =	vimm.f32 $0.0e+00;
	s8 =	simm.s32 $0x2;
	v5 =	vld [tilespmem:s1+$0x50];
	v15 =	vmul.f32 v7, v13;
	v8 =	vmul.f32 v8, v13  }
0x28b: {  	v10 =	vmov s8;
	v6 =	vld [tilespmem:s1+$0x0];
	v9 =	vmul.f32 v9, v13;
	v11 =	vmul.f32 v11, v13  }
0x28c: {  	v7 =	vld [tilespmem:s1+$0x10];
	v13 =	vmul.f32 v12, v16;
	v20 =	vadd.f32 v15, v14;
	v21 =	vadd.f32 v8, v14  }
0x28d: {  	s31 =	simm.s32 $0x3;
	v16 =	vmul.f32 v17, v16;
	v8 =	vld [tilespmem:s1+$0x20];
	v15 =	vadd.f32 v9, v14;
	v14 =	vadd.f32 v11, v14  }
0x28e: {  	s0 =	simm.s32 $0x4;
	v17 =	vmov s31;
	v9 =	vld [tilespmem:s1+$0x30];
	v12 =	vadd.f32 v18, v20;
	v11 =	vadd.f32 v19, v21  }
.LBB2_31:
0x28f: {  	p0 =	slt.u32 s0, $0x30;
	vm0 =	vlt.s32 v17, v3;
	v17 =	vld [tilespmem:s1+$0x60];
	v15 =	vadd.f32 v13, v15;
	v14 =	vadd.f32 v16, v14  }
0x290: {  	vm1 =	vlt.s32 v10, v3;
	v16 =	vsel vm0, $0x3F800000, v1;
	v18 =	vld [tilespmem:s1+$0x70];
	s1 =	sadd.s32 $0x80, s1  }
0x291: {  	v13 =	vsel vm1, $0x3F800000, v1;
	v19 =	vmul.f32 v4, v16;
	v4 =	vld [tilespmem:s1+$0x40];
	v20 =	vmul.f32 v5, v16  }
.Ltmp14:
0x292: {  	v21 =	vmul.f32 v6, v13;
	v22 =	vmul.f32 v7, v13;
	v5 =	vld [tilespmem:s1+$0x50];
	(pc) =	sbr.rel @p0 .LBB2_31-.Ltmp14, $4  }
0x293: {  	v10 =	vmov s0;
	v23 =	vmul.f32 v8, v13;
	v6 =	vld [tilespmem:s1+$0x0];
	v9 =	vmul.f32 v9, v13  }
0x294: {  	v12 =	vadd.f32 v21, v12;
	v11 =	vadd.f32 v22, v11;
	v7 =	vld [tilespmem:s1+$0x10];
	v13 =	vmul.f32 v17, v16  }
0x295: {  	s8 =	sadd.s32 $0x1, s0;
	v15 =	vadd.f32 v23, v15;
	v8 =	vld [tilespmem:s1+$0x20];
	v14 =	vadd.f32 v9, v14;
	v16 =	vmul.f32 v18, v16  }
0x296: {  	s0 =	sadd.s32 $0x2, s0;
	v17 =	vmov s8;
	v12 =	vadd.f32 v19, v12;
	v11 =	vadd.f32 v20, v11;
	v9 =	vld [tilespmem:s1+$0x30]  }
0x297: {  	v18 =	vcvt.s32.f32 v3;
	_ =	sdelay $0x1  }
0x298: {  	(erf) = vrcp.f32 v18  }
0x299: {  	vm0 =	vlt.s32 v10, v3  }
0x29a: {  	v18 =	vsel vm0, $0x3F800000, v1  }
0x29b: {  	v10 =	vld [tilespmem:s1+$0x60];
	v7 =	vmul.f32 v7, v18  }
0x29c: {  	vm14 =	vlt.s32 v17, v3;
	v3 =	vadd.f32 v13, v15;
	v13 =	vld [tilespmem:s1+$0x70];
	v6 =	vmul.f32 v6, v18  }
0x29d: {  	v15 =	vsel vm14, $0x3F800000, v1;
	v7 =	vadd.f32 v7, v11  }
0x29e: {  	v4 =	vmul.f32 v4, v15;
	v8 =	vmul.f32 v8, v18;
	v6 =	vadd.f32 v6, v12  }
0x29f: {  	v14 =	vadd.f32 v16, v14;
	v5 =	vmul.f32 v5, v15;
	v9 =	vmul.f32 v9, v18  }
0x2a0: {  	v10 =	vmul.f32 v10, v15;
	v3 =	vadd.f32 v8, v3;
	v4 =	vadd.f32 v4, v6  }
0x2a1: {  	v8 =	vmul.f32 v13, v15;
	v6 =	vadd.f32 v9, v14;
	v5 =	vadd.f32 v5, v7;
	v7 =	vpop (erf)  }
0x2a2: {  	v3 =	vadd.f32 v10, v3;
	v4 =	vmul.f32 v4, v7  }
0x2a3: {  	v6 =	vadd.f32 v8, v6;
	v5 =	vmul.f32 v5, v7  }
0x2a4: {  	v3 =	vmul.f32 v3, v7;
	[tilespmem:s30+$0x12F88] =	vst v4  }
0x2a5: {  	[tilespmem:s30+$0x12F98] =	vst v5;
	v4 =	vmul.f32 v6, v7  }
0x2a6: {  	[tilespmem:s30+$0x12FA8] =	vst v3  }
0x2a7: {  	s0 =	simm.s32 $0x11F80;
	[tilespmem:s30+$0x12FB8] =	vst v4  }
0x2a8: {  	v4 =	vld [tilespmem:s0+$0x40]  }
0x2a9: {  	v5 =	vld [tilespmem:s0+$0x50]  }
0x2aa: {  	v6 =	vld [tilespmem:s0+$0x0]  }
0x2ab: {  	v7 =	vld [tilespmem:s0+$0x10]  }
0x2ac: {  	v2 =	vbroadcast v2, $0x7;
	s8 =	simm.s32 $0x1;
	v8 =	vld [tilespmem:s0+$0x20]  }
0x2ad: {  	s31 =	simm.s32 $0x0;
	v3 =	vmov s8;
	v10 =	vld [tilespmem:s0+$0x30]  }
0x2ae: {  	v9 =	vmov s31;
	vm15 =	vlt.s32 v3, v2;
	v11 =	vld [tilespmem:s0+$0x60]  }
0x2af: {  	s1 =	simm.s32 $0x12000;
	vm1 =	vlt.s32 v9, v2;
	v15 =	vsel vm15, $0x3F800000, v1;
	v16 =	vld [tilespmem:s0+$0x70]  }
0x2b0: {  	v12 =	vsel vm1, $0x3F800000, v1;
	v3 =	vld [tilespmem:s1+$0x40];
	v17 =	vmul.f32 v4, v15;
	v18 =	vmul.f32 v5, v15  }
0x2b1: {  	v13 =	vimm.f32 $0.0e+00;
	s8 =	simm.s32 $0x2;
	v4 =	vld [tilespmem:s1+$0x50];
	v14 =	vmul.f32 v6, v12;
	v7 =	vmul.f32 v7, v12  }
0x2b2: {  	v9 =	vmov s8;
	v5 =	vld [tilespmem:s1+$0x0];
	v8 =	vmul.f32 v8, v12;
	v10 =	vmul.f32 v10, v12  }
0x2b3: {  	v6 =	vld [tilespmem:s1+$0x10];
	v12 =	vmul.f32 v11, v15;
	v19 =	vadd.f32 v14, v13;
	v20 =	vadd.f32 v7, v13  }
0x2b4: {  	s31 =	simm.s32 $0x3;
	v15 =	vmul.f32 v16, v15;
	v7 =	vld [tilespmem:s1+$0x20];
	v14 =	vadd.f32 v8, v13;
	v13 =	vadd.f32 v10, v13  }
0x2b5: {  	s0 =	simm.s32 $0x4;
	v16 =	vmov s31;
	v8 =	vld [tilespmem:s1+$0x30];
	v11 =	vadd.f32 v17, v19;
	v10 =	vadd.f32 v18, v20  }
.LBB2_33:
0x2b6: {  	p0 =	slt.u32 s0, $0x30;
	vm0 =	vlt.s32 v16, v2;
	v16 =	vld [tilespmem:s1+$0x60];
	v14 =	vadd.f32 v12, v14;
	v13 =	vadd.f32 v15, v13  }
0x2b7: {  	vm1 =	vlt.s32 v9, v2;
	v15 =	vsel vm0, $0x3F800000, v1;
	v17 =	vld [tilespmem:s1+$0x70];
	s1 =	sadd.s32 $0x80, s1  }
0x2b8: {  	v12 =	vsel vm1, $0x3F800000, v1;
	v18 =	vmul.f32 v3, v15;
	v3 =	vld [tilespmem:s1+$0x40];
	v19 =	vmul.f32 v4, v15  }
.Ltmp15:
0x2b9: {  	v20 =	vmul.f32 v5, v12;
	v21 =	vmul.f32 v6, v12;
	v4 =	vld [tilespmem:s1+$0x50];
	(pc) =	sbr.rel @p0 .LBB2_33-.Ltmp15, $4  }
0x2ba: {  	v9 =	vmov s0;
	v22 =	vmul.f32 v7, v12;
	v5 =	vld [tilespmem:s1+$0x0];
	v8 =	vmul.f32 v8, v12  }
0x2bb: {  	v11 =	vadd.f32 v20, v11;
	v10 =	vadd.f32 v21, v10;
	v6 =	vld [tilespmem:s1+$0x10];
	v12 =	vmul.f32 v16, v15  }
0x2bc: {  	s8 =	sadd.s32 $0x1, s0;
	v14 =	vadd.f32 v22, v14;
	v7 =	vld [tilespmem:s1+$0x20];
	v13 =	vadd.f32 v8, v13;
	v15 =	vmul.f32 v17, v15  }
0x2bd: {  	s0 =	sadd.s32 $0x2, s0;
	v16 =	vmov s8;
	v11 =	vadd.f32 v18, v11;
	v10 =	vadd.f32 v19, v10;
	v8 =	vld [tilespmem:s1+$0x30]  }
0x2be: {  	v17 =	vcvt.s32.f32 v2;
	_ =	sdelay $0x1  }
0x2bf: {  	(erf) = vrcp.f32 v17;
	_ =	sdelay $0x1  }
0x2c0: {  	vm0 =	vlt.s32 v9, v2  }
0x2c1: {  	v57 =	vld [tilespmem:s1+$0x60];
	v58 =	vsel vm0, $0x3F800000, v1  }
0x2c2: {  	vm15 =	vlt.s32 v16, v2;
	v2 =	vadd.f32 v12, v14;
	v59 =	vld [tilespmem:s1+$0x70];
	v5 =	vmul.f32 v5, v58  }
0x2c3: {  	v13 =	vadd.f32 v15, v13;
	v60 =	vsel vm15, $0x3F800000, v1;
	v6 =	vmul.f32 v6, v58  }
0x2c4: {  	v3 =	vmul.f32 v3, v60;
	v7 =	vmul.f32 v7, v58;
	v5 =	vadd.f32 v5, v11  }
0x2c5: {  	v4 =	vmul.f32 v4, v60;
	v8 =	vmul.f32 v8, v58;
	v6 =	vadd.f32 v6, v10  }
0x2c6: {  	v9 =	vmul.f32 v57, v60;
	v2 =	vadd.f32 v7, v2;
	v3 =	vadd.f32 v3, v5  }
0x2c7: {  	s29 =	sadd.s32 $0x1, s29;
	v62 =	vmul.f32 v59, v60;
	v61 =	vadd.f32 v8, v13;
	v4 =	vadd.f32 v4, v6;
	v63 =	vpop (erf)  }
0x2c8: {  	p0 =	sne.s32 s29, $0x20;
	v2 =	vadd.f32 v9, v2;
	v3 =	vmul.f32 v3, v63  }
.Ltmp16:
0x2c9: {  	v5 =	vadd.f32 v62, v61;
	v4 =	vmul.f32 v4, v63;
	(pc) =	sbr.rel @p0 .LBB2_2-.Ltmp16, $4  }
0x2ca: {  	v2 =	vmul.f32 v2, v63;
	[tilespmem:s30+$0x12FC8] =	vst v3  }
0x2cb: {  	[tilespmem:s30+$0x12FD8] =	vst v4;
	v3 =	vmul.f32 v5, v63  }
0x2cc: {  	[tilespmem:s30+$0x12FE8] =	vst v2  }
0x2cd: {  	[tilespmem:s30+$0x12FF8] =	vst v3  }
0x2ce: {  	s28 =	sadd.s32 $0x1, s28  }
0x2cf: {  	p0 =	sne.s32 s28, s7  }
.Ltmp17:
0x2d0: {  	_ = 	snop;
	(pc) =	sbr.rel @p0 .LBB2_1-.Ltmp17, $4  }
0x2d1: {  	[hbm4b:s6+s2] =	stream.linear.scatter [tilespmem:s26], [sflag:$0x3], $0x8000, $0x38;
	[tilespmem:$0x1AE08] =	vst v63  }
0x2d2: {  	_ =	swait.ge [sflag:s9], $0x8000  }
0x2d3: {  	[sflag:s9] =	ssyncset.done $0x0  }
0x2d4: {  	[sflag:s9] =	ssyncadd.s32 $0xFFFF8000  }
0x2d5: {  	_ =	sfence.sel $0x180000  }
0x2d6: {  	[bflag:$0x0] =	sbarrier.arrive $0xFFFF  }
0x2d7: {  	_ =	strace $0x90000047  }
0x2d8: {  	s0 =	stileid.u32;
	[bflag:$0x2] =	sbarrier.arrive $0xFFFF  }
0x2d9: {  	p0 =	sne.s32 s0, $0x0;
	s0 =	rddreg [dreg:$0x3]  }
0x2da: {  	s0 =	sadd.s32 @!p0 $0x100000, s0  }
0x2db: {  	[sflag:s0] =	ssyncadd.tile.s32 @!p0 $0x1;
	_ =	shalt  }
.Lfunc_end2:
_tile_overlayer_lowered:
.L_overlay_start_2:
0x2dc: {  	(tag) =	ssettag $0x2  }
0x2dd: {  	s0 =	rddreg [dreg:$0x0];
	s2 =	stileid.u32  }
0x2de: {  	s1 =	rddreg [dreg:$0x1];
	p0 =	sne.s32 s2, $0x0  }
0x2df: {  	s3 =	rddreg [dreg:$0x2];
	[bflag:$0x3] =	sbarrier.arrive $0xFFFF;
	s2 =	simm.s32 @!p0 $0x1C03  }
0x2e0: {  	[timem:s3], [sflag:s2] =	dma.local @!p0 [hbm:s0], s1  }
0x2e1: {  	s0 =	simm.s32 @!p0 $0x3  }
0x2e2: {  	_ =	swait.ge @!p0 [sflag:s0], s1  }
0x2e3: {  	s1 =	ssub.s32 @!p0 $0x0, s1;
	[sflag:s0] =	ssyncset.done @!p0 $0x0  }
0x2e4: {  	[sflag:s0] =	ssyncadd.s32 @!p0 s1  }
0x2e5: {  	[bflag:$0x3] =	sbarrier.arrive $0xFFFF  }
0x2e6: {  	_ =	shalt  }

</sc_bundles>
